<compile_context>
chip_gen: v7x
topology: tpu7x:2x2x1
jax: 0.10.2.dev20260603
libtpu: 0.0.44.dev20260713+nightly
codegen_flags: <defaults>
</compile_context>

<pallas_src>
import jax
import jax.numpy as jnp
from jax import lax
from jax.experimental import pallas as pl
from jax.experimental.pallas import tpu as pltpu
from jax.experimental.pallas import tpu_sc as plsc

_N = 100000
_E = 1600000
_HALF = 16
_NT = 16
_EPT = _E // _NT
_CH = 400
_NCH = _EPT // _CH
_NG = _NCH // 4
_RPT = _N // _NT
_ECH = 250
_NECH = _RPT // _ECH


def _sc_body(w4, e1, e2, pos_o, neg_o, h_o, acc,
             si0, si1, si2, si3, di0, di1, di2, di3, rw0, rw1,
             buf_v, zero_v,
             smi0, smi1, smi2, smi3, smg0, smg1, sms0, sms1):
    c = lax.axis_index("c")
    s = lax.axis_index("s")
    row0 = s * _RPT
    srci = (si0, si1, si2, si3)
    dsti = (di0, di1, di2, di3)
    rows = (rw0, rw1)
    semi = (smi0, smi1, smi2, smi3)
    semg = (smg0, smg1)
    sems = (sms0, sms1)

    def _zset(i, _):
        zero_v[i, :] = jnp.zeros((_HALF,), jnp.float32)
        return 0
    lax.fori_loop(0, _ECH, _zset, 0)

    def _zacc(k, _):
        r0 = pl.multiple_of(row0 + k * _ECH, 8)
        pltpu.sync_copy(zero_v, acc.at[pl.ds(r0, _ECH)])
        return 0
    lax.fori_loop(0, _NECH, _zacc, 0)
    plsc.subcore_barrier()

    def _accumulate(e, table, do_xform):
        base = s * _EPT

        def _eoff(k):
            return pl.multiple_of(base + k * _CH, 8)

        def idx_start(k, j):
            off = _eoff(k)
            pltpu.async_copy(e.at[0, pl.ds(off, _CH)], srci[j], semi[j])
            pltpu.async_copy(e.at[1, pl.ds(off, _CH)], dsti[j], semi[j])

        def idx_wait(k, j):
            off = _eoff(k)
            pltpu.make_async_copy(e.at[0, pl.ds(off, _CH)], srci[j],
                                  semi[j]).wait()
            pltpu.make_async_copy(e.at[1, pl.ds(off, _CH)], dsti[j],
                                  semi[j]).wait()

        def xform(j):
            if not do_xform:
                return
            sl = srci[j]

            def body(i, _):
                v = sl[pl.ds(i * 16, 16)]
                sl[pl.ds(i * 16, 16)] = v + v + c
                return 0
            lax.fori_loop(0, _CH // 16, body, 0)

        def gather_start(j, b):
            pltpu.async_copy(table.at[srci[j]], rows[b], semg[b])

        def gather_wait(j, b):
            pltpu.make_async_copy(table.at[srci[j]], rows[b], semg[b]).wait()

        def scat_start(j, b):
            pltpu.async_copy(rows[b], acc.at[dsti[j]], sems[b], add=True)

        def scat_wait(j, b):
            pltpu.make_async_copy(rows[b], acc.at[dsti[j]], sems[b]).wait()

        idx_start(0, 0)
        idx_start(1, 1)
        idx_wait(0, 0)
        xform(0)
        gather_start(0, 0)

        def group(g, _):
            for j in range(4):
                k = g * 4 + j
                b = j % 2
                ob = 1 - b

                @pl.when(k >= 1)
                def _(j=j, ob=ob):
                    scat_wait((j + 3) % 4, ob)
                if j % 2 == 0:
                    @pl.when(k + 2 < _NCH)
                    def _(k=k, j=j):
                        idx_start(k + 2, (j + 2) % 4)

                    @pl.when(k + 3 < _NCH)
                    def _(k=k, j=j):
                        idx_start(k + 3, (j + 3) % 4)

                @pl.when(k + 1 < _NCH)
                def _(k=k, j=j, ob=ob):
                    idx_wait(k + 1, (j + 1) % 4)
                    xform((j + 1) % 4)
                    gather_start((j + 1) % 4, ob)
                gather_wait(j, b)
                scat_start(j, b)
            return 0
        lax.fori_loop(0, _NG, group, 0)

        scat_wait(3, 1)
        idx_wait(_NCH - 1, 1)
        xform(1)
        gather_start(1, 1)
        gather_wait(0, 0)
        scat_start(0, 0)
        scat_wait(0, 0)
        gather_wait(1, 1)
        scat_start(1, 1)
        scat_wait(1, 1)
        plsc.subcore_barrier()

    def _evacuate(out_at, do_relu):
        def _step(k, _):
            r0 = pl.multiple_of(row0 + k * _ECH, 8)
            pltpu.sync_copy(acc.at[pl.ds(r0, _ECH)], buf_v)
            if do_relu:
                def _relu_row(i, _):
                    buf_v[i, :] = jnp.maximum(buf_v[i, :], 0.0)
                    return 0
                lax.fori_loop(0, _ECH, _relu_row, 0)
            pltpu.sync_copy(buf_v, out_at(r0))
            pltpu.sync_copy(zero_v, acc.at[pl.ds(r0, _ECH)])
            return 0
        lax.fori_loop(0, _NECH, _step, 0)
        plsc.subcore_barrier()

    def _h_at(r0):
        return h_o.at[c].at[pl.ds(r0, _ECH)]

    for e, out in ((e1, pos_o), (e2, neg_o)):
        def _out_at(r0, out=out):
            return out.at[pl.ds(r0, _ECH), c]

        _accumulate(e, w4, True)
        _evacuate(_h_at, True)
        _accumulate(e, h_o.at[c], False)
        _evacuate(_out_at, False)


def kernel(inputs, edge_index1, edge_index2, w):
    del inputs
    w4 = w.reshape(2 * _N, _HALF)
    mesh = plsc.VectorSubcoreMesh(core_axis_name="c", subcore_axis_name="s")
    f = pl.kernel(
        _sc_body,
        out_type=[
            jax.ShapeDtypeStruct((_N, 2, _HALF), jnp.float32),
            jax.ShapeDtypeStruct((_N, 2, _HALF), jnp.float32),
            jax.ShapeDtypeStruct((2, _N, _HALF), jnp.float32),
        ],
        mesh=mesh,
        scratch_types=[
            pltpu.VMEM_SHARED((_N, _HALF), jnp.float32),
            pltpu.VMEM((_CH,), jnp.int32),
            pltpu.VMEM((_CH,), jnp.int32),
            pltpu.VMEM((_CH,), jnp.int32),
            pltpu.VMEM((_CH,), jnp.int32),
            pltpu.VMEM((_CH,), jnp.int32),
            pltpu.VMEM((_CH,), jnp.int32),
            pltpu.VMEM((_CH,), jnp.int32),
            pltpu.VMEM((_CH,), jnp.int32),
            pltpu.VMEM((_CH, _HALF), jnp.float32),
            pltpu.VMEM((_CH, _HALF), jnp.float32),
            pltpu.VMEM((_ECH, _HALF), jnp.float32),
            pltpu.VMEM((_ECH, _HALF), jnp.float32),
            pltpu.SemaphoreType.DMA,
            pltpu.SemaphoreType.DMA,
            pltpu.SemaphoreType.DMA,
            pltpu.SemaphoreType.DMA,
            pltpu.SemaphoreType.DMA,
            pltpu.SemaphoreType.DMA,
            pltpu.SemaphoreType.DMA,
            pltpu.SemaphoreType.DMA,
        ],
        compiler_params=pltpu.CompilerParams(use_tc_tiling_on_sc=False),
    )
    pos4, neg4, _ = f(w4, edge_index1, edge_index2)
    return pos4.reshape(_N, 32), neg4.reshape(_N, 32)

# --- scband reference (transcript-rebuilt; emitter-appended) ---
"""Pipeline reference for scband-kgim-77163382440899 (READ-ONLY COPY).

The authoritative reference and input builder live on the scoring server;
editing this copy changes nothing except your own understanding.
"""

import jax, jax.numpy as jnp
import numpy as np

N = 100000   # n_nodes (rows/cols of A1, A2)
E = 1600000  # n_edges per adjacency (avg_degree=16)
DIM = 32     # KGIM units


def _spmm(edge_index, x):
    # Sparse (binary) adjacency matmul: (A @ x)[i] = sum_{(j->i) in edges} x[j]
    src = edge_index[0]
    dst = edge_index[1]
    return jax.ops.segment_sum(x[src], dst, num_segments=N)


def setup_inputs(seed: int = 0) -> dict:
    key = jax.random.key(seed)
    k1, k2, k3 = jax.random.split(key, 3)
    edge_index1 = jax.random.randint(k1, (2, E), 0, N, dtype=jnp.int32)
    edge_index2 = jax.random.randint(k2, (2, E), 0, N, dtype=jnp.int32)
    # learned parameter w: TruncatedNormal(stddev=1/sqrt(N)), shape (N, DIM)
    w = (jax.random.truncated_normal(k3, -2.0, 2.0, (N, DIM), dtype=jnp.float32)
         * (1.0 / np.sqrt(N)))
    inputs = jnp.zeros((1,), dtype=jnp.float32)  # forward arg is unused by the model
    return {"inputs": inputs, "edge_index1": edge_index1,
            "edge_index2": edge_index2, "w": w}


def reference(inputs, edge_index1, edge_index2, w):
    # pos_y = A1 @ relu(A1 @ w); neg_y = A2 @ relu(A2 @ w)
    pos_y = _spmm(edge_index1, jax.nn.relu(_spmm(edge_index1, w)))
    neg_y = _spmm(edge_index2, jax.nn.relu(_spmm(edge_index2, w)))
    return (pos_y, neg_y)

if __name__ == "__main__":
    import jax
    _d = setup_inputs()
    print(jax.jit(kernel)(*tuple(_d.values())))

</pallas_src>

<mosaic_0001>
#map = affine_map<(d0, d1) -> (0, 0)>
#map1 = affine_map<(d0, d1) -> (0, 0, 0)>
module attributes {stable_mosaic.version = 14 : i64} {
  func.func @_sc_body(%arg0: i32, %arg1: i32, %arg2: memref<200000x16xf32, #tpu.memory_space<hbm>>, %arg3: memref<2x1600000xi32, #tpu.memory_space<hbm>>, %arg4: memref<2x1600000xi32, #tpu.memory_space<hbm>>, %arg5: memref<100000x2x16xf32, #tpu.memory_space<hbm>>, %arg6: memref<100000x2x16xf32, #tpu.memory_space<hbm>>, %arg7: memref<2x100000x16xf32, #tpu.memory_space<hbm>>, %arg8: memref<100000x16xf32, #tpu.memory_space<vmem_shared>>, %arg9: memref<400xi32, #tpu.memory_space<vmem>>, %arg10: memref<400xi32, #tpu.memory_space<vmem>>, %arg11: memref<400xi32, #tpu.memory_space<vmem>>, %arg12: memref<400xi32, #tpu.memory_space<vmem>>, %arg13: memref<400xi32, #tpu.memory_space<vmem>>, %arg14: memref<400xi32, #tpu.memory_space<vmem>>, %arg15: memref<400xi32, #tpu.memory_space<vmem>>, %arg16: memref<400xi32, #tpu.memory_space<vmem>>, %arg17: memref<400x16xf32, #tpu.memory_space<vmem>>, %arg18: memref<400x16xf32, #tpu.memory_space<vmem>>, %arg19: memref<250x16xf32, #tpu.memory_space<vmem>>, %arg20: memref<250x16xf32, #tpu.memory_space<vmem>>, %arg21: memref<!tpu.dma_semaphore, #tpu.memory_space<semaphore_mem>>, %arg22: memref<!tpu.dma_semaphore, #tpu.memory_space<semaphore_mem>>, %arg23: memref<!tpu.dma_semaphore, #tpu.memory_space<semaphore_mem>>, %arg24: memref<!tpu.dma_semaphore, #tpu.memory_space<semaphore_mem>>, %arg25: memref<!tpu.dma_semaphore, #tpu.memory_space<semaphore_mem>>, %arg26: memref<!tpu.dma_semaphore, #tpu.memory_space<semaphore_mem>>, %arg27: memref<!tpu.dma_semaphore, #tpu.memory_space<semaphore_mem>>, %arg28: memref<!tpu.dma_semaphore, #tpu.memory_space<semaphore_mem>>) attributes {dimension_semantics = [#tpu.dimension_semantics<core_parallel>, #tpu.dimension_semantics<subcore_parallel>], iteration_bounds = array<i64: 2, 16>, scalar_prefetch = 0 : i64, scratch_operands = 21 : i64, tpu.core_type = #tpu.core_type<sc_vector_subcore>, window_params = [{transform_indices = #map}, {transform_indices = #map}, {transform_indices = #map}, {transform_indices = #map1}, {transform_indices = #map1}, {transform_indices = #map1}]} {
    %mul3A = arith.constant 6250 : i32
    %mul3A_0 = arith.muli %arg1, %mul3A : i32
    %scan3A = arith.constant 0 : i32
    %scan3A_1 = arith.constant 0 : i32
    %scan3A_2 = arith.constant 250 : i32
    %scan3A_3 = arith.addi %scan3A_1, %scan3A_2 : i32
    %scan3A_4 = arith.constant 1 : i32
    %scan3A_5 = scf.for %scan3A_458 = %scan3A_1 to %scan3A_3 step %scan3A_4 iter_args(%scan3A_459 = %scan3A) -> (i32)  : i32 {
      %broadcast_in_dim3A = arith.constant 0.000000e+00 : f32
      %broadcast_in_dim3A_460 = vector.broadcast %broadcast_in_dim3A : f32 to vector<16xf32>
      %swap3A = arith.index_cast %scan3A_458 : i32 to index
      %swap3A_461 = arith.constant 0 : index
      %swap3A_462 = tpu.vector_load %arg20[%swap3A, %swap3A_461] {strides = array<i32>} : memref<250x16xf32, #tpu.memory_space<vmem>>, vector<1x16xf32>,
      %swap3A_463 = vector.shape_cast %swap3A_462 : vector<1x16xf32> to vector<16xf32>
      %swap3A_464 = vector.shape_cast %broadcast_in_dim3A_460 : vector<16xf32> to vector<1x16xf32>
      tpu.vector_store %arg20[%swap3A, %swap3A_461], %swap3A_464 {strides = array<i32>} : memref<250x16xf32, #tpu.memory_space<vmem>>, vector<1x16xf32>,
      %scan3A_465 = arith.constant 0 : i32
      scf.yield %scan3A_465 : i32
    }
    %scan3A_6 = arith.constant 250 : i32
    %scan3A_7 = arith.constant 0 : i32
    %scan3A_8 = arith.constant 0 : i32
    %scan3A_9 = arith.constant 25 : i32
    %scan3A_10 = arith.addi %scan3A_8, %scan3A_9 : i32
    %scan3A_11 = arith.constant 1 : i32
    %scan3A_12 = scf.for %scan3A_458 = %scan3A_8 to %scan3A_10 step %scan3A_11 iter_args(%scan3A_459 = %scan3A_7) -> (i32)  : i32 {
      %mul3A_460 = arith.constant 250 : i32
      %mul3A_461 = arith.muli %scan3A_458, %mul3A_460 : i32
      %add3A_462 = arith.addi %mul3A_0, %mul3A_461 : i32
      %multiple_of3A_463 = tpu.assume_multiple %add3A_462, 8 : i32
      "tpu.region"() ({
        %run_scoped3A = tpu.sem_alloc : memref<!tpu.dma_semaphore, #tpu.memory_space<semaphore_mem>>
        %dma_start3A_465 = arith.constant 0 : i32
        %dma_start3A_466 = tpu.memref_slice %arg8[%multiple_of3A_463, %dma_start3A_465] : memref<100000x16xf32, #tpu.memory_space<vmem_shared>> -> memref<250x16xf32, #tpu.memory_space<vmem_shared>>
        %dma_start3A_467 = arith.constant 0 : i32
        %dma_start3A_468 = tpu.memref_slice %arg8[%multiple_of3A_463, %dma_start3A_467] : memref<100000x16xf32, #tpu.memory_space<vmem_shared>> -> memref<250x16xf32, #tpu.memory_space<vmem_shared>>
        tpu.enqueue_dma source(%arg20 : memref<250x16xf32, #tpu.memory_space<vmem>>) target(%dma_start3A_468 : memref<250x16xf32, #tpu.memory_space<vmem_shared>>) target_semaphore(%run_scoped3A : memref<!tpu.dma_semaphore, #tpu.memory_space<semaphore_mem>>)
        %dma_wait3A_469 = arith.constant 0 : i32
        %dma_wait3A_470 = tpu.memref_slice %arg8[%multiple_of3A_463, %dma_wait3A_469] : memref<100000x16xf32, #tpu.memory_space<vmem_shared>> -> memref<250x16xf32, #tpu.memory_space<vmem_shared>>
        %dma_wait3A_471 = arith.constant 0 : i32
        %dma_wait3A_472 = tpu.memref_slice %arg8[%multiple_of3A_463, %dma_wait3A_471] : memref<100000x16xf32, #tpu.memory_space<vmem_shared>> -> memref<250x16xf32, #tpu.memory_space<vmem_shared>>
        tpu.wait_dma2 semaphore(%run_scoped3A : memref<!tpu.dma_semaphore, #tpu.memory_space<semaphore_mem>>) src(%arg20 : memref<250x16xf32, #tpu.memory_space<vmem>>) dst(%dma_wait3A_472 : memref<250x16xf32, #tpu.memory_space<vmem_shared>>)
        tpu.yield
      }) : () -> ()
      %scan3A_464 = arith.constant 0 : i32
      scf.yield %scan3A_464 : i32
    }
    %scan3A_13 = arith.constant 25 : i32
    %barrier3A = arith.constant 0 : index
    tpu.barrier barrier_id(%barrier3A)
    %mul3A_14 = arith.constant 100000 : i32
    %mul3A_15 = arith.muli %arg1, %mul3A_14 : i32
    %add3A = arith.constant 0 : i32
    %add3A_16 = arith.addi %mul3A_15, %add3A : i32
    %multiple_of3A = tpu.assume_multiple %add3A_16, 8 : i32
    %dma_start3A = arith.constant 0 : i32
    %dma_start3A_17 = tpu.memref_slice %arg3[%dma_start3A, %multiple_of3A] : memref<2x1600000xi32, #tpu.memory_space<hbm>> -> memref<1x400xi32, #tpu.memory_space<hbm>>
    %dma_start3A_18 = tpu.memref_squeeze %dma_start3A_17 : memref<1x400xi32, #tpu.memory_space<hbm>> -> memref<400xi32, #tpu.memory_space<hbm>>
    %dma_start3A_19 = tpu.memref_slice %arg3[%dma_start3A, %multiple_of3A] : memref<2x1600000xi32, #tpu.memory_space<hbm>> -> memref<1x400xi32, #tpu.memory_space<hbm>>
    %dma_start3A_20 = tpu.memref_squeeze %dma_start3A_19 : memref<1x400xi32, #tpu.memory_space<hbm>> -> memref<400xi32, #tpu.memory_space<hbm>>
    tpu.enqueue_dma source(%dma_start3A_20 : memref<400xi32, #tpu.memory_space<hbm>>) target(%arg9 : memref<400xi32, #tpu.memory_space<vmem>>) target_semaphore(%arg21 : memref<!tpu.dma_semaphore, #tpu.memory_space<semaphore_mem>>)
    %dma_start3A_21 = arith.constant 1 : i32
    %dma_start3A_22 = tpu.memref_slice %arg3[%dma_start3A_21, %multiple_of3A] : memref<2x1600000xi32, #tpu.memory_space<hbm>> -> memref<1x400xi32, #tpu.memory_space<hbm>>
    %dma_start3A_23 = tpu.memref_squeeze %dma_start3A_22 : memref<1x400xi32, #tpu.memory_space<hbm>> -> memref<400xi32, #tpu.memory_space<hbm>>
    %dma_start3A_24 = tpu.memref_slice %arg3[%dma_start3A_21, %multiple_of3A] : memref<2x1600000xi32, #tpu.memory_space<hbm>> -> memref<1x400xi32, #tpu.memory_space<hbm>>
    %dma_start3A_25 = tpu.memref_squeeze %dma_start3A_24 : memref<1x400xi32, #tpu.memory_space<hbm>> -> memref<400xi32, #tpu.memory_space<hbm>>
    tpu.enqueue_dma source(%dma_start3A_25 : memref<400xi32, #tpu.memory_space<hbm>>) target(%arg13 : memref<400xi32, #tpu.memory_space<vmem>>) target_semaphore(%arg21 : memref<!tpu.dma_semaphore, #tpu.memory_space<semaphore_mem>>)
    %add3A_26 = arith.constant 400 : i32
    %add3A_27 = arith.addi %mul3A_15, %add3A_26 : i32
    %multiple_of3A_28 = tpu.assume_multiple %add3A_27, 8 : i32
    %dma_start3A_29 = arith.constant 0 : i32
    %dma_start3A_30 = tpu.memref_slice %arg3[%dma_start3A_29, %multiple_of3A_28] : memref<2x1600000xi32, #tpu.memory_space<hbm>> -> memref<1x400xi32, #tpu.memory_space<hbm>>
    %dma_start3A_31 = tpu.memref_squeeze %dma_start3A_30 : memref<1x400xi32, #tpu.memory_space<hbm>> -> memref<400xi32, #tpu.memory_space<hbm>>
    %dma_start3A_32 = tpu.memref_slice %arg3[%dma_start3A_29, %multiple_of3A_28] : memref<2x1600000xi32, #tpu.memory_space<hbm>> -> memref<1x400xi32, #tpu.memory_space<hbm>>
    %dma_start3A_33 = tpu.memref_squeeze %dma_start3A_32 : memref<1x400xi32, #tpu.memory_space<hbm>> -> memref<400xi32, #tpu.memory_space<hbm>>
    tpu.enqueue_dma source(%dma_start3A_33 : memref<400xi32, #tpu.memory_space<hbm>>) target(%arg10 : memref<400xi32, #tpu.memory_space<vmem>>) target_semaphore(%arg22 : memref<!tpu.dma_semaphore, #tpu.memory_space<semaphore_mem>>)
    %dma_start3A_34 = arith.constant 1 : i32
    %dma_start3A_35 = tpu.memref_slice %arg3[%dma_start3A_34, %multiple_of3A_28] : memref<2x1600000xi32, #tpu.memory_space<hbm>> -> memref<1x400xi32, #tpu.memory_space<hbm>>
    %dma_start3A_36 = tpu.memref_squeeze %dma_start3A_35 : memref<1x400xi32, #tpu.memory_space<hbm>> -> memref<400xi32, #tpu.memory_space<hbm>>
    %dma_start3A_37 = tpu.memref_slice %arg3[%dma_start3A_34, %multiple_of3A_28] : memref<2x1600000xi32, #tpu.memory_space<hbm>> -> memref<1x400xi32, #tpu.memory_space<hbm>>
    %dma_start3A_38 = tpu.memref_squeeze %dma_start3A_37 : memref<1x400xi32, #tpu.memory_space<hbm>> -> memref<400xi32, #tpu.memory_space<hbm>>
    tpu.enqueue_dma source(%dma_start3A_38 : memref<400xi32, #tpu.memory_space<hbm>>) target(%arg14 : memref<400xi32, #tpu.memory_space<vmem>>) target_semaphore(%arg22 : memref<!tpu.dma_semaphore, #tpu.memory_space<semaphore_mem>>)
    %add3A_39 = arith.constant 0 : i32
    %add3A_40 = arith.addi %mul3A_15, %add3A_39 : i32
    %multiple_of3A_41 = tpu.assume_multiple %add3A_40, 8 : i32
    %dma_wait3A = arith.constant 0 : i32
    %dma_wait3A_42 = tpu.memref_slice %arg3[%dma_wait3A, %multiple_of3A_41] : memref<2x1600000xi32, #tpu.memory_space<hbm>> -> memref<1x400xi32, #tpu.memory_space<hbm>>
    %dma_wait3A_43 = tpu.memref_squeeze %dma_wait3A_42 : memref<1x400xi32, #tpu.memory_space<hbm>> -> memref<400xi32, #tpu.memory_space<hbm>>
    %dma_wait3A_44 = tpu.memref_slice %arg3[%dma_wait3A, %multiple_of3A_41] : memref<2x1600000xi32, #tpu.memory_space<hbm>> -> memref<1x400xi32, #tpu.memory_space<hbm>>
    %dma_wait3A_45 = tpu.memref_squeeze %dma_wait3A_44 : memref<1x400xi32, #tpu.memory_space<hbm>> -> memref<400xi32, #tpu.memory_space<hbm>>
    tpu.wait_dma2 semaphore(%arg21 : memref<!tpu.dma_semaphore, #tpu.memory_space<semaphore_mem>>) src(%dma_wait3A_45 : memref<400xi32, #tpu.memory_space<hbm>>) dst(%arg9 : memref<400xi32, #tpu.memory_space<vmem>>)
    %dma_wait3A_46 = arith.constant 1 : i32
    %dma_wait3A_47 = tpu.memref_slice %arg3[%dma_wait3A_46, %multiple_of3A_41] : memref<2x1600000xi32, #tpu.memory_space<hbm>> -> memref<1x400xi32, #tpu.memory_space<hbm>>
    %dma_wait3A_48 = tpu.memref_squeeze %dma_wait3A_47 : memref<1x400xi32, #tpu.memory_space<hbm>> -> memref<400xi32, #tpu.memory_space<hbm>>
    %dma_wait3A_49 = tpu.memref_slice %arg3[%dma_wait3A_46, %multiple_of3A_41] : memref<2x1600000xi32, #tpu.memory_space<hbm>> -> memref<1x400xi32, #tpu.memory_space<hbm>>
    %dma_wait3A_50 = tpu.memref_squeeze %dma_wait3A_49 : memref<1x400xi32, #tpu.memory_space<hbm>> -> memref<400xi32, #tpu.memory_space<hbm>>
    tpu.wait_dma2 semaphore(%arg21 : memref<!tpu.dma_semaphore, #tpu.memory_space<semaphore_mem>>) src(%dma_wait3A_50 : memref<400xi32, #tpu.memory_space<hbm>>) dst(%arg13 : memref<400xi32, #tpu.memory_space<vmem>>)
    %scan3A_51 = arith.constant 0 : i32
    %scan3A_52 = arith.constant 0 : i32
    %scan3A_53 = arith.constant 25 : i32
    %scan3A_54 = arith.addi %scan3A_52, %scan3A_53 : i32
    %scan3A_55 = arith.constant 1 : i32
    %scan3A_56 = scf.for %scan3A_458 = %scan3A_52 to %scan3A_54 step %scan3A_55 iter_args(%scan3A_459 = %scan3A_51) -> (i32)  : i32 {
      %mul3A_460 = arith.constant 16 : i32
      %mul3A_461 = arith.muli %scan3A_458, %mul3A_460 : i32
      %get3A = arith.index_cast %mul3A_461 : i32 to index
      %get3A_462 = tpu.vector_load %arg9[%get3A] {strides = array<i32>} : memref<400xi32, #tpu.memory_space<vmem>>, vector<16xi32>,
      %get3A_463 = vector.shape_cast %get3A_462 : vector<16xi32> to vector<16xi32>
      %add3A_464 = arith.addi %get3A_463, %get3A_463 : vector<16xi32>
      %add3A_465 = vector.broadcast %arg0 : i32 to vector<16xi32>
      %add3A_466 = arith.addi %add3A_464, %add3A_465 : vector<16xi32>
      %mul3A_467 = arith.constant 16 : i32
      %mul3A_468 = arith.muli %scan3A_458, %mul3A_467 : i32
      %swap3A = arith.index_cast %mul3A_468 : i32 to index
      %swap3A_469 = tpu.vector_load %arg9[%swap3A] {strides = array<i32>} : memref<400xi32, #tpu.memory_space<vmem>>, vector<16xi32>,
      %swap3A_470 = vector.shape_cast %swap3A_469 : vector<16xi32> to vector<16xi32>
      %swap3A_471 = vector.shape_cast %add3A_466 : vector<16xi32> to vector<16xi32>
      tpu.vector_store %arg9[%swap3A], %swap3A_471 {strides = array<i32>} : memref<400xi32, #tpu.memory_space<vmem>>, vector<16xi32>,
      %scan3A_472 = arith.constant 0 : i32
      scf.yield %scan3A_472 : i32
    }
    %scan3A_57 = arith.constant 25 : i32
    %dma_start3A_58 = arith.constant 0 : i32
    %dma_start3A_59 = arith.constant 0 : i32
    %dma_start3A_60 = tpu.memref_slice %arg2[%dma_start3A_58, %dma_start3A_59] : memref<200000x16xf32, #tpu.memory_space<hbm>> -> memref<200000x16xf32, #tpu.memory_space<hbm>>
    tpu.enqueue_indirect_dma source(%dma_start3A_60 : memref<200000x16xf32, #tpu.memory_space<hbm>>) target(%arg17 : memref<400x16xf32, #tpu.memory_space<vmem>>) offsets(%arg9 : memref<400xi32, #tpu.memory_space<vmem>>) semaphore(%arg25 : memref<!tpu.dma_semaphore, #tpu.memory_space<semaphore_mem>>)
    %scan3A_61 = arith.constant 0 : i32
    %scan3A_62 = arith.constant 0 : i32
    %scan3A_63 = arith.constant 62 : i32
    %scan3A_64 = arith.addi %scan3A_62, %scan3A_63 : i32
    %scan3A_65 = arith.constant 1 : i32
    %scan3A_66 = scf.for %scan3A_458 = %scan3A_62 to %scan3A_64 step %scan3A_65 iter_args(%scan3A_459 = %scan3A_61) -> (i32)  : i32 {
      %mul3A_460 = arith.constant 4 : i32
      %mul3A_461 = arith.muli %scan3A_458, %mul3A_460 : i32
      %add3A_462 = arith.constant 0 : i32
      %add3A_463 = arith.addi %mul3A_461, %add3A_462 : i32
      %ge3A = arith.constant 1 : i32
      %ge3A_464 = arith.cmpi sge, %add3A_463, %ge3A : i32
      %convert_element_type3A = arith.extui %ge3A_464 : i1 to i32
      %cond3A = arith.constant 0 : i32
      %cond3A_465 = arith.cmpi ne, %convert_element_type3A, %cond3A : i32
      scf.if %cond3A_465 {
        %dma_wait3A_573 = arith.constant 0 : i32
        %dma_wait3A_574 = arith.constant 0 : i32
        %dma_wait3A_575 = tpu.memref_slice %arg8[%dma_wait3A_573, %dma_wait3A_574] : memref<100000x16xf32, #tpu.memory_space<vmem_shared>> -> memref<100000x16xf32, #tpu.memory_space<vmem_shared>>
        tpu.wait_indirect_dma semaphore(%arg28 : memref<!tpu.dma_semaphore, #tpu.memory_space<semaphore_mem>>) src(%arg18 : memref<400x16xf32, #tpu.memory_space<vmem>>) dst(%dma_wait3A_575 : memref<100000x16xf32, #tpu.memory_space<vmem_shared>>)
      } else {
      }
      %add3A_466 = arith.constant 2 : i32
      %add3A_467 = arith.addi %add3A_463, %add3A_466 : i32
      %lt3A = arith.constant 250 : i32
      %lt3A_468 = arith.cmpi slt, %add3A_467, %lt3A : i32
      %convert_element_type3A_469 = arith.extui %lt3A_468 : i1 to i32
      %cond3A_470 = arith.constant 0 : i32
      %cond3A_471 = arith.cmpi ne, %convert_element_type3A_469, %cond3A_470 : i32
      scf.if %cond3A_471 {
        %add3A_573 = arith.constant 2 : i32
        %add3A_574 = arith.addi %add3A_463, %add3A_573 : i32
        %mul3A_575 = arith.constant 400 : i32
        %mul3A_576 = arith.muli %add3A_574, %mul3A_575 : i32
        %add3A_577 = arith.addi %mul3A_15, %mul3A_576 : i32
        %multiple_of3A_578 = tpu.assume_multiple %add3A_577, 8 : i32
        %dma_start3A_579 = arith.constant 0 : i32
        %dma_start3A_580 = tpu.memref_slice %arg3[%dma_start3A_579, %multiple_of3A_578] : memref<2x1600000xi32, #tpu.memory_space<hbm>> -> memref<1x400xi32, #tpu.memory_space<hbm>>
        %dma_start3A_581 = tpu.memref_squeeze %dma_start3A_580 : memref<1x400xi32, #tpu.memory_space<hbm>> -> memref<400xi32, #tpu.memory_space<hbm>>
        %dma_start3A_582 = tpu.memref_slice %arg3[%dma_start3A_579, %multiple_of3A_578] : memref<2x1600000xi32, #tpu.memory_space<hbm>> -> memref<1x400xi32, #tpu.memory_space<hbm>>
        %dma_start3A_583 = tpu.memref_squeeze %dma_start3A_582 : memref<1x400xi32, #tpu.memory_space<hbm>> -> memref<400xi32, #tpu.memory_space<hbm>>
        tpu.enqueue_dma source(%dma_start3A_583 : memref<400xi32, #tpu.memory_space<hbm>>) target(%arg11 : memref<400xi32, #tpu.memory_space<vmem>>) target_semaphore(%arg23 : memref<!tpu.dma_semaphore, #tpu.memory_space<semaphore_mem>>)
        %dma_start3A_584 = arith.constant 1 : i32
        %dma_start3A_585 = tpu.memref_slice %arg3[%dma_start3A_584, %multiple_of3A_578] : memref<2x1600000xi32, #tpu.memory_space<hbm>> -> memref<1x400xi32, #tpu.memory_space<hbm>>
        %dma_start3A_586 = tpu.memref_squeeze %dma_start3A_585 : memref<1x400xi32, #tpu.memory_space<hbm>> -> memref<400xi32, #tpu.memory_space<hbm>>
        %dma_start3A_587 = tpu.memref_slice %arg3[%dma_start3A_584, %multiple_of3A_578] : memref<2x1600000xi32, #tpu.memory_space<hbm>> -> memref<1x400xi32, #tpu.memory_space<hbm>>
        %dma_start3A_588 = tpu.memref_squeeze %dma_start3A_587 : memref<1x400xi32, #tpu.memory_space<hbm>> -> memref<400xi32, #tpu.memory_space<hbm>>
        tpu.enqueue_dma source(%dma_start3A_588 : memref<400xi32, #tpu.memory_space<hbm>>) target(%arg15 : memref<400xi32, #tpu.memory_space<vmem>>) target_semaphore(%arg23 : memref<!tpu.dma_semaphore, #tpu.memory_space<semaphore_mem>>)
      } else {
      }
      %add3A_472 = arith.constant 3 : i32
      %add3A_473 = arith.addi %add3A_463, %add3A_472 : i32
      %lt3A_474 = arith.constant 250 : i32
      %lt3A_475 = arith.cmpi slt, %add3A_473, %lt3A_474 : i32
      %convert_element_type3A_476 = arith.extui %lt3A_475 : i1 to i32
      %cond3A_477 = arith.constant 0 : i32
      %cond3A_478 = arith.cmpi ne, %convert_element_type3A_476, %cond3A_477 : i32
      scf.if %cond3A_478 {
        %add3A_573 = arith.constant 3 : i32
        %add3A_574 = arith.addi %add3A_463, %add3A_573 : i32
        %mul3A_575 = arith.constant 400 : i32
        %mul3A_576 = arith.muli %add3A_574, %mul3A_575 : i32
        %add3A_577 = arith.addi %mul3A_15, %mul3A_576 : i32
        %multiple_of3A_578 = tpu.assume_multiple %add3A_577, 8 : i32
        %dma_start3A_579 = arith.constant 0 : i32
        %dma_start3A_580 = tpu.memref_slice %arg3[%dma_start3A_579, %multiple_of3A_578] : memref<2x1600000xi32, #tpu.memory_space<hbm>> -> memref<1x400xi32, #tpu.memory_space<hbm>>
        %dma_start3A_581 = tpu.memref_squeeze %dma_start3A_580 : memref<1x400xi32, #tpu.memory_space<hbm>> -> memref<400xi32, #tpu.memory_space<hbm>>
        %dma_start3A_582 = tpu.memref_slice %arg3[%dma_start3A_579, %multiple_of3A_578] : memref<2x1600000xi32, #tpu.memory_space<hbm>> -> memref<1x400xi32, #tpu.memory_space<hbm>>
        %dma_start3A_583 = tpu.memref_squeeze %dma_start3A_582 : memref<1x400xi32, #tpu.memory_space<hbm>> -> memref<400xi32, #tpu.memory_space<hbm>>
        tpu.enqueue_dma source(%dma_start3A_583 : memref<400xi32, #tpu.memory_space<hbm>>) target(%arg12 : memref<400xi32, #tpu.memory_space<vmem>>) target_semaphore(%arg24 : memref<!tpu.dma_semaphore, #tpu.memory_space<semaphore_mem>>)
        %dma_start3A_584 = arith.constant 1 : i32
        %dma_start3A_585 = tpu.memref_slice %arg3[%dma_start3A_584, %multiple_of3A_578] : memref<2x1600000xi32, #tpu.memory_space<hbm>> -> memref<1x400xi32, #tpu.memory_space<hbm>>
        %dma_start3A_586 = tpu.memref_squeeze %dma_start3A_585 : memref<1x400xi32, #tpu.memory_space<hbm>> -> memref<400xi32, #tpu.memory_space<hbm>>
        %dma_start3A_587 = tpu.memref_slice %arg3[%dma_start3A_584, %multiple_of3A_578] : memref<2x1600000xi32, #tpu.memory_space<hbm>> -> memref<1x400xi32, #tpu.memory_space<hbm>>
        %dma_start3A_588 = tpu.memref_squeeze %dma_start3A_587 : memref<1x400xi32, #tpu.memory_space<hbm>> -> memref<400xi32, #tpu.memory_space<hbm>>
        tpu.enqueue_dma source(%dma_start3A_588 : memref<400xi32, #tpu.memory_space<hbm>>) target(%arg16 : memref<400xi32, #tpu.memory_space<vmem>>) target_semaphore(%arg24 : memref<!tpu.dma_semaphore, #tpu.memory_space<semaphore_mem>>)
      } else {
      }
      %add3A_479 = arith.constant 1 : i32
      %add3A_480 = arith.addi %add3A_463, %add3A_479 : i32
      %lt3A_481 = arith.constant 250 : i32
      %lt3A_482 = arith.cmpi slt, %add3A_480, %lt3A_481 : i32
      %convert_element_type3A_483 = arith.extui %lt3A_482 : i1 to i32
      %cond3A_484 = arith.constant 0 : i32
      %cond3A_485 = arith.cmpi ne, %convert_element_type3A_483, %cond3A_484 : i32
      scf.if %cond3A_485 {
        %add3A_573 = arith.constant 1 : i32
        %add3A_574 = arith.addi %add3A_463, %add3A_573 : i32
        %mul3A_575 = arith.constant 400 : i32
        %mul3A_576 = arith.muli %add3A_574, %mul3A_575 : i32
        %add3A_577 = arith.addi %mul3A_15, %mul3A_576 : i32
        %multiple_of3A_578 = tpu.assume_multiple %add3A_577, 8 : i32
        %dma_wait3A_579 = arith.constant 0 : i32
        %dma_wait3A_580 = tpu.memref_slice %arg3[%dma_wait3A_579, %multiple_of3A_578] : memref<2x1600000xi32, #tpu.memory_space<hbm>> -> memref<1x400xi32, #tpu.memory_space<hbm>>
        %dma_wait3A_581 = tpu.memref_squeeze %dma_wait3A_580 : memref<1x400xi32, #tpu.memory_space<hbm>> -> memref<400xi32, #tpu.memory_space<hbm>>
        %dma_wait3A_582 = tpu.memref_slice %arg3[%dma_wait3A_579, %multiple_of3A_578] : memref<2x1600000xi32, #tpu.memory_space<hbm>> -> memref<1x400xi32, #tpu.memory_space<hbm>>
        %dma_wait3A_583 = tpu.memref_squeeze %dma_wait3A_582 : memref<1x400xi32, #tpu.memory_space<hbm>> -> memref<400xi32, #tpu.memory_space<hbm>>
        tpu.wait_dma2 semaphore(%arg22 : memref<!tpu.dma_semaphore, #tpu.memory_space<semaphore_mem>>) src(%dma_wait3A_583 : memref<400xi32, #tpu.memory_space<hbm>>) dst(%arg10 : memref<400xi32, #tpu.memory_space<vmem>>)
        %dma_wait3A_584 = arith.constant 1 : i32
        %dma_wait3A_585 = tpu.memref_slice %arg3[%dma_wait3A_584, %multiple_of3A_578] : memref<2x1600000xi32, #tpu.memory_space<hbm>> -> memref<1x400xi32, #tpu.memory_space<hbm>>
        %dma_wait3A_586 = tpu.memref_squeeze %dma_wait3A_585 : memref<1x400xi32, #tpu.memory_space<hbm>> -> memref<400xi32, #tpu.memory_space<hbm>>
        %dma_wait3A_587 = tpu.memref_slice %arg3[%dma_wait3A_584, %multiple_of3A_578] : memref<2x1600000xi32, #tpu.memory_space<hbm>> -> memref<1x400xi32, #tpu.memory_space<hbm>>
        %dma_wait3A_588 = tpu.memref_squeeze %dma_wait3A_587 : memref<1x400xi32, #tpu.memory_space<hbm>> -> memref<400xi32, #tpu.memory_space<hbm>>
        tpu.wait_dma2 semaphore(%arg22 : memref<!tpu.dma_semaphore, #tpu.memory_space<semaphore_mem>>) src(%dma_wait3A_588 : memref<400xi32, #tpu.memory_space<hbm>>) dst(%arg14 : memref<400xi32, #tpu.memory_space<vmem>>)
        %scan3A_589 = arith.constant 0 : i32
        %scan3A_590 = arith.constant 0 : i32
        %scan3A_591 = arith.constant 25 : i32
        %scan3A_592 = arith.addi %scan3A_590, %scan3A_591 : i32
        %scan3A_593 = arith.constant 1 : i32
        %scan3A_594 = scf.for %scan3A_599 = %scan3A_590 to %scan3A_592 step %scan3A_593 iter_args(%scan3A_600 = %scan3A_589) -> (i32)  : i32 {
          %mul3A_601 = arith.constant 16 : i32
          %mul3A_602 = arith.muli %scan3A_599, %mul3A_601 : i32
          %get3A = arith.index_cast %mul3A_602 : i32 to index
          %get3A_603 = tpu.vector_load %arg10[%get3A] {strides = array<i32>} : memref<400xi32, #tpu.memory_space<vmem>>, vector<16xi32>,
          %get3A_604 = vector.shape_cast %get3A_603 : vector<16xi32> to vector<16xi32>
          %add3A_605 = arith.addi %get3A_604, %get3A_604 : vector<16xi32>
          %add3A_606 = vector.broadcast %arg0 : i32 to vector<16xi32>
          %add3A_607 = arith.addi %add3A_605, %add3A_606 : vector<16xi32>
          %mul3A_608 = arith.constant 16 : i32
          %mul3A_609 = arith.muli %scan3A_599, %mul3A_608 : i32
          %swap3A = arith.index_cast %mul3A_609 : i32 to index
          %swap3A_610 = tpu.vector_load %arg10[%swap3A] {strides = array<i32>} : memref<400xi32, #tpu.memory_space<vmem>>, vector<16xi32>,
          %swap3A_611 = vector.shape_cast %swap3A_610 : vector<16xi32> to vector<16xi32>
          %swap3A_612 = vector.shape_cast %add3A_607 : vector<16xi32> to vector<16xi32>
          tpu.vector_store %arg10[%swap3A], %swap3A_612 {strides = array<i32>} : memref<400xi32, #tpu.memory_space<vmem>>, vector<16xi32>,
          %scan3A_613 = arith.constant 0 : i32
          scf.yield %scan3A_613 : i32
        }
        %scan3A_595 = arith.constant 25 : i32
        %dma_start3A_596 = arith.constant 0 : i32
        %dma_start3A_597 = arith.constant 0 : i32
        %dma_start3A_598 = tpu.memref_slice %arg2[%dma_start3A_596, %dma_start3A_597] : memref<200000x16xf32, #tpu.memory_space<hbm>> -> memref<200000x16xf32, #tpu.memory_space<hbm>>
        tpu.enqueue_indirect_dma source(%dma_start3A_598 : memref<200000x16xf32, #tpu.memory_space<hbm>>) target(%arg18 : memref<400x16xf32, #tpu.memory_space<vmem>>) offsets(%arg10 : memref<400xi32, #tpu.memory_space<vmem>>) semaphore(%arg26 : memref<!tpu.dma_semaphore, #tpu.memory_space<semaphore_mem>>)
      } else {
      }
      %dma_wait3A_486 = arith.constant 0 : i32
      %dma_wait3A_487 = arith.constant 0 : i32
      %dma_wait3A_488 = tpu.memref_slice %arg2[%dma_wait3A_486, %dma_wait3A_487] : memref<200000x16xf32, #tpu.memory_space<hbm>> -> memref<200000x16xf32, #tpu.memory_space<hbm>>
      tpu.wait_indirect_dma semaphore(%arg25 : memref<!tpu.dma_semaphore, #tpu.memory_space<semaphore_mem>>) src(%dma_wait3A_488 : memref<200000x16xf32, #tpu.memory_space<hbm>>) dst(%arg17 : memref<400x16xf32, #tpu.memory_space<vmem>>)
      %dma_start3A_489 = arith.constant 0 : i32
      %dma_start3A_490 = arith.constant 0 : i32
      %dma_start3A_491 = tpu.memref_slice %arg8[%dma_start3A_489, %dma_start3A_490] : memref<100000x16xf32, #tpu.memory_space<vmem_shared>> -> memref<100000x16xf32, #tpu.memory_space<vmem_shared>>
      tpu.enqueue_indirect_dma source(%arg17 : memref<400x16xf32, #tpu.memory_space<vmem>>) target(%dma_start3A_491 : memref<100000x16xf32, #tpu.memory_space<vmem_shared>>) offsets(%arg13 : memref<400xi32, #tpu.memory_space<vmem>>) semaphore(%arg27 : memref<!tpu.dma_semaphore, #tpu.memory_space<semaphore_mem>>) {add = true}
      %mul3A_492 = arith.constant 4 : i32
      %mul3A_493 = arith.muli %scan3A_458, %mul3A_492 : i32
      %add3A_494 = arith.constant 1 : i32
      %add3A_495 = arith.addi %mul3A_493, %add3A_494 : i32
      %ge3A_496 = arith.constant 1 : i32
      %ge3A_497 = arith.cmpi sge, %add3A_495, %ge3A_496 : i32
      %convert_element_type3A_498 = arith.extui %ge3A_497 : i1 to i32
      %cond3A_499 = arith.constant 0 : i32
      %cond3A_500 = arith.cmpi ne, %convert_element_type3A_498, %cond3A_499 : i32
      scf.if %cond3A_500 {
        %dma_wait3A_573 = arith.constant 0 : i32
        %dma_wait3A_574 = arith.constant 0 : i32
        %dma_wait3A_575 = tpu.memref_slice %arg8[%dma_wait3A_573, %dma_wait3A_574] : memref<100000x16xf32, #tpu.memory_space<vmem_shared>> -> memref<100000x16xf32, #tpu.memory_space<vmem_shared>>
        tpu.wait_indirect_dma semaphore(%arg27 : memref<!tpu.dma_semaphore, #tpu.memory_space<semaphore_mem>>) src(%arg17 : memref<400x16xf32, #tpu.memory_space<vmem>>) dst(%dma_wait3A_575 : memref<100000x16xf32, #tpu.memory_space<vmem_shared>>)
      } else {
      }
      %add3A_501 = arith.constant 1 : i32
      %add3A_502 = arith.addi %add3A_495, %add3A_501 : i32
      %lt3A_503 = arith.constant 250 : i32
      %lt3A_504 = arith.cmpi slt, %add3A_502, %lt3A_503 : i32
      %convert_element_type3A_505 = arith.extui %lt3A_504 : i1 to i32
      %cond3A_506 = arith.constant 0 : i32
      %cond3A_507 = arith.cmpi ne, %convert_element_type3A_505, %cond3A_506 : i32
      scf.if %cond3A_507 {
        %add3A_573 = arith.constant 1 : i32
        %add3A_574 = arith.addi %add3A_495, %add3A_573 : i32
        %mul3A_575 = arith.constant 400 : i32
        %mul3A_576 = arith.muli %add3A_574, %mul3A_575 : i32
        %add3A_577 = arith.addi %mul3A_15, %mul3A_576 : i32
        %multiple_of3A_578 = tpu.assume_multiple %add3A_577, 8 : i32
        %dma_wait3A_579 = arith.constant 0 : i32
        %dma_wait3A_580 = tpu.memref_slice %arg3[%dma_wait3A_579, %multiple_of3A_578] : memref<2x1600000xi32, #tpu.memory_space<hbm>> -> memref<1x400xi32, #tpu.memory_space<hbm>>
        %dma_wait3A_581 = tpu.memref_squeeze %dma_wait3A_580 : memref<1x400xi32, #tpu.memory_space<hbm>> -> memref<400xi32, #tpu.memory_space<hbm>>
        %dma_wait3A_582 = tpu.memref_slice %arg3[%dma_wait3A_579, %multiple_of3A_578] : memref<2x1600000xi32, #tpu.memory_space<hbm>> -> memref<1x400xi32, #tpu.memory_space<hbm>>
        %dma_wait3A_583 = tpu.memref_squeeze %dma_wait3A_582 : memref<1x400xi32, #tpu.memory_space<hbm>> -> memref<400xi32, #tpu.memory_space<hbm>>
        tpu.wait_dma2 semaphore(%arg23 : memref<!tpu.dma_semaphore, #tpu.memory_space<semaphore_mem>>) src(%dma_wait3A_583 : memref<400xi32, #tpu.memory_space<hbm>>) dst(%arg11 : memref<400xi32, #tpu.memory_space<vmem>>)
        %dma_wait3A_584 = arith.constant 1 : i32
        %dma_wait3A_585 = tpu.memref_slice %arg3[%dma_wait3A_584, %multiple_of3A_578] : memref<2x1600000xi32, #tpu.memory_space<hbm>> -> memref<1x400xi32, #tpu.memory_space<hbm>>
        %dma_wait3A_586 = tpu.memref_squeeze %dma_wait3A_585 : memref<1x400xi32, #tpu.memory_space<hbm>> -> memref<400xi32, #tpu.memory_space<hbm>>
        %dma_wait3A_587 = tpu.memref_slice %arg3[%dma_wait3A_584, %multiple_of3A_578] : memref<2x1600000xi32, #tpu.memory_space<hbm>> -> memref<1x400xi32, #tpu.memory_space<hbm>>
        %dma_wait3A_588 = tpu.memref_squeeze %dma_wait3A_587 : memref<1x400xi32, #tpu.memory_space<hbm>> -> memref<400xi32, #tpu.memory_space<hbm>>
        tpu.wait_dma2 semaphore(%arg23 : memref<!tpu.dma_semaphore, #tpu.memory_space<semaphore_mem>>) src(%dma_wait3A_588 : memref<400xi32, #tpu.memory_space<hbm>>) dst(%arg15 : memref<400xi32, #tpu.memory_space<vmem>>)
        %scan3A_589 = arith.constant 0 : i32
        %scan3A_590 = arith.constant 0 : i32
        %scan3A_591 = arith.constant 25 : i32
        %scan3A_592 = arith.addi %scan3A_590, %scan3A_591 : i32
        %scan3A_593 = arith.constant 1 : i32
        %scan3A_594 = scf.for %scan3A_599 = %scan3A_590 to %scan3A_592 step %scan3A_593 iter_args(%scan3A_600 = %scan3A_589) -> (i32)  : i32 {
          %mul3A_601 = arith.constant 16 : i32
          %mul3A_602 = arith.muli %scan3A_599, %mul3A_601 : i32
          %get3A = arith.index_cast %mul3A_602 : i32 to index
          %get3A_603 = tpu.vector_load %arg11[%get3A] {strides = array<i32>} : memref<400xi32, #tpu.memory_space<vmem>>, vector<16xi32>,
          %get3A_604 = vector.shape_cast %get3A_603 : vector<16xi32> to vector<16xi32>
          %add3A_605 = arith.addi %get3A_604, %get3A_604 : vector<16xi32>
          %add3A_606 = vector.broadcast %arg0 : i32 to vector<16xi32>
          %add3A_607 = arith.addi %add3A_605, %add3A_606 : vector<16xi32>
          %mul3A_608 = arith.constant 16 : i32
          %mul3A_609 = arith.muli %scan3A_599, %mul3A_608 : i32
          %swap3A = arith.index_cast %mul3A_609 : i32 to index
          %swap3A_610 = tpu.vector_load %arg11[%swap3A] {strides = array<i32>} : memref<400xi32, #tpu.memory_space<vmem>>, vector<16xi32>,
          %swap3A_611 = vector.shape_cast %swap3A_610 : vector<16xi32> to vector<16xi32>
          %swap3A_612 = vector.shape_cast %add3A_607 : vector<16xi32> to vector<16xi32>
          tpu.vector_store %arg11[%swap3A], %swap3A_612 {strides = array<i32>} : memref<400xi32, #tpu.memory_space<vmem>>, vector<16xi32>,
          %scan3A_613 = arith.constant 0 : i32
          scf.yield %scan3A_613 : i32
        }
        %scan3A_595 = arith.constant 25 : i32
        %dma_start3A_596 = arith.constant 0 : i32
        %dma_start3A_597 = arith.constant 0 : i32
        %dma_start3A_598 = tpu.memref_slice %arg2[%dma_start3A_596, %dma_start3A_597] : memref<200000x16xf32, #tpu.memory_space<hbm>> -> memref<200000x16xf32, #tpu.memory_space<hbm>>
        tpu.enqueue_indirect_dma source(%dma_start3A_598 : memref<200000x16xf32, #tpu.memory_space<hbm>>) target(%arg17 : memref<400x16xf32, #tpu.memory_space<vmem>>) offsets(%arg11 : memref<400xi32, #tpu.memory_space<vmem>>) semaphore(%arg25 : memref<!tpu.dma_semaphore, #tpu.memory_space<semaphore_mem>>)
      } else {
      }
      %dma_wait3A_508 = arith.constant 0 : i32
      %dma_wait3A_509 = arith.constant 0 : i32
      %dma_wait3A_510 = tpu.memref_slice %arg2[%dma_wait3A_508, %dma_wait3A_509] : memref<200000x16xf32, #tpu.memory_space<hbm>> -> memref<200000x16xf32, #tpu.memory_space<hbm>>
      tpu.wait_indirect_dma semaphore(%arg26 : memref<!tpu.dma_semaphore, #tpu.memory_space<semaphore_mem>>) src(%dma_wait3A_510 : memref<200000x16xf32, #tpu.memory_space<hbm>>) dst(%arg18 : memref<400x16xf32, #tpu.memory_space<vmem>>)
      %dma_start3A_511 = arith.constant 0 : i32
      %dma_start3A_512 = arith.constant 0 : i32
      %dma_start3A_513 = tpu.memref_slice %arg8[%dma_start3A_511, %dma_start3A_512] : memref<100000x16xf32, #tpu.memory_space<vmem_shared>> -> memref<100000x16xf32, #tpu.memory_space<vmem_shared>>
      tpu.enqueue_indirect_dma source(%arg18 : memref<400x16xf32, #tpu.memory_space<vmem>>) target(%dma_start3A_513 : memref<100000x16xf32, #tpu.memory_space<vmem_shared>>) offsets(%arg14 : memref<400xi32, #tpu.memory_space<vmem>>) semaphore(%arg28 : memref<!tpu.dma_semaphore, #tpu.memory_space<semaphore_mem>>) {add = true}
      %mul3A_514 = arith.constant 4 : i32
      %mul3A_515 = arith.muli %scan3A_458, %mul3A_514 : i32
      %add3A_516 = arith.constant 2 : i32
      %add3A_517 = arith.addi %mul3A_515, %add3A_516 : i32
      %ge3A_518 = arith.constant 1 : i32
      %ge3A_519 = arith.cmpi sge, %add3A_517, %ge3A_518 : i32
      %convert_element_type3A_520 = arith.extui %ge3A_519 : i1 to i32
      %cond3A_521 = arith.constant 0 : i32
      %cond3A_522 = arith.cmpi ne, %convert_element_type3A_520, %cond3A_521 : i32
      scf.if %cond3A_522 {
        %dma_wait3A_573 = arith.constant 0 : i32
        %dma_wait3A_574 = arith.constant 0 : i32
        %dma_wait3A_575 = tpu.memref_slice %arg8[%dma_wait3A_573, %dma_wait3A_574] : memref<100000x16xf32, #tpu.memory_space<vmem_shared>> -> memref<100000x16xf32, #tpu.memory_space<vmem_shared>>
        tpu.wait_indirect_dma semaphore(%arg28 : memref<!tpu.dma_semaphore, #tpu.memory_space<semaphore_mem>>) src(%arg18 : memref<400x16xf32, #tpu.memory_space<vmem>>) dst(%dma_wait3A_575 : memref<100000x16xf32, #tpu.memory_space<vmem_shared>>)
      } else {
      }
      %add3A_523 = arith.constant 2 : i32
      %add3A_524 = arith.addi %add3A_517, %add3A_523 : i32
      %lt3A_525 = arith.constant 250 : i32
      %lt3A_526 = arith.cmpi slt, %add3A_524, %lt3A_525 : i32
      %convert_element_type3A_527 = arith.extui %lt3A_526 : i1 to i32
      %cond3A_528 = arith.constant 0 : i32
      %cond3A_529 = arith.cmpi ne, %convert_element_type3A_527, %cond3A_528 : i32
      scf.if %cond3A_529 {
        %add3A_573 = arith.constant 2 : i32
        %add3A_574 = arith.addi %add3A_517, %add3A_573 : i32
        %mul3A_575 = arith.constant 400 : i32
        %mul3A_576 = arith.muli %add3A_574, %mul3A_575 : i32
        %add3A_577 = arith.addi %mul3A_15, %mul3A_576 : i32
        %multiple_of3A_578 = tpu.assume_multiple %add3A_577, 8 : i32
        %dma_start3A_579 = arith.constant 0 : i32
        %dma_start3A_580 = tpu.memref_slice %arg3[%dma_start3A_579, %multiple_of3A_578] : memref<2x1600000xi32, #tpu.memory_space<hbm>> -> memref<1x400xi32, #tpu.memory_space<hbm>>
        %dma_start3A_581 = tpu.memref_squeeze %dma_start3A_580 : memref<1x400xi32, #tpu.memory_space<hbm>> -> memref<400xi32, #tpu.memory_space<hbm>>
        %dma_start3A_582 = tpu.memref_slice %arg3[%dma_start3A_579, %multiple_of3A_578] : memref<2x1600000xi32, #tpu.memory_space<hbm>> -> memref<1x400xi32, #tpu.memory_space<hbm>>
        %dma_start3A_583 = tpu.memref_squeeze %dma_start3A_582 : memref<1x400xi32, #tpu.memory_space<hbm>> -> memref<400xi32, #tpu.memory_space<hbm>>
        tpu.enqueue_dma source(%dma_start3A_583 : memref<400xi32, #tpu.memory_space<hbm>>) target(%arg9 : memref<400xi32, #tpu.memory_space<vmem>>) target_semaphore(%arg21 : memref<!tpu.dma_semaphore, #tpu.memory_space<semaphore_mem>>)
        %dma_start3A_584 = arith.constant 1 : i32
        %dma_start3A_585 = tpu.memref_slice %arg3[%dma_start3A_584, %multiple_of3A_578] : memref<2x1600000xi32, #tpu.memory_space<hbm>> -> memref<1x400xi32, #tpu.memory_space<hbm>>
        %dma_start3A_586 = tpu.memref_squeeze %dma_start3A_585 : memref<1x400xi32, #tpu.memory_space<hbm>> -> memref<400xi32, #tpu.memory_space<hbm>>
        %dma_start3A_587 = tpu.memref_slice %arg3[%dma_start3A_584, %multiple_of3A_578] : memref<2x1600000xi32, #tpu.memory_space<hbm>> -> memref<1x400xi32, #tpu.memory_space<hbm>>
        %dma_start3A_588 = tpu.memref_squeeze %dma_start3A_587 : memref<1x400xi32, #tpu.memory_space<hbm>> -> memref<400xi32, #tpu.memory_space<hbm>>
        tpu.enqueue_dma source(%dma_start3A_588 : memref<400xi32, #tpu.memory_space<hbm>>) target(%arg13 : memref<400xi32, #tpu.memory_space<vmem>>) target_semaphore(%arg21 : memref<!tpu.dma_semaphore, #tpu.memory_space<semaphore_mem>>)
      } else {
      }
      %add3A_530 = arith.constant 3 : i32
      %add3A_531 = arith.addi %add3A_517, %add3A_530 : i32
      %lt3A_532 = arith.constant 250 : i32
      %lt3A_533 = arith.cmpi slt, %add3A_531, %lt3A_532 : i32
      %convert_element_type3A_534 = arith.extui %lt3A_533 : i1 to i32
      %cond3A_535 = arith.constant 0 : i32
      %cond3A_536 = arith.cmpi ne, %convert_element_type3A_534, %cond3A_535 : i32
      scf.if %cond3A_536 {
        %add3A_573 = arith.constant 3 : i32
        %add3A_574 = arith.addi %add3A_517, %add3A_573 : i32
        %mul3A_575 = arith.constant 400 : i32
        %mul3A_576 = arith.muli %add3A_574, %mul3A_575 : i32
        %add3A_577 = arith.addi %mul3A_15, %mul3A_576 : i32
        %multiple_of3A_578 = tpu.assume_multiple %add3A_577, 8 : i32
        %dma_start3A_579 = arith.constant 0 : i32
        %dma_start3A_580 = tpu.memref_slice %arg3[%dma_start3A_579, %multiple_of3A_578] : memref<2x1600000xi32, #tpu.memory_space<hbm>> -> memref<1x400xi32, #tpu.memory_space<hbm>>
        %dma_start3A_581 = tpu.memref_squeeze %dma_start3A_580 : memref<1x400xi32, #tpu.memory_space<hbm>> -> memref<400xi32, #tpu.memory_space<hbm>>
        %dma_start3A_582 = tpu.memref_slice %arg3[%dma_start3A_579, %multiple_of3A_578] : memref<2x1600000xi32, #tpu.memory_space<hbm>> -> memref<1x400xi32, #tpu.memory_space<hbm>>
        %dma_start3A_583 = tpu.memref_squeeze %dma_start3A_582 : memref<1x400xi32, #tpu.memory_space<hbm>> -> memref<400xi32, #tpu.memory_space<hbm>>
        tpu.enqueue_dma source(%dma_start3A_583 : memref<400xi32, #tpu.memory_space<hbm>>) target(%arg10 : memref<400xi32, #tpu.memory_space<vmem>>) target_semaphore(%arg22 : memref<!tpu.dma_semaphore, #tpu.memory_space<semaphore_mem>>)
        %dma_start3A_584 = arith.constant 1 : i32
        %dma_start3A_585 = tpu.memref_slice %arg3[%dma_start3A_584, %multiple_of3A_578] : memref<2x1600000xi32, #tpu.memory_space<hbm>> -> memref<1x400xi32, #tpu.memory_space<hbm>>
        %dma_start3A_586 = tpu.memref_squeeze %dma_start3A_585 : memref<1x400xi32, #tpu.memory_space<hbm>> -> memref<400xi32, #tpu.memory_space<hbm>>
        %dma_start3A_587 = tpu.memref_slice %arg3[%dma_start3A_584, %multiple_of3A_578] : memref<2x1600000xi32, #tpu.memory_space<hbm>> -> memref<1x400xi32, #tpu.memory_space<hbm>>
        %dma_start3A_588 = tpu.memref_squeeze %dma_start3A_587 : memref<1x400xi32, #tpu.memory_space<hbm>> -> memref<400xi32, #tpu.memory_space<hbm>>
        tpu.enqueue_dma source(%dma_start3A_588 : memref<400xi32, #tpu.memory_space<hbm>>) target(%arg14 : memref<400xi32, #tpu.memory_space<vmem>>) target_semaphore(%arg22 : memref<!tpu.dma_semaphore, #tpu.memory_space<semaphore_mem>>)
      } else {
      }
      %add3A_537 = arith.constant 1 : i32
      %add3A_538 = arith.addi %add3A_517, %add3A_537 : i32
      %lt3A_539 = arith.constant 250 : i32
      %lt3A_540 = arith.cmpi slt, %add3A_538, %lt3A_539 : i32
      %convert_element_type3A_541 = arith.extui %lt3A_540 : i1 to i32
      %cond3A_542 = arith.constant 0 : i32
      %cond3A_543 = arith.cmpi ne, %convert_element_type3A_541, %cond3A_542 : i32
      scf.if %cond3A_543 {
        %add3A_573 = arith.constant 1 : i32
        %add3A_574 = arith.addi %add3A_517, %add3A_573 : i32
        %mul3A_575 = arith.constant 400 : i32
        %mul3A_576 = arith.muli %add3A_574, %mul3A_575 : i32
        %add3A_577 = arith.addi %mul3A_15, %mul3A_576 : i32
        %multiple_of3A_578 = tpu.assume_multiple %add3A_577, 8 : i32
        %dma_wait3A_579 = arith.constant 0 : i32
        %dma_wait3A_580 = tpu.memref_slice %arg3[%dma_wait3A_579, %multiple_of3A_578] : memref<2x1600000xi32, #tpu.memory_space<hbm>> -> memref<1x400xi32, #tpu.memory_space<hbm>>
        %dma_wait3A_581 = tpu.memref_squeeze %dma_wait3A_580 : memref<1x400xi32, #tpu.memory_space<hbm>> -> memref<400xi32, #tpu.memory_space<hbm>>
        %dma_wait3A_582 = tpu.memref_slice %arg3[%dma_wait3A_579, %multiple_of3A_578] : memref<2x1600000xi32, #tpu.memory_space<hbm>> -> memref<1x400xi32, #tpu.memory_space<hbm>>
        %dma_wait3A_583 = tpu.memref_squeeze %dma_wait3A_582 : memref<1x400xi32, #tpu.memory_space<hbm>> -> memref<400xi32, #tpu.memory_space<hbm>>
        tpu.wait_dma2 semaphore(%arg24 : memref<!tpu.dma_semaphore, #tpu.memory_space<semaphore_mem>>) src(%dma_wait3A_583 : memref<400xi32, #tpu.memory_space<hbm>>) dst(%arg12 : memref<400xi32, #tpu.memory_space<vmem>>)
        %dma_wait3A_584 = arith.constant 1 : i32
        %dma_wait3A_585 = tpu.memref_slice %arg3[%dma_wait3A_584, %multiple_of3A_578] : memref<2x1600000xi32, #tpu.memory_space<hbm>> -> memref<1x400xi32, #tpu.memory_space<hbm>>
        %dma_wait3A_586 = tpu.memref_squeeze %dma_wait3A_585 : memref<1x400xi32, #tpu.memory_space<hbm>> -> memref<400xi32, #tpu.memory_space<hbm>>
        %dma_wait3A_587 = tpu.memref_slice %arg3[%dma_wait3A_584, %multiple_of3A_578] : memref<2x1600000xi32, #tpu.memory_space<hbm>> -> memref<1x400xi32, #tpu.memory_space<hbm>>
        %dma_wait3A_588 = tpu.memref_squeeze %dma_wait3A_587 : memref<1x400xi32, #tpu.memory_space<hbm>> -> memref<400xi32, #tpu.memory_space<hbm>>
        tpu.wait_dma2 semaphore(%arg24 : memref<!tpu.dma_semaphore, #tpu.memory_space<semaphore_mem>>) src(%dma_wait3A_588 : memref<400xi32, #tpu.memory_space<hbm>>) dst(%arg16 : memref<400xi32, #tpu.memory_space<vmem>>)
        %scan3A_589 = arith.constant 0 : i32
        %scan3A_590 = arith.constant 0 : i32
        %scan3A_591 = arith.constant 25 : i32
        %scan3A_592 = arith.addi %scan3A_590, %scan3A_591 : i32
        %scan3A_593 = arith.constant 1 : i32
        %scan3A_594 = scf.for %scan3A_599 = %scan3A_590 to %scan3A_592 step %scan3A_593 iter_args(%scan3A_600 = %scan3A_589) -> (i32)  : i32 {
          %mul3A_601 = arith.constant 16 : i32
          %mul3A_602 = arith.muli %scan3A_599, %mul3A_601 : i32
          %get3A = arith.index_cast %mul3A_602 : i32 to index
          %get3A_603 = tpu.vector_load %arg12[%get3A] {strides = array<i32>} : memref<400xi32, #tpu.memory_space<vmem>>, vector<16xi32>,
          %get3A_604 = vector.shape_cast %get3A_603 : vector<16xi32> to vector<16xi32>
          %add3A_605 = arith.addi %get3A_604, %get3A_604 : vector<16xi32>
          %add3A_606 = vector.broadcast %arg0 : i32 to vector<16xi32>
          %add3A_607 = arith.addi %add3A_605, %add3A_606 : vector<16xi32>
          %mul3A_608 = arith.constant 16 : i32
          %mul3A_609 = arith.muli %scan3A_599, %mul3A_608 : i32
          %swap3A = arith.index_cast %mul3A_609 : i32 to index
          %swap3A_610 = tpu.vector_load %arg12[%swap3A] {strides = array<i32>} : memref<400xi32, #tpu.memory_space<vmem>>, vector<16xi32>,
          %swap3A_611 = vector.shape_cast %swap3A_610 : vector<16xi32> to vector<16xi32>
          %swap3A_612 = vector.shape_cast %add3A_607 : vector<16xi32> to vector<16xi32>
          tpu.vector_store %arg12[%swap3A], %swap3A_612 {strides = array<i32>} : memref<400xi32, #tpu.memory_space<vmem>>, vector<16xi32>,
          %scan3A_613 = arith.constant 0 : i32
          scf.yield %scan3A_613 : i32
        }
        %scan3A_595 = arith.constant 25 : i32
        %dma_start3A_596 = arith.constant 0 : i32
        %dma_start3A_597 = arith.constant 0 : i32
        %dma_start3A_598 = tpu.memref_slice %arg2[%dma_start3A_596, %dma_start3A_597] : memref<200000x16xf32, #tpu.memory_space<hbm>> -> memref<200000x16xf32, #tpu.memory_space<hbm>>
        tpu.enqueue_indirect_dma source(%dma_start3A_598 : memref<200000x16xf32, #tpu.memory_space<hbm>>) target(%arg18 : memref<400x16xf32, #tpu.memory_space<vmem>>) offsets(%arg12 : memref<400xi32, #tpu.memory_space<vmem>>) semaphore(%arg26 : memref<!tpu.dma_semaphore, #tpu.memory_space<semaphore_mem>>)
      } else {
      }
      %dma_wait3A_544 = arith.constant 0 : i32
      %dma_wait3A_545 = arith.constant 0 : i32
      %dma_wait3A_546 = tpu.memref_slice %arg2[%dma_wait3A_544, %dma_wait3A_545] : memref<200000x16xf32, #tpu.memory_space<hbm>> -> memref<200000x16xf32, #tpu.memory_space<hbm>>
      tpu.wait_indirect_dma semaphore(%arg25 : memref<!tpu.dma_semaphore, #tpu.memory_space<semaphore_mem>>) src(%dma_wait3A_546 : memref<200000x16xf32, #tpu.memory_space<hbm>>) dst(%arg17 : memref<400x16xf32, #tpu.memory_space<vmem>>)
      %dma_start3A_547 = arith.constant 0 : i32
      %dma_start3A_548 = arith.constant 0 : i32
      %dma_start3A_549 = tpu.memref_slice %arg8[%dma_start3A_547, %dma_start3A_548] : memref<100000x16xf32, #tpu.memory_space<vmem_shared>> -> memref<100000x16xf32, #tpu.memory_space<vmem_shared>>
      tpu.enqueue_indirect_dma source(%arg17 : memref<400x16xf32, #tpu.memory_space<vmem>>) target(%dma_start3A_549 : memref<100000x16xf32, #tpu.memory_space<vmem_shared>>) offsets(%arg15 : memref<400xi32, #tpu.memory_space<vmem>>) semaphore(%arg27 : memref<!tpu.dma_semaphore, #tpu.memory_space<semaphore_mem>>) {add = true}
      %mul3A_550 = arith.constant 4 : i32
      %mul3A_551 = arith.muli %scan3A_458, %mul3A_550 : i32
      %add3A_552 = arith.constant 3 : i32
      %add3A_553 = arith.addi %mul3A_551, %add3A_552 : i32
      %ge3A_554 = arith.constant 1 : i32
      %ge3A_555 = arith.cmpi sge, %add3A_553, %ge3A_554 : i32
      %convert_element_type3A_556 = arith.extui %ge3A_555 : i1 to i32
      %cond3A_557 = arith.constant 0 : i32
      %cond3A_558 = arith.cmpi ne, %convert_element_type3A_556, %cond3A_557 : i32
      scf.if %cond3A_558 {
        %dma_wait3A_573 = arith.constant 0 : i32
        %dma_wait3A_574 = arith.constant 0 : i32
        %dma_wait3A_575 = tpu.memref_slice %arg8[%dma_wait3A_573, %dma_wait3A_574] : memref<100000x16xf32, #tpu.memory_space<vmem_shared>> -> memref<100000x16xf32, #tpu.memory_space<vmem_shared>>
        tpu.wait_indirect_dma semaphore(%arg27 : memref<!tpu.dma_semaphore, #tpu.memory_space<semaphore_mem>>) src(%arg17 : memref<400x16xf32, #tpu.memory_space<vmem>>) dst(%dma_wait3A_575 : memref<100000x16xf32, #tpu.memory_space<vmem_shared>>)
      } else {
      }
      %add3A_559 = arith.constant 1 : i32
      %add3A_560 = arith.addi %add3A_553, %add3A_559 : i32
      %lt3A_561 = arith.constant 250 : i32
      %lt3A_562 = arith.cmpi slt, %add3A_560, %lt3A_561 : i32
      %convert_element_type3A_563 = arith.extui %lt3A_562 : i1 to i32
      %cond3A_564 = arith.constant 0 : i32
      %cond3A_565 = arith.cmpi ne, %convert_element_type3A_563, %cond3A_564 : i32
      scf.if %cond3A_565 {
        %add3A_573 = arith.constant 1 : i32
        %add3A_574 = arith.addi %add3A_553, %add3A_573 : i32
        %mul3A_575 = arith.constant 400 : i32
        %mul3A_576 = arith.muli %add3A_574, %mul3A_575 : i32
        %add3A_577 = arith.addi %mul3A_15, %mul3A_576 : i32
        %multiple_of3A_578 = tpu.assume_multiple %add3A_577, 8 : i32
        %dma_wait3A_579 = arith.constant 0 : i32
        %dma_wait3A_580 = tpu.memref_slice %arg3[%dma_wait3A_579, %multiple_of3A_578] : memref<2x1600000xi32, #tpu.memory_space<hbm>> -> memref<1x400xi32, #tpu.memory_space<hbm>>
        %dma_wait3A_581 = tpu.memref_squeeze %dma_wait3A_580 : memref<1x400xi32, #tpu.memory_space<hbm>> -> memref<400xi32, #tpu.memory_space<hbm>>
        %dma_wait3A_582 = tpu.memref_slice %arg3[%dma_wait3A_579, %multiple_of3A_578] : memref<2x1600000xi32, #tpu.memory_space<hbm>> -> memref<1x400xi32, #tpu.memory_space<hbm>>
        %dma_wait3A_583 = tpu.memref_squeeze %dma_wait3A_582 : memref<1x400xi32, #tpu.memory_space<hbm>> -> memref<400xi32, #tpu.memory_space<hbm>>
        tpu.wait_dma2 semaphore(%arg21 : memref<!tpu.dma_semaphore, #tpu.memory_space<semaphore_mem>>) src(%dma_wait3A_583 : memref<400xi32, #tpu.memory_space<hbm>>) dst(%arg9 : memref<400xi32, #tpu.memory_space<vmem>>)
        %dma_wait3A_584 = arith.constant 1 : i32
        %dma_wait3A_585 = tpu.memref_slice %arg3[%dma_wait3A_584, %multiple_of3A_578] : memref<2x1600000xi32, #tpu.memory_space<hbm>> -> memref<1x400xi32, #tpu.memory_space<hbm>>
        %dma_wait3A_586 = tpu.memref_squeeze %dma_wait3A_585 : memref<1x400xi32, #tpu.memory_space<hbm>> -> memref<400xi32, #tpu.memory_space<hbm>>
        %dma_wait3A_587 = tpu.memref_slice %arg3[%dma_wait3A_584, %multiple_of3A_578] : memref<2x1600000xi32, #tpu.memory_space<hbm>> -> memref<1x400xi32, #tpu.memory_space<hbm>>
        %dma_wait3A_588 = tpu.memref_squeeze %dma_wait3A_587 : memref<1x400xi32, #tpu.memory_space<hbm>> -> memref<400xi32, #tpu.memory_space<hbm>>
        tpu.wait_dma2 semaphore(%arg21 : memref<!tpu.dma_semaphore, #tpu.memory_space<semaphore_mem>>) src(%dma_wait3A_588 : memref<400xi32, #tpu.memory_space<hbm>>) dst(%arg13 : memref<400xi32, #tpu.memory_space<vmem>>)
        %scan3A_589 = arith.constant 0 : i32
        %scan3A_590 = arith.constant 0 : i32
        %scan3A_591 = arith.constant 25 : i32
        %scan3A_592 = arith.addi %scan3A_590, %scan3A_591 : i32
        %scan3A_593 = arith.constant 1 : i32
        %scan3A_594 = scf.for %scan3A_599 = %scan3A_590 to %scan3A_592 step %scan3A_593 iter_args(%scan3A_600 = %scan3A_589) -> (i32)  : i32 {
          %mul3A_601 = arith.constant 16 : i32
          %mul3A_602 = arith.muli %scan3A_599, %mul3A_601 : i32
          %get3A = arith.index_cast %mul3A_602 : i32 to index
          %get3A_603 = tpu.vector_load %arg9[%get3A] {strides = array<i32>} : memref<400xi32, #tpu.memory_space<vmem>>, vector<16xi32>,
          %get3A_604 = vector.shape_cast %get3A_603 : vector<16xi32> to vector<16xi32>
          %add3A_605 = arith.addi %get3A_604, %get3A_604 : vector<16xi32>
          %add3A_606 = vector.broadcast %arg0 : i32 to vector<16xi32>
          %add3A_607 = arith.addi %add3A_605, %add3A_606 : vector<16xi32>
          %mul3A_608 = arith.constant 16 : i32
          %mul3A_609 = arith.muli %scan3A_599, %mul3A_608 : i32
          %swap3A = arith.index_cast %mul3A_609 : i32 to index
          %swap3A_610 = tpu.vector_load %arg9[%swap3A] {strides = array<i32>} : memref<400xi32, #tpu.memory_space<vmem>>, vector<16xi32>,
          %swap3A_611 = vector.shape_cast %swap3A_610 : vector<16xi32> to vector<16xi32>
          %swap3A_612 = vector.shape_cast %add3A_607 : vector<16xi32> to vector<16xi32>
          tpu.vector_store %arg9[%swap3A], %swap3A_612 {strides = array<i32>} : memref<400xi32, #tpu.memory_space<vmem>>, vector<16xi32>,
          %scan3A_613 = arith.constant 0 : i32
          scf.yield %scan3A_613 : i32
        }
        %scan3A_595 = arith.constant 25 : i32
        %dma_start3A_596 = arith.constant 0 : i32
        %dma_start3A_597 = arith.constant 0 : i32
        %dma_start3A_598 = tpu.memref_slice %arg2[%dma_start3A_596, %dma_start3A_597] : memref<200000x16xf32, #tpu.memory_space<hbm>> -> memref<200000x16xf32, #tpu.memory_space<hbm>>
        tpu.enqueue_indirect_dma source(%dma_start3A_598 : memref<200000x16xf32, #tpu.memory_space<hbm>>) target(%arg17 : memref<400x16xf32, #tpu.memory_space<vmem>>) offsets(%arg9 : memref<400xi32, #tpu.memory_space<vmem>>) semaphore(%arg25 : memref<!tpu.dma_semaphore, #tpu.memory_space<semaphore_mem>>)
      } else {
      }
      %dma_wait3A_566 = arith.constant 0 : i32
      %dma_wait3A_567 = arith.constant 0 : i32
      %dma_wait3A_568 = tpu.memref_slice %arg2[%dma_wait3A_566, %dma_wait3A_567] : memref<200000x16xf32, #tpu.memory_space<hbm>> -> memref<200000x16xf32, #tpu.memory_space<hbm>>
      tpu.wait_indirect_dma semaphore(%arg26 : memref<!tpu.dma_semaphore, #tpu.memory_space<semaphore_mem>>) src(%dma_wait3A_568 : memref<200000x16xf32, #tpu.memory_space<hbm>>) dst(%arg18 : memref<400x16xf32, #tpu.memory_space<vmem>>)
      %dma_start3A_569 = arith.constant 0 : i32
      %dma_start3A_570 = arith.constant 0 : i32
      %dma_start3A_571 = tpu.memref_slice %arg8[%dma_start3A_569, %dma_start3A_570] : memref<100000x16xf32, #tpu.memory_space<vmem_shared>> -> memref<100000x16xf32, #tpu.memory_space<vmem_shared>>
      tpu.enqueue_indirect_dma source(%arg18 : memref<400x16xf32, #tpu.memory_space<vmem>>) target(%dma_start3A_571 : memref<100000x16xf32, #tpu.memory_space<vmem_shared>>) offsets(%arg16 : memref<400xi32, #tpu.memory_space<vmem>>) semaphore(%arg28 : memref<!tpu.dma_semaphore, #tpu.memory_space<semaphore_mem>>) {add = true}
      %scan3A_572 = arith.constant 0 : i32
      scf.yield %scan3A_572 : i32
    }
    %scan3A_67 = arith.constant 62 : i32
    %dma_wait3A_68 = arith.constant 0 : i32
    %dma_wait3A_69 = arith.constant 0 : i32
    %dma_wait3A_70 = tpu.memref_slice %arg8[%dma_wait3A_68, %dma_wait3A_69] : memref<100000x16xf32, #tpu.memory_space<vmem_shared>> -> memref<100000x16xf32, #tpu.memory_space<vmem_shared>>
    tpu.wait_indirect_dma semaphore(%arg28 : memref<!tpu.dma_semaphore, #tpu.memory_space<semaphore_mem>>) src(%arg18 : memref<400x16xf32, #tpu.memory_space<vmem>>) dst(%dma_wait3A_70 : memref<100000x16xf32, #tpu.memory_space<vmem_shared>>)
    %add3A_71 = arith.constant 99600 : i32
    %add3A_72 = arith.addi %mul3A_15, %add3A_71 : i32
    %multiple_of3A_73 = tpu.assume_multiple %add3A_72, 8 : i32
    %dma_wait3A_74 = arith.constant 0 : i32
    %dma_wait3A_75 = tpu.memref_slice %arg3[%dma_wait3A_74, %multiple_of3A_73] : memref<2x1600000xi32, #tpu.memory_space<hbm>> -> memref<1x400xi32, #tpu.memory_space<hbm>>
    %dma_wait3A_76 = tpu.memref_squeeze %dma_wait3A_75 : memref<1x400xi32, #tpu.memory_space<hbm>> -> memref<400xi32, #tpu.memory_space<hbm>>
    %dma_wait3A_77 = tpu.memref_slice %arg3[%dma_wait3A_74, %multiple_of3A_73] : memref<2x1600000xi32, #tpu.memory_space<hbm>> -> memref<1x400xi32, #tpu.memory_space<hbm>>
    %dma_wait3A_78 = tpu.memref_squeeze %dma_wait3A_77 : memref<1x400xi32, #tpu.memory_space<hbm>> -> memref<400xi32, #tpu.memory_space<hbm>>
    tpu.wait_dma2 semaphore(%arg22 : memref<!tpu.dma_semaphore, #tpu.memory_space<semaphore_mem>>) src(%dma_wait3A_78 : memref<400xi32, #tpu.memory_space<hbm>>) dst(%arg10 : memref<400xi32, #tpu.memory_space<vmem>>)
    %dma_wait3A_79 = arith.constant 1 : i32
    %dma_wait3A_80 = tpu.memref_slice %arg3[%dma_wait3A_79, %multiple_of3A_73] : memref<2x1600000xi32, #tpu.memory_space<hbm>> -> memref<1x400xi32, #tpu.memory_space<hbm>>
    %dma_wait3A_81 = tpu.memref_squeeze %dma_wait3A_80 : memref<1x400xi32, #tpu.memory_space<hbm>> -> memref<400xi32, #tpu.memory_space<hbm>>
    %dma_wait3A_82 = tpu.memref_slice %arg3[%dma_wait3A_79, %multiple_of3A_73] : memref<2x1600000xi32, #tpu.memory_space<hbm>> -> memref<1x400xi32, #tpu.memory_space<hbm>>
    %dma_wait3A_83 = tpu.memref_squeeze %dma_wait3A_82 : memref<1x400xi32, #tpu.memory_space<hbm>> -> memref<400xi32, #tpu.memory_space<hbm>>
    tpu.wait_dma2 semaphore(%arg22 : memref<!tpu.dma_semaphore, #tpu.memory_space<semaphore_mem>>) src(%dma_wait3A_83 : memref<400xi32, #tpu.memory_space<hbm>>) dst(%arg14 : memref<400xi32, #tpu.memory_space<vmem>>)
    %scan3A_84 = arith.constant 0 : i32
    %scan3A_85 = arith.constant 0 : i32
    %scan3A_86 = arith.constant 25 : i32
    %scan3A_87 = arith.addi %scan3A_85, %scan3A_86 : i32
    %scan3A_88 = arith.constant 1 : i32
    %scan3A_89 = scf.for %scan3A_458 = %scan3A_85 to %scan3A_87 step %scan3A_88 iter_args(%scan3A_459 = %scan3A_84) -> (i32)  : i32 {
      %mul3A_460 = arith.constant 16 : i32
      %mul3A_461 = arith.muli %scan3A_458, %mul3A_460 : i32
      %get3A = arith.index_cast %mul3A_461 : i32 to index
      %get3A_462 = tpu.vector_load %arg10[%get3A] {strides = array<i32>} : memref<400xi32, #tpu.memory_space<vmem>>, vector<16xi32>,
      %get3A_463 = vector.shape_cast %get3A_462 : vector<16xi32> to vector<16xi32>
      %add3A_464 = arith.addi %get3A_463, %get3A_463 : vector<16xi32>
      %add3A_465 = vector.broadcast %arg0 : i32 to vector<16xi32>
      %add3A_466 = arith.addi %add3A_464, %add3A_465 : vector<16xi32>
      %mul3A_467 = arith.constant 16 : i32
      %mul3A_468 = arith.muli %scan3A_458, %mul3A_467 : i32
      %swap3A = arith.index_cast %mul3A_468 : i32 to index
      %swap3A_469 = tpu.vector_load %arg10[%swap3A] {strides = array<i32>} : memref<400xi32, #tpu.memory_space<vmem>>, vector<16xi32>,
      %swap3A_470 = vector.shape_cast %swap3A_469 : vector<16xi32> to vector<16xi32>
      %swap3A_471 = vector.shape_cast %add3A_466 : vector<16xi32> to vector<16xi32>
      tpu.vector_store %arg10[%swap3A], %swap3A_471 {strides = array<i32>} : memref<400xi32, #tpu.memory_space<vmem>>, vector<16xi32>,
      %scan3A_472 = arith.constant 0 : i32
      scf.yield %scan3A_472 : i32
    }
    %scan3A_90 = arith.constant 25 : i32
    %dma_start3A_91 = arith.constant 0 : i32
    %dma_start3A_92 = arith.constant 0 : i32
    %dma_start3A_93 = tpu.memref_slice %arg2[%dma_start3A_91, %dma_start3A_92] : memref<200000x16xf32, #tpu.memory_space<hbm>> -> memref<200000x16xf32, #tpu.memory_space<hbm>>
    tpu.enqueue_indirect_dma source(%dma_start3A_93 : memref<200000x16xf32, #tpu.memory_space<hbm>>) target(%arg18 : memref<400x16xf32, #tpu.memory_space<vmem>>) offsets(%arg10 : memref<400xi32, #tpu.memory_space<vmem>>) semaphore(%arg26 : memref<!tpu.dma_semaphore, #tpu.memory_space<semaphore_mem>>)
    %dma_wait3A_94 = arith.constant 0 : i32
    %dma_wait3A_95 = arith.constant 0 : i32
    %dma_wait3A_96 = tpu.memref_slice %arg2[%dma_wait3A_94, %dma_wait3A_95] : memref<200000x16xf32, #tpu.memory_space<hbm>> -> memref<200000x16xf32, #tpu.memory_space<hbm>>
    tpu.wait_indirect_dma semaphore(%arg25 : memref<!tpu.dma_semaphore, #tpu.memory_space<semaphore_mem>>) src(%dma_wait3A_96 : memref<200000x16xf32, #tpu.memory_space<hbm>>) dst(%arg17 : memref<400x16xf32, #tpu.memory_space<vmem>>)
    %dma_start3A_97 = arith.constant 0 : i32
    %dma_start3A_98 = arith.constant 0 : i32
    %dma_start3A_99 = tpu.memref_slice %arg8[%dma_start3A_97, %dma_start3A_98] : memref<100000x16xf32, #tpu.memory_space<vmem_shared>> -> memref<100000x16xf32, #tpu.memory_space<vmem_shared>>
    tpu.enqueue_indirect_dma source(%arg17 : memref<400x16xf32, #tpu.memory_space<vmem>>) target(%dma_start3A_99 : memref<100000x16xf32, #tpu.memory_space<vmem_shared>>) offsets(%arg13 : memref<400xi32, #tpu.memory_space<vmem>>) semaphore(%arg27 : memref<!tpu.dma_semaphore, #tpu.memory_space<semaphore_mem>>) {add = true}
    %dma_wait3A_100 = arith.constant 0 : i32
    %dma_wait3A_101 = arith.constant 0 : i32
    %dma_wait3A_102 = tpu.memref_slice %arg8[%dma_wait3A_100, %dma_wait3A_101] : memref<100000x16xf32, #tpu.memory_space<vmem_shared>> -> memref<100000x16xf32, #tpu.memory_space<vmem_shared>>
    tpu.wait_indirect_dma semaphore(%arg27 : memref<!tpu.dma_semaphore, #tpu.memory_space<semaphore_mem>>) src(%arg17 : memref<400x16xf32, #tpu.memory_space<vmem>>) dst(%dma_wait3A_102 : memref<100000x16xf32, #tpu.memory_space<vmem_shared>>)
    %dma_wait3A_103 = arith.constant 0 : i32
    %dma_wait3A_104 = arith.constant 0 : i32
    %dma_wait3A_105 = tpu.memref_slice %arg2[%dma_wait3A_103, %dma_wait3A_104] : memref<200000x16xf32, #tpu.memory_space<hbm>> -> memref<200000x16xf32, #tpu.memory_space<hbm>>
    tpu.wait_indirect_dma semaphore(%arg26 : memref<!tpu.dma_semaphore, #tpu.memory_space<semaphore_mem>>) src(%dma_wait3A_105 : memref<200000x16xf32, #tpu.memory_space<hbm>>) dst(%arg18 : memref<400x16xf32, #tpu.memory_space<vmem>>)
    %dma_start3A_106 = arith.constant 0 : i32
    %dma_start3A_107 = arith.constant 0 : i32
    %dma_start3A_108 = tpu.memref_slice %arg8[%dma_start3A_106, %dma_start3A_107] : memref<100000x16xf32, #tpu.memory_space<vmem_shared>> -> memref<100000x16xf32, #tpu.memory_space<vmem_shared>>
    tpu.enqueue_indirect_dma source(%arg18 : memref<400x16xf32, #tpu.memory_space<vmem>>) target(%dma_start3A_108 : memref<100000x16xf32, #tpu.memory_space<vmem_shared>>) offsets(%arg14 : memref<400xi32, #tpu.memory_space<vmem>>) semaphore(%arg28 : memref<!tpu.dma_semaphore, #tpu.memory_space<semaphore_mem>>) {add = true}
    %dma_wait3A_109 = arith.constant 0 : i32
    %dma_wait3A_110 = arith.constant 0 : i32
    %dma_wait3A_111 = tpu.memref_slice %arg8[%dma_wait3A_109, %dma_wait3A_110] : memref<100000x16xf32, #tpu.memory_space<vmem_shared>> -> memref<100000x16xf32, #tpu.memory_space<vmem_shared>>
    tpu.wait_indirect_dma semaphore(%arg28 : memref<!tpu.dma_semaphore, #tpu.memory_space<semaphore_mem>>) src(%arg18 : memref<400x16xf32, #tpu.memory_space<vmem>>) dst(%dma_wait3A_111 : memref<100000x16xf32, #tpu.memory_space<vmem_shared>>)
    %barrier3A_112 = arith.constant 0 : index
    tpu.barrier barrier_id(%barrier3A_112)
    %scan3A_113 = arith.constant 0 : i32
    %scan3A_114 = arith.constant 0 : i32
    %scan3A_115 = arith.constant 25 : i32
    %scan3A_116 = arith.addi %scan3A_114, %scan3A_115 : i32
    %scan3A_117 = arith.constant 1 : i32
    %scan3A_118 = scf.for %scan3A_458 = %scan3A_114 to %scan3A_116 step %scan3A_117 iter_args(%scan3A_459 = %scan3A_113) -> (i32)  : i32 {
      %mul3A_460 = arith.constant 250 : i32
      %mul3A_461 = arith.muli %scan3A_458, %mul3A_460 : i32
      %add3A_462 = arith.addi %mul3A_0, %mul3A_461 : i32
      %multiple_of3A_463 = tpu.assume_multiple %add3A_462, 8 : i32
      "tpu.region"() ({
        %run_scoped3A = tpu.sem_alloc : memref<!tpu.dma_semaphore, #tpu.memory_space<semaphore_mem>>
        %dma_start3A_472 = arith.constant 0 : i32
        %dma_start3A_473 = tpu.memref_slice %arg8[%multiple_of3A_463, %dma_start3A_472] : memref<100000x16xf32, #tpu.memory_space<vmem_shared>> -> memref<250x16xf32, #tpu.memory_space<vmem_shared>>
        %dma_start3A_474 = arith.constant 0 : i32
        %dma_start3A_475 = tpu.memref_slice %arg8[%multiple_of3A_463, %dma_start3A_474] : memref<100000x16xf32, #tpu.memory_space<vmem_shared>> -> memref<250x16xf32, #tpu.memory_space<vmem_shared>>
        tpu.enqueue_dma source(%dma_start3A_475 : memref<250x16xf32, #tpu.memory_space<vmem_shared>>) target(%arg19 : memref<250x16xf32, #tpu.memory_space<vmem>>) target_semaphore(%run_scoped3A : memref<!tpu.dma_semaphore, #tpu.memory_space<semaphore_mem>>)
        %dma_wait3A_476 = arith.constant 0 : i32
        %dma_wait3A_477 = tpu.memref_slice %arg8[%multiple_of3A_463, %dma_wait3A_476] : memref<100000x16xf32, #tpu.memory_space<vmem_shared>> -> memref<250x16xf32, #tpu.memory_space<vmem_shared>>
        %dma_wait3A_478 = arith.constant 0 : i32
        %dma_wait3A_479 = tpu.memref_slice %arg8[%multiple_of3A_463, %dma_wait3A_478] : memref<100000x16xf32, #tpu.memory_space<vmem_shared>> -> memref<250x16xf32, #tpu.memory_space<vmem_shared>>
        tpu.wait_dma2 semaphore(%run_scoped3A : memref<!tpu.dma_semaphore, #tpu.memory_space<semaphore_mem>>) src(%dma_wait3A_479 : memref<250x16xf32, #tpu.memory_space<vmem_shared>>) dst(%arg19 : memref<250x16xf32, #tpu.memory_space<vmem>>)
        tpu.yield
      }) : () -> ()
      %scan3A_464 = arith.constant 0 : i32
      %scan3A_465 = arith.constant 0 : i32
      %scan3A_466 = arith.constant 250 : i32
      %scan3A_467 = arith.addi %scan3A_465, %scan3A_466 : i32
      %scan3A_468 = arith.constant 1 : i32
      %scan3A_469 = scf.for %scan3A_472 = %scan3A_465 to %scan3A_467 step %scan3A_468 iter_args(%scan3A_473 = %scan3A_464) -> (i32)  : i32 {
        %get3A = arith.index_cast %scan3A_472 : i32 to index
        %get3A_474 = arith.constant 0 : index
        %get3A_475 = tpu.vector_load %arg19[%get3A, %get3A_474] {strides = array<i32>} : memref<250x16xf32, #tpu.memory_space<vmem>>, vector<1x16xf32>,
        %get3A_476 = vector.shape_cast %get3A_475 : vector<1x16xf32> to vector<16xf32>
        %max3A = arith.constant 0.000000e+00 : f32
        %max3A_477 = vector.broadcast %max3A : f32 to vector<16xf32>
        %max3A_478 = arith.maximumf %get3A_476, %max3A_477 : vector<16xf32>
        %swap3A = arith.index_cast %scan3A_472 : i32 to index
        %swap3A_479 = arith.constant 0 : index
        %swap3A_480 = tpu.vector_load %arg19[%swap3A, %swap3A_479] {strides = array<i32>} : memref<250x16xf32, #tpu.memory_space<vmem>>, vector<1x16xf32>,
        %swap3A_481 = vector.shape_cast %swap3A_480 : vector<1x16xf32> to vector<16xf32>
        %swap3A_482 = vector.shape_cast %max3A_478 : vector<16xf32> to vector<1x16xf32>
        tpu.vector_store %arg19[%swap3A, %swap3A_479], %swap3A_482 {strides = array<i32>} : memref<250x16xf32, #tpu.memory_space<vmem>>, vector<1x16xf32>,
        %scan3A_483 = arith.constant 0 : i32
        scf.yield %scan3A_483 : i32
      }
      %scan3A_470 = arith.constant 250 : i32
      "tpu.region"() ({
        %run_scoped3A = tpu.sem_alloc : memref<!tpu.dma_semaphore, #tpu.memory_space<semaphore_mem>>
        %dma_start3A_472 = arith.constant 0 : i32
        %dma_start3A_473 = arith.constant 0 : i32
        %dma_start3A_474 = tpu.memref_slice %arg7[%arg0, %dma_start3A_472, %dma_start3A_473] : memref<2x100000x16xf32, #tpu.memory_space<hbm>> -> memref<1x100000x16xf32, #tpu.memory_space<hbm>>
        %dma_start3A_475 = tpu.memref_squeeze %dma_start3A_474 : memref<1x100000x16xf32, #tpu.memory_space<hbm>> -> memref<100000x16xf32, #tpu.memory_space<hbm>>
        %dma_start3A_476 = arith.constant 0 : i32
        %dma_start3A_477 = tpu.memref_slice %dma_start3A_475[%multiple_of3A_463, %dma_start3A_476] : memref<100000x16xf32, #tpu.memory_space<hbm>> -> memref<250x16xf32, #tpu.memory_space<hbm>>
        %dma_start3A_478 = arith.constant 0 : i32
        %dma_start3A_479 = arith.constant 0 : i32
        %dma_start3A_480 = tpu.memref_slice %arg7[%arg0, %dma_start3A_478, %dma_start3A_479] : memref<2x100000x16xf32, #tpu.memory_space<hbm>> -> memref<1x100000x16xf32, #tpu.memory_space<hbm>>
        %dma_start3A_481 = tpu.memref_squeeze %dma_start3A_480 : memref<1x100000x16xf32, #tpu.memory_space<hbm>> -> memref<100000x16xf32, #tpu.memory_space<hbm>>
        %dma_start3A_482 = arith.constant 0 : i32
        %dma_start3A_483 = tpu.memref_slice %dma_start3A_481[%multiple_of3A_463, %dma_start3A_482] : memref<100000x16xf32, #tpu.memory_space<hbm>> -> memref<250x16xf32, #tpu.memory_space<hbm>>
        tpu.enqueue_dma source(%arg19 : memref<250x16xf32, #tpu.memory_space<vmem>>) target(%dma_start3A_483 : memref<250x16xf32, #tpu.memory_space<hbm>>) target_semaphore(%run_scoped3A : memref<!tpu.dma_semaphore, #tpu.memory_space<semaphore_mem>>)
        %dma_wait3A_484 = arith.constant 0 : i32
        %dma_wait3A_485 = arith.constant 0 : i32
        %dma_wait3A_486 = tpu.memref_slice %arg7[%arg0, %dma_wait3A_484, %dma_wait3A_485] : memref<2x100000x16xf32, #tpu.memory_space<hbm>> -> memref<1x100000x16xf32, #tpu.memory_space<hbm>>
        %dma_wait3A_487 = tpu.memref_squeeze %dma_wait3A_486 : memref<1x100000x16xf32, #tpu.memory_space<hbm>> -> memref<100000x16xf32, #tpu.memory_space<hbm>>
        %dma_wait3A_488 = arith.constant 0 : i32
        %dma_wait3A_489 = tpu.memref_slice %dma_wait3A_487[%multiple_of3A_463, %dma_wait3A_488] : memref<100000x16xf32, #tpu.memory_space<hbm>> -> memref<250x16xf32, #tpu.memory_space<hbm>>
        %dma_wait3A_490 = arith.constant 0 : i32
        %dma_wait3A_491 = arith.constant 0 : i32
        %dma_wait3A_492 = tpu.memref_slice %arg7[%arg0, %dma_wait3A_490, %dma_wait3A_491] : memref<2x100000x16xf32, #tpu.memory_space<hbm>> -> memref<1x100000x16xf32, #tpu.memory_space<hbm>>
        %dma_wait3A_493 = tpu.memref_squeeze %dma_wait3A_492 : memref<1x100000x16xf32, #tpu.memory_space<hbm>> -> memref<100000x16xf32, #tpu.memory_space<hbm>>
        %dma_wait3A_494 = arith.constant 0 : i32
        %dma_wait3A_495 = tpu.memref_slice %dma_wait3A_493[%multiple_of3A_463, %dma_wait3A_494] : memref<100000x16xf32, #tpu.memory_space<hbm>> -> memref<250x16xf32, #tpu.memory_space<hbm>>
        tpu.wait_dma2 semaphore(%run_scoped3A : memref<!tpu.dma_semaphore, #tpu.memory_space<semaphore_mem>>) src(%arg19 : memref<250x16xf32, #tpu.memory_space<vmem>>) dst(%dma_wait3A_495 : memref<250x16xf32, #tpu.memory_space<hbm>>)
        tpu.yield
      }) : () -> ()
      "tpu.region"() ({
        %run_scoped3A = tpu.sem_alloc : memref<!tpu.dma_semaphore, #tpu.memory_space<semaphore_mem>>
        %dma_start3A_472 = arith.constant 0 : i32
        %dma_start3A_473 = tpu.memref_slice %arg8[%multiple_of3A_463, %dma_start3A_472] : memref<100000x16xf32, #tpu.memory_space<vmem_shared>> -> memref<250x16xf32, #tpu.memory_space<vmem_shared>>
        %dma_start3A_474 = arith.constant 0 : i32
        %dma_start3A_475 = tpu.memref_slice %arg8[%multiple_of3A_463, %dma_start3A_474] : memref<100000x16xf32, #tpu.memory_space<vmem_shared>> -> memref<250x16xf32, #tpu.memory_space<vmem_shared>>
        tpu.enqueue_dma source(%arg20 : memref<250x16xf32, #tpu.memory_space<vmem>>) target(%dma_start3A_475 : memref<250x16xf32, #tpu.memory_space<vmem_shared>>) target_semaphore(%run_scoped3A : memref<!tpu.dma_semaphore, #tpu.memory_space<semaphore_mem>>)
        %dma_wait3A_476 = arith.constant 0 : i32
        %dma_wait3A_477 = tpu.memref_slice %arg8[%multiple_of3A_463, %dma_wait3A_476] : memref<100000x16xf32, #tpu.memory_space<vmem_shared>> -> memref<250x16xf32, #tpu.memory_space<vmem_shared>>
        %dma_wait3A_478 = arith.constant 0 : i32
        %dma_wait3A_479 = tpu.memref_slice %arg8[%multiple_of3A_463, %dma_wait3A_478] : memref<100000x16xf32, #tpu.memory_space<vmem_shared>> -> memref<250x16xf32, #tpu.memory_space<vmem_shared>>
        tpu.wait_dma2 semaphore(%run_scoped3A : memref<!tpu.dma_semaphore, #tpu.memory_space<semaphore_mem>>) src(%arg20 : memref<250x16xf32, #tpu.memory_space<vmem>>) dst(%dma_wait3A_479 : memref<250x16xf32, #tpu.memory_space<vmem_shared>>)
        tpu.yield
      }) : () -> ()
      %scan3A_471 = arith.constant 0 : i32
      scf.yield %scan3A_471 : i32
    }
    %scan3A_119 = arith.constant 25 : i32
    %barrier3A_120 = arith.constant 0 : index
    tpu.barrier barrier_id(%barrier3A_120)
    %mul3A_121 = arith.constant 100000 : i32
    %mul3A_122 = arith.muli %arg1, %mul3A_121 : i32
    %add3A_123 = arith.constant 0 : i32
    %add3A_124 = arith.addi %mul3A_122, %add3A_123 : i32
    %multiple_of3A_125 = tpu.assume_multiple %add3A_124, 8 : i32
    %dma_start3A_126 = arith.constant 0 : i32
    %dma_start3A_127 = tpu.memref_slice %arg3[%dma_start3A_126, %multiple_of3A_125] : memref<2x1600000xi32, #tpu.memory_space<hbm>> -> memref<1x400xi32, #tpu.memory_space<hbm>>
    %dma_start3A_128 = tpu.memref_squeeze %dma_start3A_127 : memref<1x400xi32, #tpu.memory_space<hbm>> -> memref<400xi32, #tpu.memory_space<hbm>>
    %dma_start3A_129 = tpu.memref_slice %arg3[%dma_start3A_126, %multiple_of3A_125] : memref<2x1600000xi32, #tpu.memory_space<hbm>> -> memref<1x400xi32, #tpu.memory_space<hbm>>
    %dma_start3A_130 = tpu.memref_squeeze %dma_start3A_129 : memref<1x400xi32, #tpu.memory_space<hbm>> -> memref<400xi32, #tpu.memory_space<hbm>>
    tpu.enqueue_dma source(%dma_start3A_130 : memref<400xi32, #tpu.memory_space<hbm>>) target(%arg9 : memref<400xi32, #tpu.memory_space<vmem>>) target_semaphore(%arg21 : memref<!tpu.dma_semaphore, #tpu.memory_space<semaphore_mem>>)
    %dma_start3A_131 = arith.constant 1 : i32
    %dma_start3A_132 = tpu.memref_slice %arg3[%dma_start3A_131, %multiple_of3A_125] : memref<2x1600000xi32, #tpu.memory_space<hbm>> -> memref<1x400xi32, #tpu.memory_space<hbm>>
    %dma_start3A_133 = tpu.memref_squeeze %dma_start3A_132 : memref<1x400xi32, #tpu.memory_space<hbm>> -> memref<400xi32, #tpu.memory_space<hbm>>
    %dma_start3A_134 = tpu.memref_slice %arg3[%dma_start3A_131, %multiple_of3A_125] : memref<2x1600000xi32, #tpu.memory_space<hbm>> -> memref<1x400xi32, #tpu.memory_space<hbm>>
    %dma_start3A_135 = tpu.memref_squeeze %dma_start3A_134 : memref<1x400xi32, #tpu.memory_space<hbm>> -> memref<400xi32, #tpu.memory_space<hbm>>
    tpu.enqueue_dma source(%dma_start3A_135 : memref<400xi32, #tpu.memory_space<hbm>>) target(%arg13 : memref<400xi32, #tpu.memory_space<vmem>>) target_semaphore(%arg21 : memref<!tpu.dma_semaphore, #tpu.memory_space<semaphore_mem>>)
    %add3A_136 = arith.constant 400 : i32
    %add3A_137 = arith.addi %mul3A_122, %add3A_136 : i32
    %multiple_of3A_138 = tpu.assume_multiple %add3A_137, 8 : i32
    %dma_start3A_139 = arith.constant 0 : i32
    %dma_start3A_140 = tpu.memref_slice %arg3[%dma_start3A_139, %multiple_of3A_138] : memref<2x1600000xi32, #tpu.memory_space<hbm>> -> memref<1x400xi32, #tpu.memory_space<hbm>>
    %dma_start3A_141 = tpu.memref_squeeze %dma_start3A_140 : memref<1x400xi32, #tpu.memory_space<hbm>> -> memref<400xi32, #tpu.memory_space<hbm>>
    %dma_start3A_142 = tpu.memref_slice %arg3[%dma_start3A_139, %multiple_of3A_138] : memref<2x1600000xi32, #tpu.memory_space<hbm>> -> memref<1x400xi32, #tpu.memory_space<hbm>>
    %dma_start3A_143 = tpu.memref_squeeze %dma_start3A_142 : memref<1x400xi32, #tpu.memory_space<hbm>> -> memref<400xi32, #tpu.memory_space<hbm>>
    tpu.enqueue_dma source(%dma_start3A_143 : memref<400xi32, #tpu.memory_space<hbm>>) target(%arg10 : memref<400xi32, #tpu.memory_space<vmem>>) target_semaphore(%arg22 : memref<!tpu.dma_semaphore, #tpu.memory_space<semaphore_mem>>)
    %dma_start3A_144 = arith.constant 1 : i32
    %dma_start3A_145 = tpu.memref_slice %arg3[%dma_start3A_144, %multiple_of3A_138] : memref<2x1600000xi32, #tpu.memory_space<hbm>> -> memref<1x400xi32, #tpu.memory_space<hbm>>
    %dma_start3A_146 = tpu.memref_squeeze %dma_start3A_145 : memref<1x400xi32, #tpu.memory_space<hbm>> -> memref<400xi32, #tpu.memory_space<hbm>>
    %dma_start3A_147 = tpu.memref_slice %arg3[%dma_start3A_144, %multiple_of3A_138] : memref<2x1600000xi32, #tpu.memory_space<hbm>> -> memref<1x400xi32, #tpu.memory_space<hbm>>
    %dma_start3A_148 = tpu.memref_squeeze %dma_start3A_147 : memref<1x400xi32, #tpu.memory_space<hbm>> -> memref<400xi32, #tpu.memory_space<hbm>>
    tpu.enqueue_dma source(%dma_start3A_148 : memref<400xi32, #tpu.memory_space<hbm>>) target(%arg14 : memref<400xi32, #tpu.memory_space<vmem>>) target_semaphore(%arg22 : memref<!tpu.dma_semaphore, #tpu.memory_space<semaphore_mem>>)
    %add3A_149 = arith.constant 0 : i32
    %add3A_150 = arith.addi %mul3A_122, %add3A_149 : i32
    %multiple_of3A_151 = tpu.assume_multiple %add3A_150, 8 : i32
    %dma_wait3A_152 = arith.constant 0 : i32
    %dma_wait3A_153 = tpu.memref_slice %arg3[%dma_wait3A_152, %multiple_of3A_151] : memref<2x1600000xi32, #tpu.memory_space<hbm>> -> memref<1x400xi32, #tpu.memory_space<hbm>>
    %dma_wait3A_154 = tpu.memref_squeeze %dma_wait3A_153 : memref<1x400xi32, #tpu.memory_space<hbm>> -> memref<400xi32, #tpu.memory_space<hbm>>
    %dma_wait3A_155 = tpu.memref_slice %arg3[%dma_wait3A_152, %multiple_of3A_151] : memref<2x1600000xi32, #tpu.memory_space<hbm>> -> memref<1x400xi32, #tpu.memory_space<hbm>>
    %dma_wait3A_156 = tpu.memref_squeeze %dma_wait3A_155 : memref<1x400xi32, #tpu.memory_space<hbm>> -> memref<400xi32, #tpu.memory_space<hbm>>
    tpu.wait_dma2 semaphore(%arg21 : memref<!tpu.dma_semaphore, #tpu.memory_space<semaphore_mem>>) src(%dma_wait3A_156 : memref<400xi32, #tpu.memory_space<hbm>>) dst(%arg9 : memref<400xi32, #tpu.memory_space<vmem>>)
    %dma_wait3A_157 = arith.constant 1 : i32
    %dma_wait3A_158 = tpu.memref_slice %arg3[%dma_wait3A_157, %multiple_of3A_151] : memref<2x1600000xi32, #tpu.memory_space<hbm>> -> memref<1x400xi32, #tpu.memory_space<hbm>>
    %dma_wait3A_159 = tpu.memref_squeeze %dma_wait3A_158 : memref<1x400xi32, #tpu.memory_space<hbm>> -> memref<400xi32, #tpu.memory_space<hbm>>
    %dma_wait3A_160 = tpu.memref_slice %arg3[%dma_wait3A_157, %multiple_of3A_151] : memref<2x1600000xi32, #tpu.memory_space<hbm>> -> memref<1x400xi32, #tpu.memory_space<hbm>>
    %dma_wait3A_161 = tpu.memref_squeeze %dma_wait3A_160 : memref<1x400xi32, #tpu.memory_space<hbm>> -> memref<400xi32, #tpu.memory_space<hbm>>
    tpu.wait_dma2 semaphore(%arg21 : memref<!tpu.dma_semaphore, #tpu.memory_space<semaphore_mem>>) src(%dma_wait3A_161 : memref<400xi32, #tpu.memory_space<hbm>>) dst(%arg13 : memref<400xi32, #tpu.memory_space<vmem>>)
    %dma_start3A_162 = arith.constant 0 : i32
    %dma_start3A_163 = arith.constant 0 : i32
    %dma_start3A_164 = tpu.memref_slice %arg7[%arg0, %dma_start3A_162, %dma_start3A_163] : memref<2x100000x16xf32, #tpu.memory_space<hbm>> -> memref<1x100000x16xf32, #tpu.memory_space<hbm>>
    %dma_start3A_165 = tpu.memref_squeeze %dma_start3A_164 : memref<1x100000x16xf32, #tpu.memory_space<hbm>> -> memref<100000x16xf32, #tpu.memory_space<hbm>>
    %dma_start3A_166 = arith.constant 0 : i32
    %dma_start3A_167 = arith.constant 0 : i32
    %dma_start3A_168 = tpu.memref_slice %dma_start3A_165[%dma_start3A_166, %dma_start3A_167] : memref<100000x16xf32, #tpu.memory_space<hbm>> -> memref<100000x16xf32, #tpu.memory_space<hbm>>
    tpu.enqueue_indirect_dma source(%dma_start3A_168 : memref<100000x16xf32, #tpu.memory_space<hbm>>) target(%arg17 : memref<400x16xf32, #tpu.memory_space<vmem>>) offsets(%arg9 : memref<400xi32, #tpu.memory_space<vmem>>) semaphore(%arg25 : memref<!tpu.dma_semaphore, #tpu.memory_space<semaphore_mem>>)
    %scan3A_169 = arith.constant 0 : i32
    %scan3A_170 = arith.constant 0 : i32
    %scan3A_171 = arith.constant 62 : i32
    %scan3A_172 = arith.addi %scan3A_170, %scan3A_171 : i32
    %scan3A_173 = arith.constant 1 : i32
    %scan3A_174 = scf.for %scan3A_458 = %scan3A_170 to %scan3A_172 step %scan3A_173 iter_args(%scan3A_459 = %scan3A_169) -> (i32)  : i32 {
      %mul3A_460 = arith.constant 4 : i32
      %mul3A_461 = arith.muli %scan3A_458, %mul3A_460 : i32
      %add3A_462 = arith.constant 0 : i32
      %add3A_463 = arith.addi %mul3A_461, %add3A_462 : i32
      %ge3A = arith.constant 1 : i32
      %ge3A_464 = arith.cmpi sge, %add3A_463, %ge3A : i32
      %convert_element_type3A = arith.extui %ge3A_464 : i1 to i32
      %cond3A = arith.constant 0 : i32
      %cond3A_465 = arith.cmpi ne, %convert_element_type3A, %cond3A : i32
      scf.if %cond3A_465 {
        %dma_wait3A_589 = arith.constant 0 : i32
        %dma_wait3A_590 = arith.constant 0 : i32
        %dma_wait3A_591 = tpu.memref_slice %arg8[%dma_wait3A_589, %dma_wait3A_590] : memref<100000x16xf32, #tpu.memory_space<vmem_shared>> -> memref<100000x16xf32, #tpu.memory_space<vmem_shared>>
        tpu.wait_indirect_dma semaphore(%arg28 : memref<!tpu.dma_semaphore, #tpu.memory_space<semaphore_mem>>) src(%arg18 : memref<400x16xf32, #tpu.memory_space<vmem>>) dst(%dma_wait3A_591 : memref<100000x16xf32, #tpu.memory_space<vmem_shared>>)
      } else {
      }
      %add3A_466 = arith.constant 2 : i32
      %add3A_467 = arith.addi %add3A_463, %add3A_466 : i32
      %lt3A = arith.constant 250 : i32
      %lt3A_468 = arith.cmpi slt, %add3A_467, %lt3A : i32
      %convert_element_type3A_469 = arith.extui %lt3A_468 : i1 to i32
      %cond3A_470 = arith.constant 0 : i32
      %cond3A_471 = arith.cmpi ne, %convert_element_type3A_469, %cond3A_470 : i32
      scf.if %cond3A_471 {
        %add3A_589 = arith.constant 2 : i32
        %add3A_590 = arith.addi %add3A_463, %add3A_589 : i32
        %mul3A_591 = arith.constant 400 : i32
        %mul3A_592 = arith.muli %add3A_590, %mul3A_591 : i32
        %add3A_593 = arith.addi %mul3A_122, %mul3A_592 : i32
        %multiple_of3A_594 = tpu.assume_multiple %add3A_593, 8 : i32
        %dma_start3A_595 = arith.constant 0 : i32
        %dma_start3A_596 = tpu.memref_slice %arg3[%dma_start3A_595, %multiple_of3A_594] : memref<2x1600000xi32, #tpu.memory_space<hbm>> -> memref<1x400xi32, #tpu.memory_space<hbm>>
        %dma_start3A_597 = tpu.memref_squeeze %dma_start3A_596 : memref<1x400xi32, #tpu.memory_space<hbm>> -> memref<400xi32, #tpu.memory_space<hbm>>
        %dma_start3A_598 = tpu.memref_slice %arg3[%dma_start3A_595, %multiple_of3A_594] : memref<2x1600000xi32, #tpu.memory_space<hbm>> -> memref<1x400xi32, #tpu.memory_space<hbm>>
        %dma_start3A_599 = tpu.memref_squeeze %dma_start3A_598 : memref<1x400xi32, #tpu.memory_space<hbm>> -> memref<400xi32, #tpu.memory_space<hbm>>
        tpu.enqueue_dma source(%dma_start3A_599 : memref<400xi32, #tpu.memory_space<hbm>>) target(%arg11 : memref<400xi32, #tpu.memory_space<vmem>>) target_semaphore(%arg23 : memref<!tpu.dma_semaphore, #tpu.memory_space<semaphore_mem>>)
        %dma_start3A_600 = arith.constant 1 : i32
        %dma_start3A_601 = tpu.memref_slice %arg3[%dma_start3A_600, %multiple_of3A_594] : memref<2x1600000xi32, #tpu.memory_space<hbm>> -> memref<1x400xi32, #tpu.memory_space<hbm>>
        %dma_start3A_602 = tpu.memref_squeeze %dma_start3A_601 : memref<1x400xi32, #tpu.memory_space<hbm>> -> memref<400xi32, #tpu.memory_space<hbm>>
        %dma_start3A_603 = tpu.memref_slice %arg3[%dma_start3A_600, %multiple_of3A_594] : memref<2x1600000xi32, #tpu.memory_space<hbm>> -> memref<1x400xi32, #tpu.memory_space<hbm>>
        %dma_start3A_604 = tpu.memref_squeeze %dma_start3A_603 : memref<1x400xi32, #tpu.memory_space<hbm>> -> memref<400xi32, #tpu.memory_space<hbm>>
        tpu.enqueue_dma source(%dma_start3A_604 : memref<400xi32, #tpu.memory_space<hbm>>) target(%arg15 : memref<400xi32, #tpu.memory_space<vmem>>) target_semaphore(%arg23 : memref<!tpu.dma_semaphore, #tpu.memory_space<semaphore_mem>>)
      } else {
      }
      %add3A_472 = arith.constant 3 : i32
      %add3A_473 = arith.addi %add3A_463, %add3A_472 : i32
      %lt3A_474 = arith.constant 250 : i32
      %lt3A_475 = arith.cmpi slt, %add3A_473, %lt3A_474 : i32
      %convert_element_type3A_476 = arith.extui %lt3A_475 : i1 to i32
      %cond3A_477 = arith.constant 0 : i32
      %cond3A_478 = arith.cmpi ne, %convert_element_type3A_476, %cond3A_477 : i32
      scf.if %cond3A_478 {
        %add3A_589 = arith.constant 3 : i32
        %add3A_590 = arith.addi %add3A_463, %add3A_589 : i32
        %mul3A_591 = arith.constant 400 : i32
        %mul3A_592 = arith.muli %add3A_590, %mul3A_591 : i32
        %add3A_593 = arith.addi %mul3A_122, %mul3A_592 : i32
        %multiple_of3A_594 = tpu.assume_multiple %add3A_593, 8 : i32
        %dma_start3A_595 = arith.constant 0 : i32
        %dma_start3A_596 = tpu.memref_slice %arg3[%dma_start3A_595, %multiple_of3A_594] : memref<2x1600000xi32, #tpu.memory_space<hbm>> -> memref<1x400xi32, #tpu.memory_space<hbm>>
        %dma_start3A_597 = tpu.memref_squeeze %dma_start3A_596 : memref<1x400xi32, #tpu.memory_space<hbm>> -> memref<400xi32, #tpu.memory_space<hbm>>
        %dma_start3A_598 = tpu.memref_slice %arg3[%dma_start3A_595, %multiple_of3A_594] : memref<2x1600000xi32, #tpu.memory_space<hbm>> -> memref<1x400xi32, #tpu.memory_space<hbm>>
        %dma_start3A_599 = tpu.memref_squeeze %dma_start3A_598 : memref<1x400xi32, #tpu.memory_space<hbm>> -> memref<400xi32, #tpu.memory_space<hbm>>
        tpu.enqueue_dma source(%dma_start3A_599 : memref<400xi32, #tpu.memory_space<hbm>>) target(%arg12 : memref<400xi32, #tpu.memory_space<vmem>>) target_semaphore(%arg24 : memref<!tpu.dma_semaphore, #tpu.memory_space<semaphore_mem>>)
        %dma_start3A_600 = arith.constant 1 : i32
        %dma_start3A_601 = tpu.memref_slice %arg3[%dma_start3A_600, %multiple_of3A_594] : memref<2x1600000xi32, #tpu.memory_space<hbm>> -> memref<1x400xi32, #tpu.memory_space<hbm>>
        %dma_start3A_602 = tpu.memref_squeeze %dma_start3A_601 : memref<1x400xi32, #tpu.memory_space<hbm>> -> memref<400xi32, #tpu.memory_space<hbm>>
        %dma_start3A_603 = tpu.memref_slice %arg3[%dma_start3A_600, %multiple_of3A_594] : memref<2x1600000xi32, #tpu.memory_space<hbm>> -> memref<1x400xi32, #tpu.memory_space<hbm>>
        %dma_start3A_604 = tpu.memref_squeeze %dma_start3A_603 : memref<1x400xi32, #tpu.memory_space<hbm>> -> memref<400xi32, #tpu.memory_space<hbm>>
        tpu.enqueue_dma source(%dma_start3A_604 : memref<400xi32, #tpu.memory_space<hbm>>) target(%arg16 : memref<400xi32, #tpu.memory_space<vmem>>) target_semaphore(%arg24 : memref<!tpu.dma_semaphore, #tpu.memory_space<semaphore_mem>>)
      } else {
      }
      %add3A_479 = arith.constant 1 : i32
      %add3A_480 = arith.addi %add3A_463, %add3A_479 : i32
      %lt3A_481 = arith.constant 250 : i32
      %lt3A_482 = arith.cmpi slt, %add3A_480, %lt3A_481 : i32
      %convert_element_type3A_483 = arith.extui %lt3A_482 : i1 to i32
      %cond3A_484 = arith.constant 0 : i32
      %cond3A_485 = arith.cmpi ne, %convert_element_type3A_483, %cond3A_484 : i32
      scf.if %cond3A_485 {
        %add3A_589 = arith.constant 1 : i32
        %add3A_590 = arith.addi %add3A_463, %add3A_589 : i32
        %mul3A_591 = arith.constant 400 : i32
        %mul3A_592 = arith.muli %add3A_590, %mul3A_591 : i32
        %add3A_593 = arith.addi %mul3A_122, %mul3A_592 : i32
        %multiple_of3A_594 = tpu.assume_multiple %add3A_593, 8 : i32
        %dma_wait3A_595 = arith.constant 0 : i32
        %dma_wait3A_596 = tpu.memref_slice %arg3[%dma_wait3A_595, %multiple_of3A_594] : memref<2x1600000xi32, #tpu.memory_space<hbm>> -> memref<1x400xi32, #tpu.memory_space<hbm>>
        %dma_wait3A_597 = tpu.memref_squeeze %dma_wait3A_596 : memref<1x400xi32, #tpu.memory_space<hbm>> -> memref<400xi32, #tpu.memory_space<hbm>>
        %dma_wait3A_598 = tpu.memref_slice %arg3[%dma_wait3A_595, %multiple_of3A_594] : memref<2x1600000xi32, #tpu.memory_space<hbm>> -> memref<1x400xi32, #tpu.memory_space<hbm>>
        %dma_wait3A_599 = tpu.memref_squeeze %dma_wait3A_598 : memref<1x400xi32, #tpu.memory_space<hbm>> -> memref<400xi32, #tpu.memory_space<hbm>>
        tpu.wait_dma2 semaphore(%arg22 : memref<!tpu.dma_semaphore, #tpu.memory_space<semaphore_mem>>) src(%dma_wait3A_599 : memref<400xi32, #tpu.memory_space<hbm>>) dst(%arg10 : memref<400xi32, #tpu.memory_space<vmem>>)
        %dma_wait3A_600 = arith.constant 1 : i32
        %dma_wait3A_601 = tpu.memref_slice %arg3[%dma_wait3A_600, %multiple_of3A_594] : memref<2x1600000xi32, #tpu.memory_space<hbm>> -> memref<1x400xi32, #tpu.memory_space<hbm>>
        %dma_wait3A_602 = tpu.memref_squeeze %dma_wait3A_601 : memref<1x400xi32, #tpu.memory_space<hbm>> -> memref<400xi32, #tpu.memory_space<hbm>>
        %dma_wait3A_603 = tpu.memref_slice %arg3[%dma_wait3A_600, %multiple_of3A_594] : memref<2x1600000xi32, #tpu.memory_space<hbm>> -> memref<1x400xi32, #tpu.memory_space<hbm>>
        %dma_wait3A_604 = tpu.memref_squeeze %dma_wait3A_603 : memref<1x400xi32, #tpu.memory_space<hbm>> -> memref<400xi32, #tpu.memory_space<hbm>>
        tpu.wait_dma2 semaphore(%arg22 : memref<!tpu.dma_semaphore, #tpu.memory_space<semaphore_mem>>) src(%dma_wait3A_604 : memref<400xi32, #tpu.memory_space<hbm>>) dst(%arg14 : memref<400xi32, #tpu.memory_space<vmem>>)
        %dma_start3A_605 = arith.constant 0 : i32
        %dma_start3A_606 = arith.constant 0 : i32
        %dma_start3A_607 = tpu.memref_slice %arg7[%arg0, %dma_start3A_605, %dma_start3A_606] : memref<2x100000x16xf32, #tpu.memory_space<hbm>> -> memref<1x100000x16xf32, #tpu.memory_space<hbm>>
        %dma_start3A_608 = tpu.memref_squeeze %dma_start3A_607 : memref<1x100000x16xf32, #tpu.memory_space<hbm>> -> memref<100000x16xf32, #tpu.memory_space<hbm>>
        %dma_start3A_609 = arith.constant 0 : i32
        %dma_start3A_610 = arith.constant 0 : i32
        %dma_start3A_611 = tpu.memref_slice %dma_start3A_608[%dma_start3A_609, %dma_start3A_610] : memref<100000x16xf32, #tpu.memory_space<hbm>> -> memref<100000x16xf32, #tpu.memory_space<hbm>>
        tpu.enqueue_indirect_dma source(%dma_start3A_611 : memref<100000x16xf32, #tpu.memory_space<hbm>>) target(%arg18 : memref<400x16xf32, #tpu.memory_space<vmem>>) offsets(%arg10 : memref<400xi32, #tpu.memory_space<vmem>>) semaphore(%arg26 : memref<!tpu.dma_semaphore, #tpu.memory_space<semaphore_mem>>)
      } else {
      }
      %dma_wait3A_486 = arith.constant 0 : i32
      %dma_wait3A_487 = arith.constant 0 : i32
      %dma_wait3A_488 = tpu.memref_slice %arg7[%arg0, %dma_wait3A_486, %dma_wait3A_487] : memref<2x100000x16xf32, #tpu.memory_space<hbm>> -> memref<1x100000x16xf32, #tpu.memory_space<hbm>>
      %dma_wait3A_489 = tpu.memref_squeeze %dma_wait3A_488 : memref<1x100000x16xf32, #tpu.memory_space<hbm>> -> memref<100000x16xf32, #tpu.memory_space<hbm>>
      %dma_wait3A_490 = arith.constant 0 : i32
      %dma_wait3A_491 = arith.constant 0 : i32
      %dma_wait3A_492 = tpu.memref_slice %dma_wait3A_489[%dma_wait3A_490, %dma_wait3A_491] : memref<100000x16xf32, #tpu.memory_space<hbm>> -> memref<100000x16xf32, #tpu.memory_space<hbm>>
      tpu.wait_indirect_dma semaphore(%arg25 : memref<!tpu.dma_semaphore, #tpu.memory_space<semaphore_mem>>) src(%dma_wait3A_492 : memref<100000x16xf32, #tpu.memory_space<hbm>>) dst(%arg17 : memref<400x16xf32, #tpu.memory_space<vmem>>)
      %dma_start3A_493 = arith.constant 0 : i32
      %dma_start3A_494 = arith.constant 0 : i32
      %dma_start3A_495 = tpu.memref_slice %arg8[%dma_start3A_493, %dma_start3A_494] : memref<100000x16xf32, #tpu.memory_space<vmem_shared>> -> memref<100000x16xf32, #tpu.memory_space<vmem_shared>>
      tpu.enqueue_indirect_dma source(%arg17 : memref<400x16xf32, #tpu.memory_space<vmem>>) target(%dma_start3A_495 : memref<100000x16xf32, #tpu.memory_space<vmem_shared>>) offsets(%arg13 : memref<400xi32, #tpu.memory_space<vmem>>) semaphore(%arg27 : memref<!tpu.dma_semaphore, #tpu.memory_space<semaphore_mem>>) {add = true}
      %mul3A_496 = arith.constant 4 : i32
      %mul3A_497 = arith.muli %scan3A_458, %mul3A_496 : i32
      %add3A_498 = arith.constant 1 : i32
      %add3A_499 = arith.addi %mul3A_497, %add3A_498 : i32
      %ge3A_500 = arith.constant 1 : i32
      %ge3A_501 = arith.cmpi sge, %add3A_499, %ge3A_500 : i32
      %convert_element_type3A_502 = arith.extui %ge3A_501 : i1 to i32
      %cond3A_503 = arith.constant 0 : i32
      %cond3A_504 = arith.cmpi ne, %convert_element_type3A_502, %cond3A_503 : i32
      scf.if %cond3A_504 {
        %dma_wait3A_589 = arith.constant 0 : i32
        %dma_wait3A_590 = arith.constant 0 : i32
        %dma_wait3A_591 = tpu.memref_slice %arg8[%dma_wait3A_589, %dma_wait3A_590] : memref<100000x16xf32, #tpu.memory_space<vmem_shared>> -> memref<100000x16xf32, #tpu.memory_space<vmem_shared>>
        tpu.wait_indirect_dma semaphore(%arg27 : memref<!tpu.dma_semaphore, #tpu.memory_space<semaphore_mem>>) src(%arg17 : memref<400x16xf32, #tpu.memory_space<vmem>>) dst(%dma_wait3A_591 : memref<100000x16xf32, #tpu.memory_space<vmem_shared>>)
      } else {
      }
      %add3A_505 = arith.constant 1 : i32
      %add3A_506 = arith.addi %add3A_499, %add3A_505 : i32
      %lt3A_507 = arith.constant 250 : i32
      %lt3A_508 = arith.cmpi slt, %add3A_506, %lt3A_507 : i32
      %convert_element_type3A_509 = arith.extui %lt3A_508 : i1 to i32
      %cond3A_510 = arith.constant 0 : i32
      %cond3A_511 = arith.cmpi ne, %convert_element_type3A_509, %cond3A_510 : i32
      scf.if %cond3A_511 {
        %add3A_589 = arith.constant 1 : i32
        %add3A_590 = arith.addi %add3A_499, %add3A_589 : i32
        %mul3A_591 = arith.constant 400 : i32
        %mul3A_592 = arith.muli %add3A_590, %mul3A_591 : i32
        %add3A_593 = arith.addi %mul3A_122, %mul3A_592 : i32
        %multiple_of3A_594 = tpu.assume_multiple %add3A_593, 8 : i32
        %dma_wait3A_595 = arith.constant 0 : i32
        %dma_wait3A_596 = tpu.memref_slice %arg3[%dma_wait3A_595, %multiple_of3A_594] : memref<2x1600000xi32, #tpu.memory_space<hbm>> -> memref<1x400xi32, #tpu.memory_space<hbm>>
        %dma_wait3A_597 = tpu.memref_squeeze %dma_wait3A_596 : memref<1x400xi32, #tpu.memory_space<hbm>> -> memref<400xi32, #tpu.memory_space<hbm>>
        %dma_wait3A_598 = tpu.memref_slice %arg3[%dma_wait3A_595, %multiple_of3A_594] : memref<2x1600000xi32, #tpu.memory_space<hbm>> -> memref<1x400xi32, #tpu.memory_space<hbm>>
        %dma_wait3A_599 = tpu.memref_squeeze %dma_wait3A_598 : memref<1x400xi32, #tpu.memory_space<hbm>> -> memref<400xi32, #tpu.memory_space<hbm>>
        tpu.wait_dma2 semaphore(%arg23 : memref<!tpu.dma_semaphore, #tpu.memory_space<semaphore_mem>>) src(%dma_wait3A_599 : memref<400xi32, #tpu.memory_space<hbm>>) dst(%arg11 : memref<400xi32, #tpu.memory_space<vmem>>)
        %dma_wait3A_600 = arith.constant 1 : i32
        %dma_wait3A_601 = tpu.memref_slice %arg3[%dma_wait3A_600, %multiple_of3A_594] : memref<2x1600000xi32, #tpu.memory_space<hbm>> -> memref<1x400xi32, #tpu.memory_space<hbm>>
        %dma_wait3A_602 = tpu.memref_squeeze %dma_wait3A_601 : memref<1x400xi32, #tpu.memory_space<hbm>> -> memref<400xi32, #tpu.memory_space<hbm>>
        %dma_wait3A_603 = tpu.memref_slice %arg3[%dma_wait3A_600, %multiple_of3A_594] : memref<2x1600000xi32, #tpu.memory_space<hbm>> -> memref<1x400xi32, #tpu.memory_space<hbm>>
        %dma_wait3A_604 = tpu.memref_squeeze %dma_wait3A_603 : memref<1x400xi32, #tpu.memory_space<hbm>> -> memref<400xi32, #tpu.memory_space<hbm>>
        tpu.wait_dma2 semaphore(%arg23 : memref<!tpu.dma_semaphore, #tpu.memory_space<semaphore_mem>>) src(%dma_wait3A_604 : memref<400xi32, #tpu.memory_space<hbm>>) dst(%arg15 : memref<400xi32, #tpu.memory_space<vmem>>)
        %dma_start3A_605 = arith.constant 0 : i32
        %dma_start3A_606 = arith.constant 0 : i32
        %dma_start3A_607 = tpu.memref_slice %arg7[%arg0, %dma_start3A_605, %dma_start3A_606] : memref<2x100000x16xf32, #tpu.memory_space<hbm>> -> memref<1x100000x16xf32, #tpu.memory_space<hbm>>
        %dma_start3A_608 = tpu.memref_squeeze %dma_start3A_607 : memref<1x100000x16xf32, #tpu.memory_space<hbm>> -> memref<100000x16xf32, #tpu.memory_space<hbm>>
        %dma_start3A_609 = arith.constant 0 : i32
        %dma_start3A_610 = arith.constant 0 : i32
        %dma_start3A_611 = tpu.memref_slice %dma_start3A_608[%dma_start3A_609, %dma_start3A_610] : memref<100000x16xf32, #tpu.memory_space<hbm>> -> memref<100000x16xf32, #tpu.memory_space<hbm>>
        tpu.enqueue_indirect_dma source(%dma_start3A_611 : memref<100000x16xf32, #tpu.memory_space<hbm>>) target(%arg17 : memref<400x16xf32, #tpu.memory_space<vmem>>) offsets(%arg11 : memref<400xi32, #tpu.memory_space<vmem>>) semaphore(%arg25 : memref<!tpu.dma_semaphore, #tpu.memory_space<semaphore_mem>>)
      } else {
      }
      %dma_wait3A_512 = arith.constant 0 : i32
      %dma_wait3A_513 = arith.constant 0 : i32
      %dma_wait3A_514 = tpu.memref_slice %arg7[%arg0, %dma_wait3A_512, %dma_wait3A_513] : memref<2x100000x16xf32, #tpu.memory_space<hbm>> -> memref<1x100000x16xf32, #tpu.memory_space<hbm>>
      %dma_wait3A_515 = tpu.memref_squeeze %dma_wait3A_514 : memref<1x100000x16xf32, #tpu.memory_space<hbm>> -> memref<100000x16xf32, #tpu.memory_space<hbm>>
      %dma_wait3A_516 = arith.constant 0 : i32
      %dma_wait3A_517 = arith.constant 0 : i32
      %dma_wait3A_518 = tpu.memref_slice %dma_wait3A_515[%dma_wait3A_516, %dma_wait3A_517] : memref<100000x16xf32, #tpu.memory_space<hbm>> -> memref<100000x16xf32, #tpu.memory_space<hbm>>
      tpu.wait_indirect_dma semaphore(%arg26 : memref<!tpu.dma_semaphore, #tpu.memory_space<semaphore_mem>>) src(%dma_wait3A_518 : memref<100000x16xf32, #tpu.memory_space<hbm>>) dst(%arg18 : memref<400x16xf32, #tpu.memory_space<vmem>>)
      %dma_start3A_519 = arith.constant 0 : i32
      %dma_start3A_520 = arith.constant 0 : i32
      %dma_start3A_521 = tpu.memref_slice %arg8[%dma_start3A_519, %dma_start3A_520] : memref<100000x16xf32, #tpu.memory_space<vmem_shared>> -> memref<100000x16xf32, #tpu.memory_space<vmem_shared>>
      tpu.enqueue_indirect_dma source(%arg18 : memref<400x16xf32, #tpu.memory_space<vmem>>) target(%dma_start3A_521 : memref<100000x16xf32, #tpu.memory_space<vmem_shared>>) offsets(%arg14 : memref<400xi32, #tpu.memory_space<vmem>>) semaphore(%arg28 : memref<!tpu.dma_semaphore, #tpu.memory_space<semaphore_mem>>) {add = true}
      %mul3A_522 = arith.constant 4 : i32
      %mul3A_523 = arith.muli %scan3A_458, %mul3A_522 : i32
      %add3A_524 = arith.constant 2 : i32
      %add3A_525 = arith.addi %mul3A_523, %add3A_524 : i32
      %ge3A_526 = arith.constant 1 : i32
      %ge3A_527 = arith.cmpi sge, %add3A_525, %ge3A_526 : i32
      %convert_element_type3A_528 = arith.extui %ge3A_527 : i1 to i32
      %cond3A_529 = arith.constant 0 : i32
      %cond3A_530 = arith.cmpi ne, %convert_element_type3A_528, %cond3A_529 : i32
      scf.if %cond3A_530 {
        %dma_wait3A_589 = arith.constant 0 : i32
        %dma_wait3A_590 = arith.constant 0 : i32
        %dma_wait3A_591 = tpu.memref_slice %arg8[%dma_wait3A_589, %dma_wait3A_590] : memref<100000x16xf32, #tpu.memory_space<vmem_shared>> -> memref<100000x16xf32, #tpu.memory_space<vmem_shared>>
        tpu.wait_indirect_dma semaphore(%arg28 : memref<!tpu.dma_semaphore, #tpu.memory_space<semaphore_mem>>) src(%arg18 : memref<400x16xf32, #tpu.memory_space<vmem>>) dst(%dma_wait3A_591 : memref<100000x16xf32, #tpu.memory_space<vmem_shared>>)
      } else {
      }
      %add3A_531 = arith.constant 2 : i32
      %add3A_532 = arith.addi %add3A_525, %add3A_531 : i32
      %lt3A_533 = arith.constant 250 : i32
      %lt3A_534 = arith.cmpi slt, %add3A_532, %lt3A_533 : i32
      %convert_element_type3A_535 = arith.extui %lt3A_534 : i1 to i32
      %cond3A_536 = arith.constant 0 : i32
      %cond3A_537 = arith.cmpi ne, %convert_element_type3A_535, %cond3A_536 : i32
      scf.if %cond3A_537 {
        %add3A_589 = arith.constant 2 : i32
        %add3A_590 = arith.addi %add3A_525, %add3A_589 : i32
        %mul3A_591 = arith.constant 400 : i32
        %mul3A_592 = arith.muli %add3A_590, %mul3A_591 : i32
        %add3A_593 = arith.addi %mul3A_122, %mul3A_592 : i32
        %multiple_of3A_594 = tpu.assume_multiple %add3A_593, 8 : i32
        %dma_start3A_595 = arith.constant 0 : i32
        %dma_start3A_596 = tpu.memref_slice %arg3[%dma_start3A_595, %multiple_of3A_594] : memref<2x1600000xi32, #tpu.memory_space<hbm>> -> memref<1x400xi32, #tpu.memory_space<hbm>>
        %dma_start3A_597 = tpu.memref_squeeze %dma_start3A_596 : memref<1x400xi32, #tpu.memory_space<hbm>> -> memref<400xi32, #tpu.memory_space<hbm>>
        %dma_start3A_598 = tpu.memref_slice %arg3[%dma_start3A_595, %multiple_of3A_594] : memref<2x1600000xi32, #tpu.memory_space<hbm>> -> memref<1x400xi32, #tpu.memory_space<hbm>>
        %dma_start3A_599 = tpu.memref_squeeze %dma_start3A_598 : memref<1x400xi32, #tpu.memory_space<hbm>> -> memref<400xi32, #tpu.memory_space<hbm>>
        tpu.enqueue_dma source(%dma_start3A_599 : memref<400xi32, #tpu.memory_space<hbm>>) target(%arg9 : memref<400xi32, #tpu.memory_space<vmem>>) target_semaphore(%arg21 : memref<!tpu.dma_semaphore, #tpu.memory_space<semaphore_mem>>)
        %dma_start3A_600 = arith.constant 1 : i32
        %dma_start3A_601 = tpu.memref_slice %arg3[%dma_start3A_600, %multiple_of3A_594] : memref<2x1600000xi32, #tpu.memory_space<hbm>> -> memref<1x400xi32, #tpu.memory_space<hbm>>
        %dma_start3A_602 = tpu.memref_squeeze %dma_start3A_601 : memref<1x400xi32, #tpu.memory_space<hbm>> -> memref<400xi32, #tpu.memory_space<hbm>>
        %dma_start3A_603 = tpu.memref_slice %arg3[%dma_start3A_600, %multiple_of3A_594] : memref<2x1600000xi32, #tpu.memory_space<hbm>> -> memref<1x400xi32, #tpu.memory_space<hbm>>
        %dma_start3A_604 = tpu.memref_squeeze %dma_start3A_603 : memref<1x400xi32, #tpu.memory_space<hbm>> -> memref<400xi32, #tpu.memory_space<hbm>>
        tpu.enqueue_dma source(%dma_start3A_604 : memref<400xi32, #tpu.memory_space<hbm>>) target(%arg13 : memref<400xi32, #tpu.memory_space<vmem>>) target_semaphore(%arg21 : memref<!tpu.dma_semaphore, #tpu.memory_space<semaphore_mem>>)
      } else {
      }
      %add3A_538 = arith.constant 3 : i32
      %add3A_539 = arith.addi %add3A_525, %add3A_538 : i32
      %lt3A_540 = arith.constant 250 : i32
      %lt3A_541 = arith.cmpi slt, %add3A_539, %lt3A_540 : i32
      %convert_element_type3A_542 = arith.extui %lt3A_541 : i1 to i32
      %cond3A_543 = arith.constant 0 : i32
      %cond3A_544 = arith.cmpi ne, %convert_element_type3A_542, %cond3A_543 : i32
      scf.if %cond3A_544 {
        %add3A_589 = arith.constant 3 : i32
        %add3A_590 = arith.addi %add3A_525, %add3A_589 : i32
        %mul3A_591 = arith.constant 400 : i32
        %mul3A_592 = arith.muli %add3A_590, %mul3A_591 : i32
        %add3A_593 = arith.addi %mul3A_122, %mul3A_592 : i32
        %multiple_of3A_594 = tpu.assume_multiple %add3A_593, 8 : i32
        %dma_start3A_595 = arith.constant 0 : i32
        %dma_start3A_596 = tpu.memref_slice %arg3[%dma_start3A_595, %multiple_of3A_594] : memref<2x1600000xi32, #tpu.memory_space<hbm>> -> memref<1x400xi32, #tpu.memory_space<hbm>>
        %dma_start3A_597 = tpu.memref_squeeze %dma_start3A_596 : memref<1x400xi32, #tpu.memory_space<hbm>> -> memref<400xi32, #tpu.memory_space<hbm>>
        %dma_start3A_598 = tpu.memref_slice %arg3[%dma_start3A_595, %multiple_of3A_594] : memref<2x1600000xi32, #tpu.memory_space<hbm>> -> memref<1x400xi32, #tpu.memory_space<hbm>>
        %dma_start3A_599 = tpu.memref_squeeze %dma_start3A_598 : memref<1x400xi32, #tpu.memory_space<hbm>> -> memref<400xi32, #tpu.memory_space<hbm>>
        tpu.enqueue_dma source(%dma_start3A_599 : memref<400xi32, #tpu.memory_space<hbm>>) target(%arg10 : memref<400xi32, #tpu.memory_space<vmem>>) target_semaphore(%arg22 : memref<!tpu.dma_semaphore, #tpu.memory_space<semaphore_mem>>)
        %dma_start3A_600 = arith.constant 1 : i32
        %dma_start3A_601 = tpu.memref_slice %arg3[%dma_start3A_600, %multiple_of3A_594] : memref<2x1600000xi32, #tpu.memory_space<hbm>> -> memref<1x400xi32, #tpu.memory_space<hbm>>
        %dma_start3A_602 = tpu.memref_squeeze %dma_start3A_601 : memref<1x400xi32, #tpu.memory_space<hbm>> -> memref<400xi32, #tpu.memory_space<hbm>>
        %dma_start3A_603 = tpu.memref_slice %arg3[%dma_start3A_600, %multiple_of3A_594] : memref<2x1600000xi32, #tpu.memory_space<hbm>> -> memref<1x400xi32, #tpu.memory_space<hbm>>
        %dma_start3A_604 = tpu.memref_squeeze %dma_start3A_603 : memref<1x400xi32, #tpu.memory_space<hbm>> -> memref<400xi32, #tpu.memory_space<hbm>>
        tpu.enqueue_dma source(%dma_start3A_604 : memref<400xi32, #tpu.memory_space<hbm>>) target(%arg14 : memref<400xi32, #tpu.memory_space<vmem>>) target_semaphore(%arg22 : memref<!tpu.dma_semaphore, #tpu.memory_space<semaphore_mem>>)
      } else {
      }
      %add3A_545 = arith.constant 1 : i32
      %add3A_546 = arith.addi %add3A_525, %add3A_545 : i32
      %lt3A_547 = arith.constant 250 : i32
      %lt3A_548 = arith.cmpi slt, %add3A_546, %lt3A_547 : i32
      %convert_element_type3A_549 = arith.extui %lt3A_548 : i1 to i32
      %cond3A_550 = arith.constant 0 : i32
      %cond3A_551 = arith.cmpi ne, %convert_element_type3A_549, %cond3A_550 : i32
      scf.if %cond3A_551 {
        %add3A_589 = arith.constant 1 : i32
        %add3A_590 = arith.addi %add3A_525, %add3A_589 : i32
        %mul3A_591 = arith.constant 400 : i32
        %mul3A_592 = arith.muli %add3A_590, %mul3A_591 : i32
        %add3A_593 = arith.addi %mul3A_122, %mul3A_592 : i32
        %multiple_of3A_594 = tpu.assume_multiple %add3A_593, 8 : i32
        %dma_wait3A_595 = arith.constant 0 : i32
        %dma_wait3A_596 = tpu.memref_slice %arg3[%dma_wait3A_595, %multiple_of3A_594] : memref<2x1600000xi32, #tpu.memory_space<hbm>> -> memref<1x400xi32, #tpu.memory_space<hbm>>
        %dma_wait3A_597 = tpu.memref_squeeze %dma_wait3A_596 : memref<1x400xi32, #tpu.memory_space<hbm>> -> memref<400xi32, #tpu.memory_space<hbm>>
        %dma_wait3A_598 = tpu.memref_slice %arg3[%dma_wait3A_595, %multiple_of3A_594] : memref<2x1600000xi32, #tpu.memory_space<hbm>> -> memref<1x400xi32, #tpu.memory_space<hbm>>
        %dma_wait3A_599 = tpu.memref_squeeze %dma_wait3A_598 : memref<1x400xi32, #tpu.memory_space<hbm>> -> memref<400xi32, #tpu.memory_space<hbm>>
        tpu.wait_dma2 semaphore(%arg24 : memref<!tpu.dma_semaphore, #tpu.memory_space<semaphore_mem>>) src(%dma_wait3A_599 : memref<400xi32, #tpu.memory_space<hbm>>) dst(%arg12 : memref<400xi32, #tpu.memory_space<vmem>>)
        %dma_wait3A_600 = arith.constant 1 : i32
        %dma_wait3A_601 = tpu.memref_slice %arg3[%dma_wait3A_600, %multiple_of3A_594] : memref<2x1600000xi32, #tpu.memory_space<hbm>> -> memref<1x400xi32, #tpu.memory_space<hbm>>
        %dma_wait3A_602 = tpu.memref_squeeze %dma_wait3A_601 : memref<1x400xi32, #tpu.memory_space<hbm>> -> memref<400xi32, #tpu.memory_space<hbm>>
        %dma_wait3A_603 = tpu.memref_slice %arg3[%dma_wait3A_600, %multiple_of3A_594] : memref<2x1600000xi32, #tpu.memory_space<hbm>> -> memref<1x400xi32, #tpu.memory_space<hbm>>
        %dma_wait3A_604 = tpu.memref_squeeze %dma_wait3A_603 : memref<1x400xi32, #tpu.memory_space<hbm>> -> memref<400xi32, #tpu.memory_space<hbm>>
        tpu.wait_dma2 semaphore(%arg24 : memref<!tpu.dma_semaphore, #tpu.memory_space<semaphore_mem>>) src(%dma_wait3A_604 : memref<400xi32, #tpu.memory_space<hbm>>) dst(%arg16 : memref<400xi32, #tpu.memory_space<vmem>>)
        %dma_start3A_605 = arith.constant 0 : i32
        %dma_start3A_606 = arith.constant 0 : i32
        %dma_start3A_607 = tpu.memref_slice %arg7[%arg0, %dma_start3A_605, %dma_start3A_606] : memref<2x100000x16xf32, #tpu.memory_space<hbm>> -> memref<1x100000x16xf32, #tpu.memory_space<hbm>>
        %dma_start3A_608 = tpu.memref_squeeze %dma_start3A_607 : memref<1x100000x16xf32, #tpu.memory_space<hbm>> -> memref<100000x16xf32, #tpu.memory_space<hbm>>
        %dma_start3A_609 = arith.constant 0 : i32
        %dma_start3A_610 = arith.constant 0 : i32
        %dma_start3A_611 = tpu.memref_slice %dma_start3A_608[%dma_start3A_609, %dma_start3A_610] : memref<100000x16xf32, #tpu.memory_space<hbm>> -> memref<100000x16xf32, #tpu.memory_space<hbm>>
        tpu.enqueue_indirect_dma source(%dma_start3A_611 : memref<100000x16xf32, #tpu.memory_space<hbm>>) target(%arg18 : memref<400x16xf32, #tpu.memory_space<vmem>>) offsets(%arg12 : memref<400xi32, #tpu.memory_space<vmem>>) semaphore(%arg26 : memref<!tpu.dma_semaphore, #tpu.memory_space<semaphore_mem>>)
      } else {
      }
      %dma_wait3A_552 = arith.constant 0 : i32
      %dma_wait3A_553 = arith.constant 0 : i32
      %dma_wait3A_554 = tpu.memref_slice %arg7[%arg0, %dma_wait3A_552, %dma_wait3A_553] : memref<2x100000x16xf32, #tpu.memory_space<hbm>> -> memref<1x100000x16xf32, #tpu.memory_space<hbm>>
      %dma_wait3A_555 = tpu.memref_squeeze %dma_wait3A_554 : memref<1x100000x16xf32, #tpu.memory_space<hbm>> -> memref<100000x16xf32, #tpu.memory_space<hbm>>
      %dma_wait3A_556 = arith.constant 0 : i32
      %dma_wait3A_557 = arith.constant 0 : i32
      %dma_wait3A_558 = tpu.memref_slice %dma_wait3A_555[%dma_wait3A_556, %dma_wait3A_557] : memref<100000x16xf32, #tpu.memory_space<hbm>> -> memref<100000x16xf32, #tpu.memory_space<hbm>>
      tpu.wait_indirect_dma semaphore(%arg25 : memref<!tpu.dma_semaphore, #tpu.memory_space<semaphore_mem>>) src(%dma_wait3A_558 : memref<100000x16xf32, #tpu.memory_space<hbm>>) dst(%arg17 : memref<400x16xf32, #tpu.memory_space<vmem>>)
      %dma_start3A_559 = arith.constant 0 : i32
      %dma_start3A_560 = arith.constant 0 : i32
      %dma_start3A_561 = tpu.memref_slice %arg8[%dma_start3A_559, %dma_start3A_560] : memref<100000x16xf32, #tpu.memory_space<vmem_shared>> -> memref<100000x16xf32, #tpu.memory_space<vmem_shared>>
      tpu.enqueue_indirect_dma source(%arg17 : memref<400x16xf32, #tpu.memory_space<vmem>>) target(%dma_start3A_561 : memref<100000x16xf32, #tpu.memory_space<vmem_shared>>) offsets(%arg15 : memref<400xi32, #tpu.memory_space<vmem>>) semaphore(%arg27 : memref<!tpu.dma_semaphore, #tpu.memory_space<semaphore_mem>>) {add = true}
      %mul3A_562 = arith.constant 4 : i32
      %mul3A_563 = arith.muli %scan3A_458, %mul3A_562 : i32
      %add3A_564 = arith.constant 3 : i32
      %add3A_565 = arith.addi %mul3A_563, %add3A_564 : i32
      %ge3A_566 = arith.constant 1 : i32
      %ge3A_567 = arith.cmpi sge, %add3A_565, %ge3A_566 : i32
      %convert_element_type3A_568 = arith.extui %ge3A_567 : i1 to i32
      %cond3A_569 = arith.constant 0 : i32
      %cond3A_570 = arith.cmpi ne, %convert_element_type3A_568, %cond3A_569 : i32
      scf.if %cond3A_570 {
        %dma_wait3A_589 = arith.constant 0 : i32
        %dma_wait3A_590 = arith.constant 0 : i32
        %dma_wait3A_591 = tpu.memref_slice %arg8[%dma_wait3A_589, %dma_wait3A_590] : memref<100000x16xf32, #tpu.memory_space<vmem_shared>> -> memref<100000x16xf32, #tpu.memory_space<vmem_shared>>
        tpu.wait_indirect_dma semaphore(%arg27 : memref<!tpu.dma_semaphore, #tpu.memory_space<semaphore_mem>>) src(%arg17 : memref<400x16xf32, #tpu.memory_space<vmem>>) dst(%dma_wait3A_591 : memref<100000x16xf32, #tpu.memory_space<vmem_shared>>)
      } else {
      }
      %add3A_571 = arith.constant 1 : i32
      %add3A_572 = arith.addi %add3A_565, %add3A_571 : i32
      %lt3A_573 = arith.constant 250 : i32
      %lt3A_574 = arith.cmpi slt, %add3A_572, %lt3A_573 : i32
      %convert_element_type3A_575 = arith.extui %lt3A_574 : i1 to i32
      %cond3A_576 = arith.constant 0 : i32
      %cond3A_577 = arith.cmpi ne, %convert_element_type3A_575, %cond3A_576 : i32
      scf.if %cond3A_577 {
        %add3A_589 = arith.constant 1 : i32
        %add3A_590 = arith.addi %add3A_565, %add3A_589 : i32
        %mul3A_591 = arith.constant 400 : i32
        %mul3A_592 = arith.muli %add3A_590, %mul3A_591 : i32
        %add3A_593 = arith.addi %mul3A_122, %mul3A_592 : i32
        %multiple_of3A_594 = tpu.assume_multiple %add3A_593, 8 : i32
        %dma_wait3A_595 = arith.constant 0 : i32
        %dma_wait3A_596 = tpu.memref_slice %arg3[%dma_wait3A_595, %multiple_of3A_594] : memref<2x1600000xi32, #tpu.memory_space<hbm>> -> memref<1x400xi32, #tpu.memory_space<hbm>>
        %dma_wait3A_597 = tpu.memref_squeeze %dma_wait3A_596 : memref<1x400xi32, #tpu.memory_space<hbm>> -> memref<400xi32, #tpu.memory_space<hbm>>
        %dma_wait3A_598 = tpu.memref_slice %arg3[%dma_wait3A_595, %multiple_of3A_594] : memref<2x1600000xi32, #tpu.memory_space<hbm>> -> memref<1x400xi32, #tpu.memory_space<hbm>>
        %dma_wait3A_599 = tpu.memref_squeeze %dma_wait3A_598 : memref<1x400xi32, #tpu.memory_space<hbm>> -> memref<400xi32, #tpu.memory_space<hbm>>
        tpu.wait_dma2 semaphore(%arg21 : memref<!tpu.dma_semaphore, #tpu.memory_space<semaphore_mem>>) src(%dma_wait3A_599 : memref<400xi32, #tpu.memory_space<hbm>>) dst(%arg9 : memref<400xi32, #tpu.memory_space<vmem>>)
        %dma_wait3A_600 = arith.constant 1 : i32
        %dma_wait3A_601 = tpu.memref_slice %arg3[%dma_wait3A_600, %multiple_of3A_594] : memref<2x1600000xi32, #tpu.memory_space<hbm>> -> memref<1x400xi32, #tpu.memory_space<hbm>>
        %dma_wait3A_602 = tpu.memref_squeeze %dma_wait3A_601 : memref<1x400xi32, #tpu.memory_space<hbm>> -> memref<400xi32, #tpu.memory_space<hbm>>
        %dma_wait3A_603 = tpu.memref_slice %arg3[%dma_wait3A_600, %multiple_of3A_594] : memref<2x1600000xi32, #tpu.memory_space<hbm>> -> memref<1x400xi32, #tpu.memory_space<hbm>>
        %dma_wait3A_604 = tpu.memref_squeeze %dma_wait3A_603 : memref<1x400xi32, #tpu.memory_space<hbm>> -> memref<400xi32, #tpu.memory_space<hbm>>
        tpu.wait_dma2 semaphore(%arg21 : memref<!tpu.dma_semaphore, #tpu.memory_space<semaphore_mem>>) src(%dma_wait3A_604 : memref<400xi32, #tpu.memory_space<hbm>>) dst(%arg13 : memref<400xi32, #tpu.memory_space<vmem>>)
        %dma_start3A_605 = arith.constant 0 : i32
        %dma_start3A_606 = arith.constant 0 : i32
        %dma_start3A_607 = tpu.memref_slice %arg7[%arg0, %dma_start3A_605, %dma_start3A_606] : memref<2x100000x16xf32, #tpu.memory_space<hbm>> -> memref<1x100000x16xf32, #tpu.memory_space<hbm>>
        %dma_start3A_608 = tpu.memref_squeeze %dma_start3A_607 : memref<1x100000x16xf32, #tpu.memory_space<hbm>> -> memref<100000x16xf32, #tpu.memory_space<hbm>>
        %dma_start3A_609 = arith.constant 0 : i32
        %dma_start3A_610 = arith.constant 0 : i32
        %dma_start3A_611 = tpu.memref_slice %dma_start3A_608[%dma_start3A_609, %dma_start3A_610] : memref<100000x16xf32, #tpu.memory_space<hbm>> -> memref<100000x16xf32, #tpu.memory_space<hbm>>
        tpu.enqueue_indirect_dma source(%dma_start3A_611 : memref<100000x16xf32, #tpu.memory_space<hbm>>) target(%arg17 : memref<400x16xf32, #tpu.memory_space<vmem>>) offsets(%arg9 : memref<400xi32, #tpu.memory_space<vmem>>) semaphore(%arg25 : memref<!tpu.dma_semaphore, #tpu.memory_space<semaphore_mem>>)
      } else {
      }
      %dma_wait3A_578 = arith.constant 0 : i32
      %dma_wait3A_579 = arith.constant 0 : i32
      %dma_wait3A_580 = tpu.memref_slice %arg7[%arg0, %dma_wait3A_578, %dma_wait3A_579] : memref<2x100000x16xf32, #tpu.memory_space<hbm>> -> memref<1x100000x16xf32, #tpu.memory_space<hbm>>
      %dma_wait3A_581 = tpu.memref_squeeze %dma_wait3A_580 : memref<1x100000x16xf32, #tpu.memory_space<hbm>> -> memref<100000x16xf32, #tpu.memory_space<hbm>>
      %dma_wait3A_582 = arith.constant 0 : i32
      %dma_wait3A_583 = arith.constant 0 : i32
      %dma_wait3A_584 = tpu.memref_slice %dma_wait3A_581[%dma_wait3A_582, %dma_wait3A_583] : memref<100000x16xf32, #tpu.memory_space<hbm>> -> memref<100000x16xf32, #tpu.memory_space<hbm>>
      tpu.wait_indirect_dma semaphore(%arg26 : memref<!tpu.dma_semaphore, #tpu.memory_space<semaphore_mem>>) src(%dma_wait3A_584 : memref<100000x16xf32, #tpu.memory_space<hbm>>) dst(%arg18 : memref<400x16xf32, #tpu.memory_space<vmem>>)
      %dma_start3A_585 = arith.constant 0 : i32
      %dma_start3A_586 = arith.constant 0 : i32
      %dma_start3A_587 = tpu.memref_slice %arg8[%dma_start3A_585, %dma_start3A_586] : memref<100000x16xf32, #tpu.memory_space<vmem_shared>> -> memref<100000x16xf32, #tpu.memory_space<vmem_shared>>
      tpu.enqueue_indirect_dma source(%arg18 : memref<400x16xf32, #tpu.memory_space<vmem>>) target(%dma_start3A_587 : memref<100000x16xf32, #tpu.memory_space<vmem_shared>>) offsets(%arg16 : memref<400xi32, #tpu.memory_space<vmem>>) semaphore(%arg28 : memref<!tpu.dma_semaphore, #tpu.memory_space<semaphore_mem>>) {add = true}
      %scan3A_588 = arith.constant 0 : i32
      scf.yield %scan3A_588 : i32
    }
    %scan3A_175 = arith.constant 62 : i32
    %dma_wait3A_176 = arith.constant 0 : i32
    %dma_wait3A_177 = arith.constant 0 : i32
    %dma_wait3A_178 = tpu.memref_slice %arg8[%dma_wait3A_176, %dma_wait3A_177] : memref<100000x16xf32, #tpu.memory_space<vmem_shared>> -> memref<100000x16xf32, #tpu.memory_space<vmem_shared>>
    tpu.wait_indirect_dma semaphore(%arg28 : memref<!tpu.dma_semaphore, #tpu.memory_space<semaphore_mem>>) src(%arg18 : memref<400x16xf32, #tpu.memory_space<vmem>>) dst(%dma_wait3A_178 : memref<100000x16xf32, #tpu.memory_space<vmem_shared>>)
    %add3A_179 = arith.constant 99600 : i32
    %add3A_180 = arith.addi %mul3A_122, %add3A_179 : i32
    %multiple_of3A_181 = tpu.assume_multiple %add3A_180, 8 : i32
    %dma_wait3A_182 = arith.constant 0 : i32
    %dma_wait3A_183 = tpu.memref_slice %arg3[%dma_wait3A_182, %multiple_of3A_181] : memref<2x1600000xi32, #tpu.memory_space<hbm>> -> memref<1x400xi32, #tpu.memory_space<hbm>>
    %dma_wait3A_184 = tpu.memref_squeeze %dma_wait3A_183 : memref<1x400xi32, #tpu.memory_space<hbm>> -> memref<400xi32, #tpu.memory_space<hbm>>
    %dma_wait3A_185 = tpu.memref_slice %arg3[%dma_wait3A_182, %multiple_of3A_181] : memref<2x1600000xi32, #tpu.memory_space<hbm>> -> memref<1x400xi32, #tpu.memory_space<hbm>>
    %dma_wait3A_186 = tpu.memref_squeeze %dma_wait3A_185 : memref<1x400xi32, #tpu.memory_space<hbm>> -> memref<400xi32, #tpu.memory_space<hbm>>
    tpu.wait_dma2 semaphore(%arg22 : memref<!tpu.dma_semaphore, #tpu.memory_space<semaphore_mem>>) src(%dma_wait3A_186 : memref<400xi32, #tpu.memory_space<hbm>>) dst(%arg10 : memref<400xi32, #tpu.memory_space<vmem>>)
    %dma_wait3A_187 = arith.constant 1 : i32
    %dma_wait3A_188 = tpu.memref_slice %arg3[%dma_wait3A_187, %multiple_of3A_181] : memref<2x1600000xi32, #tpu.memory_space<hbm>> -> memref<1x400xi32, #tpu.memory_space<hbm>>
    %dma_wait3A_189 = tpu.memref_squeeze %dma_wait3A_188 : memref<1x400xi32, #tpu.memory_space<hbm>> -> memref<400xi32, #tpu.memory_space<hbm>>
    %dma_wait3A_190 = tpu.memref_slice %arg3[%dma_wait3A_187, %multiple_of3A_181] : memref<2x1600000xi32, #tpu.memory_space<hbm>> -> memref<1x400xi32, #tpu.memory_space<hbm>>
    %dma_wait3A_191 = tpu.memref_squeeze %dma_wait3A_190 : memref<1x400xi32, #tpu.memory_space<hbm>> -> memref<400xi32, #tpu.memory_space<hbm>>
    tpu.wait_dma2 semaphore(%arg22 : memref<!tpu.dma_semaphore, #tpu.memory_space<semaphore_mem>>) src(%dma_wait3A_191 : memref<400xi32, #tpu.memory_space<hbm>>) dst(%arg14 : memref<400xi32, #tpu.memory_space<vmem>>)
    %dma_start3A_192 = arith.constant 0 : i32
    %dma_start3A_193 = arith.constant 0 : i32
    %dma_start3A_194 = tpu.memref_slice %arg7[%arg0, %dma_start3A_192, %dma_start3A_193] : memref<2x100000x16xf32, #tpu.memory_space<hbm>> -> memref<1x100000x16xf32, #tpu.memory_space<hbm>>
    %dma_start3A_195 = tpu.memref_squeeze %dma_start3A_194 : memref<1x100000x16xf32, #tpu.memory_space<hbm>> -> memref<100000x16xf32, #tpu.memory_space<hbm>>
    %dma_start3A_196 = arith.constant 0 : i32
    %dma_start3A_197 = arith.constant 0 : i32
    %dma_start3A_198 = tpu.memref_slice %dma_start3A_195[%dma_start3A_196, %dma_start3A_197] : memref<100000x16xf32, #tpu.memory_space<hbm>> -> memref<100000x16xf32, #tpu.memory_space<hbm>>
    tpu.enqueue_indirect_dma source(%dma_start3A_198 : memref<100000x16xf32, #tpu.memory_space<hbm>>) target(%arg18 : memref<400x16xf32, #tpu.memory_space<vmem>>) offsets(%arg10 : memref<400xi32, #tpu.memory_space<vmem>>) semaphore(%arg26 : memref<!tpu.dma_semaphore, #tpu.memory_space<semaphore_mem>>)
    %dma_wait3A_199 = arith.constant 0 : i32
    %dma_wait3A_200 = arith.constant 0 : i32
    %dma_wait3A_201 = tpu.memref_slice %arg7[%arg0, %dma_wait3A_199, %dma_wait3A_200] : memref<2x100000x16xf32, #tpu.memory_space<hbm>> -> memref<1x100000x16xf32, #tpu.memory_space<hbm>>
    %dma_wait3A_202 = tpu.memref_squeeze %dma_wait3A_201 : memref<1x100000x16xf32, #tpu.memory_space<hbm>> -> memref<100000x16xf32, #tpu.memory_space<hbm>>
    %dma_wait3A_203 = arith.constant 0 : i32
    %dma_wait3A_204 = arith.constant 0 : i32
    %dma_wait3A_205 = tpu.memref_slice %dma_wait3A_202[%dma_wait3A_203, %dma_wait3A_204] : memref<100000x16xf32, #tpu.memory_space<hbm>> -> memref<100000x16xf32, #tpu.memory_space<hbm>>
    tpu.wait_indirect_dma semaphore(%arg25 : memref<!tpu.dma_semaphore, #tpu.memory_space<semaphore_mem>>) src(%dma_wait3A_205 : memref<100000x16xf32, #tpu.memory_space<hbm>>) dst(%arg17 : memref<400x16xf32, #tpu.memory_space<vmem>>)
    %dma_start3A_206 = arith.constant 0 : i32
    %dma_start3A_207 = arith.constant 0 : i32
    %dma_start3A_208 = tpu.memref_slice %arg8[%dma_start3A_206, %dma_start3A_207] : memref<100000x16xf32, #tpu.memory_space<vmem_shared>> -> memref<100000x16xf32, #tpu.memory_space<vmem_shared>>
    tpu.enqueue_indirect_dma source(%arg17 : memref<400x16xf32, #tpu.memory_space<vmem>>) target(%dma_start3A_208 : memref<100000x16xf32, #tpu.memory_space<vmem_shared>>) offsets(%arg13 : memref<400xi32, #tpu.memory_space<vmem>>) semaphore(%arg27 : memref<!tpu.dma_semaphore, #tpu.memory_space<semaphore_mem>>) {add = true}
    %dma_wait3A_209 = arith.constant 0 : i32
    %dma_wait3A_210 = arith.constant 0 : i32
    %dma_wait3A_211 = tpu.memref_slice %arg8[%dma_wait3A_209, %dma_wait3A_210] : memref<100000x16xf32, #tpu.memory_space<vmem_shared>> -> memref<100000x16xf32, #tpu.memory_space<vmem_shared>>
    tpu.wait_indirect_dma semaphore(%arg27 : memref<!tpu.dma_semaphore, #tpu.memory_space<semaphore_mem>>) src(%arg17 : memref<400x16xf32, #tpu.memory_space<vmem>>) dst(%dma_wait3A_211 : memref<100000x16xf32, #tpu.memory_space<vmem_shared>>)
    %dma_wait3A_212 = arith.constant 0 : i32
    %dma_wait3A_213 = arith.constant 0 : i32
    %dma_wait3A_214 = tpu.memref_slice %arg7[%arg0, %dma_wait3A_212, %dma_wait3A_213] : memref<2x100000x16xf32, #tpu.memory_space<hbm>> -> memref<1x100000x16xf32, #tpu.memory_space<hbm>>
    %dma_wait3A_215 = tpu.memref_squeeze %dma_wait3A_214 : memref<1x100000x16xf32, #tpu.memory_space<hbm>> -> memref<100000x16xf32, #tpu.memory_space<hbm>>
    %dma_wait3A_216 = arith.constant 0 : i32
    %dma_wait3A_217 = arith.constant 0 : i32
    %dma_wait3A_218 = tpu.memref_slice %dma_wait3A_215[%dma_wait3A_216, %dma_wait3A_217] : memref<100000x16xf32, #tpu.memory_space<hbm>> -> memref<100000x16xf32, #tpu.memory_space<hbm>>
    tpu.wait_indirect_dma semaphore(%arg26 : memref<!tpu.dma_semaphore, #tpu.memory_space<semaphore_mem>>) src(%dma_wait3A_218 : memref<100000x16xf32, #tpu.memory_space<hbm>>) dst(%arg18 : memref<400x16xf32, #tpu.memory_space<vmem>>)
    %dma_start3A_219 = arith.constant 0 : i32
    %dma_start3A_220 = arith.constant 0 : i32
    %dma_start3A_221 = tpu.memref_slice %arg8[%dma_start3A_219, %dma_start3A_220] : memref<100000x16xf32, #tpu.memory_space<vmem_shared>> -> memref<100000x16xf32, #tpu.memory_space<vmem_shared>>
    tpu.enqueue_indirect_dma source(%arg18 : memref<400x16xf32, #tpu.memory_space<vmem>>) target(%dma_start3A_221 : memref<100000x16xf32, #tpu.memory_space<vmem_shared>>) offsets(%arg14 : memref<400xi32, #tpu.memory_space<vmem>>) semaphore(%arg28 : memref<!tpu.dma_semaphore, #tpu.memory_space<semaphore_mem>>) {add = true}
    %dma_wait3A_222 = arith.constant 0 : i32
    %dma_wait3A_223 = arith.constant 0 : i32
    %dma_wait3A_224 = tpu.memref_slice %arg8[%dma_wait3A_222, %dma_wait3A_223] : memref<100000x16xf32, #tpu.memory_space<vmem_shared>> -> memref<100000x16xf32, #tpu.memory_space<vmem_shared>>
    tpu.wait_indirect_dma semaphore(%arg28 : memref<!tpu.dma_semaphore, #tpu.memory_space<semaphore_mem>>) src(%arg18 : memref<400x16xf32, #tpu.memory_space<vmem>>) dst(%dma_wait3A_224 : memref<100000x16xf32, #tpu.memory_space<vmem_shared>>)
    %barrier3A_225 = arith.constant 0 : index
    tpu.barrier barrier_id(%barrier3A_225)
    %scan3A_226 = arith.constant 0 : i32
    %scan3A_227 = arith.constant 0 : i32
    %scan3A_228 = arith.constant 25 : i32
    %scan3A_229 = arith.addi %scan3A_227, %scan3A_228 : i32
    %scan3A_230 = arith.constant 1 : i32
    %scan3A_231 = scf.for %scan3A_458 = %scan3A_227 to %scan3A_229 step %scan3A_230 iter_args(%scan3A_459 = %scan3A_226) -> (i32)  : i32 {
      %mul3A_460 = arith.constant 250 : i32
      %mul3A_461 = arith.muli %scan3A_458, %mul3A_460 : i32
      %add3A_462 = arith.addi %mul3A_0, %mul3A_461 : i32
      %multiple_of3A_463 = tpu.assume_multiple %add3A_462, 8 : i32
      "tpu.region"() ({
        %run_scoped3A = tpu.sem_alloc : memref<!tpu.dma_semaphore, #tpu.memory_space<semaphore_mem>>
        %dma_start3A_465 = arith.constant 0 : i32
        %dma_start3A_466 = tpu.memref_slice %arg8[%multiple_of3A_463, %dma_start3A_465] : memref<100000x16xf32, #tpu.memory_space<vmem_shared>> -> memref<250x16xf32, #tpu.memory_space<vmem_shared>>
        %dma_start3A_467 = arith.constant 0 : i32
        %dma_start3A_468 = tpu.memref_slice %arg8[%multiple_of3A_463, %dma_start3A_467] : memref<100000x16xf32, #tpu.memory_space<vmem_shared>> -> memref<250x16xf32, #tpu.memory_space<vmem_shared>>
        tpu.enqueue_dma source(%dma_start3A_468 : memref<250x16xf32, #tpu.memory_space<vmem_shared>>) target(%arg19 : memref<250x16xf32, #tpu.memory_space<vmem>>) target_semaphore(%run_scoped3A : memref<!tpu.dma_semaphore, #tpu.memory_space<semaphore_mem>>)
        %dma_wait3A_469 = arith.constant 0 : i32
        %dma_wait3A_470 = tpu.memref_slice %arg8[%multiple_of3A_463, %dma_wait3A_469] : memref<100000x16xf32, #tpu.memory_space<vmem_shared>> -> memref<250x16xf32, #tpu.memory_space<vmem_shared>>
        %dma_wait3A_471 = arith.constant 0 : i32
        %dma_wait3A_472 = tpu.memref_slice %arg8[%multiple_of3A_463, %dma_wait3A_471] : memref<100000x16xf32, #tpu.memory_space<vmem_shared>> -> memref<250x16xf32, #tpu.memory_space<vmem_shared>>
        tpu.wait_dma2 semaphore(%run_scoped3A : memref<!tpu.dma_semaphore, #tpu.memory_space<semaphore_mem>>) src(%dma_wait3A_472 : memref<250x16xf32, #tpu.memory_space<vmem_shared>>) dst(%arg19 : memref<250x16xf32, #tpu.memory_space<vmem>>)
        tpu.yield
      }) : () -> ()
      "tpu.region"() ({
        %run_scoped3A = tpu.sem_alloc : memref<!tpu.dma_semaphore, #tpu.memory_space<semaphore_mem>>
        %dma_start3A_465 = arith.constant 0 : i32
        %dma_start3A_466 = tpu.memref_slice %arg5[%multiple_of3A_463, %arg0, %dma_start3A_465] : memref<100000x2x16xf32, #tpu.memory_space<hbm>> -> memref<250x1x16xf32, #tpu.memory_space<hbm>>
        %dma_start3A_467 = tpu.memref_squeeze %dma_start3A_466 : memref<250x1x16xf32, #tpu.memory_space<hbm>> -> memref<250x16xf32, #tpu.memory_space<hbm>>
        %dma_start3A_468 = arith.constant 0 : i32
        %dma_start3A_469 = tpu.memref_slice %arg5[%multiple_of3A_463, %arg0, %dma_start3A_468] : memref<100000x2x16xf32, #tpu.memory_space<hbm>> -> memref<250x1x16xf32, #tpu.memory_space<hbm>>
        %dma_start3A_470 = tpu.memref_squeeze %dma_start3A_469 : memref<250x1x16xf32, #tpu.memory_space<hbm>> -> memref<250x16xf32, #tpu.memory_space<hbm>>
        tpu.enqueue_dma source(%arg19 : memref<250x16xf32, #tpu.memory_space<vmem>>) target(%dma_start3A_470 : memref<250x16xf32, #tpu.memory_space<hbm>>) target_semaphore(%run_scoped3A : memref<!tpu.dma_semaphore, #tpu.memory_space<semaphore_mem>>)
        %dma_wait3A_471 = arith.constant 0 : i32
        %dma_wait3A_472 = tpu.memref_slice %arg5[%multiple_of3A_463, %arg0, %dma_wait3A_471] : memref<100000x2x16xf32, #tpu.memory_space<hbm>> -> memref<250x1x16xf32, #tpu.memory_space<hbm>>
        %dma_wait3A_473 = tpu.memref_squeeze %dma_wait3A_472 : memref<250x1x16xf32, #tpu.memory_space<hbm>> -> memref<250x16xf32, #tpu.memory_space<hbm>>
        %dma_wait3A_474 = arith.constant 0 : i32
        %dma_wait3A_475 = tpu.memref_slice %arg5[%multiple_of3A_463, %arg0, %dma_wait3A_474] : memref<100000x2x16xf32, #tpu.memory_space<hbm>> -> memref<250x1x16xf32, #tpu.memory_space<hbm>>
        %dma_wait3A_476 = tpu.memref_squeeze %dma_wait3A_475 : memref<250x1x16xf32, #tpu.memory_space<hbm>> -> memref<250x16xf32, #tpu.memory_space<hbm>>
        tpu.wait_dma2 semaphore(%run_scoped3A : memref<!tpu.dma_semaphore, #tpu.memory_space<semaphore_mem>>) src(%arg19 : memref<250x16xf32, #tpu.memory_space<vmem>>) dst(%dma_wait3A_476 : memref<250x16xf32, #tpu.memory_space<hbm>>)
        tpu.yield
      }) : () -> ()
      "tpu.region"() ({
        %run_scoped3A = tpu.sem_alloc : memref<!tpu.dma_semaphore, #tpu.memory_space<semaphore_mem>>
        %dma_start3A_465 = arith.constant 0 : i32
        %dma_start3A_466 = tpu.memref_slice %arg8[%multiple_of3A_463, %dma_start3A_465] : memref<100000x16xf32, #tpu.memory_space<vmem_shared>> -> memref<250x16xf32, #tpu.memory_space<vmem_shared>>
        %dma_start3A_467 = arith.constant 0 : i32
        %dma_start3A_468 = tpu.memref_slice %arg8[%multiple_of3A_463, %dma_start3A_467] : memref<100000x16xf32, #tpu.memory_space<vmem_shared>> -> memref<250x16xf32, #tpu.memory_space<vmem_shared>>
        tpu.enqueue_dma source(%arg20 : memref<250x16xf32, #tpu.memory_space<vmem>>) target(%dma_start3A_468 : memref<250x16xf32, #tpu.memory_space<vmem_shared>>) target_semaphore(%run_scoped3A : memref<!tpu.dma_semaphore, #tpu.memory_space<semaphore_mem>>)
        %dma_wait3A_469 = arith.constant 0 : i32
        %dma_wait3A_470 = tpu.memref_slice %arg8[%multiple_of3A_463, %dma_wait3A_469] : memref<100000x16xf32, #tpu.memory_space<vmem_shared>> -> memref<250x16xf32, #tpu.memory_space<vmem_shared>>
        %dma_wait3A_471 = arith.constant 0 : i32
        %dma_wait3A_472 = tpu.memref_slice %arg8[%multiple_of3A_463, %dma_wait3A_471] : memref<100000x16xf32, #tpu.memory_space<vmem_shared>> -> memref<250x16xf32, #tpu.memory_space<vmem_shared>>
        tpu.wait_dma2 semaphore(%run_scoped3A : memref<!tpu.dma_semaphore, #tpu.memory_space<semaphore_mem>>) src(%arg20 : memref<250x16xf32, #tpu.memory_space<vmem>>) dst(%dma_wait3A_472 : memref<250x16xf32, #tpu.memory_space<vmem_shared>>)
        tpu.yield
      }) : () -> ()
      %scan3A_464 = arith.constant 0 : i32
      scf.yield %scan3A_464 : i32
    }
    %scan3A_232 = arith.constant 25 : i32
    %barrier3A_233 = arith.constant 0 : index
    tpu.barrier barrier_id(%barrier3A_233)
    %mul3A_234 = arith.constant 100000 : i32
    %mul3A_235 = arith.muli %arg1, %mul3A_234 : i32
    %add3A_236 = arith.constant 0 : i32
    %add3A_237 = arith.addi %mul3A_235, %add3A_236 : i32
    %multiple_of3A_238 = tpu.assume_multiple %add3A_237, 8 : i32
    %dma_start3A_239 = arith.constant 0 : i32
    %dma_start3A_240 = tpu.memref_slice %arg4[%dma_start3A_239, %multiple_of3A_238] : memref<2x1600000xi32, #tpu.memory_space<hbm>> -> memref<1x400xi32, #tpu.memory_space<hbm>>
    %dma_start3A_241 = tpu.memref_squeeze %dma_start3A_240 : memref<1x400xi32, #tpu.memory_space<hbm>> -> memref<400xi32, #tpu.memory_space<hbm>>
    %dma_start3A_242 = tpu.memref_slice %arg4[%dma_start3A_239, %multiple_of3A_238] : memref<2x1600000xi32, #tpu.memory_space<hbm>> -> memref<1x400xi32, #tpu.memory_space<hbm>>
    %dma_start3A_243 = tpu.memref_squeeze %dma_start3A_242 : memref<1x400xi32, #tpu.memory_space<hbm>> -> memref<400xi32, #tpu.memory_space<hbm>>
    tpu.enqueue_dma source(%dma_start3A_243 : memref<400xi32, #tpu.memory_space<hbm>>) target(%arg9 : memref<400xi32, #tpu.memory_space<vmem>>) target_semaphore(%arg21 : memref<!tpu.dma_semaphore, #tpu.memory_space<semaphore_mem>>)
    %dma_start3A_244 = arith.constant 1 : i32
    %dma_start3A_245 = tpu.memref_slice %arg4[%dma_start3A_244, %multiple_of3A_238] : memref<2x1600000xi32, #tpu.memory_space<hbm>> -> memref<1x400xi32, #tpu.memory_space<hbm>>
    %dma_start3A_246 = tpu.memref_squeeze %dma_start3A_245 : memref<1x400xi32, #tpu.memory_space<hbm>> -> memref<400xi32, #tpu.memory_space<hbm>>
    %dma_start3A_247 = tpu.memref_slice %arg4[%dma_start3A_244, %multiple_of3A_238] : memref<2x1600000xi32, #tpu.memory_space<hbm>> -> memref<1x400xi32, #tpu.memory_space<hbm>>
    %dma_start3A_248 = tpu.memref_squeeze %dma_start3A_247 : memref<1x400xi32, #tpu.memory_space<hbm>> -> memref<400xi32, #tpu.memory_space<hbm>>
    tpu.enqueue_dma source(%dma_start3A_248 : memref<400xi32, #tpu.memory_space<hbm>>) target(%arg13 : memref<400xi32, #tpu.memory_space<vmem>>) target_semaphore(%arg21 : memref<!tpu.dma_semaphore, #tpu.memory_space<semaphore_mem>>)
    %add3A_249 = arith.constant 400 : i32
    %add3A_250 = arith.addi %mul3A_235, %add3A_249 : i32
    %multiple_of3A_251 = tpu.assume_multiple %add3A_250, 8 : i32
    %dma_start3A_252 = arith.constant 0 : i32
    %dma_start3A_253 = tpu.memref_slice %arg4[%dma_start3A_252, %multiple_of3A_251] : memref<2x1600000xi32, #tpu.memory_space<hbm>> -> memref<1x400xi32, #tpu.memory_space<hbm>>
    %dma_start3A_254 = tpu.memref_squeeze %dma_start3A_253 : memref<1x400xi32, #tpu.memory_space<hbm>> -> memref<400xi32, #tpu.memory_space<hbm>>
    %dma_start3A_255 = tpu.memref_slice %arg4[%dma_start3A_252, %multiple_of3A_251] : memref<2x1600000xi32, #tpu.memory_space<hbm>> -> memref<1x400xi32, #tpu.memory_space<hbm>>
    %dma_start3A_256 = tpu.memref_squeeze %dma_start3A_255 : memref<1x400xi32, #tpu.memory_space<hbm>> -> memref<400xi32, #tpu.memory_space<hbm>>
    tpu.enqueue_dma source(%dma_start3A_256 : memref<400xi32, #tpu.memory_space<hbm>>) target(%arg10 : memref<400xi32, #tpu.memory_space<vmem>>) target_semaphore(%arg22 : memref<!tpu.dma_semaphore, #tpu.memory_space<semaphore_mem>>)
    %dma_start3A_257 = arith.constant 1 : i32
    %dma_start3A_258 = tpu.memref_slice %arg4[%dma_start3A_257, %multiple_of3A_251] : memref<2x1600000xi32, #tpu.memory_space<hbm>> -> memref<1x400xi32, #tpu.memory_space<hbm>>
    %dma_start3A_259 = tpu.memref_squeeze %dma_start3A_258 : memref<1x400xi32, #tpu.memory_space<hbm>> -> memref<400xi32, #tpu.memory_space<hbm>>
    %dma_start3A_260 = tpu.memref_slice %arg4[%dma_start3A_257, %multiple_of3A_251] : memref<2x1600000xi32, #tpu.memory_space<hbm>> -> memref<1x400xi32, #tpu.memory_space<hbm>>
    %dma_start3A_261 = tpu.memref_squeeze %dma_start3A_260 : memref<1x400xi32, #tpu.memory_space<hbm>> -> memref<400xi32, #tpu.memory_space<hbm>>
    tpu.enqueue_dma source(%dma_start3A_261 : memref<400xi32, #tpu.memory_space<hbm>>) target(%arg14 : memref<400xi32, #tpu.memory_space<vmem>>) target_semaphore(%arg22 : memref<!tpu.dma_semaphore, #tpu.memory_space<semaphore_mem>>)
    %add3A_262 = arith.constant 0 : i32
    %add3A_263 = arith.addi %mul3A_235, %add3A_262 : i32
    %multiple_of3A_264 = tpu.assume_multiple %add3A_263, 8 : i32
    %dma_wait3A_265 = arith.constant 0 : i32
    %dma_wait3A_266 = tpu.memref_slice %arg4[%dma_wait3A_265, %multiple_of3A_264] : memref<2x1600000xi32, #tpu.memory_space<hbm>> -> memref<1x400xi32, #tpu.memory_space<hbm>>
    %dma_wait3A_267 = tpu.memref_squeeze %dma_wait3A_266 : memref<1x400xi32, #tpu.memory_space<hbm>> -> memref<400xi32, #tpu.memory_space<hbm>>
    %dma_wait3A_268 = tpu.memref_slice %arg4[%dma_wait3A_265, %multiple_of3A_264] : memref<2x1600000xi32, #tpu.memory_space<hbm>> -> memref<1x400xi32, #tpu.memory_space<hbm>>
    %dma_wait3A_269 = tpu.memref_squeeze %dma_wait3A_268 : memref<1x400xi32, #tpu.memory_space<hbm>> -> memref<400xi32, #tpu.memory_space<hbm>>
    tpu.wait_dma2 semaphore(%arg21 : memref<!tpu.dma_semaphore, #tpu.memory_space<semaphore_mem>>) src(%dma_wait3A_269 : memref<400xi32, #tpu.memory_space<hbm>>) dst(%arg9 : memref<400xi32, #tpu.memory_space<vmem>>)
    %dma_wait3A_270 = arith.constant 1 : i32
    %dma_wait3A_271 = tpu.memref_slice %arg4[%dma_wait3A_270, %multiple_of3A_264] : memref<2x1600000xi32, #tpu.memory_space<hbm>> -> memref<1x400xi32, #tpu.memory_space<hbm>>
    %dma_wait3A_272 = tpu.memref_squeeze %dma_wait3A_271 : memref<1x400xi32, #tpu.memory_space<hbm>> -> memref<400xi32, #tpu.memory_space<hbm>>
    %dma_wait3A_273 = tpu.memref_slice %arg4[%dma_wait3A_270, %multiple_of3A_264] : memref<2x1600000xi32, #tpu.memory_space<hbm>> -> memref<1x400xi32, #tpu.memory_space<hbm>>
    %dma_wait3A_274 = tpu.memref_squeeze %dma_wait3A_273 : memref<1x400xi32, #tpu.memory_space<hbm>> -> memref<400xi32, #tpu.memory_space<hbm>>
    tpu.wait_dma2 semaphore(%arg21 : memref<!tpu.dma_semaphore, #tpu.memory_space<semaphore_mem>>) src(%dma_wait3A_274 : memref<400xi32, #tpu.memory_space<hbm>>) dst(%arg13 : memref<400xi32, #tpu.memory_space<vmem>>)
    %scan3A_275 = arith.constant 0 : i32
    %scan3A_276 = arith.constant 0 : i32
    %scan3A_277 = arith.constant 25 : i32
    %scan3A_278 = arith.addi %scan3A_276, %scan3A_277 : i32
    %scan3A_279 = arith.constant 1 : i32
    %scan3A_280 = scf.for %scan3A_458 = %scan3A_276 to %scan3A_278 step %scan3A_279 iter_args(%scan3A_459 = %scan3A_275) -> (i32)  : i32 {
      %mul3A_460 = arith.constant 16 : i32
      %mul3A_461 = arith.muli %scan3A_458, %mul3A_460 : i32
      %get3A = arith.index_cast %mul3A_461 : i32 to index
      %get3A_462 = tpu.vector_load %arg9[%get3A] {strides = array<i32>} : memref<400xi32, #tpu.memory_space<vmem>>, vector<16xi32>,
      %get3A_463 = vector.shape_cast %get3A_462 : vector<16xi32> to vector<16xi32>
      %add3A_464 = arith.addi %get3A_463, %get3A_463 : vector<16xi32>
      %add3A_465 = vector.broadcast %arg0 : i32 to vector<16xi32>
      %add3A_466 = arith.addi %add3A_464, %add3A_465 : vector<16xi32>
      %mul3A_467 = arith.constant 16 : i32
      %mul3A_468 = arith.muli %scan3A_458, %mul3A_467 : i32
      %swap3A = arith.index_cast %mul3A_468 : i32 to index
      %swap3A_469 = tpu.vector_load %arg9[%swap3A] {strides = array<i32>} : memref<400xi32, #tpu.memory_space<vmem>>, vector<16xi32>,
      %swap3A_470 = vector.shape_cast %swap3A_469 : vector<16xi32> to vector<16xi32>
      %swap3A_471 = vector.shape_cast %add3A_466 : vector<16xi32> to vector<16xi32>
      tpu.vector_store %arg9[%swap3A], %swap3A_471 {strides = array<i32>} : memref<400xi32, #tpu.memory_space<vmem>>, vector<16xi32>,
      %scan3A_472 = arith.constant 0 : i32
      scf.yield %scan3A_472 : i32
    }
    %scan3A_281 = arith.constant 25 : i32
    %dma_start3A_282 = arith.constant 0 : i32
    %dma_start3A_283 = arith.constant 0 : i32
    %dma_start3A_284 = tpu.memref_slice %arg2[%dma_start3A_282, %dma_start3A_283] : memref<200000x16xf32, #tpu.memory_space<hbm>> -> memref<200000x16xf32, #tpu.memory_space<hbm>>
    tpu.enqueue_indirect_dma source(%dma_start3A_284 : memref<200000x16xf32, #tpu.memory_space<hbm>>) target(%arg17 : memref<400x16xf32, #tpu.memory_space<vmem>>) offsets(%arg9 : memref<400xi32, #tpu.memory_space<vmem>>) semaphore(%arg25 : memref<!tpu.dma_semaphore, #tpu.memory_space<semaphore_mem>>)
    %scan3A_285 = arith.constant 0 : i32
    %scan3A_286 = arith.constant 0 : i32
    %scan3A_287 = arith.constant 62 : i32
    %scan3A_288 = arith.addi %scan3A_286, %scan3A_287 : i32
    %scan3A_289 = arith.constant 1 : i32
    %scan3A_290 = scf.for %scan3A_458 = %scan3A_286 to %scan3A_288 step %scan3A_289 iter_args(%scan3A_459 = %scan3A_285) -> (i32)  : i32 {
      %mul3A_460 = arith.constant 4 : i32
      %mul3A_461 = arith.muli %scan3A_458, %mul3A_460 : i32
      %add3A_462 = arith.constant 0 : i32
      %add3A_463 = arith.addi %mul3A_461, %add3A_462 : i32
      %ge3A = arith.constant 1 : i32
      %ge3A_464 = arith.cmpi sge, %add3A_463, %ge3A : i32
      %convert_element_type3A = arith.extui %ge3A_464 : i1 to i32
      %cond3A = arith.constant 0 : i32
      %cond3A_465 = arith.cmpi ne, %convert_element_type3A, %cond3A : i32
      scf.if %cond3A_465 {
        %dma_wait3A_573 = arith.constant 0 : i32
        %dma_wait3A_574 = arith.constant 0 : i32
        %dma_wait3A_575 = tpu.memref_slice %arg8[%dma_wait3A_573, %dma_wait3A_574] : memref<100000x16xf32, #tpu.memory_space<vmem_shared>> -> memref<100000x16xf32, #tpu.memory_space<vmem_shared>>
        tpu.wait_indirect_dma semaphore(%arg28 : memref<!tpu.dma_semaphore, #tpu.memory_space<semaphore_mem>>) src(%arg18 : memref<400x16xf32, #tpu.memory_space<vmem>>) dst(%dma_wait3A_575 : memref<100000x16xf32, #tpu.memory_space<vmem_shared>>)
      } else {
      }
      %add3A_466 = arith.constant 2 : i32
      %add3A_467 = arith.addi %add3A_463, %add3A_466 : i32
      %lt3A = arith.constant 250 : i32
      %lt3A_468 = arith.cmpi slt, %add3A_467, %lt3A : i32
      %convert_element_type3A_469 = arith.extui %lt3A_468 : i1 to i32
      %cond3A_470 = arith.constant 0 : i32
      %cond3A_471 = arith.cmpi ne, %convert_element_type3A_469, %cond3A_470 : i32
      scf.if %cond3A_471 {
        %add3A_573 = arith.constant 2 : i32
        %add3A_574 = arith.addi %add3A_463, %add3A_573 : i32
        %mul3A_575 = arith.constant 400 : i32
        %mul3A_576 = arith.muli %add3A_574, %mul3A_575 : i32
        %add3A_577 = arith.addi %mul3A_235, %mul3A_576 : i32
        %multiple_of3A_578 = tpu.assume_multiple %add3A_577, 8 : i32
        %dma_start3A_579 = arith.constant 0 : i32
        %dma_start3A_580 = tpu.memref_slice %arg4[%dma_start3A_579, %multiple_of3A_578] : memref<2x1600000xi32, #tpu.memory_space<hbm>> -> memref<1x400xi32, #tpu.memory_space<hbm>>
        %dma_start3A_581 = tpu.memref_squeeze %dma_start3A_580 : memref<1x400xi32, #tpu.memory_space<hbm>> -> memref<400xi32, #tpu.memory_space<hbm>>
        %dma_start3A_582 = tpu.memref_slice %arg4[%dma_start3A_579, %multiple_of3A_578] : memref<2x1600000xi32, #tpu.memory_space<hbm>> -> memref<1x400xi32, #tpu.memory_space<hbm>>
        %dma_start3A_583 = tpu.memref_squeeze %dma_start3A_582 : memref<1x400xi32, #tpu.memory_space<hbm>> -> memref<400xi32, #tpu.memory_space<hbm>>
        tpu.enqueue_dma source(%dma_start3A_583 : memref<400xi32, #tpu.memory_space<hbm>>) target(%arg11 : memref<400xi32, #tpu.memory_space<vmem>>) target_semaphore(%arg23 : memref<!tpu.dma_semaphore, #tpu.memory_space<semaphore_mem>>)
        %dma_start3A_584 = arith.constant 1 : i32
        %dma_start3A_585 = tpu.memref_slice %arg4[%dma_start3A_584, %multiple_of3A_578] : memref<2x1600000xi32, #tpu.memory_space<hbm>> -> memref<1x400xi32, #tpu.memory_space<hbm>>
        %dma_start3A_586 = tpu.memref_squeeze %dma_start3A_585 : memref<1x400xi32, #tpu.memory_space<hbm>> -> memref<400xi32, #tpu.memory_space<hbm>>
        %dma_start3A_587 = tpu.memref_slice %arg4[%dma_start3A_584, %multiple_of3A_578] : memref<2x1600000xi32, #tpu.memory_space<hbm>> -> memref<1x400xi32, #tpu.memory_space<hbm>>
        %dma_start3A_588 = tpu.memref_squeeze %dma_start3A_587 : memref<1x400xi32, #tpu.memory_space<hbm>> -> memref<400xi32, #tpu.memory_space<hbm>>
        tpu.enqueue_dma source(%dma_start3A_588 : memref<400xi32, #tpu.memory_space<hbm>>) target(%arg15 : memref<400xi32, #tpu.memory_space<vmem>>) target_semaphore(%arg23 : memref<!tpu.dma_semaphore, #tpu.memory_space<semaphore_mem>>)
      } else {
      }
      %add3A_472 = arith.constant 3 : i32
      %add3A_473 = arith.addi %add3A_463, %add3A_472 : i32
      %lt3A_474 = arith.constant 250 : i32
      %lt3A_475 = arith.cmpi slt, %add3A_473, %lt3A_474 : i32
      %convert_element_type3A_476 = arith.extui %lt3A_475 : i1 to i32
      %cond3A_477 = arith.constant 0 : i32
      %cond3A_478 = arith.cmpi ne, %convert_element_type3A_476, %cond3A_477 : i32
      scf.if %cond3A_478 {
        %add3A_573 = arith.constant 3 : i32
        %add3A_574 = arith.addi %add3A_463, %add3A_573 : i32
        %mul3A_575 = arith.constant 400 : i32
        %mul3A_576 = arith.muli %add3A_574, %mul3A_575 : i32
        %add3A_577 = arith.addi %mul3A_235, %mul3A_576 : i32
        %multiple_of3A_578 = tpu.assume_multiple %add3A_577, 8 : i32
        %dma_start3A_579 = arith.constant 0 : i32
        %dma_start3A_580 = tpu.memref_slice %arg4[%dma_start3A_579, %multiple_of3A_578] : memref<2x1600000xi32, #tpu.memory_space<hbm>> -> memref<1x400xi32, #tpu.memory_space<hbm>>
        %dma_start3A_581 = tpu.memref_squeeze %dma_start3A_580 : memref<1x400xi32, #tpu.memory_space<hbm>> -> memref<400xi32, #tpu.memory_space<hbm>>
        %dma_start3A_582 = tpu.memref_slice %arg4[%dma_start3A_579, %multiple_of3A_578] : memref<2x1600000xi32, #tpu.memory_space<hbm>> -> memref<1x400xi32, #tpu.memory_space<hbm>>
        %dma_start3A_583 = tpu.memref_squeeze %dma_start3A_582 : memref<1x400xi32, #tpu.memory_space<hbm>> -> memref<400xi32, #tpu.memory_space<hbm>>
        tpu.enqueue_dma source(%dma_start3A_583 : memref<400xi32, #tpu.memory_space<hbm>>) target(%arg12 : memref<400xi32, #tpu.memory_space<vmem>>) target_semaphore(%arg24 : memref<!tpu.dma_semaphore, #tpu.memory_space<semaphore_mem>>)
        %dma_start3A_584 = arith.constant 1 : i32
        %dma_start3A_585 = tpu.memref_slice %arg4[%dma_start3A_584, %multiple_of3A_578] : memref<2x1600000xi32, #tpu.memory_space<hbm>> -> memref<1x400xi32, #tpu.memory_space<hbm>>
        %dma_start3A_586 = tpu.memref_squeeze %dma_start3A_585 : memref<1x400xi32, #tpu.memory_space<hbm>> -> memref<400xi32, #tpu.memory_space<hbm>>
        %dma_start3A_587 = tpu.memref_slice %arg4[%dma_start3A_584, %multiple_of3A_578] : memref<2x1600000xi32, #tpu.memory_space<hbm>> -> memref<1x400xi32, #tpu.memory_space<hbm>>
        %dma_start3A_588 = tpu.memref_squeeze %dma_start3A_587 : memref<1x400xi32, #tpu.memory_space<hbm>> -> memref<400xi32, #tpu.memory_space<hbm>>
        tpu.enqueue_dma source(%dma_start3A_588 : memref<400xi32, #tpu.memory_space<hbm>>) target(%arg16 : memref<400xi32, #tpu.memory_space<vmem>>) target_semaphore(%arg24 : memref<!tpu.dma_semaphore, #tpu.memory_space<semaphore_mem>>)
      } else {
      }
      %add3A_479 = arith.constant 1 : i32
      %add3A_480 = arith.addi %add3A_463, %add3A_479 : i32
      %lt3A_481 = arith.constant 250 : i32
      %lt3A_482 = arith.cmpi slt, %add3A_480, %lt3A_481 : i32
      %convert_element_type3A_483 = arith.extui %lt3A_482 : i1 to i32
      %cond3A_484 = arith.constant 0 : i32
      %cond3A_485 = arith.cmpi ne, %convert_element_type3A_483, %cond3A_484 : i32
      scf.if %cond3A_485 {
        %add3A_573 = arith.constant 1 : i32
        %add3A_574 = arith.addi %add3A_463, %add3A_573 : i32
        %mul3A_575 = arith.constant 400 : i32
        %mul3A_576 = arith.muli %add3A_574, %mul3A_575 : i32
        %add3A_577 = arith.addi %mul3A_235, %mul3A_576 : i32
        %multiple_of3A_578 = tpu.assume_multiple %add3A_577, 8 : i32
        %dma_wait3A_579 = arith.constant 0 : i32
        %dma_wait3A_580 = tpu.memref_slice %arg4[%dma_wait3A_579, %multiple_of3A_578] : memref<2x1600000xi32, #tpu.memory_space<hbm>> -> memref<1x400xi32, #tpu.memory_space<hbm>>
        %dma_wait3A_581 = tpu.memref_squeeze %dma_wait3A_580 : memref<1x400xi32, #tpu.memory_space<hbm>> -> memref<400xi32, #tpu.memory_space<hbm>>
        %dma_wait3A_582 = tpu.memref_slice %arg4[%dma_wait3A_579, %multiple_of3A_578] : memref<2x1600000xi32, #tpu.memory_space<hbm>> -> memref<1x400xi32, #tpu.memory_space<hbm>>
        %dma_wait3A_583 = tpu.memref_squeeze %dma_wait3A_582 : memref<1x400xi32, #tpu.memory_space<hbm>> -> memref<400xi32, #tpu.memory_space<hbm>>
        tpu.wait_dma2 semaphore(%arg22 : memref<!tpu.dma_semaphore, #tpu.memory_space<semaphore_mem>>) src(%dma_wait3A_583 : memref<400xi32, #tpu.memory_space<hbm>>) dst(%arg10 : memref<400xi32, #tpu.memory_space<vmem>>)
        %dma_wait3A_584 = arith.constant 1 : i32
        %dma_wait3A_585 = tpu.memref_slice %arg4[%dma_wait3A_584, %multiple_of3A_578] : memref<2x1600000xi32, #tpu.memory_space<hbm>> -> memref<1x400xi32, #tpu.memory_space<hbm>>
        %dma_wait3A_586 = tpu.memref_squeeze %dma_wait3A_585 : memref<1x400xi32, #tpu.memory_space<hbm>> -> memref<400xi32, #tpu.memory_space<hbm>>
        %dma_wait3A_587 = tpu.memref_slice %arg4[%dma_wait3A_584, %multiple_of3A_578] : memref<2x1600000xi32, #tpu.memory_space<hbm>> -> memref<1x400xi32, #tpu.memory_space<hbm>>
        %dma_wait3A_588 = tpu.memref_squeeze %dma_wait3A_587 : memref<1x400xi32, #tpu.memory_space<hbm>> -> memref<400xi32, #tpu.memory_space<hbm>>
        tpu.wait_dma2 semaphore(%arg22 : memref<!tpu.dma_semaphore, #tpu.memory_space<semaphore_mem>>) src(%dma_wait3A_588 : memref<400xi32, #tpu.memory_space<hbm>>) dst(%arg14 : memref<400xi32, #tpu.memory_space<vmem>>)
        %scan3A_589 = arith.constant 0 : i32
        %scan3A_590 = arith.constant 0 : i32
        %scan3A_591 = arith.constant 25 : i32
        %scan3A_592 = arith.addi %scan3A_590, %scan3A_591 : i32
        %scan3A_593 = arith.constant 1 : i32
        %scan3A_594 = scf.for %scan3A_599 = %scan3A_590 to %scan3A_592 step %scan3A_593 iter_args(%scan3A_600 = %scan3A_589) -> (i32)  : i32 {
          %mul3A_601 = arith.constant 16 : i32
          %mul3A_602 = arith.muli %scan3A_599, %mul3A_601 : i32
          %get3A = arith.index_cast %mul3A_602 : i32 to index
          %get3A_603 = tpu.vector_load %arg10[%get3A] {strides = array<i32>} : memref<400xi32, #tpu.memory_space<vmem>>, vector<16xi32>,
          %get3A_604 = vector.shape_cast %get3A_603 : vector<16xi32> to vector<16xi32>
          %add3A_605 = arith.addi %get3A_604, %get3A_604 : vector<16xi32>
          %add3A_606 = vector.broadcast %arg0 : i32 to vector<16xi32>
          %add3A_607 = arith.addi %add3A_605, %add3A_606 : vector<16xi32>
          %mul3A_608 = arith.constant 16 : i32
          %mul3A_609 = arith.muli %scan3A_599, %mul3A_608 : i32
          %swap3A = arith.index_cast %mul3A_609 : i32 to index
          %swap3A_610 = tpu.vector_load %arg10[%swap3A] {strides = array<i32>} : memref<400xi32, #tpu.memory_space<vmem>>, vector<16xi32>,
          %swap3A_611 = vector.shape_cast %swap3A_610 : vector<16xi32> to vector<16xi32>
          %swap3A_612 = vector.shape_cast %add3A_607 : vector<16xi32> to vector<16xi32>
          tpu.vector_store %arg10[%swap3A], %swap3A_612 {strides = array<i32>} : memref<400xi32, #tpu.memory_space<vmem>>, vector<16xi32>,
          %scan3A_613 = arith.constant 0 : i32
          scf.yield %scan3A_613 : i32
        }
        %scan3A_595 = arith.constant 25 : i32
        %dma_start3A_596 = arith.constant 0 : i32
        %dma_start3A_597 = arith.constant 0 : i32
        %dma_start3A_598 = tpu.memref_slice %arg2[%dma_start3A_596, %dma_start3A_597] : memref<200000x16xf32, #tpu.memory_space<hbm>> -> memref<200000x16xf32, #tpu.memory_space<hbm>>
        tpu.enqueue_indirect_dma source(%dma_start3A_598 : memref<200000x16xf32, #tpu.memory_space<hbm>>) target(%arg18 : memref<400x16xf32, #tpu.memory_space<vmem>>) offsets(%arg10 : memref<400xi32, #tpu.memory_space<vmem>>) semaphore(%arg26 : memref<!tpu.dma_semaphore, #tpu.memory_space<semaphore_mem>>)
      } else {
      }
      %dma_wait3A_486 = arith.constant 0 : i32
      %dma_wait3A_487 = arith.constant 0 : i32
      %dma_wait3A_488 = tpu.memref_slice %arg2[%dma_wait3A_486, %dma_wait3A_487] : memref<200000x16xf32, #tpu.memory_space<hbm>> -> memref<200000x16xf32, #tpu.memory_space<hbm>>
      tpu.wait_indirect_dma semaphore(%arg25 : memref<!tpu.dma_semaphore, #tpu.memory_space<semaphore_mem>>) src(%dma_wait3A_488 : memref<200000x16xf32, #tpu.memory_space<hbm>>) dst(%arg17 : memref<400x16xf32, #tpu.memory_space<vmem>>)
      %dma_start3A_489 = arith.constant 0 : i32
      %dma_start3A_490 = arith.constant 0 : i32
      %dma_start3A_491 = tpu.memref_slice %arg8[%dma_start3A_489, %dma_start3A_490] : memref<100000x16xf32, #tpu.memory_space<vmem_shared>> -> memref<100000x16xf32, #tpu.memory_space<vmem_shared>>
      tpu.enqueue_indirect_dma source(%arg17 : memref<400x16xf32, #tpu.memory_space<vmem>>) target(%dma_start3A_491 : memref<100000x16xf32, #tpu.memory_space<vmem_shared>>) offsets(%arg13 : memref<400xi32, #tpu.memory_space<vmem>>) semaphore(%arg27 : memref<!tpu.dma_semaphore, #tpu.memory_space<semaphore_mem>>) {add = true}
      %mul3A_492 = arith.constant 4 : i32
      %mul3A_493 = arith.muli %scan3A_458, %mul3A_492 : i32
      %add3A_494 = arith.constant 1 : i32
      %add3A_495 = arith.addi %mul3A_493, %add3A_494 : i32
      %ge3A_496 = arith.constant 1 : i32
      %ge3A_497 = arith.cmpi sge, %add3A_495, %ge3A_496 : i32
      %convert_element_type3A_498 = arith.extui %ge3A_497 : i1 to i32
      %cond3A_499 = arith.constant 0 : i32
      %cond3A_500 = arith.cmpi ne, %convert_element_type3A_498, %cond3A_499 : i32
      scf.if %cond3A_500 {
        %dma_wait3A_573 = arith.constant 0 : i32
        %dma_wait3A_574 = arith.constant 0 : i32
        %dma_wait3A_575 = tpu.memref_slice %arg8[%dma_wait3A_573, %dma_wait3A_574] : memref<100000x16xf32, #tpu.memory_space<vmem_shared>> -> memref<100000x16xf32, #tpu.memory_space<vmem_shared>>
        tpu.wait_indirect_dma semaphore(%arg27 : memref<!tpu.dma_semaphore, #tpu.memory_space<semaphore_mem>>) src(%arg17 : memref<400x16xf32, #tpu.memory_space<vmem>>) dst(%dma_wait3A_575 : memref<100000x16xf32, #tpu.memory_space<vmem_shared>>)
      } else {
      }
      %add3A_501 = arith.constant 1 : i32
      %add3A_502 = arith.addi %add3A_495, %add3A_501 : i32
      %lt3A_503 = arith.constant 250 : i32
      %lt3A_504 = arith.cmpi slt, %add3A_502, %lt3A_503 : i32
      %convert_element_type3A_505 = arith.extui %lt3A_504 : i1 to i32
      %cond3A_506 = arith.constant 0 : i32
      %cond3A_507 = arith.cmpi ne, %convert_element_type3A_505, %cond3A_506 : i32
      scf.if %cond3A_507 {
        %add3A_573 = arith.constant 1 : i32
        %add3A_574 = arith.addi %add3A_495, %add3A_573 : i32
        %mul3A_575 = arith.constant 400 : i32
        %mul3A_576 = arith.muli %add3A_574, %mul3A_575 : i32
        %add3A_577 = arith.addi %mul3A_235, %mul3A_576 : i32
        %multiple_of3A_578 = tpu.assume_multiple %add3A_577, 8 : i32
        %dma_wait3A_579 = arith.constant 0 : i32
        %dma_wait3A_580 = tpu.memref_slice %arg4[%dma_wait3A_579, %multiple_of3A_578] : memref<2x1600000xi32, #tpu.memory_space<hbm>> -> memref<1x400xi32, #tpu.memory_space<hbm>>
        %dma_wait3A_581 = tpu.memref_squeeze %dma_wait3A_580 : memref<1x400xi32, #tpu.memory_space<hbm>> -> memref<400xi32, #tpu.memory_space<hbm>>
        %dma_wait3A_582 = tpu.memref_slice %arg4[%dma_wait3A_579, %multiple_of3A_578] : memref<2x1600000xi32, #tpu.memory_space<hbm>> -> memref<1x400xi32, #tpu.memory_space<hbm>>
        %dma_wait3A_583 = tpu.memref_squeeze %dma_wait3A_582 : memref<1x400xi32, #tpu.memory_space<hbm>> -> memref<400xi32, #tpu.memory_space<hbm>>
        tpu.wait_dma2 semaphore(%arg23 : memref<!tpu.dma_semaphore, #tpu.memory_space<semaphore_mem>>) src(%dma_wait3A_583 : memref<400xi32, #tpu.memory_space<hbm>>) dst(%arg11 : memref<400xi32, #tpu.memory_space<vmem>>)
        %dma_wait3A_584 = arith.constant 1 : i32
        %dma_wait3A_585 = tpu.memref_slice %arg4[%dma_wait3A_584, %multiple_of3A_578] : memref<2x1600000xi32, #tpu.memory_space<hbm>> -> memref<1x400xi32, #tpu.memory_space<hbm>>
        %dma_wait3A_586 = tpu.memref_squeeze %dma_wait3A_585 : memref<1x400xi32, #tpu.memory_space<hbm>> -> memref<400xi32, #tpu.memory_space<hbm>>
        %dma_wait3A_587 = tpu.memref_slice %arg4[%dma_wait3A_584, %multiple_of3A_578] : memref<2x1600000xi32, #tpu.memory_space<hbm>> -> memref<1x400xi32, #tpu.memory_space<hbm>>
        %dma_wait3A_588 = tpu.memref_squeeze %dma_wait3A_587 : memref<1x400xi32, #tpu.memory_space<hbm>> -> memref<400xi32, #tpu.memory_space<hbm>>
        tpu.wait_dma2 semaphore(%arg23 : memref<!tpu.dma_semaphore, #tpu.memory_space<semaphore_mem>>) src(%dma_wait3A_588 : memref<400xi32, #tpu.memory_space<hbm>>) dst(%arg15 : memref<400xi32, #tpu.memory_space<vmem>>)
        %scan3A_589 = arith.constant 0 : i32
        %scan3A_590 = arith.constant 0 : i32
        %scan3A_591 = arith.constant 25 : i32
        %scan3A_592 = arith.addi %scan3A_590, %scan3A_591 : i32
        %scan3A_593 = arith.constant 1 : i32
        %scan3A_594 = scf.for %scan3A_599 = %scan3A_590 to %scan3A_592 step %scan3A_593 iter_args(%scan3A_600 = %scan3A_589) -> (i32)  : i32 {
          %mul3A_601 = arith.constant 16 : i32
          %mul3A_602 = arith.muli %scan3A_599, %mul3A_601 : i32
          %get3A = arith.index_cast %mul3A_602 : i32 to index
          %get3A_603 = tpu.vector_load %arg11[%get3A] {strides = array<i32>} : memref<400xi32, #tpu.memory_space<vmem>>, vector<16xi32>,
          %get3A_604 = vector.shape_cast %get3A_603 : vector<16xi32> to vector<16xi32>
          %add3A_605 = arith.addi %get3A_604, %get3A_604 : vector<16xi32>
          %add3A_606 = vector.broadcast %arg0 : i32 to vector<16xi32>
          %add3A_607 = arith.addi %add3A_605, %add3A_606 : vector<16xi32>
          %mul3A_608 = arith.constant 16 : i32
          %mul3A_609 = arith.muli %scan3A_599, %mul3A_608 : i32
          %swap3A = arith.index_cast %mul3A_609 : i32 to index
          %swap3A_610 = tpu.vector_load %arg11[%swap3A] {strides = array<i32>} : memref<400xi32, #tpu.memory_space<vmem>>, vector<16xi32>,
          %swap3A_611 = vector.shape_cast %swap3A_610 : vector<16xi32> to vector<16xi32>
          %swap3A_612 = vector.shape_cast %add3A_607 : vector<16xi32> to vector<16xi32>
          tpu.vector_store %arg11[%swap3A], %swap3A_612 {strides = array<i32>} : memref<400xi32, #tpu.memory_space<vmem>>, vector<16xi32>,
          %scan3A_613 = arith.constant 0 : i32
          scf.yield %scan3A_613 : i32
        }
        %scan3A_595 = arith.constant 25 : i32
        %dma_start3A_596 = arith.constant 0 : i32
        %dma_start3A_597 = arith.constant 0 : i32
        %dma_start3A_598 = tpu.memref_slice %arg2[%dma_start3A_596, %dma_start3A_597] : memref<200000x16xf32, #tpu.memory_space<hbm>> -> memref<200000x16xf32, #tpu.memory_space<hbm>>
        tpu.enqueue_indirect_dma source(%dma_start3A_598 : memref<200000x16xf32, #tpu.memory_space<hbm>>) target(%arg17 : memref<400x16xf32, #tpu.memory_space<vmem>>) offsets(%arg11 : memref<400xi32, #tpu.memory_space<vmem>>) semaphore(%arg25 : memref<!tpu.dma_semaphore, #tpu.memory_space<semaphore_mem>>)
      } else {
      }
      %dma_wait3A_508 = arith.constant 0 : i32
      %dma_wait3A_509 = arith.constant 0 : i32
      %dma_wait3A_510 = tpu.memref_slice %arg2[%dma_wait3A_508, %dma_wait3A_509] : memref<200000x16xf32, #tpu.memory_space<hbm>> -> memref<200000x16xf32, #tpu.memory_space<hbm>>
      tpu.wait_indirect_dma semaphore(%arg26 : memref<!tpu.dma_semaphore, #tpu.memory_space<semaphore_mem>>) src(%dma_wait3A_510 : memref<200000x16xf32, #tpu.memory_space<hbm>>) dst(%arg18 : memref<400x16xf32, #tpu.memory_space<vmem>>)
      %dma_start3A_511 = arith.constant 0 : i32
      %dma_start3A_512 = arith.constant 0 : i32
      %dma_start3A_513 = tpu.memref_slice %arg8[%dma_start3A_511, %dma_start3A_512] : memref<100000x16xf32, #tpu.memory_space<vmem_shared>> -> memref<100000x16xf32, #tpu.memory_space<vmem_shared>>
      tpu.enqueue_indirect_dma source(%arg18 : memref<400x16xf32, #tpu.memory_space<vmem>>) target(%dma_start3A_513 : memref<100000x16xf32, #tpu.memory_space<vmem_shared>>) offsets(%arg14 : memref<400xi32, #tpu.memory_space<vmem>>) semaphore(%arg28 : memref<!tpu.dma_semaphore, #tpu.memory_space<semaphore_mem>>) {add = true}
      %mul3A_514 = arith.constant 4 : i32
      %mul3A_515 = arith.muli %scan3A_458, %mul3A_514 : i32
      %add3A_516 = arith.constant 2 : i32
      %add3A_517 = arith.addi %mul3A_515, %add3A_516 : i32
      %ge3A_518 = arith.constant 1 : i32
      %ge3A_519 = arith.cmpi sge, %add3A_517, %ge3A_518 : i32
      %convert_element_type3A_520 = arith.extui %ge3A_519 : i1 to i32
      %cond3A_521 = arith.constant 0 : i32
      %cond3A_522 = arith.cmpi ne, %convert_element_type3A_520, %cond3A_521 : i32
      scf.if %cond3A_522 {
        %dma_wait3A_573 = arith.constant 0 : i32
        %dma_wait3A_574 = arith.constant 0 : i32
        %dma_wait3A_575 = tpu.memref_slice %arg8[%dma_wait3A_573, %dma_wait3A_574] : memref<100000x16xf32, #tpu.memory_space<vmem_shared>> -> memref<100000x16xf32, #tpu.memory_space<vmem_shared>>
        tpu.wait_indirect_dma semaphore(%arg28 : memref<!tpu.dma_semaphore, #tpu.memory_space<semaphore_mem>>) src(%arg18 : memref<400x16xf32, #tpu.memory_space<vmem>>) dst(%dma_wait3A_575 : memref<100000x16xf32, #tpu.memory_space<vmem_shared>>)
      } else {
      }
      %add3A_523 = arith.constant 2 : i32
      %add3A_524 = arith.addi %add3A_517, %add3A_523 : i32
      %lt3A_525 = arith.constant 250 : i32
      %lt3A_526 = arith.cmpi slt, %add3A_524, %lt3A_525 : i32
      %convert_element_type3A_527 = arith.extui %lt3A_526 : i1 to i32
      %cond3A_528 = arith.constant 0 : i32
      %cond3A_529 = arith.cmpi ne, %convert_element_type3A_527, %cond3A_528 : i32
      scf.if %cond3A_529 {
        %add3A_573 = arith.constant 2 : i32
        %add3A_574 = arith.addi %add3A_517, %add3A_573 : i32
        %mul3A_575 = arith.constant 400 : i32
        %mul3A_576 = arith.muli %add3A_574, %mul3A_575 : i32
        %add3A_577 = arith.addi %mul3A_235, %mul3A_576 : i32
        %multiple_of3A_578 = tpu.assume_multiple %add3A_577, 8 : i32
        %dma_start3A_579 = arith.constant 0 : i32
        %dma_start3A_580 = tpu.memref_slice %arg4[%dma_start3A_579, %multiple_of3A_578] : memref<2x1600000xi32, #tpu.memory_space<hbm>> -> memref<1x400xi32, #tpu.memory_space<hbm>>
        %dma_start3A_581 = tpu.memref_squeeze %dma_start3A_580 : memref<1x400xi32, #tpu.memory_space<hbm>> -> memref<400xi32, #tpu.memory_space<hbm>>
        %dma_start3A_582 = tpu.memref_slice %arg4[%dma_start3A_579, %multiple_of3A_578] : memref<2x1600000xi32, #tpu.memory_space<hbm>> -> memref<1x400xi32, #tpu.memory_space<hbm>>
        %dma_start3A_583 = tpu.memref_squeeze %dma_start3A_582 : memref<1x400xi32, #tpu.memory_space<hbm>> -> memref<400xi32, #tpu.memory_space<hbm>>
        tpu.enqueue_dma source(%dma_start3A_583 : memref<400xi32, #tpu.memory_space<hbm>>) target(%arg9 : memref<400xi32, #tpu.memory_space<vmem>>) target_semaphore(%arg21 : memref<!tpu.dma_semaphore, #tpu.memory_space<semaphore_mem>>)
        %dma_start3A_584 = arith.constant 1 : i32
        %dma_start3A_585 = tpu.memref_slice %arg4[%dma_start3A_584, %multiple_of3A_578] : memref<2x1600000xi32, #tpu.memory_space<hbm>> -> memref<1x400xi32, #tpu.memory_space<hbm>>
        %dma_start3A_586 = tpu.memref_squeeze %dma_start3A_585 : memref<1x400xi32, #tpu.memory_space<hbm>> -> memref<400xi32, #tpu.memory_space<hbm>>
        %dma_start3A_587 = tpu.memref_slice %arg4[%dma_start3A_584, %multiple_of3A_578] : memref<2x1600000xi32, #tpu.memory_space<hbm>> -> memref<1x400xi32, #tpu.memory_space<hbm>>
        %dma_start3A_588 = tpu.memref_squeeze %dma_start3A_587 : memref<1x400xi32, #tpu.memory_space<hbm>> -> memref<400xi32, #tpu.memory_space<hbm>>
        tpu.enqueue_dma source(%dma_start3A_588 : memref<400xi32, #tpu.memory_space<hbm>>) target(%arg13 : memref<400xi32, #tpu.memory_space<vmem>>) target_semaphore(%arg21 : memref<!tpu.dma_semaphore, #tpu.memory_space<semaphore_mem>>)
      } else {
      }
      %add3A_530 = arith.constant 3 : i32
      %add3A_531 = arith.addi %add3A_517, %add3A_530 : i32
      %lt3A_532 = arith.constant 250 : i32
      %lt3A_533 = arith.cmpi slt, %add3A_531, %lt3A_532 : i32
      %convert_element_type3A_534 = arith.extui %lt3A_533 : i1 to i32
      %cond3A_535 = arith.constant 0 : i32
      %cond3A_536 = arith.cmpi ne, %convert_element_type3A_534, %cond3A_535 : i32
      scf.if %cond3A_536 {
        %add3A_573 = arith.constant 3 : i32
        %add3A_574 = arith.addi %add3A_517, %add3A_573 : i32
        %mul3A_575 = arith.constant 400 : i32
        %mul3A_576 = arith.muli %add3A_574, %mul3A_575 : i32
        %add3A_577 = arith.addi %mul3A_235, %mul3A_576 : i32
        %multiple_of3A_578 = tpu.assume_multiple %add3A_577, 8 : i32
        %dma_start3A_579 = arith.constant 0 : i32
        %dma_start3A_580 = tpu.memref_slice %arg4[%dma_start3A_579, %multiple_of3A_578] : memref<2x1600000xi32, #tpu.memory_space<hbm>> -> memref<1x400xi32, #tpu.memory_space<hbm>>
        %dma_start3A_581 = tpu.memref_squeeze %dma_start3A_580 : memref<1x400xi32, #tpu.memory_space<hbm>> -> memref<400xi32, #tpu.memory_space<hbm>>
        %dma_start3A_582 = tpu.memref_slice %arg4[%dma_start3A_579, %multiple_of3A_578] : memref<2x1600000xi32, #tpu.memory_space<hbm>> -> memref<1x400xi32, #tpu.memory_space<hbm>>
        %dma_start3A_583 = tpu.memref_squeeze %dma_start3A_582 : memref<1x400xi32, #tpu.memory_space<hbm>> -> memref<400xi32, #tpu.memory_space<hbm>>
        tpu.enqueue_dma source(%dma_start3A_583 : memref<400xi32, #tpu.memory_space<hbm>>) target(%arg10 : memref<400xi32, #tpu.memory_space<vmem>>) target_semaphore(%arg22 : memref<!tpu.dma_semaphore, #tpu.memory_space<semaphore_mem>>)
        %dma_start3A_584 = arith.constant 1 : i32
        %dma_start3A_585 = tpu.memref_slice %arg4[%dma_start3A_584, %multiple_of3A_578] : memref<2x1600000xi32, #tpu.memory_space<hbm>> -> memref<1x400xi32, #tpu.memory_space<hbm>>
        %dma_start3A_586 = tpu.memref_squeeze %dma_start3A_585 : memref<1x400xi32, #tpu.memory_space<hbm>> -> memref<400xi32, #tpu.memory_space<hbm>>
        %dma_start3A_587 = tpu.memref_slice %arg4[%dma_start3A_584, %multiple_of3A_578] : memref<2x1600000xi32, #tpu.memory_space<hbm>> -> memref<1x400xi32, #tpu.memory_space<hbm>>
        %dma_start3A_588 = tpu.memref_squeeze %dma_start3A_587 : memref<1x400xi32, #tpu.memory_space<hbm>> -> memref<400xi32, #tpu.memory_space<hbm>>
        tpu.enqueue_dma source(%dma_start3A_588 : memref<400xi32, #tpu.memory_space<hbm>>) target(%arg14 : memref<400xi32, #tpu.memory_space<vmem>>) target_semaphore(%arg22 : memref<!tpu.dma_semaphore, #tpu.memory_space<semaphore_mem>>)
      } else {
      }
      %add3A_537 = arith.constant 1 : i32
      %add3A_538 = arith.addi %add3A_517, %add3A_537 : i32
      %lt3A_539 = arith.constant 250 : i32
      %lt3A_540 = arith.cmpi slt, %add3A_538, %lt3A_539 : i32
      %convert_element_type3A_541 = arith.extui %lt3A_540 : i1 to i32
      %cond3A_542 = arith.constant 0 : i32
      %cond3A_543 = arith.cmpi ne, %convert_element_type3A_541, %cond3A_542 : i32
      scf.if %cond3A_543 {
        %add3A_573 = arith.constant 1 : i32
        %add3A_574 = arith.addi %add3A_517, %add3A_573 : i32
        %mul3A_575 = arith.constant 400 : i32
        %mul3A_576 = arith.muli %add3A_574, %mul3A_575 : i32
        %add3A_577 = arith.addi %mul3A_235, %mul3A_576 : i32
        %multiple_of3A_578 = tpu.assume_multiple %add3A_577, 8 : i32
        %dma_wait3A_579 = arith.constant 0 : i32
        %dma_wait3A_580 = tpu.memref_slice %arg4[%dma_wait3A_579, %multiple_of3A_578] : memref<2x1600000xi32, #tpu.memory_space<hbm>> -> memref<1x400xi32, #tpu.memory_space<hbm>>
        %dma_wait3A_581 = tpu.memref_squeeze %dma_wait3A_580 : memref<1x400xi32, #tpu.memory_space<hbm>> -> memref<400xi32, #tpu.memory_space<hbm>>
        %dma_wait3A_582 = tpu.memref_slice %arg4[%dma_wait3A_579, %multiple_of3A_578] : memref<2x1600000xi32, #tpu.memory_space<hbm>> -> memref<1x400xi32, #tpu.memory_space<hbm>>
        %dma_wait3A_583 = tpu.memref_squeeze %dma_wait3A_582 : memref<1x400xi32, #tpu.memory_space<hbm>> -> memref<400xi32, #tpu.memory_space<hbm>>
        tpu.wait_dma2 semaphore(%arg24 : memref<!tpu.dma_semaphore, #tpu.memory_space<semaphore_mem>>) src(%dma_wait3A_583 : memref<400xi32, #tpu.memory_space<hbm>>) dst(%arg12 : memref<400xi32, #tpu.memory_space<vmem>>)
        %dma_wait3A_584 = arith.constant 1 : i32
        %dma_wait3A_585 = tpu.memref_slice %arg4[%dma_wait3A_584, %multiple_of3A_578] : memref<2x1600000xi32, #tpu.memory_space<hbm>> -> memref<1x400xi32, #tpu.memory_space<hbm>>
        %dma_wait3A_586 = tpu.memref_squeeze %dma_wait3A_585 : memref<1x400xi32, #tpu.memory_space<hbm>> -> memref<400xi32, #tpu.memory_space<hbm>>
        %dma_wait3A_587 = tpu.memref_slice %arg4[%dma_wait3A_584, %multiple_of3A_578] : memref<2x1600000xi32, #tpu.memory_space<hbm>> -> memref<1x400xi32, #tpu.memory_space<hbm>>
        %dma_wait3A_588 = tpu.memref_squeeze %dma_wait3A_587 : memref<1x400xi32, #tpu.memory_space<hbm>> -> memref<400xi32, #tpu.memory_space<hbm>>
        tpu.wait_dma2 semaphore(%arg24 : memref<!tpu.dma_semaphore, #tpu.memory_space<semaphore_mem>>) src(%dma_wait3A_588 : memref<400xi32, #tpu.memory_space<hbm>>) dst(%arg16 : memref<400xi32, #tpu.memory_space<vmem>>)
        %scan3A_589 = arith.constant 0 : i32
        %scan3A_590 = arith.constant 0 : i32
        %scan3A_591 = arith.constant 25 : i32
        %scan3A_592 = arith.addi %scan3A_590, %scan3A_591 : i32
        %scan3A_593 = arith.constant 1 : i32
        %scan3A_594 = scf.for %scan3A_599 = %scan3A_590 to %scan3A_592 step %scan3A_593 iter_args(%scan3A_600 = %scan3A_589) -> (i32)  : i32 {
          %mul3A_601 = arith.constant 16 : i32
          %mul3A_602 = arith.muli %scan3A_599, %mul3A_601 : i32
          %get3A = arith.index_cast %mul3A_602 : i32 to index
          %get3A_603 = tpu.vector_load %arg12[%get3A] {strides = array<i32>} : memref<400xi32, #tpu.memory_space<vmem>>, vector<16xi32>,
          %get3A_604 = vector.shape_cast %get3A_603 : vector<16xi32> to vector<16xi32>
          %add3A_605 = arith.addi %get3A_604, %get3A_604 : vector<16xi32>
          %add3A_606 = vector.broadcast %arg0 : i32 to vector<16xi32>
          %add3A_607 = arith.addi %add3A_605, %add3A_606 : vector<16xi32>
          %mul3A_608 = arith.constant 16 : i32
          %mul3A_609 = arith.muli %scan3A_599, %mul3A_608 : i32
          %swap3A = arith.index_cast %mul3A_609 : i32 to index
          %swap3A_610 = tpu.vector_load %arg12[%swap3A] {strides = array<i32>} : memref<400xi32, #tpu.memory_space<vmem>>, vector<16xi32>,
          %swap3A_611 = vector.shape_cast %swap3A_610 : vector<16xi32> to vector<16xi32>
          %swap3A_612 = vector.shape_cast %add3A_607 : vector<16xi32> to vector<16xi32>
          tpu.vector_store %arg12[%swap3A], %swap3A_612 {strides = array<i32>} : memref<400xi32, #tpu.memory_space<vmem>>, vector<16xi32>,
          %scan3A_613 = arith.constant 0 : i32
          scf.yield %scan3A_613 : i32
        }
        %scan3A_595 = arith.constant 25 : i32
        %dma_start3A_596 = arith.constant 0 : i32
        %dma_start3A_597 = arith.constant 0 : i32
        %dma_start3A_598 = tpu.memref_slice %arg2[%dma_start3A_596, %dma_start3A_597] : memref<200000x16xf32, #tpu.memory_space<hbm>> -> memref<200000x16xf32, #tpu.memory_space<hbm>>
        tpu.enqueue_indirect_dma source(%dma_start3A_598 : memref<200000x16xf32, #tpu.memory_space<hbm>>) target(%arg18 : memref<400x16xf32, #tpu.memory_space<vmem>>) offsets(%arg12 : memref<400xi32, #tpu.memory_space<vmem>>) semaphore(%arg26 : memref<!tpu.dma_semaphore, #tpu.memory_space<semaphore_mem>>)
      } else {
      }
      %dma_wait3A_544 = arith.constant 0 : i32
      %dma_wait3A_545 = arith.constant 0 : i32
      %dma_wait3A_546 = tpu.memref_slice %arg2[%dma_wait3A_544, %dma_wait3A_545] : memref<200000x16xf32, #tpu.memory_space<hbm>> -> memref<200000x16xf32, #tpu.memory_space<hbm>>
      tpu.wait_indirect_dma semaphore(%arg25 : memref<!tpu.dma_semaphore, #tpu.memory_space<semaphore_mem>>) src(%dma_wait3A_546 : memref<200000x16xf32, #tpu.memory_space<hbm>>) dst(%arg17 : memref<400x16xf32, #tpu.memory_space<vmem>>)
      %dma_start3A_547 = arith.constant 0 : i32
      %dma_start3A_548 = arith.constant 0 : i32
      %dma_start3A_549 = tpu.memref_slice %arg8[%dma_start3A_547, %dma_start3A_548] : memref<100000x16xf32, #tpu.memory_space<vmem_shared>> -> memref<100000x16xf32, #tpu.memory_space<vmem_shared>>
      tpu.enqueue_indirect_dma source(%arg17 : memref<400x16xf32, #tpu.memory_space<vmem>>) target(%dma_start3A_549 : memref<100000x16xf32, #tpu.memory_space<vmem_shared>>) offsets(%arg15 : memref<400xi32, #tpu.memory_space<vmem>>) semaphore(%arg27 : memref<!tpu.dma_semaphore, #tpu.memory_space<semaphore_mem>>) {add = true}
      %mul3A_550 = arith.constant 4 : i32
      %mul3A_551 = arith.muli %scan3A_458, %mul3A_550 : i32
      %add3A_552 = arith.constant 3 : i32
      %add3A_553 = arith.addi %mul3A_551, %add3A_552 : i32
      %ge3A_554 = arith.constant 1 : i32
      %ge3A_555 = arith.cmpi sge, %add3A_553, %ge3A_554 : i32
      %convert_element_type3A_556 = arith.extui %ge3A_555 : i1 to i32
      %cond3A_557 = arith.constant 0 : i32
      %cond3A_558 = arith.cmpi ne, %convert_element_type3A_556, %cond3A_557 : i32
      scf.if %cond3A_558 {
        %dma_wait3A_573 = arith.constant 0 : i32
        %dma_wait3A_574 = arith.constant 0 : i32
        %dma_wait3A_575 = tpu.memref_slice %arg8[%dma_wait3A_573, %dma_wait3A_574] : memref<100000x16xf32, #tpu.memory_space<vmem_shared>> -> memref<100000x16xf32, #tpu.memory_space<vmem_shared>>
        tpu.wait_indirect_dma semaphore(%arg27 : memref<!tpu.dma_semaphore, #tpu.memory_space<semaphore_mem>>) src(%arg17 : memref<400x16xf32, #tpu.memory_space<vmem>>) dst(%dma_wait3A_575 : memref<100000x16xf32, #tpu.memory_space<vmem_shared>>)
      } else {
      }
      %add3A_559 = arith.constant 1 : i32
      %add3A_560 = arith.addi %add3A_553, %add3A_559 : i32
      %lt3A_561 = arith.constant 250 : i32
      %lt3A_562 = arith.cmpi slt, %add3A_560, %lt3A_561 : i32
      %convert_element_type3A_563 = arith.extui %lt3A_562 : i1 to i32
      %cond3A_564 = arith.constant 0 : i32
      %cond3A_565 = arith.cmpi ne, %convert_element_type3A_563, %cond3A_564 : i32
      scf.if %cond3A_565 {
        %add3A_573 = arith.constant 1 : i32
        %add3A_574 = arith.addi %add3A_553, %add3A_573 : i32
        %mul3A_575 = arith.constant 400 : i32
        %mul3A_576 = arith.muli %add3A_574, %mul3A_575 : i32
        %add3A_577 = arith.addi %mul3A_235, %mul3A_576 : i32
        %multiple_of3A_578 = tpu.assume_multiple %add3A_577, 8 : i32
        %dma_wait3A_579 = arith.constant 0 : i32
        %dma_wait3A_580 = tpu.memref_slice %arg4[%dma_wait3A_579, %multiple_of3A_578] : memref<2x1600000xi32, #tpu.memory_space<hbm>> -> memref<1x400xi32, #tpu.memory_space<hbm>>
        %dma_wait3A_581 = tpu.memref_squeeze %dma_wait3A_580 : memref<1x400xi32, #tpu.memory_space<hbm>> -> memref<400xi32, #tpu.memory_space<hbm>>
        %dma_wait3A_582 = tpu.memref_slice %arg4[%dma_wait3A_579, %multiple_of3A_578] : memref<2x1600000xi32, #tpu.memory_space<hbm>> -> memref<1x400xi32, #tpu.memory_space<hbm>>
        %dma_wait3A_583 = tpu.memref_squeeze %dma_wait3A_582 : memref<1x400xi32, #tpu.memory_space<hbm>> -> memref<400xi32, #tpu.memory_space<hbm>>
        tpu.wait_dma2 semaphore(%arg21 : memref<!tpu.dma_semaphore, #tpu.memory_space<semaphore_mem>>) src(%dma_wait3A_583 : memref<400xi32, #tpu.memory_space<hbm>>) dst(%arg9 : memref<400xi32, #tpu.memory_space<vmem>>)
        %dma_wait3A_584 = arith.constant 1 : i32
        %dma_wait3A_585 = tpu.memref_slice %arg4[%dma_wait3A_584, %multiple_of3A_578] : memref<2x1600000xi32, #tpu.memory_space<hbm>> -> memref<1x400xi32, #tpu.memory_space<hbm>>
        %dma_wait3A_586 = tpu.memref_squeeze %dma_wait3A_585 : memref<1x400xi32, #tpu.memory_space<hbm>> -> memref<400xi32, #tpu.memory_space<hbm>>
        %dma_wait3A_587 = tpu.memref_slice %arg4[%dma_wait3A_584, %multiple_of3A_578] : memref<2x1600000xi32, #tpu.memory_space<hbm>> -> memref<1x400xi32, #tpu.memory_space<hbm>>
        %dma_wait3A_588 = tpu.memref_squeeze %dma_wait3A_587 : memref<1x400xi32, #tpu.memory_space<hbm>> -> memref<400xi32, #tpu.memory_space<hbm>>
        tpu.wait_dma2 semaphore(%arg21 : memref<!tpu.dma_semaphore, #tpu.memory_space<semaphore_mem>>) src(%dma_wait3A_588 : memref<400xi32, #tpu.memory_space<hbm>>) dst(%arg13 : memref<400xi32, #tpu.memory_space<vmem>>)
        %scan3A_589 = arith.constant 0 : i32
        %scan3A_590 = arith.constant 0 : i32
        %scan3A_591 = arith.constant 25 : i32
        %scan3A_592 = arith.addi %scan3A_590, %scan3A_591 : i32
        %scan3A_593 = arith.constant 1 : i32
        %scan3A_594 = scf.for %scan3A_599 = %scan3A_590 to %scan3A_592 step %scan3A_593 iter_args(%scan3A_600 = %scan3A_589) -> (i32)  : i32 {
          %mul3A_601 = arith.constant 16 : i32
          %mul3A_602 = arith.muli %scan3A_599, %mul3A_601 : i32
          %get3A = arith.index_cast %mul3A_602 : i32 to index
          %get3A_603 = tpu.vector_load %arg9[%get3A] {strides = array<i32>} : memref<400xi32, #tpu.memory_space<vmem>>, vector<16xi32>,
          %get3A_604 = vector.shape_cast %get3A_603 : vector<16xi32> to vector<16xi32>
          %add3A_605 = arith.addi %get3A_604, %get3A_604 : vector<16xi32>
          %add3A_606 = vector.broadcast %arg0 : i32 to vector<16xi32>
          %add3A_607 = arith.addi %add3A_605, %add3A_606 : vector<16xi32>
          %mul3A_608 = arith.constant 16 : i32
          %mul3A_609 = arith.muli %scan3A_599, %mul3A_608 : i32
          %swap3A = arith.index_cast %mul3A_609 : i32 to index
          %swap3A_610 = tpu.vector_load %arg9[%swap3A] {strides = array<i32>} : memref<400xi32, #tpu.memory_space<vmem>>, vector<16xi32>,
          %swap3A_611 = vector.shape_cast %swap3A_610 : vector<16xi32> to vector<16xi32>
          %swap3A_612 = vector.shape_cast %add3A_607 : vector<16xi32> to vector<16xi32>
          tpu.vector_store %arg9[%swap3A], %swap3A_612 {strides = array<i32>} : memref<400xi32, #tpu.memory_space<vmem>>, vector<16xi32>,
          %scan3A_613 = arith.constant 0 : i32
          scf.yield %scan3A_613 : i32
        }
        %scan3A_595 = arith.constant 25 : i32
        %dma_start3A_596 = arith.constant 0 : i32
        %dma_start3A_597 = arith.constant 0 : i32
        %dma_start3A_598 = tpu.memref_slice %arg2[%dma_start3A_596, %dma_start3A_597] : memref<200000x16xf32, #tpu.memory_space<hbm>> -> memref<200000x16xf32, #tpu.memory_space<hbm>>
        tpu.enqueue_indirect_dma source(%dma_start3A_598 : memref<200000x16xf32, #tpu.memory_space<hbm>>) target(%arg17 : memref<400x16xf32, #tpu.memory_space<vmem>>) offsets(%arg9 : memref<400xi32, #tpu.memory_space<vmem>>) semaphore(%arg25 : memref<!tpu.dma_semaphore, #tpu.memory_space<semaphore_mem>>)
      } else {
      }
      %dma_wait3A_566 = arith.constant 0 : i32
      %dma_wait3A_567 = arith.constant 0 : i32
      %dma_wait3A_568 = tpu.memref_slice %arg2[%dma_wait3A_566, %dma_wait3A_567] : memref<200000x16xf32, #tpu.memory_space<hbm>> -> memref<200000x16xf32, #tpu.memory_space<hbm>>
      tpu.wait_indirect_dma semaphore(%arg26 : memref<!tpu.dma_semaphore, #tpu.memory_space<semaphore_mem>>) src(%dma_wait3A_568 : memref<200000x16xf32, #tpu.memory_space<hbm>>) dst(%arg18 : memref<400x16xf32, #tpu.memory_space<vmem>>)
      %dma_start3A_569 = arith.constant 0 : i32
      %dma_start3A_570 = arith.constant 0 : i32
      %dma_start3A_571 = tpu.memref_slice %arg8[%dma_start3A_569, %dma_start3A_570] : memref<100000x16xf32, #tpu.memory_space<vmem_shared>> -> memref<100000x16xf32, #tpu.memory_space<vmem_shared>>
      tpu.enqueue_indirect_dma source(%arg18 : memref<400x16xf32, #tpu.memory_space<vmem>>) target(%dma_start3A_571 : memref<100000x16xf32, #tpu.memory_space<vmem_shared>>) offsets(%arg16 : memref<400xi32, #tpu.memory_space<vmem>>) semaphore(%arg28 : memref<!tpu.dma_semaphore, #tpu.memory_space<semaphore_mem>>) {add = true}
      %scan3A_572 = arith.constant 0 : i32
      scf.yield %scan3A_572 : i32
    }
    %scan3A_291 = arith.constant 62 : i32
    %dma_wait3A_292 = arith.constant 0 : i32
    %dma_wait3A_293 = arith.constant 0 : i32
    %dma_wait3A_294 = tpu.memref_slice %arg8[%dma_wait3A_292, %dma_wait3A_293] : memref<100000x16xf32, #tpu.memory_space<vmem_shared>> -> memref<100000x16xf32, #tpu.memory_space<vmem_shared>>
    tpu.wait_indirect_dma semaphore(%arg28 : memref<!tpu.dma_semaphore, #tpu.memory_space<semaphore_mem>>) src(%arg18 : memref<400x16xf32, #tpu.memory_space<vmem>>) dst(%dma_wait3A_294 : memref<100000x16xf32, #tpu.memory_space<vmem_shared>>)
    %add3A_295 = arith.constant 99600 : i32
    %add3A_296 = arith.addi %mul3A_235, %add3A_295 : i32
    %multiple_of3A_297 = tpu.assume_multiple %add3A_296, 8 : i32
    %dma_wait3A_298 = arith.constant 0 : i32
    %dma_wait3A_299 = tpu.memref_slice %arg4[%dma_wait3A_298, %multiple_of3A_297] : memref<2x1600000xi32, #tpu.memory_space<hbm>> -> memref<1x400xi32, #tpu.memory_space<hbm>>
    %dma_wait3A_300 = tpu.memref_squeeze %dma_wait3A_299 : memref<1x400xi32, #tpu.memory_space<hbm>> -> memref<400xi32, #tpu.memory_space<hbm>>
    %dma_wait3A_301 = tpu.memref_slice %arg4[%dma_wait3A_298, %multiple_of3A_297] : memref<2x1600000xi32, #tpu.memory_space<hbm>> -> memref<1x400xi32, #tpu.memory_space<hbm>>
    %dma_wait3A_302 = tpu.memref_squeeze %dma_wait3A_301 : memref<1x400xi32, #tpu.memory_space<hbm>> -> memref<400xi32, #tpu.memory_space<hbm>>
    tpu.wait_dma2 semaphore(%arg22 : memref<!tpu.dma_semaphore, #tpu.memory_space<semaphore_mem>>) src(%dma_wait3A_302 : memref<400xi32, #tpu.memory_space<hbm>>) dst(%arg10 : memref<400xi32, #tpu.memory_space<vmem>>)
    %dma_wait3A_303 = arith.constant 1 : i32
    %dma_wait3A_304 = tpu.memref_slice %arg4[%dma_wait3A_303, %multiple_of3A_297] : memref<2x1600000xi32, #tpu.memory_space<hbm>> -> memref<1x400xi32, #tpu.memory_space<hbm>>
    %dma_wait3A_305 = tpu.memref_squeeze %dma_wait3A_304 : memref<1x400xi32, #tpu.memory_space<hbm>> -> memref<400xi32, #tpu.memory_space<hbm>>
    %dma_wait3A_306 = tpu.memref_slice %arg4[%dma_wait3A_303, %multiple_of3A_297] : memref<2x1600000xi32, #tpu.memory_space<hbm>> -> memref<1x400xi32, #tpu.memory_space<hbm>>
    %dma_wait3A_307 = tpu.memref_squeeze %dma_wait3A_306 : memref<1x400xi32, #tpu.memory_space<hbm>> -> memref<400xi32, #tpu.memory_space<hbm>>
    tpu.wait_dma2 semaphore(%arg22 : memref<!tpu.dma_semaphore, #tpu.memory_space<semaphore_mem>>) src(%dma_wait3A_307 : memref<400xi32, #tpu.memory_space<hbm>>) dst(%arg14 : memref<400xi32, #tpu.memory_space<vmem>>)
    %scan3A_308 = arith.constant 0 : i32
    %scan3A_309 = arith.constant 0 : i32
    %scan3A_310 = arith.constant 25 : i32
    %scan3A_311 = arith.addi %scan3A_309, %scan3A_310 : i32
    %scan3A_312 = arith.constant 1 : i32
    %scan3A_313 = scf.for %scan3A_458 = %scan3A_309 to %scan3A_311 step %scan3A_312 iter_args(%scan3A_459 = %scan3A_308) -> (i32)  : i32 {
      %mul3A_460 = arith.constant 16 : i32
      %mul3A_461 = arith.muli %scan3A_458, %mul3A_460 : i32
      %get3A = arith.index_cast %mul3A_461 : i32 to index
      %get3A_462 = tpu.vector_load %arg10[%get3A] {strides = array<i32>} : memref<400xi32, #tpu.memory_space<vmem>>, vector<16xi32>,
      %get3A_463 = vector.shape_cast %get3A_462 : vector<16xi32> to vector<16xi32>
      %add3A_464 = arith.addi %get3A_463, %get3A_463 : vector<16xi32>
      %add3A_465 = vector.broadcast %arg0 : i32 to vector<16xi32>
      %add3A_466 = arith.addi %add3A_464, %add3A_465 : vector<16xi32>
      %mul3A_467 = arith.constant 16 : i32
      %mul3A_468 = arith.muli %scan3A_458, %mul3A_467 : i32
      %swap3A = arith.index_cast %mul3A_468 : i32 to index
      %swap3A_469 = tpu.vector_load %arg10[%swap3A] {strides = array<i32>} : memref<400xi32, #tpu.memory_space<vmem>>, vector<16xi32>,
      %swap3A_470 = vector.shape_cast %swap3A_469 : vector<16xi32> to vector<16xi32>
      %swap3A_471 = vector.shape_cast %add3A_466 : vector<16xi32> to vector<16xi32>
      tpu.vector_store %arg10[%swap3A], %swap3A_471 {strides = array<i32>} : memref<400xi32, #tpu.memory_space<vmem>>, vector<16xi32>,
      %scan3A_472 = arith.constant 0 : i32
      scf.yield %scan3A_472 : i32
    }
    %scan3A_314 = arith.constant 25 : i32
    %dma_start3A_315 = arith.constant 0 : i32
    %dma_start3A_316 = arith.constant 0 : i32
    %dma_start3A_317 = tpu.memref_slice %arg2[%dma_start3A_315, %dma_start3A_316] : memref<200000x16xf32, #tpu.memory_space<hbm>> -> memref<200000x16xf32, #tpu.memory_space<hbm>>
    tpu.enqueue_indirect_dma source(%dma_start3A_317 : memref<200000x16xf32, #tpu.memory_space<hbm>>) target(%arg18 : memref<400x16xf32, #tpu.memory_space<vmem>>) offsets(%arg10 : memref<400xi32, #tpu.memory_space<vmem>>) semaphore(%arg26 : memref<!tpu.dma_semaphore, #tpu.memory_space<semaphore_mem>>)
    %dma_wait3A_318 = arith.constant 0 : i32
    %dma_wait3A_319 = arith.constant 0 : i32
    %dma_wait3A_320 = tpu.memref_slice %arg2[%dma_wait3A_318, %dma_wait3A_319] : memref<200000x16xf32, #tpu.memory_space<hbm>> -> memref<200000x16xf32, #tpu.memory_space<hbm>>
    tpu.wait_indirect_dma semaphore(%arg25 : memref<!tpu.dma_semaphore, #tpu.memory_space<semaphore_mem>>) src(%dma_wait3A_320 : memref<200000x16xf32, #tpu.memory_space<hbm>>) dst(%arg17 : memref<400x16xf32, #tpu.memory_space<vmem>>)
    %dma_start3A_321 = arith.constant 0 : i32
    %dma_start3A_322 = arith.constant 0 : i32
    %dma_start3A_323 = tpu.memref_slice %arg8[%dma_start3A_321, %dma_start3A_322] : memref<100000x16xf32, #tpu.memory_space<vmem_shared>> -> memref<100000x16xf32, #tpu.memory_space<vmem_shared>>
    tpu.enqueue_indirect_dma source(%arg17 : memref<400x16xf32, #tpu.memory_space<vmem>>) target(%dma_start3A_323 : memref<100000x16xf32, #tpu.memory_space<vmem_shared>>) offsets(%arg13 : memref<400xi32, #tpu.memory_space<vmem>>) semaphore(%arg27 : memref<!tpu.dma_semaphore, #tpu.memory_space<semaphore_mem>>) {add = true}
    %dma_wait3A_324 = arith.constant 0 : i32
    %dma_wait3A_325 = arith.constant 0 : i32
    %dma_wait3A_326 = tpu.memref_slice %arg8[%dma_wait3A_324, %dma_wait3A_325] : memref<100000x16xf32, #tpu.memory_space<vmem_shared>> -> memref<100000x16xf32, #tpu.memory_space<vmem_shared>>
    tpu.wait_indirect_dma semaphore(%arg27 : memref<!tpu.dma_semaphore, #tpu.memory_space<semaphore_mem>>) src(%arg17 : memref<400x16xf32, #tpu.memory_space<vmem>>) dst(%dma_wait3A_326 : memref<100000x16xf32, #tpu.memory_space<vmem_shared>>)
    %dma_wait3A_327 = arith.constant 0 : i32
    %dma_wait3A_328 = arith.constant 0 : i32
    %dma_wait3A_329 = tpu.memref_slice %arg2[%dma_wait3A_327, %dma_wait3A_328] : memref<200000x16xf32, #tpu.memory_space<hbm>> -> memref<200000x16xf32, #tpu.memory_space<hbm>>
    tpu.wait_indirect_dma semaphore(%arg26 : memref<!tpu.dma_semaphore, #tpu.memory_space<semaphore_mem>>) src(%dma_wait3A_329 : memref<200000x16xf32, #tpu.memory_space<hbm>>) dst(%arg18 : memref<400x16xf32, #tpu.memory_space<vmem>>)
    %dma_start3A_330 = arith.constant 0 : i32
    %dma_start3A_331 = arith.constant 0 : i32
    %dma_start3A_332 = tpu.memref_slice %arg8[%dma_start3A_330, %dma_start3A_331] : memref<100000x16xf32, #tpu.memory_space<vmem_shared>> -> memref<100000x16xf32, #tpu.memory_space<vmem_shared>>
    tpu.enqueue_indirect_dma source(%arg18 : memref<400x16xf32, #tpu.memory_space<vmem>>) target(%dma_start3A_332 : memref<100000x16xf32, #tpu.memory_space<vmem_shared>>) offsets(%arg14 : memref<400xi32, #tpu.memory_space<vmem>>) semaphore(%arg28 : memref<!tpu.dma_semaphore, #tpu.memory_space<semaphore_mem>>) {add = true}
    %dma_wait3A_333 = arith.constant 0 : i32
    %dma_wait3A_334 = arith.constant 0 : i32
    %dma_wait3A_335 = tpu.memref_slice %arg8[%dma_wait3A_333, %dma_wait3A_334] : memref<100000x16xf32, #tpu.memory_space<vmem_shared>> -> memref<100000x16xf32, #tpu.memory_space<vmem_shared>>
    tpu.wait_indirect_dma semaphore(%arg28 : memref<!tpu.dma_semaphore, #tpu.memory_space<semaphore_mem>>) src(%arg18 : memref<400x16xf32, #tpu.memory_space<vmem>>) dst(%dma_wait3A_335 : memref<100000x16xf32, #tpu.memory_space<vmem_shared>>)
    %barrier3A_336 = arith.constant 0 : index
    tpu.barrier barrier_id(%barrier3A_336)
    %scan3A_337 = arith.constant 0 : i32
    %scan3A_338 = arith.constant 0 : i32
    %scan3A_339 = arith.constant 25 : i32
    %scan3A_340 = arith.addi %scan3A_338, %scan3A_339 : i32
    %scan3A_341 = arith.constant 1 : i32
    %scan3A_342 = scf.for %scan3A_458 = %scan3A_338 to %scan3A_340 step %scan3A_341 iter_args(%scan3A_459 = %scan3A_337) -> (i32)  : i32 {
      %mul3A_460 = arith.constant 250 : i32
      %mul3A_461 = arith.muli %scan3A_458, %mul3A_460 : i32
      %add3A_462 = arith.addi %mul3A_0, %mul3A_461 : i32
      %multiple_of3A_463 = tpu.assume_multiple %add3A_462, 8 : i32
      "tpu.region"() ({
        %run_scoped3A = tpu.sem_alloc : memref<!tpu.dma_semaphore, #tpu.memory_space<semaphore_mem>>
        %dma_start3A_472 = arith.constant 0 : i32
        %dma_start3A_473 = tpu.memref_slice %arg8[%multiple_of3A_463, %dma_start3A_472] : memref<100000x16xf32, #tpu.memory_space<vmem_shared>> -> memref<250x16xf32, #tpu.memory_space<vmem_shared>>
        %dma_start3A_474 = arith.constant 0 : i32
        %dma_start3A_475 = tpu.memref_slice %arg8[%multiple_of3A_463, %dma_start3A_474] : memref<100000x16xf32, #tpu.memory_space<vmem_shared>> -> memref<250x16xf32, #tpu.memory_space<vmem_shared>>
        tpu.enqueue_dma source(%dma_start3A_475 : memref<250x16xf32, #tpu.memory_space<vmem_shared>>) target(%arg19 : memref<250x16xf32, #tpu.memory_space<vmem>>) target_semaphore(%run_scoped3A : memref<!tpu.dma_semaphore, #tpu.memory_space<semaphore_mem>>)
        %dma_wait3A_476 = arith.constant 0 : i32
        %dma_wait3A_477 = tpu.memref_slice %arg8[%multiple_of3A_463, %dma_wait3A_476] : memref<100000x16xf32, #tpu.memory_space<vmem_shared>> -> memref<250x16xf32, #tpu.memory_space<vmem_shared>>
        %dma_wait3A_478 = arith.constant 0 : i32
        %dma_wait3A_479 = tpu.memref_slice %arg8[%multiple_of3A_463, %dma_wait3A_478] : memref<100000x16xf32, #tpu.memory_space<vmem_shared>> -> memref<250x16xf32, #tpu.memory_space<vmem_shared>>
        tpu.wait_dma2 semaphore(%run_scoped3A : memref<!tpu.dma_semaphore, #tpu.memory_space<semaphore_mem>>) src(%dma_wait3A_479 : memref<250x16xf32, #tpu.memory_space<vmem_shared>>) dst(%arg19 : memref<250x16xf32, #tpu.memory_space<vmem>>)
        tpu.yield
      }) : () -> ()
      %scan3A_464 = arith.constant 0 : i32
      %scan3A_465 = arith.constant 0 : i32
      %scan3A_466 = arith.constant 250 : i32
      %scan3A_467 = arith.addi %scan3A_465, %scan3A_466 : i32
      %scan3A_468 = arith.constant 1 : i32
      %scan3A_469 = scf.for %scan3A_472 = %scan3A_465 to %scan3A_467 step %scan3A_468 iter_args(%scan3A_473 = %scan3A_464) -> (i32)  : i32 {
        %get3A = arith.index_cast %scan3A_472 : i32 to index
        %get3A_474 = arith.constant 0 : index
        %get3A_475 = tpu.vector_load %arg19[%get3A, %get3A_474] {strides = array<i32>} : memref<250x16xf32, #tpu.memory_space<vmem>>, vector<1x16xf32>,
        %get3A_476 = vector.shape_cast %get3A_475 : vector<1x16xf32> to vector<16xf32>
        %max3A = arith.constant 0.000000e+00 : f32
        %max3A_477 = vector.broadcast %max3A : f32 to vector<16xf32>
        %max3A_478 = arith.maximumf %get3A_476, %max3A_477 : vector<16xf32>
        %swap3A = arith.index_cast %scan3A_472 : i32 to index
        %swap3A_479 = arith.constant 0 : index
        %swap3A_480 = tpu.vector_load %arg19[%swap3A, %swap3A_479] {strides = array<i32>} : memref<250x16xf32, #tpu.memory_space<vmem>>, vector<1x16xf32>,
        %swap3A_481 = vector.shape_cast %swap3A_480 : vector<1x16xf32> to vector<16xf32>
        %swap3A_482 = vector.shape_cast %max3A_478 : vector<16xf32> to vector<1x16xf32>
        tpu.vector_store %arg19[%swap3A, %swap3A_479], %swap3A_482 {strides = array<i32>} : memref<250x16xf32, #tpu.memory_space<vmem>>, vector<1x16xf32>,
        %scan3A_483 = arith.constant 0 : i32
        scf.yield %scan3A_483 : i32
      }
      %scan3A_470 = arith.constant 250 : i32
      "tpu.region"() ({
        %run_scoped3A = tpu.sem_alloc : memref<!tpu.dma_semaphore, #tpu.memory_space<semaphore_mem>>
        %dma_start3A_472 = arith.constant 0 : i32
        %dma_start3A_473 = arith.constant 0 : i32
        %dma_start3A_474 = tpu.memref_slice %arg7[%arg0, %dma_start3A_472, %dma_start3A_473] : memref<2x100000x16xf32, #tpu.memory_space<hbm>> -> memref<1x100000x16xf32, #tpu.memory_space<hbm>>
        %dma_start3A_475 = tpu.memref_squeeze %dma_start3A_474 : memref<1x100000x16xf32, #tpu.memory_space<hbm>> -> memref<100000x16xf32, #tpu.memory_space<hbm>>
        %dma_start3A_476 = arith.constant 0 : i32
        %dma_start3A_477 = tpu.memref_slice %dma_start3A_475[%multiple_of3A_463, %dma_start3A_476] : memref<100000x16xf32, #tpu.memory_space<hbm>> -> memref<250x16xf32, #tpu.memory_space<hbm>>
        %dma_start3A_478 = arith.constant 0 : i32
        %dma_start3A_479 = arith.constant 0 : i32
        %dma_start3A_480 = tpu.memref_slice %arg7[%arg0, %dma_start3A_478, %dma_start3A_479] : memref<2x100000x16xf32, #tpu.memory_space<hbm>> -> memref<1x100000x16xf32, #tpu.memory_space<hbm>>
        %dma_start3A_481 = tpu.memref_squeeze %dma_start3A_480 : memref<1x100000x16xf32, #tpu.memory_space<hbm>> -> memref<100000x16xf32, #tpu.memory_space<hbm>>
        %dma_start3A_482 = arith.constant 0 : i32
        %dma_start3A_483 = tpu.memref_slice %dma_start3A_481[%multiple_of3A_463, %dma_start3A_482] : memref<100000x16xf32, #tpu.memory_space<hbm>> -> memref<250x16xf32, #tpu.memory_space<hbm>>
        tpu.enqueue_dma source(%arg19 : memref<250x16xf32, #tpu.memory_space<vmem>>) target(%dma_start3A_483 : memref<250x16xf32, #tpu.memory_space<hbm>>) target_semaphore(%run_scoped3A : memref<!tpu.dma_semaphore, #tpu.memory_space<semaphore_mem>>)
        %dma_wait3A_484 = arith.constant 0 : i32
        %dma_wait3A_485 = arith.constant 0 : i32
        %dma_wait3A_486 = tpu.memref_slice %arg7[%arg0, %dma_wait3A_484, %dma_wait3A_485] : memref<2x100000x16xf32, #tpu.memory_space<hbm>> -> memref<1x100000x16xf32, #tpu.memory_space<hbm>>
        %dma_wait3A_487 = tpu.memref_squeeze %dma_wait3A_486 : memref<1x100000x16xf32, #tpu.memory_space<hbm>> -> memref<100000x16xf32, #tpu.memory_space<hbm>>
        %dma_wait3A_488 = arith.constant 0 : i32
        %dma_wait3A_489 = tpu.memref_slice %dma_wait3A_487[%multiple_of3A_463, %dma_wait3A_488] : memref<100000x16xf32, #tpu.memory_space<hbm>> -> memref<250x16xf32, #tpu.memory_space<hbm>>
        %dma_wait3A_490 = arith.constant 0 : i32
        %dma_wait3A_491 = arith.constant 0 : i32
        %dma_wait3A_492 = tpu.memref_slice %arg7[%arg0, %dma_wait3A_490, %dma_wait3A_491] : memref<2x100000x16xf32, #tpu.memory_space<hbm>> -> memref<1x100000x16xf32, #tpu.memory_space<hbm>>
        %dma_wait3A_493 = tpu.memref_squeeze %dma_wait3A_492 : memref<1x100000x16xf32, #tpu.memory_space<hbm>> -> memref<100000x16xf32, #tpu.memory_space<hbm>>
        %dma_wait3A_494 = arith.constant 0 : i32
        %dma_wait3A_495 = tpu.memref_slice %dma_wait3A_493[%multiple_of3A_463, %dma_wait3A_494] : memref<100000x16xf32, #tpu.memory_space<hbm>> -> memref<250x16xf32, #tpu.memory_space<hbm>>
        tpu.wait_dma2 semaphore(%run_scoped3A : memref<!tpu.dma_semaphore, #tpu.memory_space<semaphore_mem>>) src(%arg19 : memref<250x16xf32, #tpu.memory_space<vmem>>) dst(%dma_wait3A_495 : memref<250x16xf32, #tpu.memory_space<hbm>>)
        tpu.yield
      }) : () -> ()
      "tpu.region"() ({
        %run_scoped3A = tpu.sem_alloc : memref<!tpu.dma_semaphore, #tpu.memory_space<semaphore_mem>>
        %dma_start3A_472 = arith.constant 0 : i32
        %dma_start3A_473 = tpu.memref_slice %arg8[%multiple_of3A_463, %dma_start3A_472] : memref<100000x16xf32, #tpu.memory_space<vmem_shared>> -> memref<250x16xf32, #tpu.memory_space<vmem_shared>>
        %dma_start3A_474 = arith.constant 0 : i32
        %dma_start3A_475 = tpu.memref_slice %arg8[%multiple_of3A_463, %dma_start3A_474] : memref<100000x16xf32, #tpu.memory_space<vmem_shared>> -> memref<250x16xf32, #tpu.memory_space<vmem_shared>>
        tpu.enqueue_dma source(%arg20 : memref<250x16xf32, #tpu.memory_space<vmem>>) target(%dma_start3A_475 : memref<250x16xf32, #tpu.memory_space<vmem_shared>>) target_semaphore(%run_scoped3A : memref<!tpu.dma_semaphore, #tpu.memory_space<semaphore_mem>>)
        %dma_wait3A_476 = arith.constant 0 : i32
        %dma_wait3A_477 = tpu.memref_slice %arg8[%multiple_of3A_463, %dma_wait3A_476] : memref<100000x16xf32, #tpu.memory_space<vmem_shared>> -> memref<250x16xf32, #tpu.memory_space<vmem_shared>>
        %dma_wait3A_478 = arith.constant 0 : i32
        %dma_wait3A_479 = tpu.memref_slice %arg8[%multiple_of3A_463, %dma_wait3A_478] : memref<100000x16xf32, #tpu.memory_space<vmem_shared>> -> memref<250x16xf32, #tpu.memory_space<vmem_shared>>
        tpu.wait_dma2 semaphore(%run_scoped3A : memref<!tpu.dma_semaphore, #tpu.memory_space<semaphore_mem>>) src(%arg20 : memref<250x16xf32, #tpu.memory_space<vmem>>) dst(%dma_wait3A_479 : memref<250x16xf32, #tpu.memory_space<vmem_shared>>)
        tpu.yield
      }) : () -> ()
      %scan3A_471 = arith.constant 0 : i32
      scf.yield %scan3A_471 : i32
    }
    %scan3A_343 = arith.constant 25 : i32
    %barrier3A_344 = arith.constant 0 : index
    tpu.barrier barrier_id(%barrier3A_344)
    %mul3A_345 = arith.constant 100000 : i32
    %mul3A_346 = arith.muli %arg1, %mul3A_345 : i32
    %add3A_347 = arith.constant 0 : i32
    %add3A_348 = arith.addi %mul3A_346, %add3A_347 : i32
    %multiple_of3A_349 = tpu.assume_multiple %add3A_348, 8 : i32
    %dma_start3A_350 = arith.constant 0 : i32
    %dma_start3A_351 = tpu.memref_slice %arg4[%dma_start3A_350, %multiple_of3A_349] : memref<2x1600000xi32, #tpu.memory_space<hbm>> -> memref<1x400xi32, #tpu.memory_space<hbm>>
    %dma_start3A_352 = tpu.memref_squeeze %dma_start3A_351 : memref<1x400xi32, #tpu.memory_space<hbm>> -> memref<400xi32, #tpu.memory_space<hbm>>
    %dma_start3A_353 = tpu.memref_slice %arg4[%dma_start3A_350, %multiple_of3A_349] : memref<2x1600000xi32, #tpu.memory_space<hbm>> -> memref<1x400xi32, #tpu.memory_space<hbm>>
    %dma_start3A_354 = tpu.memref_squeeze %dma_start3A_353 : memref<1x400xi32, #tpu.memory_space<hbm>> -> memref<400xi32, #tpu.memory_space<hbm>>
    tpu.enqueue_dma source(%dma_start3A_354 : memref<400xi32, #tpu.memory_space<hbm>>) target(%arg9 : memref<400xi32, #tpu.memory_space<vmem>>) target_semaphore(%arg21 : memref<!tpu.dma_semaphore, #tpu.memory_space<semaphore_mem>>)
    %dma_start3A_355 = arith.constant 1 : i32
    %dma_start3A_356 = tpu.memref_slice %arg4[%dma_start3A_355, %multiple_of3A_349] : memref<2x1600000xi32, #tpu.memory_space<hbm>> -> memref<1x400xi32, #tpu.memory_space<hbm>>
    %dma_start3A_357 = tpu.memref_squeeze %dma_start3A_356 : memref<1x400xi32, #tpu.memory_space<hbm>> -> memref<400xi32, #tpu.memory_space<hbm>>
    %dma_start3A_358 = tpu.memref_slice %arg4[%dma_start3A_355, %multiple_of3A_349] : memref<2x1600000xi32, #tpu.memory_space<hbm>> -> memref<1x400xi32, #tpu.memory_space<hbm>>
    %dma_start3A_359 = tpu.memref_squeeze %dma_start3A_358 : memref<1x400xi32, #tpu.memory_space<hbm>> -> memref<400xi32, #tpu.memory_space<hbm>>
    tpu.enqueue_dma source(%dma_start3A_359 : memref<400xi32, #tpu.memory_space<hbm>>) target(%arg13 : memref<400xi32, #tpu.memory_space<vmem>>) target_semaphore(%arg21 : memref<!tpu.dma_semaphore, #tpu.memory_space<semaphore_mem>>)
    %add3A_360 = arith.constant 400 : i32
    %add3A_361 = arith.addi %mul3A_346, %add3A_360 : i32
    %multiple_of3A_362 = tpu.assume_multiple %add3A_361, 8 : i32
    %dma_start3A_363 = arith.constant 0 : i32
    %dma_start3A_364 = tpu.memref_slice %arg4[%dma_start3A_363, %multiple_of3A_362] : memref<2x1600000xi32, #tpu.memory_space<hbm>> -> memref<1x400xi32, #tpu.memory_space<hbm>>
    %dma_start3A_365 = tpu.memref_squeeze %dma_start3A_364 : memref<1x400xi32, #tpu.memory_space<hbm>> -> memref<400xi32, #tpu.memory_space<hbm>>
    %dma_start3A_366 = tpu.memref_slice %arg4[%dma_start3A_363, %multiple_of3A_362] : memref<2x1600000xi32, #tpu.memory_space<hbm>> -> memref<1x400xi32, #tpu.memory_space<hbm>>
    %dma_start3A_367 = tpu.memref_squeeze %dma_start3A_366 : memref<1x400xi32, #tpu.memory_space<hbm>> -> memref<400xi32, #tpu.memory_space<hbm>>
    tpu.enqueue_dma source(%dma_start3A_367 : memref<400xi32, #tpu.memory_space<hbm>>) target(%arg10 : memref<400xi32, #tpu.memory_space<vmem>>) target_semaphore(%arg22 : memref<!tpu.dma_semaphore, #tpu.memory_space<semaphore_mem>>)
    %dma_start3A_368 = arith.constant 1 : i32
    %dma_start3A_369 = tpu.memref_slice %arg4[%dma_start3A_368, %multiple_of3A_362] : memref<2x1600000xi32, #tpu.memory_space<hbm>> -> memref<1x400xi32, #tpu.memory_space<hbm>>
    %dma_start3A_370 = tpu.memref_squeeze %dma_start3A_369 : memref<1x400xi32, #tpu.memory_space<hbm>> -> memref<400xi32, #tpu.memory_space<hbm>>
    %dma_start3A_371 = tpu.memref_slice %arg4[%dma_start3A_368, %multiple_of3A_362] : memref<2x1600000xi32, #tpu.memory_space<hbm>> -> memref<1x400xi32, #tpu.memory_space<hbm>>
    %dma_start3A_372 = tpu.memref_squeeze %dma_start3A_371 : memref<1x400xi32, #tpu.memory_space<hbm>> -> memref<400xi32, #tpu.memory_space<hbm>>
    tpu.enqueue_dma source(%dma_start3A_372 : memref<400xi32, #tpu.memory_space<hbm>>) target(%arg14 : memref<400xi32, #tpu.memory_space<vmem>>) target_semaphore(%arg22 : memref<!tpu.dma_semaphore, #tpu.memory_space<semaphore_mem>>)
    %add3A_373 = arith.constant 0 : i32
    %add3A_374 = arith.addi %mul3A_346, %add3A_373 : i32
    %multiple_of3A_375 = tpu.assume_multiple %add3A_374, 8 : i32
    %dma_wait3A_376 = arith.constant 0 : i32
    %dma_wait3A_377 = tpu.memref_slice %arg4[%dma_wait3A_376, %multiple_of3A_375] : memref<2x1600000xi32, #tpu.memory_space<hbm>> -> memref<1x400xi32, #tpu.memory_space<hbm>>
    %dma_wait3A_378 = tpu.memref_squeeze %dma_wait3A_377 : memref<1x400xi32, #tpu.memory_space<hbm>> -> memref<400xi32, #tpu.memory_space<hbm>>
    %dma_wait3A_379 = tpu.memref_slice %arg4[%dma_wait3A_376, %multiple_of3A_375] : memref<2x1600000xi32, #tpu.memory_space<hbm>> -> memref<1x400xi32, #tpu.memory_space<hbm>>
    %dma_wait3A_380 = tpu.memref_squeeze %dma_wait3A_379 : memref<1x400xi32, #tpu.memory_space<hbm>> -> memref<400xi32, #tpu.memory_space<hbm>>
    tpu.wait_dma2 semaphore(%arg21 : memref<!tpu.dma_semaphore, #tpu.memory_space<semaphore_mem>>) src(%dma_wait3A_380 : memref<400xi32, #tpu.memory_space<hbm>>) dst(%arg9 : memref<400xi32, #tpu.memory_space<vmem>>)
    %dma_wait3A_381 = arith.constant 1 : i32
    %dma_wait3A_382 = tpu.memref_slice %arg4[%dma_wait3A_381, %multiple_of3A_375] : memref<2x1600000xi32, #tpu.memory_space<hbm>> -> memref<1x400xi32, #tpu.memory_space<hbm>>
    %dma_wait3A_383 = tpu.memref_squeeze %dma_wait3A_382 : memref<1x400xi32, #tpu.memory_space<hbm>> -> memref<400xi32, #tpu.memory_space<hbm>>
    %dma_wait3A_384 = tpu.memref_slice %arg4[%dma_wait3A_381, %multiple_of3A_375] : memref<2x1600000xi32, #tpu.memory_space<hbm>> -> memref<1x400xi32, #tpu.memory_space<hbm>>
    %dma_wait3A_385 = tpu.memref_squeeze %dma_wait3A_384 : memref<1x400xi32, #tpu.memory_space<hbm>> -> memref<400xi32, #tpu.memory_space<hbm>>
    tpu.wait_dma2 semaphore(%arg21 : memref<!tpu.dma_semaphore, #tpu.memory_space<semaphore_mem>>) src(%dma_wait3A_385 : memref<400xi32, #tpu.memory_space<hbm>>) dst(%arg13 : memref<400xi32, #tpu.memory_space<vmem>>)
    %dma_start3A_386 = arith.constant 0 : i32
    %dma_start3A_387 = arith.constant 0 : i32
    %dma_start3A_388 = tpu.memref_slice %arg7[%arg0, %dma_start3A_386, %dma_start3A_387] : memref<2x100000x16xf32, #tpu.memory_space<hbm>> -> memref<1x100000x16xf32, #tpu.memory_space<hbm>>
    %dma_start3A_389 = tpu.memref_squeeze %dma_start3A_388 : memref<1x100000x16xf32, #tpu.memory_space<hbm>> -> memref<100000x16xf32, #tpu.memory_space<hbm>>
    %dma_start3A_390 = arith.constant 0 : i32
    %dma_start3A_391 = arith.constant 0 : i32
    %dma_start3A_392 = tpu.memref_slice %dma_start3A_389[%dma_start3A_390, %dma_start3A_391] : memref<100000x16xf32, #tpu.memory_space<hbm>> -> memref<100000x16xf32, #tpu.memory_space<hbm>>
    tpu.enqueue_indirect_dma source(%dma_start3A_392 : memref<100000x16xf32, #tpu.memory_space<hbm>>) target(%arg17 : memref<400x16xf32, #tpu.memory_space<vmem>>) offsets(%arg9 : memref<400xi32, #tpu.memory_space<vmem>>) semaphore(%arg25 : memref<!tpu.dma_semaphore, #tpu.memory_space<semaphore_mem>>)
    %scan3A_393 = arith.constant 0 : i32
    %scan3A_394 = arith.constant 0 : i32
    %scan3A_395 = arith.constant 62 : i32
    %scan3A_396 = arith.addi %scan3A_394, %scan3A_395 : i32
    %scan3A_397 = arith.constant 1 : i32
    %scan3A_398 = scf.for %scan3A_458 = %scan3A_394 to %scan3A_396 step %scan3A_397 iter_args(%scan3A_459 = %scan3A_393) -> (i32)  : i32 {
      %mul3A_460 = arith.constant 4 : i32
      %mul3A_461 = arith.muli %scan3A_458, %mul3A_460 : i32
      %add3A_462 = arith.constant 0 : i32
      %add3A_463 = arith.addi %mul3A_461, %add3A_462 : i32
      %ge3A = arith.constant 1 : i32
      %ge3A_464 = arith.cmpi sge, %add3A_463, %ge3A : i32
      %convert_element_type3A = arith.extui %ge3A_464 : i1 to i32
      %cond3A = arith.constant 0 : i32
      %cond3A_465 = arith.cmpi ne, %convert_element_type3A, %cond3A : i32
      scf.if %cond3A_465 {
        %dma_wait3A_589 = arith.constant 0 : i32
        %dma_wait3A_590 = arith.constant 0 : i32
        %dma_wait3A_591 = tpu.memref_slice %arg8[%dma_wait3A_589, %dma_wait3A_590] : memref<100000x16xf32, #tpu.memory_space<vmem_shared>> -> memref<100000x16xf32, #tpu.memory_space<vmem_shared>>
        tpu.wait_indirect_dma semaphore(%arg28 : memref<!tpu.dma_semaphore, #tpu.memory_space<semaphore_mem>>) src(%arg18 : memref<400x16xf32, #tpu.memory_space<vmem>>) dst(%dma_wait3A_591 : memref<100000x16xf32, #tpu.memory_space<vmem_shared>>)
      } else {
      }
      %add3A_466 = arith.constant 2 : i32
      %add3A_467 = arith.addi %add3A_463, %add3A_466 : i32
      %lt3A = arith.constant 250 : i32
      %lt3A_468 = arith.cmpi slt, %add3A_467, %lt3A : i32
      %convert_element_type3A_469 = arith.extui %lt3A_468 : i1 to i32
      %cond3A_470 = arith.constant 0 : i32
      %cond3A_471 = arith.cmpi ne, %convert_element_type3A_469, %cond3A_470 : i32
      scf.if %cond3A_471 {
        %add3A_589 = arith.constant 2 : i32
        %add3A_590 = arith.addi %add3A_463, %add3A_589 : i32
        %mul3A_591 = arith.constant 400 : i32
        %mul3A_592 = arith.muli %add3A_590, %mul3A_591 : i32
        %add3A_593 = arith.addi %mul3A_346, %mul3A_592 : i32
        %multiple_of3A_594 = tpu.assume_multiple %add3A_593, 8 : i32
        %dma_start3A_595 = arith.constant 0 : i32
        %dma_start3A_596 = tpu.memref_slice %arg4[%dma_start3A_595, %multiple_of3A_594] : memref<2x1600000xi32, #tpu.memory_space<hbm>> -> memref<1x400xi32, #tpu.memory_space<hbm>>
        %dma_start3A_597 = tpu.memref_squeeze %dma_start3A_596 : memref<1x400xi32, #tpu.memory_space<hbm>> -> memref<400xi32, #tpu.memory_space<hbm>>
        %dma_start3A_598 = tpu.memref_slice %arg4[%dma_start3A_595, %multiple_of3A_594] : memref<2x1600000xi32, #tpu.memory_space<hbm>> -> memref<1x400xi32, #tpu.memory_space<hbm>>
        %dma_start3A_599 = tpu.memref_squeeze %dma_start3A_598 : memref<1x400xi32, #tpu.memory_space<hbm>> -> memref<400xi32, #tpu.memory_space<hbm>>
        tpu.enqueue_dma source(%dma_start3A_599 : memref<400xi32, #tpu.memory_space<hbm>>) target(%arg11 : memref<400xi32, #tpu.memory_space<vmem>>) target_semaphore(%arg23 : memref<!tpu.dma_semaphore, #tpu.memory_space<semaphore_mem>>)
        %dma_start3A_600 = arith.constant 1 : i32
        %dma_start3A_601 = tpu.memref_slice %arg4[%dma_start3A_600, %multiple_of3A_594] : memref<2x1600000xi32, #tpu.memory_space<hbm>> -> memref<1x400xi32, #tpu.memory_space<hbm>>
        %dma_start3A_602 = tpu.memref_squeeze %dma_start3A_601 : memref<1x400xi32, #tpu.memory_space<hbm>> -> memref<400xi32, #tpu.memory_space<hbm>>
        %dma_start3A_603 = tpu.memref_slice %arg4[%dma_start3A_600, %multiple_of3A_594] : memref<2x1600000xi32, #tpu.memory_space<hbm>> -> memref<1x400xi32, #tpu.memory_space<hbm>>
        %dma_start3A_604 = tpu.memref_squeeze %dma_start3A_603 : memref<1x400xi32, #tpu.memory_space<hbm>> -> memref<400xi32, #tpu.memory_space<hbm>>
        tpu.enqueue_dma source(%dma_start3A_604 : memref<400xi32, #tpu.memory_space<hbm>>) target(%arg15 : memref<400xi32, #tpu.memory_space<vmem>>) target_semaphore(%arg23 : memref<!tpu.dma_semaphore, #tpu.memory_space<semaphore_mem>>)
      } else {
      }
      %add3A_472 = arith.constant 3 : i32
      %add3A_473 = arith.addi %add3A_463, %add3A_472 : i32
      %lt3A_474 = arith.constant 250 : i32
      %lt3A_475 = arith.cmpi slt, %add3A_473, %lt3A_474 : i32
      %convert_element_type3A_476 = arith.extui %lt3A_475 : i1 to i32
      %cond3A_477 = arith.constant 0 : i32
      %cond3A_478 = arith.cmpi ne, %convert_element_type3A_476, %cond3A_477 : i32
      scf.if %cond3A_478 {
        %add3A_589 = arith.constant 3 : i32
        %add3A_590 = arith.addi %add3A_463, %add3A_589 : i32
        %mul3A_591 = arith.constant 400 : i32
        %mul3A_592 = arith.muli %add3A_590, %mul3A_591 : i32
        %add3A_593 = arith.addi %mul3A_346, %mul3A_592 : i32
        %multiple_of3A_594 = tpu.assume_multiple %add3A_593, 8 : i32
        %dma_start3A_595 = arith.constant 0 : i32
        %dma_start3A_596 = tpu.memref_slice %arg4[%dma_start3A_595, %multiple_of3A_594] : memref<2x1600000xi32, #tpu.memory_space<hbm>> -> memref<1x400xi32, #tpu.memory_space<hbm>>
        %dma_start3A_597 = tpu.memref_squeeze %dma_start3A_596 : memref<1x400xi32, #tpu.memory_space<hbm>> -> memref<400xi32, #tpu.memory_space<hbm>>
        %dma_start3A_598 = tpu.memref_slice %arg4[%dma_start3A_595, %multiple_of3A_594] : memref<2x1600000xi32, #tpu.memory_space<hbm>> -> memref<1x400xi32, #tpu.memory_space<hbm>>
        %dma_start3A_599 = tpu.memref_squeeze %dma_start3A_598 : memref<1x400xi32, #tpu.memory_space<hbm>> -> memref<400xi32, #tpu.memory_space<hbm>>
        tpu.enqueue_dma source(%dma_start3A_599 : memref<400xi32, #tpu.memory_space<hbm>>) target(%arg12 : memref<400xi32, #tpu.memory_space<vmem>>) target_semaphore(%arg24 : memref<!tpu.dma_semaphore, #tpu.memory_space<semaphore_mem>>)
        %dma_start3A_600 = arith.constant 1 : i32
        %dma_start3A_601 = tpu.memref_slice %arg4[%dma_start3A_600, %multiple_of3A_594] : memref<2x1600000xi32, #tpu.memory_space<hbm>> -> memref<1x400xi32, #tpu.memory_space<hbm>>
        %dma_start3A_602 = tpu.memref_squeeze %dma_start3A_601 : memref<1x400xi32, #tpu.memory_space<hbm>> -> memref<400xi32, #tpu.memory_space<hbm>>
        %dma_start3A_603 = tpu.memref_slice %arg4[%dma_start3A_600, %multiple_of3A_594] : memref<2x1600000xi32, #tpu.memory_space<hbm>> -> memref<1x400xi32, #tpu.memory_space<hbm>>
        %dma_start3A_604 = tpu.memref_squeeze %dma_start3A_603 : memref<1x400xi32, #tpu.memory_space<hbm>> -> memref<400xi32, #tpu.memory_space<hbm>>
        tpu.enqueue_dma source(%dma_start3A_604 : memref<400xi32, #tpu.memory_space<hbm>>) target(%arg16 : memref<400xi32, #tpu.memory_space<vmem>>) target_semaphore(%arg24 : memref<!tpu.dma_semaphore, #tpu.memory_space<semaphore_mem>>)
      } else {
      }
      %add3A_479 = arith.constant 1 : i32
      %add3A_480 = arith.addi %add3A_463, %add3A_479 : i32
      %lt3A_481 = arith.constant 250 : i32
      %lt3A_482 = arith.cmpi slt, %add3A_480, %lt3A_481 : i32
      %convert_element_type3A_483 = arith.extui %lt3A_482 : i1 to i32
      %cond3A_484 = arith.constant 0 : i32
      %cond3A_485 = arith.cmpi ne, %convert_element_type3A_483, %cond3A_484 : i32
      scf.if %cond3A_485 {
        %add3A_589 = arith.constant 1 : i32
        %add3A_590 = arith.addi %add3A_463, %add3A_589 : i32
        %mul3A_591 = arith.constant 400 : i32
        %mul3A_592 = arith.muli %add3A_590, %mul3A_591 : i32
        %add3A_593 = arith.addi %mul3A_346, %mul3A_592 : i32
        %multiple_of3A_594 = tpu.assume_multiple %add3A_593, 8 : i32
        %dma_wait3A_595 = arith.constant 0 : i32
        %dma_wait3A_596 = tpu.memref_slice %arg4[%dma_wait3A_595, %multiple_of3A_594] : memref<2x1600000xi32, #tpu.memory_space<hbm>> -> memref<1x400xi32, #tpu.memory_space<hbm>>
        %dma_wait3A_597 = tpu.memref_squeeze %dma_wait3A_596 : memref<1x400xi32, #tpu.memory_space<hbm>> -> memref<400xi32, #tpu.memory_space<hbm>>
        %dma_wait3A_598 = tpu.memref_slice %arg4[%dma_wait3A_595, %multiple_of3A_594] : memref<2x1600000xi32, #tpu.memory_space<hbm>> -> memref<1x400xi32, #tpu.memory_space<hbm>>
        %dma_wait3A_599 = tpu.memref_squeeze %dma_wait3A_598 : memref<1x400xi32, #tpu.memory_space<hbm>> -> memref<400xi32, #tpu.memory_space<hbm>>
        tpu.wait_dma2 semaphore(%arg22 : memref<!tpu.dma_semaphore, #tpu.memory_space<semaphore_mem>>) src(%dma_wait3A_599 : memref<400xi32, #tpu.memory_space<hbm>>) dst(%arg10 : memref<400xi32, #tpu.memory_space<vmem>>)
        %dma_wait3A_600 = arith.constant 1 : i32
        %dma_wait3A_601 = tpu.memref_slice %arg4[%dma_wait3A_600, %multiple_of3A_594] : memref<2x1600000xi32, #tpu.memory_space<hbm>> -> memref<1x400xi32, #tpu.memory_space<hbm>>
        %dma_wait3A_602 = tpu.memref_squeeze %dma_wait3A_601 : memref<1x400xi32, #tpu.memory_space<hbm>> -> memref<400xi32, #tpu.memory_space<hbm>>
        %dma_wait3A_603 = tpu.memref_slice %arg4[%dma_wait3A_600, %multiple_of3A_594] : memref<2x1600000xi32, #tpu.memory_space<hbm>> -> memref<1x400xi32, #tpu.memory_space<hbm>>
        %dma_wait3A_604 = tpu.memref_squeeze %dma_wait3A_603 : memref<1x400xi32, #tpu.memory_space<hbm>> -> memref<400xi32, #tpu.memory_space<hbm>>
        tpu.wait_dma2 semaphore(%arg22 : memref<!tpu.dma_semaphore, #tpu.memory_space<semaphore_mem>>) src(%dma_wait3A_604 : memref<400xi32, #tpu.memory_space<hbm>>) dst(%arg14 : memref<400xi32, #tpu.memory_space<vmem>>)
        %dma_start3A_605 = arith.constant 0 : i32
        %dma_start3A_606 = arith.constant 0 : i32
        %dma_start3A_607 = tpu.memref_slice %arg7[%arg0, %dma_start3A_605, %dma_start3A_606] : memref<2x100000x16xf32, #tpu.memory_space<hbm>> -> memref<1x100000x16xf32, #tpu.memory_space<hbm>>
        %dma_start3A_608 = tpu.memref_squeeze %dma_start3A_607 : memref<1x100000x16xf32, #tpu.memory_space<hbm>> -> memref<100000x16xf32, #tpu.memory_space<hbm>>
        %dma_start3A_609 = arith.constant 0 : i32
        %dma_start3A_610 = arith.constant 0 : i32
        %dma_start3A_611 = tpu.memref_slice %dma_start3A_608[%dma_start3A_609, %dma_start3A_610] : memref<100000x16xf32, #tpu.memory_space<hbm>> -> memref<100000x16xf32, #tpu.memory_space<hbm>>
        tpu.enqueue_indirect_dma source(%dma_start3A_611 : memref<100000x16xf32, #tpu.memory_space<hbm>>) target(%arg18 : memref<400x16xf32, #tpu.memory_space<vmem>>) offsets(%arg10 : memref<400xi32, #tpu.memory_space<vmem>>) semaphore(%arg26 : memref<!tpu.dma_semaphore, #tpu.memory_space<semaphore_mem>>)
      } else {
      }
      %dma_wait3A_486 = arith.constant 0 : i32
      %dma_wait3A_487 = arith.constant 0 : i32
      %dma_wait3A_488 = tpu.memref_slice %arg7[%arg0, %dma_wait3A_486, %dma_wait3A_487] : memref<2x100000x16xf32, #tpu.memory_space<hbm>> -> memref<1x100000x16xf32, #tpu.memory_space<hbm>>
      %dma_wait3A_489 = tpu.memref_squeeze %dma_wait3A_488 : memref<1x100000x16xf32, #tpu.memory_space<hbm>> -> memref<100000x16xf32, #tpu.memory_space<hbm>>
      %dma_wait3A_490 = arith.constant 0 : i32
      %dma_wait3A_491 = arith.constant 0 : i32
      %dma_wait3A_492 = tpu.memref_slice %dma_wait3A_489[%dma_wait3A_490, %dma_wait3A_491] : memref<100000x16xf32, #tpu.memory_space<hbm>> -> memref<100000x16xf32, #tpu.memory_space<hbm>>
      tpu.wait_indirect_dma semaphore(%arg25 : memref<!tpu.dma_semaphore, #tpu.memory_space<semaphore_mem>>) src(%dma_wait3A_492 : memref<100000x16xf32, #tpu.memory_space<hbm>>) dst(%arg17 : memref<400x16xf32, #tpu.memory_space<vmem>>)
      %dma_start3A_493 = arith.constant 0 : i32
      %dma_start3A_494 = arith.constant 0 : i32
      %dma_start3A_495 = tpu.memref_slice %arg8[%dma_start3A_493, %dma_start3A_494] : memref<100000x16xf32, #tpu.memory_space<vmem_shared>> -> memref<100000x16xf32, #tpu.memory_space<vmem_shared>>
      tpu.enqueue_indirect_dma source(%arg17 : memref<400x16xf32, #tpu.memory_space<vmem>>) target(%dma_start3A_495 : memref<100000x16xf32, #tpu.memory_space<vmem_shared>>) offsets(%arg13 : memref<400xi32, #tpu.memory_space<vmem>>) semaphore(%arg27 : memref<!tpu.dma_semaphore, #tpu.memory_space<semaphore_mem>>) {add = true}
      %mul3A_496 = arith.constant 4 : i32
      %mul3A_497 = arith.muli %scan3A_458, %mul3A_496 : i32
      %add3A_498 = arith.constant 1 : i32
      %add3A_499 = arith.addi %mul3A_497, %add3A_498 : i32
      %ge3A_500 = arith.constant 1 : i32
      %ge3A_501 = arith.cmpi sge, %add3A_499, %ge3A_500 : i32
      %convert_element_type3A_502 = arith.extui %ge3A_501 : i1 to i32
      %cond3A_503 = arith.constant 0 : i32
      %cond3A_504 = arith.cmpi ne, %convert_element_type3A_502, %cond3A_503 : i32
      scf.if %cond3A_504 {
        %dma_wait3A_589 = arith.constant 0 : i32
        %dma_wait3A_590 = arith.constant 0 : i32
        %dma_wait3A_591 = tpu.memref_slice %arg8[%dma_wait3A_589, %dma_wait3A_590] : memref<100000x16xf32, #tpu.memory_space<vmem_shared>> -> memref<100000x16xf32, #tpu.memory_space<vmem_shared>>
        tpu.wait_indirect_dma semaphore(%arg27 : memref<!tpu.dma_semaphore, #tpu.memory_space<semaphore_mem>>) src(%arg17 : memref<400x16xf32, #tpu.memory_space<vmem>>) dst(%dma_wait3A_591 : memref<100000x16xf32, #tpu.memory_space<vmem_shared>>)
      } else {
      }
      %add3A_505 = arith.constant 1 : i32
      %add3A_506 = arith.addi %add3A_499, %add3A_505 : i32
      %lt3A_507 = arith.constant 250 : i32
      %lt3A_508 = arith.cmpi slt, %add3A_506, %lt3A_507 : i32
      %convert_element_type3A_509 = arith.extui %lt3A_508 : i1 to i32
      %cond3A_510 = arith.constant 0 : i32
      %cond3A_511 = arith.cmpi ne, %convert_element_type3A_509, %cond3A_510 : i32
      scf.if %cond3A_511 {
        %add3A_589 = arith.constant 1 : i32
        %add3A_590 = arith.addi %add3A_499, %add3A_589 : i32
        %mul3A_591 = arith.constant 400 : i32
        %mul3A_592 = arith.muli %add3A_590, %mul3A_591 : i32
        %add3A_593 = arith.addi %mul3A_346, %mul3A_592 : i32
        %multiple_of3A_594 = tpu.assume_multiple %add3A_593, 8 : i32
        %dma_wait3A_595 = arith.constant 0 : i32
        %dma_wait3A_596 = tpu.memref_slice %arg4[%dma_wait3A_595, %multiple_of3A_594] : memref<2x1600000xi32, #tpu.memory_space<hbm>> -> memref<1x400xi32, #tpu.memory_space<hbm>>
        %dma_wait3A_597 = tpu.memref_squeeze %dma_wait3A_596 : memref<1x400xi32, #tpu.memory_space<hbm>> -> memref<400xi32, #tpu.memory_space<hbm>>
        %dma_wait3A_598 = tpu.memref_slice %arg4[%dma_wait3A_595, %multiple_of3A_594] : memref<2x1600000xi32, #tpu.memory_space<hbm>> -> memref<1x400xi32, #tpu.memory_space<hbm>>
        %dma_wait3A_599 = tpu.memref_squeeze %dma_wait3A_598 : memref<1x400xi32, #tpu.memory_space<hbm>> -> memref<400xi32, #tpu.memory_space<hbm>>
        tpu.wait_dma2 semaphore(%arg23 : memref<!tpu.dma_semaphore, #tpu.memory_space<semaphore_mem>>) src(%dma_wait3A_599 : memref<400xi32, #tpu.memory_space<hbm>>) dst(%arg11 : memref<400xi32, #tpu.memory_space<vmem>>)
        %dma_wait3A_600 = arith.constant 1 : i32
        %dma_wait3A_601 = tpu.memref_slice %arg4[%dma_wait3A_600, %multiple_of3A_594] : memref<2x1600000xi32, #tpu.memory_space<hbm>> -> memref<1x400xi32, #tpu.memory_space<hbm>>
        %dma_wait3A_602 = tpu.memref_squeeze %dma_wait3A_601 : memref<1x400xi32, #tpu.memory_space<hbm>> -> memref<400xi32, #tpu.memory_space<hbm>>
        %dma_wait3A_603 = tpu.memref_slice %arg4[%dma_wait3A_600, %multiple_of3A_594] : memref<2x1600000xi32, #tpu.memory_space<hbm>> -> memref<1x400xi32, #tpu.memory_space<hbm>>
        %dma_wait3A_604 = tpu.memref_squeeze %dma_wait3A_603 : memref<1x400xi32, #tpu.memory_space<hbm>> -> memref<400xi32, #tpu.memory_space<hbm>>
        tpu.wait_dma2 semaphore(%arg23 : memref<!tpu.dma_semaphore, #tpu.memory_space<semaphore_mem>>) src(%dma_wait3A_604 : memref<400xi32, #tpu.memory_space<hbm>>) dst(%arg15 : memref<400xi32, #tpu.memory_space<vmem>>)
        %dma_start3A_605 = arith.constant 0 : i32
        %dma_start3A_606 = arith.constant 0 : i32
        %dma_start3A_607 = tpu.memref_slice %arg7[%arg0, %dma_start3A_605, %dma_start3A_606] : memref<2x100000x16xf32, #tpu.memory_space<hbm>> -> memref<1x100000x16xf32, #tpu.memory_space<hbm>>
        %dma_start3A_608 = tpu.memref_squeeze %dma_start3A_607 : memref<1x100000x16xf32, #tpu.memory_space<hbm>> -> memref<100000x16xf32, #tpu.memory_space<hbm>>
        %dma_start3A_609 = arith.constant 0 : i32
        %dma_start3A_610 = arith.constant 0 : i32
        %dma_start3A_611 = tpu.memref_slice %dma_start3A_608[%dma_start3A_609, %dma_start3A_610] : memref<100000x16xf32, #tpu.memory_space<hbm>> -> memref<100000x16xf32, #tpu.memory_space<hbm>>
        tpu.enqueue_indirect_dma source(%dma_start3A_611 : memref<100000x16xf32, #tpu.memory_space<hbm>>) target(%arg17 : memref<400x16xf32, #tpu.memory_space<vmem>>) offsets(%arg11 : memref<400xi32, #tpu.memory_space<vmem>>) semaphore(%arg25 : memref<!tpu.dma_semaphore, #tpu.memory_space<semaphore_mem>>)
      } else {
      }
      %dma_wait3A_512 = arith.constant 0 : i32
      %dma_wait3A_513 = arith.constant 0 : i32
      %dma_wait3A_514 = tpu.memref_slice %arg7[%arg0, %dma_wait3A_512, %dma_wait3A_513] : memref<2x100000x16xf32, #tpu.memory_space<hbm>> -> memref<1x100000x16xf32, #tpu.memory_space<hbm>>
      %dma_wait3A_515 = tpu.memref_squeeze %dma_wait3A_514 : memref<1x100000x16xf32, #tpu.memory_space<hbm>> -> memref<100000x16xf32, #tpu.memory_space<hbm>>
      %dma_wait3A_516 = arith.constant 0 : i32
      %dma_wait3A_517 = arith.constant 0 : i32
      %dma_wait3A_518 = tpu.memref_slice %dma_wait3A_515[%dma_wait3A_516, %dma_wait3A_517] : memref<100000x16xf32, #tpu.memory_space<hbm>> -> memref<100000x16xf32, #tpu.memory_space<hbm>>
      tpu.wait_indirect_dma semaphore(%arg26 : memref<!tpu.dma_semaphore, #tpu.memory_space<semaphore_mem>>) src(%dma_wait3A_518 : memref<100000x16xf32, #tpu.memory_space<hbm>>) dst(%arg18 : memref<400x16xf32, #tpu.memory_space<vmem>>)
      %dma_start3A_519 = arith.constant 0 : i32
      %dma_start3A_520 = arith.constant 0 : i32
      %dma_start3A_521 = tpu.memref_slice %arg8[%dma_start3A_519, %dma_start3A_520] : memref<100000x16xf32, #tpu.memory_space<vmem_shared>> -> memref<100000x16xf32, #tpu.memory_space<vmem_shared>>
      tpu.enqueue_indirect_dma source(%arg18 : memref<400x16xf32, #tpu.memory_space<vmem>>) target(%dma_start3A_521 : memref<100000x16xf32, #tpu.memory_space<vmem_shared>>) offsets(%arg14 : memref<400xi32, #tpu.memory_space<vmem>>) semaphore(%arg28 : memref<!tpu.dma_semaphore, #tpu.memory_space<semaphore_mem>>) {add = true}
      %mul3A_522 = arith.constant 4 : i32
      %mul3A_523 = arith.muli %scan3A_458, %mul3A_522 : i32
      %add3A_524 = arith.constant 2 : i32
      %add3A_525 = arith.addi %mul3A_523, %add3A_524 : i32
      %ge3A_526 = arith.constant 1 : i32
      %ge3A_527 = arith.cmpi sge, %add3A_525, %ge3A_526 : i32
      %convert_element_type3A_528 = arith.extui %ge3A_527 : i1 to i32
      %cond3A_529 = arith.constant 0 : i32
      %cond3A_530 = arith.cmpi ne, %convert_element_type3A_528, %cond3A_529 : i32
      scf.if %cond3A_530 {
        %dma_wait3A_589 = arith.constant 0 : i32
        %dma_wait3A_590 = arith.constant 0 : i32
        %dma_wait3A_591 = tpu.memref_slice %arg8[%dma_wait3A_589, %dma_wait3A_590] : memref<100000x16xf32, #tpu.memory_space<vmem_shared>> -> memref<100000x16xf32, #tpu.memory_space<vmem_shared>>
        tpu.wait_indirect_dma semaphore(%arg28 : memref<!tpu.dma_semaphore, #tpu.memory_space<semaphore_mem>>) src(%arg18 : memref<400x16xf32, #tpu.memory_space<vmem>>) dst(%dma_wait3A_591 : memref<100000x16xf32, #tpu.memory_space<vmem_shared>>)
      } else {
      }
      %add3A_531 = arith.constant 2 : i32
      %add3A_532 = arith.addi %add3A_525, %add3A_531 : i32
      %lt3A_533 = arith.constant 250 : i32
      %lt3A_534 = arith.cmpi slt, %add3A_532, %lt3A_533 : i32
      %convert_element_type3A_535 = arith.extui %lt3A_534 : i1 to i32
      %cond3A_536 = arith.constant 0 : i32
      %cond3A_537 = arith.cmpi ne, %convert_element_type3A_535, %cond3A_536 : i32
      scf.if %cond3A_537 {
        %add3A_589 = arith.constant 2 : i32
        %add3A_590 = arith.addi %add3A_525, %add3A_589 : i32
        %mul3A_591 = arith.constant 400 : i32
        %mul3A_592 = arith.muli %add3A_590, %mul3A_591 : i32
        %add3A_593 = arith.addi %mul3A_346, %mul3A_592 : i32
        %multiple_of3A_594 = tpu.assume_multiple %add3A_593, 8 : i32
        %dma_start3A_595 = arith.constant 0 : i32
        %dma_start3A_596 = tpu.memref_slice %arg4[%dma_start3A_595, %multiple_of3A_594] : memref<2x1600000xi32, #tpu.memory_space<hbm>> -> memref<1x400xi32, #tpu.memory_space<hbm>>
        %dma_start3A_597 = tpu.memref_squeeze %dma_start3A_596 : memref<1x400xi32, #tpu.memory_space<hbm>> -> memref<400xi32, #tpu.memory_space<hbm>>
        %dma_start3A_598 = tpu.memref_slice %arg4[%dma_start3A_595, %multiple_of3A_594] : memref<2x1600000xi32, #tpu.memory_space<hbm>> -> memref<1x400xi32, #tpu.memory_space<hbm>>
        %dma_start3A_599 = tpu.memref_squeeze %dma_start3A_598 : memref<1x400xi32, #tpu.memory_space<hbm>> -> memref<400xi32, #tpu.memory_space<hbm>>
        tpu.enqueue_dma source(%dma_start3A_599 : memref<400xi32, #tpu.memory_space<hbm>>) target(%arg9 : memref<400xi32, #tpu.memory_space<vmem>>) target_semaphore(%arg21 : memref<!tpu.dma_semaphore, #tpu.memory_space<semaphore_mem>>)
        %dma_start3A_600 = arith.constant 1 : i32
        %dma_start3A_601 = tpu.memref_slice %arg4[%dma_start3A_600, %multiple_of3A_594] : memref<2x1600000xi32, #tpu.memory_space<hbm>> -> memref<1x400xi32, #tpu.memory_space<hbm>>
        %dma_start3A_602 = tpu.memref_squeeze %dma_start3A_601 : memref<1x400xi32, #tpu.memory_space<hbm>> -> memref<400xi32, #tpu.memory_space<hbm>>
        %dma_start3A_603 = tpu.memref_slice %arg4[%dma_start3A_600, %multiple_of3A_594] : memref<2x1600000xi32, #tpu.memory_space<hbm>> -> memref<1x400xi32, #tpu.memory_space<hbm>>
        %dma_start3A_604 = tpu.memref_squeeze %dma_start3A_603 : memref<1x400xi32, #tpu.memory_space<hbm>> -> memref<400xi32, #tpu.memory_space<hbm>>
        tpu.enqueue_dma source(%dma_start3A_604 : memref<400xi32, #tpu.memory_space<hbm>>) target(%arg13 : memref<400xi32, #tpu.memory_space<vmem>>) target_semaphore(%arg21 : memref<!tpu.dma_semaphore, #tpu.memory_space<semaphore_mem>>)
      } else {
      }
      %add3A_538 = arith.constant 3 : i32
      %add3A_539 = arith.addi %add3A_525, %add3A_538 : i32
      %lt3A_540 = arith.constant 250 : i32
      %lt3A_541 = arith.cmpi slt, %add3A_539, %lt3A_540 : i32
      %convert_element_type3A_542 = arith.extui %lt3A_541 : i1 to i32
      %cond3A_543 = arith.constant 0 : i32
      %cond3A_544 = arith.cmpi ne, %convert_element_type3A_542, %cond3A_543 : i32
      scf.if %cond3A_544 {
        %add3A_589 = arith.constant 3 : i32
        %add3A_590 = arith.addi %add3A_525, %add3A_589 : i32
        %mul3A_591 = arith.constant 400 : i32
        %mul3A_592 = arith.muli %add3A_590, %mul3A_591 : i32
        %add3A_593 = arith.addi %mul3A_346, %mul3A_592 : i32
        %multiple_of3A_594 = tpu.assume_multiple %add3A_593, 8 : i32
        %dma_start3A_595 = arith.constant 0 : i32
        %dma_start3A_596 = tpu.memref_slice %arg4[%dma_start3A_595, %multiple_of3A_594] : memref<2x1600000xi32, #tpu.memory_space<hbm>> -> memref<1x400xi32, #tpu.memory_space<hbm>>
        %dma_start3A_597 = tpu.memref_squeeze %dma_start3A_596 : memref<1x400xi32, #tpu.memory_space<hbm>> -> memref<400xi32, #tpu.memory_space<hbm>>
        %dma_start3A_598 = tpu.memref_slice %arg4[%dma_start3A_595, %multiple_of3A_594] : memref<2x1600000xi32, #tpu.memory_space<hbm>> -> memref<1x400xi32, #tpu.memory_space<hbm>>
        %dma_start3A_599 = tpu.memref_squeeze %dma_start3A_598 : memref<1x400xi32, #tpu.memory_space<hbm>> -> memref<400xi32, #tpu.memory_space<hbm>>
        tpu.enqueue_dma source(%dma_start3A_599 : memref<400xi32, #tpu.memory_space<hbm>>) target(%arg10 : memref<400xi32, #tpu.memory_space<vmem>>) target_semaphore(%arg22 : memref<!tpu.dma_semaphore, #tpu.memory_space<semaphore_mem>>)
        %dma_start3A_600 = arith.constant 1 : i32
        %dma_start3A_601 = tpu.memref_slice %arg4[%dma_start3A_600, %multiple_of3A_594] : memref<2x1600000xi32, #tpu.memory_space<hbm>> -> memref<1x400xi32, #tpu.memory_space<hbm>>
        %dma_start3A_602 = tpu.memref_squeeze %dma_start3A_601 : memref<1x400xi32, #tpu.memory_space<hbm>> -> memref<400xi32, #tpu.memory_space<hbm>>
        %dma_start3A_603 = tpu.memref_slice %arg4[%dma_start3A_600, %multiple_of3A_594] : memref<2x1600000xi32, #tpu.memory_space<hbm>> -> memref<1x400xi32, #tpu.memory_space<hbm>>
        %dma_start3A_604 = tpu.memref_squeeze %dma_start3A_603 : memref<1x400xi32, #tpu.memory_space<hbm>> -> memref<400xi32, #tpu.memory_space<hbm>>
        tpu.enqueue_dma source(%dma_start3A_604 : memref<400xi32, #tpu.memory_space<hbm>>) target(%arg14 : memref<400xi32, #tpu.memory_space<vmem>>) target_semaphore(%arg22 : memref<!tpu.dma_semaphore, #tpu.memory_space<semaphore_mem>>)
      } else {
      }
      %add3A_545 = arith.constant 1 : i32
      %add3A_546 = arith.addi %add3A_525, %add3A_545 : i32
      %lt3A_547 = arith.constant 250 : i32
      %lt3A_548 = arith.cmpi slt, %add3A_546, %lt3A_547 : i32
      %convert_element_type3A_549 = arith.extui %lt3A_548 : i1 to i32
      %cond3A_550 = arith.constant 0 : i32
      %cond3A_551 = arith.cmpi ne, %convert_element_type3A_549, %cond3A_550 : i32
      scf.if %cond3A_551 {
        %add3A_589 = arith.constant 1 : i32
        %add3A_590 = arith.addi %add3A_525, %add3A_589 : i32
        %mul3A_591 = arith.constant 400 : i32
        %mul3A_592 = arith.muli %add3A_590, %mul3A_591 : i32
        %add3A_593 = arith.addi %mul3A_346, %mul3A_592 : i32
        %multiple_of3A_594 = tpu.assume_multiple %add3A_593, 8 : i32
        %dma_wait3A_595 = arith.constant 0 : i32
        %dma_wait3A_596 = tpu.memref_slice %arg4[%dma_wait3A_595, %multiple_of3A_594] : memref<2x1600000xi32, #tpu.memory_space<hbm>> -> memref<1x400xi32, #tpu.memory_space<hbm>>
        %dma_wait3A_597 = tpu.memref_squeeze %dma_wait3A_596 : memref<1x400xi32, #tpu.memory_space<hbm>> -> memref<400xi32, #tpu.memory_space<hbm>>
        %dma_wait3A_598 = tpu.memref_slice %arg4[%dma_wait3A_595, %multiple_of3A_594] : memref<2x1600000xi32, #tpu.memory_space<hbm>> -> memref<1x400xi32, #tpu.memory_space<hbm>>
        %dma_wait3A_599 = tpu.memref_squeeze %dma_wait3A_598 : memref<1x400xi32, #tpu.memory_space<hbm>> -> memref<400xi32, #tpu.memory_space<hbm>>
        tpu.wait_dma2 semaphore(%arg24 : memref<!tpu.dma_semaphore, #tpu.memory_space<semaphore_mem>>) src(%dma_wait3A_599 : memref<400xi32, #tpu.memory_space<hbm>>) dst(%arg12 : memref<400xi32, #tpu.memory_space<vmem>>)
        %dma_wait3A_600 = arith.constant 1 : i32
        %dma_wait3A_601 = tpu.memref_slice %arg4[%dma_wait3A_600, %multiple_of3A_594] : memref<2x1600000xi32, #tpu.memory_space<hbm>> -> memref<1x400xi32, #tpu.memory_space<hbm>>
        %dma_wait3A_602 = tpu.memref_squeeze %dma_wait3A_601 : memref<1x400xi32, #tpu.memory_space<hbm>> -> memref<400xi32, #tpu.memory_space<hbm>>
        %dma_wait3A_603 = tpu.memref_slice %arg4[%dma_wait3A_600, %multiple_of3A_594] : memref<2x1600000xi32, #tpu.memory_space<hbm>> -> memref<1x400xi32, #tpu.memory_space<hbm>>
        %dma_wait3A_604 = tpu.memref_squeeze %dma_wait3A_603 : memref<1x400xi32, #tpu.memory_space<hbm>> -> memref<400xi32, #tpu.memory_space<hbm>>
        tpu.wait_dma2 semaphore(%arg24 : memref<!tpu.dma_semaphore, #tpu.memory_space<semaphore_mem>>) src(%dma_wait3A_604 : memref<400xi32, #tpu.memory_space<hbm>>) dst(%arg16 : memref<400xi32, #tpu.memory_space<vmem>>)
        %dma_start3A_605 = arith.constant 0 : i32
        %dma_start3A_606 = arith.constant 0 : i32
        %dma_start3A_607 = tpu.memref_slice %arg7[%arg0, %dma_start3A_605, %dma_start3A_606] : memref<2x100000x16xf32, #tpu.memory_space<hbm>> -> memref<1x100000x16xf32, #tpu.memory_space<hbm>>
        %dma_start3A_608 = tpu.memref_squeeze %dma_start3A_607 : memref<1x100000x16xf32, #tpu.memory_space<hbm>> -> memref<100000x16xf32, #tpu.memory_space<hbm>>
        %dma_start3A_609 = arith.constant 0 : i32
        %dma_start3A_610 = arith.constant 0 : i32
        %dma_start3A_611 = tpu.memref_slice %dma_start3A_608[%dma_start3A_609, %dma_start3A_610] : memref<100000x16xf32, #tpu.memory_space<hbm>> -> memref<100000x16xf32, #tpu.memory_space<hbm>>
        tpu.enqueue_indirect_dma source(%dma_start3A_611 : memref<100000x16xf32, #tpu.memory_space<hbm>>) target(%arg18 : memref<400x16xf32, #tpu.memory_space<vmem>>) offsets(%arg12 : memref<400xi32, #tpu.memory_space<vmem>>) semaphore(%arg26 : memref<!tpu.dma_semaphore, #tpu.memory_space<semaphore_mem>>)
      } else {
      }
      %dma_wait3A_552 = arith.constant 0 : i32
      %dma_wait3A_553 = arith.constant 0 : i32
      %dma_wait3A_554 = tpu.memref_slice %arg7[%arg0, %dma_wait3A_552, %dma_wait3A_553] : memref<2x100000x16xf32, #tpu.memory_space<hbm>> -> memref<1x100000x16xf32, #tpu.memory_space<hbm>>
      %dma_wait3A_555 = tpu.memref_squeeze %dma_wait3A_554 : memref<1x100000x16xf32, #tpu.memory_space<hbm>> -> memref<100000x16xf32, #tpu.memory_space<hbm>>
      %dma_wait3A_556 = arith.constant 0 : i32
      %dma_wait3A_557 = arith.constant 0 : i32
      %dma_wait3A_558 = tpu.memref_slice %dma_wait3A_555[%dma_wait3A_556, %dma_wait3A_557] : memref<100000x16xf32, #tpu.memory_space<hbm>> -> memref<100000x16xf32, #tpu.memory_space<hbm>>
      tpu.wait_indirect_dma semaphore(%arg25 : memref<!tpu.dma_semaphore, #tpu.memory_space<semaphore_mem>>) src(%dma_wait3A_558 : memref<100000x16xf32, #tpu.memory_space<hbm>>) dst(%arg17 : memref<400x16xf32, #tpu.memory_space<vmem>>)
      %dma_start3A_559 = arith.constant 0 : i32
      %dma_start3A_560 = arith.constant 0 : i32
      %dma_start3A_561 = tpu.memref_slice %arg8[%dma_start3A_559, %dma_start3A_560] : memref<100000x16xf32, #tpu.memory_space<vmem_shared>> -> memref<100000x16xf32, #tpu.memory_space<vmem_shared>>
      tpu.enqueue_indirect_dma source(%arg17 : memref<400x16xf32, #tpu.memory_space<vmem>>) target(%dma_start3A_561 : memref<100000x16xf32, #tpu.memory_space<vmem_shared>>) offsets(%arg15 : memref<400xi32, #tpu.memory_space<vmem>>) semaphore(%arg27 : memref<!tpu.dma_semaphore, #tpu.memory_space<semaphore_mem>>) {add = true}
      %mul3A_562 = arith.constant 4 : i32
      %mul3A_563 = arith.muli %scan3A_458, %mul3A_562 : i32
      %add3A_564 = arith.constant 3 : i32
      %add3A_565 = arith.addi %mul3A_563, %add3A_564 : i32
      %ge3A_566 = arith.constant 1 : i32
      %ge3A_567 = arith.cmpi sge, %add3A_565, %ge3A_566 : i32
      %convert_element_type3A_568 = arith.extui %ge3A_567 : i1 to i32
      %cond3A_569 = arith.constant 0 : i32
      %cond3A_570 = arith.cmpi ne, %convert_element_type3A_568, %cond3A_569 : i32
      scf.if %cond3A_570 {
        %dma_wait3A_589 = arith.constant 0 : i32
        %dma_wait3A_590 = arith.constant 0 : i32
        %dma_wait3A_591 = tpu.memref_slice %arg8[%dma_wait3A_589, %dma_wait3A_590] : memref<100000x16xf32, #tpu.memory_space<vmem_shared>> -> memref<100000x16xf32, #tpu.memory_space<vmem_shared>>
        tpu.wait_indirect_dma semaphore(%arg27 : memref<!tpu.dma_semaphore, #tpu.memory_space<semaphore_mem>>) src(%arg17 : memref<400x16xf32, #tpu.memory_space<vmem>>) dst(%dma_wait3A_591 : memref<100000x16xf32, #tpu.memory_space<vmem_shared>>)
      } else {
      }
      %add3A_571 = arith.constant 1 : i32
      %add3A_572 = arith.addi %add3A_565, %add3A_571 : i32
      %lt3A_573 = arith.constant 250 : i32
      %lt3A_574 = arith.cmpi slt, %add3A_572, %lt3A_573 : i32
      %convert_element_type3A_575 = arith.extui %lt3A_574 : i1 to i32
      %cond3A_576 = arith.constant 0 : i32
      %cond3A_577 = arith.cmpi ne, %convert_element_type3A_575, %cond3A_576 : i32
      scf.if %cond3A_577 {
        %add3A_589 = arith.constant 1 : i32
        %add3A_590 = arith.addi %add3A_565, %add3A_589 : i32
        %mul3A_591 = arith.constant 400 : i32
        %mul3A_592 = arith.muli %add3A_590, %mul3A_591 : i32
        %add3A_593 = arith.addi %mul3A_346, %mul3A_592 : i32
        %multiple_of3A_594 = tpu.assume_multiple %add3A_593, 8 : i32
        %dma_wait3A_595 = arith.constant 0 : i32
        %dma_wait3A_596 = tpu.memref_slice %arg4[%dma_wait3A_595, %multiple_of3A_594] : memref<2x1600000xi32, #tpu.memory_space<hbm>> -> memref<1x400xi32, #tpu.memory_space<hbm>>
        %dma_wait3A_597 = tpu.memref_squeeze %dma_wait3A_596 : memref<1x400xi32, #tpu.memory_space<hbm>> -> memref<400xi32, #tpu.memory_space<hbm>>
        %dma_wait3A_598 = tpu.memref_slice %arg4[%dma_wait3A_595, %multiple_of3A_594] : memref<2x1600000xi32, #tpu.memory_space<hbm>> -> memref<1x400xi32, #tpu.memory_space<hbm>>
        %dma_wait3A_599 = tpu.memref_squeeze %dma_wait3A_598 : memref<1x400xi32, #tpu.memory_space<hbm>> -> memref<400xi32, #tpu.memory_space<hbm>>
        tpu.wait_dma2 semaphore(%arg21 : memref<!tpu.dma_semaphore, #tpu.memory_space<semaphore_mem>>) src(%dma_wait3A_599 : memref<400xi32, #tpu.memory_space<hbm>>) dst(%arg9 : memref<400xi32, #tpu.memory_space<vmem>>)
        %dma_wait3A_600 = arith.constant 1 : i32
        %dma_wait3A_601 = tpu.memref_slice %arg4[%dma_wait3A_600, %multiple_of3A_594] : memref<2x1600000xi32, #tpu.memory_space<hbm>> -> memref<1x400xi32, #tpu.memory_space<hbm>>
        %dma_wait3A_602 = tpu.memref_squeeze %dma_wait3A_601 : memref<1x400xi32, #tpu.memory_space<hbm>> -> memref<400xi32, #tpu.memory_space<hbm>>
        %dma_wait3A_603 = tpu.memref_slice %arg4[%dma_wait3A_600, %multiple_of3A_594] : memref<2x1600000xi32, #tpu.memory_space<hbm>> -> memref<1x400xi32, #tpu.memory_space<hbm>>
        %dma_wait3A_604 = tpu.memref_squeeze %dma_wait3A_603 : memref<1x400xi32, #tpu.memory_space<hbm>> -> memref<400xi32, #tpu.memory_space<hbm>>
        tpu.wait_dma2 semaphore(%arg21 : memref<!tpu.dma_semaphore, #tpu.memory_space<semaphore_mem>>) src(%dma_wait3A_604 : memref<400xi32, #tpu.memory_space<hbm>>) dst(%arg13 : memref<400xi32, #tpu.memory_space<vmem>>)
        %dma_start3A_605 = arith.constant 0 : i32
        %dma_start3A_606 = arith.constant 0 : i32
        %dma_start3A_607 = tpu.memref_slice %arg7[%arg0, %dma_start3A_605, %dma_start3A_606] : memref<2x100000x16xf32, #tpu.memory_space<hbm>> -> memref<1x100000x16xf32, #tpu.memory_space<hbm>>
        %dma_start3A_608 = tpu.memref_squeeze %dma_start3A_607 : memref<1x100000x16xf32, #tpu.memory_space<hbm>> -> memref<100000x16xf32, #tpu.memory_space<hbm>>
        %dma_start3A_609 = arith.constant 0 : i32
        %dma_start3A_610 = arith.constant 0 : i32
        %dma_start3A_611 = tpu.memref_slice %dma_start3A_608[%dma_start3A_609, %dma_start3A_610] : memref<100000x16xf32, #tpu.memory_space<hbm>> -> memref<100000x16xf32, #tpu.memory_space<hbm>>
        tpu.enqueue_indirect_dma source(%dma_start3A_611 : memref<100000x16xf32, #tpu.memory_space<hbm>>) target(%arg17 : memref<400x16xf32, #tpu.memory_space<vmem>>) offsets(%arg9 : memref<400xi32, #tpu.memory_space<vmem>>) semaphore(%arg25 : memref<!tpu.dma_semaphore, #tpu.memory_space<semaphore_mem>>)
      } else {
      }
      %dma_wait3A_578 = arith.constant 0 : i32
      %dma_wait3A_579 = arith.constant 0 : i32
      %dma_wait3A_580 = tpu.memref_slice %arg7[%arg0, %dma_wait3A_578, %dma_wait3A_579] : memref<2x100000x16xf32, #tpu.memory_space<hbm>> -> memref<1x100000x16xf32, #tpu.memory_space<hbm>>
      %dma_wait3A_581 = tpu.memref_squeeze %dma_wait3A_580 : memref<1x100000x16xf32, #tpu.memory_space<hbm>> -> memref<100000x16xf32, #tpu.memory_space<hbm>>
      %dma_wait3A_582 = arith.constant 0 : i32
      %dma_wait3A_583 = arith.constant 0 : i32
      %dma_wait3A_584 = tpu.memref_slice %dma_wait3A_581[%dma_wait3A_582, %dma_wait3A_583] : memref<100000x16xf32, #tpu.memory_space<hbm>> -> memref<100000x16xf32, #tpu.memory_space<hbm>>
      tpu.wait_indirect_dma semaphore(%arg26 : memref<!tpu.dma_semaphore, #tpu.memory_space<semaphore_mem>>) src(%dma_wait3A_584 : memref<100000x16xf32, #tpu.memory_space<hbm>>) dst(%arg18 : memref<400x16xf32, #tpu.memory_space<vmem>>)
      %dma_start3A_585 = arith.constant 0 : i32
      %dma_start3A_586 = arith.constant 0 : i32
      %dma_start3A_587 = tpu.memref_slice %arg8[%dma_start3A_585, %dma_start3A_586] : memref<100000x16xf32, #tpu.memory_space<vmem_shared>> -> memref<100000x16xf32, #tpu.memory_space<vmem_shared>>
      tpu.enqueue_indirect_dma source(%arg18 : memref<400x16xf32, #tpu.memory_space<vmem>>) target(%dma_start3A_587 : memref<100000x16xf32, #tpu.memory_space<vmem_shared>>) offsets(%arg16 : memref<400xi32, #tpu.memory_space<vmem>>) semaphore(%arg28 : memref<!tpu.dma_semaphore, #tpu.memory_space<semaphore_mem>>) {add = true}
      %scan3A_588 = arith.constant 0 : i32
      scf.yield %scan3A_588 : i32
    }
    %scan3A_399 = arith.constant 62 : i32
    %dma_wait3A_400 = arith.constant 0 : i32
    %dma_wait3A_401 = arith.constant 0 : i32
    %dma_wait3A_402 = tpu.memref_slice %arg8[%dma_wait3A_400, %dma_wait3A_401] : memref<100000x16xf32, #tpu.memory_space<vmem_shared>> -> memref<100000x16xf32, #tpu.memory_space<vmem_shared>>
    tpu.wait_indirect_dma semaphore(%arg28 : memref<!tpu.dma_semaphore, #tpu.memory_space<semaphore_mem>>) src(%arg18 : memref<400x16xf32, #tpu.memory_space<vmem>>) dst(%dma_wait3A_402 : memref<100000x16xf32, #tpu.memory_space<vmem_shared>>)
    %add3A_403 = arith.constant 99600 : i32
    %add3A_404 = arith.addi %mul3A_346, %add3A_403 : i32
    %multiple_of3A_405 = tpu.assume_multiple %add3A_404, 8 : i32
    %dma_wait3A_406 = arith.constant 0 : i32
    %dma_wait3A_407 = tpu.memref_slice %arg4[%dma_wait3A_406, %multiple_of3A_405] : memref<2x1600000xi32, #tpu.memory_space<hbm>> -> memref<1x400xi32, #tpu.memory_space<hbm>>
    %dma_wait3A_408 = tpu.memref_squeeze %dma_wait3A_407 : memref<1x400xi32, #tpu.memory_space<hbm>> -> memref<400xi32, #tpu.memory_space<hbm>>
    %dma_wait3A_409 = tpu.memref_slice %arg4[%dma_wait3A_406, %multiple_of3A_405] : memref<2x1600000xi32, #tpu.memory_space<hbm>> -> memref<1x400xi32, #tpu.memory_space<hbm>>
    %dma_wait3A_410 = tpu.memref_squeeze %dma_wait3A_409 : memref<1x400xi32, #tpu.memory_space<hbm>> -> memref<400xi32, #tpu.memory_space<hbm>>
    tpu.wait_dma2 semaphore(%arg22 : memref<!tpu.dma_semaphore, #tpu.memory_space<semaphore_mem>>) src(%dma_wait3A_410 : memref<400xi32, #tpu.memory_space<hbm>>) dst(%arg10 : memref<400xi32, #tpu.memory_space<vmem>>)
    %dma_wait3A_411 = arith.constant 1 : i32
    %dma_wait3A_412 = tpu.memref_slice %arg4[%dma_wait3A_411, %multiple_of3A_405] : memref<2x1600000xi32, #tpu.memory_space<hbm>> -> memref<1x400xi32, #tpu.memory_space<hbm>>
    %dma_wait3A_413 = tpu.memref_squeeze %dma_wait3A_412 : memref<1x400xi32, #tpu.memory_space<hbm>> -> memref<400xi32, #tpu.memory_space<hbm>>
    %dma_wait3A_414 = tpu.memref_slice %arg4[%dma_wait3A_411, %multiple_of3A_405] : memref<2x1600000xi32, #tpu.memory_space<hbm>> -> memref<1x400xi32, #tpu.memory_space<hbm>>
    %dma_wait3A_415 = tpu.memref_squeeze %dma_wait3A_414 : memref<1x400xi32, #tpu.memory_space<hbm>> -> memref<400xi32, #tpu.memory_space<hbm>>
    tpu.wait_dma2 semaphore(%arg22 : memref<!tpu.dma_semaphore, #tpu.memory_space<semaphore_mem>>) src(%dma_wait3A_415 : memref<400xi32, #tpu.memory_space<hbm>>) dst(%arg14 : memref<400xi32, #tpu.memory_space<vmem>>)
    %dma_start3A_416 = arith.constant 0 : i32
    %dma_start3A_417 = arith.constant 0 : i32
    %dma_start3A_418 = tpu.memref_slice %arg7[%arg0, %dma_start3A_416, %dma_start3A_417] : memref<2x100000x16xf32, #tpu.memory_space<hbm>> -> memref<1x100000x16xf32, #tpu.memory_space<hbm>>
    %dma_start3A_419 = tpu.memref_squeeze %dma_start3A_418 : memref<1x100000x16xf32, #tpu.memory_space<hbm>> -> memref<100000x16xf32, #tpu.memory_space<hbm>>
    %dma_start3A_420 = arith.constant 0 : i32
    %dma_start3A_421 = arith.constant 0 : i32
    %dma_start3A_422 = tpu.memref_slice %dma_start3A_419[%dma_start3A_420, %dma_start3A_421] : memref<100000x16xf32, #tpu.memory_space<hbm>> -> memref<100000x16xf32, #tpu.memory_space<hbm>>
    tpu.enqueue_indirect_dma source(%dma_start3A_422 : memref<100000x16xf32, #tpu.memory_space<hbm>>) target(%arg18 : memref<400x16xf32, #tpu.memory_space<vmem>>) offsets(%arg10 : memref<400xi32, #tpu.memory_space<vmem>>) semaphore(%arg26 : memref<!tpu.dma_semaphore, #tpu.memory_space<semaphore_mem>>)
    %dma_wait3A_423 = arith.constant 0 : i32
    %dma_wait3A_424 = arith.constant 0 : i32
    %dma_wait3A_425 = tpu.memref_slice %arg7[%arg0, %dma_wait3A_423, %dma_wait3A_424] : memref<2x100000x16xf32, #tpu.memory_space<hbm>> -> memref<1x100000x16xf32, #tpu.memory_space<hbm>>
    %dma_wait3A_426 = tpu.memref_squeeze %dma_wait3A_425 : memref<1x100000x16xf32, #tpu.memory_space<hbm>> -> memref<100000x16xf32, #tpu.memory_space<hbm>>
    %dma_wait3A_427 = arith.constant 0 : i32
    %dma_wait3A_428 = arith.constant 0 : i32
    %dma_wait3A_429 = tpu.memref_slice %dma_wait3A_426[%dma_wait3A_427, %dma_wait3A_428] : memref<100000x16xf32, #tpu.memory_space<hbm>> -> memref<100000x16xf32, #tpu.memory_space<hbm>>
    tpu.wait_indirect_dma semaphore(%arg25 : memref<!tpu.dma_semaphore, #tpu.memory_space<semaphore_mem>>) src(%dma_wait3A_429 : memref<100000x16xf32, #tpu.memory_space<hbm>>) dst(%arg17 : memref<400x16xf32, #tpu.memory_space<vmem>>)
    %dma_start3A_430 = arith.constant 0 : i32
    %dma_start3A_431 = arith.constant 0 : i32
    %dma_start3A_432 = tpu.memref_slice %arg8[%dma_start3A_430, %dma_start3A_431] : memref<100000x16xf32, #tpu.memory_space<vmem_shared>> -> memref<100000x16xf32, #tpu.memory_space<vmem_shared>>
    tpu.enqueue_indirect_dma source(%arg17 : memref<400x16xf32, #tpu.memory_space<vmem>>) target(%dma_start3A_432 : memref<100000x16xf32, #tpu.memory_space<vmem_shared>>) offsets(%arg13 : memref<400xi32, #tpu.memory_space<vmem>>) semaphore(%arg27 : memref<!tpu.dma_semaphore, #tpu.memory_space<semaphore_mem>>) {add = true}
    %dma_wait3A_433 = arith.constant 0 : i32
    %dma_wait3A_434 = arith.constant 0 : i32
    %dma_wait3A_435 = tpu.memref_slice %arg8[%dma_wait3A_433, %dma_wait3A_434] : memref<100000x16xf32, #tpu.memory_space<vmem_shared>> -> memref<100000x16xf32, #tpu.memory_space<vmem_shared>>
    tpu.wait_indirect_dma semaphore(%arg27 : memref<!tpu.dma_semaphore, #tpu.memory_space<semaphore_mem>>) src(%arg17 : memref<400x16xf32, #tpu.memory_space<vmem>>) dst(%dma_wait3A_435 : memref<100000x16xf32, #tpu.memory_space<vmem_shared>>)
    %dma_wait3A_436 = arith.constant 0 : i32
    %dma_wait3A_437 = arith.constant 0 : i32
    %dma_wait3A_438 = tpu.memref_slice %arg7[%arg0, %dma_wait3A_436, %dma_wait3A_437] : memref<2x100000x16xf32, #tpu.memory_space<hbm>> -> memref<1x100000x16xf32, #tpu.memory_space<hbm>>
    %dma_wait3A_439 = tpu.memref_squeeze %dma_wait3A_438 : memref<1x100000x16xf32, #tpu.memory_space<hbm>> -> memref<100000x16xf32, #tpu.memory_space<hbm>>
    %dma_wait3A_440 = arith.constant 0 : i32
    %dma_wait3A_441 = arith.constant 0 : i32
    %dma_wait3A_442 = tpu.memref_slice %dma_wait3A_439[%dma_wait3A_440, %dma_wait3A_441] : memref<100000x16xf32, #tpu.memory_space<hbm>> -> memref<100000x16xf32, #tpu.memory_space<hbm>>
    tpu.wait_indirect_dma semaphore(%arg26 : memref<!tpu.dma_semaphore, #tpu.memory_space<semaphore_mem>>) src(%dma_wait3A_442 : memref<100000x16xf32, #tpu.memory_space<hbm>>) dst(%arg18 : memref<400x16xf32, #tpu.memory_space<vmem>>)
    %dma_start3A_443 = arith.constant 0 : i32
    %dma_start3A_444 = arith.constant 0 : i32
    %dma_start3A_445 = tpu.memref_slice %arg8[%dma_start3A_443, %dma_start3A_444] : memref<100000x16xf32, #tpu.memory_space<vmem_shared>> -> memref<100000x16xf32, #tpu.memory_space<vmem_shared>>
    tpu.enqueue_indirect_dma source(%arg18 : memref<400x16xf32, #tpu.memory_space<vmem>>) target(%dma_start3A_445 : memref<100000x16xf32, #tpu.memory_space<vmem_shared>>) offsets(%arg14 : memref<400xi32, #tpu.memory_space<vmem>>) semaphore(%arg28 : memref<!tpu.dma_semaphore, #tpu.memory_space<semaphore_mem>>) {add = true}
    %dma_wait3A_446 = arith.constant 0 : i32
    %dma_wait3A_447 = arith.constant 0 : i32
    %dma_wait3A_448 = tpu.memref_slice %arg8[%dma_wait3A_446, %dma_wait3A_447] : memref<100000x16xf32, #tpu.memory_space<vmem_shared>> -> memref<100000x16xf32, #tpu.memory_space<vmem_shared>>
    tpu.wait_indirect_dma semaphore(%arg28 : memref<!tpu.dma_semaphore, #tpu.memory_space<semaphore_mem>>) src(%arg18 : memref<400x16xf32, #tpu.memory_space<vmem>>) dst(%dma_wait3A_448 : memref<100000x16xf32, #tpu.memory_space<vmem_shared>>)
    %barrier3A_449 = arith.constant 0 : index
    tpu.barrier barrier_id(%barrier3A_449)
    %scan3A_450 = arith.constant 0 : i32
    %scan3A_451 = arith.constant 0 : i32
    %scan3A_452 = arith.constant 25 : i32
    %scan3A_453 = arith.addi %scan3A_451, %scan3A_452 : i32
    %scan3A_454 = arith.constant 1 : i32
    %scan3A_455 = scf.for %scan3A_458 = %scan3A_451 to %scan3A_453 step %scan3A_454 iter_args(%scan3A_459 = %scan3A_450) -> (i32)  : i32 {
      %mul3A_460 = arith.constant 250 : i32
      %mul3A_461 = arith.muli %scan3A_458, %mul3A_460 : i32
      %add3A_462 = arith.addi %mul3A_0, %mul3A_461 : i32
      %multiple_of3A_463 = tpu.assume_multiple %add3A_462, 8 : i32
      "tpu.region"() ({
        %run_scoped3A = tpu.sem_alloc : memref<!tpu.dma_semaphore, #tpu.memory_space<semaphore_mem>>
        %dma_start3A_465 = arith.constant 0 : i32
        %dma_start3A_466 = tpu.memref_slice %arg8[%multiple_of3A_463, %dma_start3A_465] : memref<100000x16xf32, #tpu.memory_space<vmem_shared>> -> memref<250x16xf32, #tpu.memory_space<vmem_shared>>
        %dma_start3A_467 = arith.constant 0 : i32
        %dma_start3A_468 = tpu.memref_slice %arg8[%multiple_of3A_463, %dma_start3A_467] : memref<100000x16xf32, #tpu.memory_space<vmem_shared>> -> memref<250x16xf32, #tpu.memory_space<vmem_shared>>
        tpu.enqueue_dma source(%dma_start3A_468 : memref<250x16xf32, #tpu.memory_space<vmem_shared>>) target(%arg19 : memref<250x16xf32, #tpu.memory_space<vmem>>) target_semaphore(%run_scoped3A : memref<!tpu.dma_semaphore, #tpu.memory_space<semaphore_mem>>)
        %dma_wait3A_469 = arith.constant 0 : i32
        %dma_wait3A_470 = tpu.memref_slice %arg8[%multiple_of3A_463, %dma_wait3A_469] : memref<100000x16xf32, #tpu.memory_space<vmem_shared>> -> memref<250x16xf32, #tpu.memory_space<vmem_shared>>
        %dma_wait3A_471 = arith.constant 0 : i32
        %dma_wait3A_472 = tpu.memref_slice %arg8[%multiple_of3A_463, %dma_wait3A_471] : memref<100000x16xf32, #tpu.memory_space<vmem_shared>> -> memref<250x16xf32, #tpu.memory_space<vmem_shared>>
        tpu.wait_dma2 semaphore(%run_scoped3A : memref<!tpu.dma_semaphore, #tpu.memory_space<semaphore_mem>>) src(%dma_wait3A_472 : memref<250x16xf32, #tpu.memory_space<vmem_shared>>) dst(%arg19 : memref<250x16xf32, #tpu.memory_space<vmem>>)
        tpu.yield
      }) : () -> ()
      "tpu.region"() ({
        %run_scoped3A = tpu.sem_alloc : memref<!tpu.dma_semaphore, #tpu.memory_space<semaphore_mem>>
        %dma_start3A_465 = arith.constant 0 : i32
        %dma_start3A_466 = tpu.memref_slice %arg6[%multiple_of3A_463, %arg0, %dma_start3A_465] : memref<100000x2x16xf32, #tpu.memory_space<hbm>> -> memref<250x1x16xf32, #tpu.memory_space<hbm>>
        %dma_start3A_467 = tpu.memref_squeeze %dma_start3A_466 : memref<250x1x16xf32, #tpu.memory_space<hbm>> -> memref<250x16xf32, #tpu.memory_space<hbm>>
        %dma_start3A_468 = arith.constant 0 : i32
        %dma_start3A_469 = tpu.memref_slice %arg6[%multiple_of3A_463, %arg0, %dma_start3A_468] : memref<100000x2x16xf32, #tpu.memory_space<hbm>> -> memref<250x1x16xf32, #tpu.memory_space<hbm>>
        %dma_start3A_470 = tpu.memref_squeeze %dma_start3A_469 : memref<250x1x16xf32, #tpu.memory_space<hbm>> -> memref<250x16xf32, #tpu.memory_space<hbm>>
        tpu.enqueue_dma source(%arg19 : memref<250x16xf32, #tpu.memory_space<vmem>>) target(%dma_start3A_470 : memref<250x16xf32, #tpu.memory_space<hbm>>) target_semaphore(%run_scoped3A : memref<!tpu.dma_semaphore, #tpu.memory_space<semaphore_mem>>)
        %dma_wait3A_471 = arith.constant 0 : i32
        %dma_wait3A_472 = tpu.memref_slice %arg6[%multiple_of3A_463, %arg0, %dma_wait3A_471] : memref<100000x2x16xf32, #tpu.memory_space<hbm>> -> memref<250x1x16xf32, #tpu.memory_space<hbm>>
        %dma_wait3A_473 = tpu.memref_squeeze %dma_wait3A_472 : memref<250x1x16xf32, #tpu.memory_space<hbm>> -> memref<250x16xf32, #tpu.memory_space<hbm>>
        %dma_wait3A_474 = arith.constant 0 : i32
        %dma_wait3A_475 = tpu.memref_slice %arg6[%multiple_of3A_463, %arg0, %dma_wait3A_474] : memref<100000x2x16xf32, #tpu.memory_space<hbm>> -> memref<250x1x16xf32, #tpu.memory_space<hbm>>
        %dma_wait3A_476 = tpu.memref_squeeze %dma_wait3A_475 : memref<250x1x16xf32, #tpu.memory_space<hbm>> -> memref<250x16xf32, #tpu.memory_space<hbm>>
        tpu.wait_dma2 semaphore(%run_scoped3A : memref<!tpu.dma_semaphore, #tpu.memory_space<semaphore_mem>>) src(%arg19 : memref<250x16xf32, #tpu.memory_space<vmem>>) dst(%dma_wait3A_476 : memref<250x16xf32, #tpu.memory_space<hbm>>)
        tpu.yield
      }) : () -> ()
      "tpu.region"() ({
        %run_scoped3A = tpu.sem_alloc : memref<!tpu.dma_semaphore, #tpu.memory_space<semaphore_mem>>
        %dma_start3A_465 = arith.constant 0 : i32
        %dma_start3A_466 = tpu.memref_slice %arg8[%multiple_of3A_463, %dma_start3A_465] : memref<100000x16xf32, #tpu.memory_space<vmem_shared>> -> memref<250x16xf32, #tpu.memory_space<vmem_shared>>
        %dma_start3A_467 = arith.constant 0 : i32
        %dma_start3A_468 = tpu.memref_slice %arg8[%multiple_of3A_463, %dma_start3A_467] : memref<100000x16xf32, #tpu.memory_space<vmem_shared>> -> memref<250x16xf32, #tpu.memory_space<vmem_shared>>
        tpu.enqueue_dma source(%arg20 : memref<250x16xf32, #tpu.memory_space<vmem>>) target(%dma_start3A_468 : memref<250x16xf32, #tpu.memory_space<vmem_shared>>) target_semaphore(%run_scoped3A : memref<!tpu.dma_semaphore, #tpu.memory_space<semaphore_mem>>)
        %dma_wait3A_469 = arith.constant 0 : i32
        %dma_wait3A_470 = tpu.memref_slice %arg8[%multiple_of3A_463, %dma_wait3A_469] : memref<100000x16xf32, #tpu.memory_space<vmem_shared>> -> memref<250x16xf32, #tpu.memory_space<vmem_shared>>
        %dma_wait3A_471 = arith.constant 0 : i32
        %dma_wait3A_472 = tpu.memref_slice %arg8[%multiple_of3A_463, %dma_wait3A_471] : memref<100000x16xf32, #tpu.memory_space<vmem_shared>> -> memref<250x16xf32, #tpu.memory_space<vmem_shared>>
        tpu.wait_dma2 semaphore(%run_scoped3A : memref<!tpu.dma_semaphore, #tpu.memory_space<semaphore_mem>>) src(%arg20 : memref<250x16xf32, #tpu.memory_space<vmem>>) dst(%dma_wait3A_472 : memref<250x16xf32, #tpu.memory_space<vmem_shared>>)
        tpu.yield
      }) : () -> ()
      %scan3A_464 = arith.constant 0 : i32
      scf.yield %scan3A_464 : i32
    }
    %scan3A_456 = arith.constant 25 : i32
    %barrier3A_457 = arith.constant 0 : index
    tpu.barrier barrier_id(%barrier3A_457)
    return
  }
}

</mosaic_0001>

<sc_bundles>
// kernel: kernel.3.cloned.1.call-start
scs
__scs_entry_jumppad:
0x0: {  	(pc) =	sbr.rel $0x88, $3  }
0x1: {  	(tag) =	ssettag $0x0;
	lr =	simm.s32 $0x1  }
0x2: {  	[smem:$0x3F9E] =	sst lr;
	_ =	strace $0xD0000000  }
0x3: {  	_ = 	snop  }
0x4: {  	_ = 	snop  }
0x5: {  	_ = 	snop  }
0x6: {  	_ = 	snop  }
0x7: {  	_ = 	snop  }
__scs_overlays_trampoline_lowered:
0x8: {  	[smem:$0x3FAD] =	sst s0  }
0x9: {  	[smem:$0x3FAE] =	sst s1  }
0xa: {  	[smem:$0x3FAF] =	sst s2  }
0xb: {  	[smem:$0x3FB0] =	sst s3  }
0xc: {  	[smem:$0x3FB1] =	sst s4  }
0xd: {  	[smem:$0x3FB2] =	sst s5  }
0xe: {  	[smem:$0x3FB3] =	sst s6  }
0xf: {  	[smem:$0x3FB4] =	sst s7  }
0x10: {  	[smem:$0x3FB5] =	sst s8  }
0x11: {  	[smem:$0x3FB6] =	sst s9;
	s0 =	simm.s32 @!p0 $0x0  }
0x12: {  	s1 =	sld [smem:$0x3F9C];
	s0 =	simm.s32 @p0 $0x1  }
0x13: {  	[smem:$0x3FB7] =	sst s0;
	s0 =	simm.s32 @!p1 $0x0  }
0x14: {  	s2 =	sld [smem:$0x3F9B];
	s0 =	simm.s32 @p1 $0x1  }
0x15: {  	[smem:$0x3FB8] =	sst s0;
	s0 =	simm.s32 @!p2 $0x0  }
0x16: {  	s3 =	sld [smem:$0x3FDB];
	s0 =	simm.s32 @p2 $0x1  }
0x17: {  	s4 =	simm.s32 $0x1BF5;
	[smem:$0x3FBA] =	sst s0  }
0x18: {  	s0 =	sld [smem:$0x3F9D];
	_ =	swait.ge [sflag:s4], $0x0  }
0x19: {  	s7 =	sld [smem:$0x3F9E]  }
0x1a: {  	s8 =	sadd.s32 $0xFFFFE003, lr  }
0x1b: {  	s9 =	sadd.s32 $0xFFFFFEF7, lr;
	s5 =	simm.s32 $0xFFFFFFFF;
	p2 =	slt.u32 s8, $0xFFFFF086  }
0x1c: {  	p1 =	slt.u32 s9, $0xF7A;
	s5 =	simm.s32 @!p2 $0x0  }
0x1d: {  	s5 =	simm.s32 @p1 $0x1;
	p0 =	seq.s32 s7, s2  }
0x1e: {  	s7 =	smul.u32 @!p0 $0xF7A, s2;
	p2 =	seq.s32 @!p0 s5, $0x0  }
0x1f: {  	s9 =	smul.u32 $0xF7A, s1;
	s8 =	simm.s32 @!p0 $0x1BF5;
	p2 =	por !p2, p0  }
0x20: {  	[sflag:s8] =	ssyncset.s32 @!p0 $0xFFFFF086;
	s6 =	sadd.s32 @!p0 s3, s7;
	s7 =	simm.s32 @!p0 $0x108  }
0x21: {  	s3 =	sadd.s32 s3, s9;
	s6 =	sadd.s32 @!p0 $0x88, s6;
	s7 =	simm.s32 @p2 $0x1082  }
0x22: {  	[simem:s7], [sflag:s8] =	dma.local @!p0 [hbm:s6], $0xF7A  }
0x23: {  	s9 =	sor.u32 $0xD0000000, s2;
	s6 =	simm.s32 $0x108;
	_ =	swait.ge @!p0 [sflag:s8], $0x0  }
0x24: {  	s3 =	sadd.s32 $0x88, s3;
	s6 =	simm.s32 @!p1 $0x1082;
	[sflag:s4] =	ssyncset.s32 $0xFFFFF086  }
0x25: {  	[simem:s6], [sflag:s4] =	dma.local [hbm:s3], $0xF7A  }
0x26: {  	[smem:$0x3F9E] =	sst s1;
	(tag) =	ssettag s2;
	_ =	strace s9  }
0x27: {  	s1 =	sld [smem:$0x3FAE]  }
0x28: {  	s2 =	sld [smem:$0x3FAF]  }
0x29: {  	s4 =	sld [smem:$0x3FB1]  }
0x2a: {  	p0 =	seq.s32 s5, $0x0;
	s5 =	sld [smem:$0x3FB2]  }
0x2b: {  	s6 =	sld [smem:$0x3FB3]  }
0x2c: {  	s7 =	sld [smem:$0x3FB4]  }
0x2d: {  	s3 =	simm.s32 $0x108;
	s8 =	sld [smem:$0x3FB5]  }
0x2e: {  	s3 =	simm.s32 @!p0 $0x1082;
	s9 =	sld [smem:$0x3FB6]  }
0x2f: {  	lr =	sadd.s32 s0, s3;
	s0 =	sld [smem:$0x3FAD]  }
0x30: {  	s3 =	sld [smem:$0x3FB0]  }
0x31: {  	[smem:$0x3FB9] =	sst s10  }
0x32: {  	s10 =	sld [smem:$0x3FB7];
	_ =	sdelay $0x3  }
0x33: {  	p0 =	seq.s32 s10, $0x1;
	s10 =	sld [smem:$0x3FB9];
	_ =	sdelay $0x3  }
0x34: {  	[smem:$0x3FB9] =	sst s10  }
0x35: {  	s10 =	sld [smem:$0x3FB8];
	_ =	sdelay $0x3  }
0x36: {  	p1 =	seq.s32 s10, $0x1;
	s10 =	sld [smem:$0x3FB9];
	_ =	sdelay $0x3  }
0x37: {  	[smem:$0x3FB9] =	sst s10  }
0x38: {  	s10 =	sld [smem:$0x3FBA]  }
0x39: {  	_ = 	snop;
	(pc) =	sbr.ind lr, $3  }
0x3a: {  	_ = 	snop  }
0x3b: {  	_ = 	snop  }
0x3c: {  	p2 =	seq.s32 s10, $0x1;
	s10 =	sld [smem:$0x3FB9]  }
0x3d: {  	_ =	shalt  }
0x3e: {  	_ =	shalt  }
0x3f: {  	_ =	shalt  }
0x40: {  	_ =	shalt  }
0x41: {  	_ =	shalt  }
0x42: {  	_ =	shalt  }
0x43: {  	_ =	shalt  }
0x44: {  	_ =	shalt  }
0x45: {  	_ =	shalt  }
0x46: {  	_ =	shalt  }
0x47: {  	_ =	shalt  }
0x48: {  	_ =	shalt  }
0x49: {  	_ =	shalt  }
0x4a: {  	_ =	shalt  }
0x4b: {  	_ =	shalt  }
0x4c: {  	_ =	shalt  }
0x4d: {  	_ =	shalt  }
0x4e: {  	_ =	shalt  }
0x4f: {  	_ =	shalt  }
0x50: {  	_ =	shalt  }
0x51: {  	_ =	shalt  }
0x52: {  	_ =	shalt  }
0x53: {  	_ =	shalt  }
0x54: {  	_ =	shalt  }
0x55: {  	_ =	shalt  }
0x56: {  	_ =	shalt  }
0x57: {  	_ =	shalt  }
0x58: {  	_ =	shalt  }
0x59: {  	_ =	shalt  }
0x5a: {  	_ =	shalt  }
0x5b: {  	_ =	shalt  }
0x5c: {  	_ =	shalt  }
0x5d: {  	_ =	shalt  }
0x5e: {  	_ =	shalt  }
0x5f: {  	_ =	shalt  }
0x60: {  	_ =	shalt  }
0x61: {  	_ =	shalt  }
0x62: {  	_ =	shalt  }
0x63: {  	_ =	shalt  }
0x64: {  	_ =	shalt  }
0x65: {  	_ =	shalt  }
0x66: {  	_ =	shalt  }
0x67: {  	_ =	shalt  }
0x68: {  	_ =	shalt  }
0x69: {  	_ =	shalt  }
0x6a: {  	_ =	shalt  }
0x6b: {  	_ =	shalt  }
0x6c: {  	_ =	shalt  }
0x6d: {  	_ =	shalt  }
0x6e: {  	_ =	shalt  }
0x6f: {  	_ =	shalt  }
0x70: {  	_ =	shalt  }
0x71: {  	_ =	shalt  }
0x72: {  	_ =	shalt  }
0x73: {  	_ =	shalt  }
0x74: {  	_ =	shalt  }
0x75: {  	_ =	shalt  }
0x76: {  	_ =	shalt  }
0x77: {  	_ =	shalt  }
0x78: {  	_ =	shalt  }
0x79: {  	_ =	shalt  }
0x7a: {  	_ =	shalt  }
0x7b: {  	_ =	shalt  }
0x7c: {  	_ =	shalt  }
0x7d: {  	_ =	shalt  }
0x7e: {  	_ =	shalt  }
0x7f: {  	_ =	shalt  }
0x80: {  	_ =	shalt  }
0x81: {  	_ =	shalt  }
0x82: {  	_ =	shalt  }
0x83: {  	_ =	shalt  }
0x84: {  	_ =	shalt  }
0x85: {  	_ =	shalt  }
0x86: {  	_ =	shalt  }
0x87: {  	_ =	shalt  }
.Lfunc_end0:
.L_simem_size_0:
called_computation_lowered:
.L_overlay_start_0:
0x88: {  	s2 =	sld [smem:$0x3FD9]  }
0x89: {  	s3 =	sld [smem:$0x3FFE];
	_ =	sdelay $0x1  }
0x8a: {  	s1 =	srdreg.scid  }
0x8b: {  	s0 =	sand.u32 $0x1, s1  }
0x8c: {  	s14 =	sshll.u32 s0, $0xA;
	s2 =	sadd.s32 s3, s2  }
0x8d: {  	s2 =	sadd.s32 s2, s14  }
0x8e: {  	[smem:$0x3FC5] =	sst s2  }
0x8f: {  	_ = 	snop  }
0x90: {  	s2 =	sld [smem:$0x3FD0];
	_ =	sdelay $0x2  }
0x91: {  	s15 =	simm.s32 $0xA;
	s4 =	simm.s32 $0x10  }
0x92: {  	[smem:s4], [sflag:s15] =	dma.local [hbm:s2], $0x1  }
0x93: {  	_ =	swait.eq [sflag:s15], $0x1  }
0x94: {  	[sflag:s15] =	ssyncset.done $0x0  }
0x95: {  	s16 =	sld [smem:$0x10];
	[sflag:s15] =	ssyncadd.s32 $0xFFFFFFFF  }
0x96: {  	s17 =	sld [smem:$0x11];
	(tm) =	ssettm $0x1  }
0x97: {  	s18 =	sld [smem:$0x3FFB];
	_ =	sdelay $0x3  }
0x98: {  	_ =	strace s18  }
0x99: {  	s4 =	sld [smem:$0x3FFC];
	_ =	sdelay $0x3  }
0x9a: {  	_ =	strace s4  }
0x9b: {  	s4 =	sld [smem:$0x3FFD];
	_ =	sdelay $0x3  }
0x9c: {  	_ =	strace s4  }
0x9d: {  	_ =	strace $0x8FFFFFFF  }
0x9e: {  	s19 =	sld [smem:$0x3FDB];
	_ =	sdelay $0x1  }
0x9f: {  	s5 =	simm.s32 $_scs_section_size  }
0xa0: {  	s6 =	simm.s32 $_size__tile_overlayer_lowered;
	s7 =	simm.s32 $_tile_overlayer_lowered  }
0xa1: {  	s22 =	simm.s32 $0x1BFF;
	s21 =	sshll.u32 s7, $0x1;
	s4 =	sadd.s32 s5, s19  }
0xa2: {  	s8 =	simm.s32 $0x0;
	s20 =	sshll.u32 s6, $0x1;
	s6 =	sadd.s32 s21, s4  }
0xa3: {  	[timem:s8], [sflag:s22] =	dma.local [hbm:s6], s20  }
0xa4: {  	_ =	swait.ge [sflag:s22], s20  }
0xa5: {  	s5 =	ssub.s32 $0x0, s20;
	[sflag:s22] =	ssyncset.done $0x0  }
0xa6: {  	[sflag:s22] =	ssyncadd.s32 s5;
	_ =	sdelay $0x1  }
0xa7: {  	s23 =	simm.s32 $0x1B8B  }
0xa8: {  	_ =	swait.ge [sflag:s23], $0x1  }
0xa9: {  	[sflag:s23] =	ssyncset.done $0x0  }
0xaa: {  	s25 =	simm.s32 $0x1B8E;
	s24 =	sld [smem:$0x3FFE];
	[sflag:s23] =	ssyncadd.s32 $0xFFFFFFFF  }
0xab: {  	s26 =	simm.s32 $execute0_lowered;
	[smem:$0x3FD2] =	sst s25  }
0xac: {  	s6 =	sshll.u32 s26, $0x1;
	_ =	strace $0x80000046;
	[dreg:$0x1] =	wrdreg $0xFFFFFFFF  }
0xad: {  	s28 =	simm.s32 $_size_execute0_lowered;
	s4 =	sadd.s32 s4, s6;
	[dreg:$0x0] =	wrdreg $0x0  }
0xae: {  	s6 =	sshll.u32 s28, $0x1;
	[dreg:$0x2] =	wrdreg s4  }
0xaf: {  	[dreg:$0x3] =	wrdreg s6  }
0xb0: {  	[dreg:$0x4] =	wrdreg $0xC0  }
0xb1: {  	_ =	task [dreg:s8], $0x5FFFF  }
0xb2: {  	[dreg:$0x1] =	wrdreg $0xFFFFFFFF  }
0xb3: {  	[dreg:$0x0] =	wrdreg $0x60  }
0xb4: {  	[dreg:$0x2] =	wrdreg s17  }
0xb5: {  	[dreg:$0x3] =	wrdreg s16  }
0xb6: {  	[dreg:$0x4] =	wrdreg s24  }
0xb7: {  	[dreg:$0x5] =	wrdreg $0x0  }
0xb8: {  	[dreg:$0x6] =	wrdreg $0x9  }
0xb9: {  	_ =	task.clear_ibuf [dreg:s8], $0x7FFFF;
	_ =	strace $0x90000046  }
0xba: {  	s29 =	simm.s32 $0x9;
	_ =	strace $0x80000048  }
0xbb: {  	_ =	swait.ge [sflag:s29], $0x1  }
0xbc: {  	[sflag:s29] =	ssyncadd.s32 $0xFFFFFFFF  }
0xbd: {  	_ =	strace $0x90000048  }
0xbe: {  	_ =	sfence  }
0xbf: {  	s30 =	sld [smem:$0x0];
	_ =	sdelay $0x2  }
0xc0: {  	s31 =	sshll.u32 s1, $0xD;
	s1 =	sshrl.u32 s1, $0x2  }
0xc1: {  	s3 =	sand.u32 $0x4000, s31;
	s1 =	sadd.s32 s1, s30  }
0xc2: {  	s0 =	sor.u32 s3, s0;
	s1 =	sshll.u32 s1, $0x11  }
0xc3: {  	s0 =	sor.u32 s1, s0  }
0xc4: {  	s0 =	sadd.s32 $0x8F2B, s0  }
0xc5: {  	[sflag:s0] =	ssyncadd.remote.s32 $0x1  }
0xc6: {  	_ =	sfence.sel $0xFFFF  }
0xc7: {  	[dreg:$0x0] =	wrdreg $0xFFFFFFFF;
	(pc) =	sbr.abs _section_cstart, $3  }
0xc8: {  	[dreg:$0x1] =	wrdreg $0xFFFFFFFF  }
0xc9: {  	_ =	task.clear_ibuf [dreg:s8], $0x2FFFF;
	_ =	strace $0x9FFFFFFF  }
0xca: {  	(tm) =	ssettm $0x7FFFFFFF  }
0xcb: {  	_ =	shalt  }
tec
execute0_lowered:
.L_overlay_start_1:
0x0: {  	(tag) =	ssettag $0x1  }
0x1: {  	s14 =	rddreg [dreg:$0x0]  }
0x2: {  	s15 =	rddreg [dreg:$0x1]  }
0x3: {  	s0 =	rddreg [dreg:$0x2];
	s11 =	stileid.u32  }
0x4: {  	s29 =	rddreg [dreg:$0x3];
	s5 =	simm.s32 $0x0;
	s2 =	smul.u32 $0x61A8, s11  }
0x5: {  	s1 =	srdreg.scid;
	s31 =	simm.s32 $0x186A0;
	s12 =	smul.u32 $0x186A0, s11  }
0x6: {  	s4 =	simm.s32 $0x18B50;
	[smem:$0x7FF] =	sst s5;
	s16 =	smul.u32 $0x186A, s11  }
0x7: {  	s7 =	sand.u32 $0x1, s1;
	s6 =	sadd.s32 $0x1C00, s0;
	s21 =	smul.u32 $0x61A80, s11  }
0x8: {  	s11 =	simm.s32 $0x189C0;
	_ =	strace $0x80000047;
	s1 =	smul.u32 $0x30D40, s7  }
0x9: {  	s3 =	ssub.s32 $0x2, s7;
	s22 =	sshll.u32 s7, $0x1;
	v0 =	vmov s7;
	s7 =	simm.s32 $0x0  }
0xa: {  	[dreg:$0x16] =	wrdreg s6;
	s2 =	sadd.s32 s2, s0;
	s13 =	sshrl.u32 s3, $0x1  }
0xb: {  	[dreg:$0x7] =	wrdreg s16;
	s17 =	sshrl.u32 s12, $0x3;
	s30 =	sadd.s32 $0x640, s12  }
0xc: {  	[dreg:$0x5] =	wrdreg s12;
	s0 =	sadd.s32 s1, s0;
	s1 =	ssub.s32 s3, s13  }
0xd: {  	s8 =	sadd.s32 s15, s17;
	s18 =	sadd.s32 $0x30D40, s17;
	s9 =	sadd.s32 $0x32, s17  }
0xe: {  	s20 =	sadd.s32 $0x30D72, s17;
	s3 =	sadd.s32 s6, s17;
	s26 =	sadd.s32 s22, s2  }
0xf: {  	s17 =	simm.s32 $0x2;
	s22 =	simm.s32 $0x8;
	[dreg:$0xc] =	wrdreg s30  }
0x10: {  	[dreg:$0x8] =	wrdreg s8;
	s10 =	sadd.s32 s15, s18;
	s19 =	sadd.s32 s15, s9  }
0x11: {  	s13 =	sadd.s32 s15, s20;
	s16 =	sadd.s32 $0x63800, s0;
	[dreg:$0xe] =	wrdreg s3  }
0x12: {  	s23 =	sadd.s32 s6, s18;
	s24 =	sadd.s32 s6, s9;
	[dreg:$0x9] =	wrdreg s10  }
0x13: {  	s25 =	sadd.s32 s6, s20;
	s0 =	sshrl.u32 s21, $0x2;
	[dreg:$0xa] =	wrdreg s19  }
0x14: {  	s1 =	smax.u32 s1, $0x1;
	s28 =	sadd.s32 $0xC5400, s26;
	[dreg:$0xb] =	wrdreg s13  }
0x15: {  	s9 =	simm.s32 $0x1D4C0;
	s18 =	simm.s32 $0x18830;
	[dreg:$0xf] =	wrdreg s23  }
0x16: {  	s3 =	simm.s32 $0x190;
	s21 =	simm.s32 $0x19320;
	[dreg:$0x10] =	wrdreg s24  }
0x17: {  	s20 =	simm.s32 $0x7;
	s8 =	simm.s32 $0x4;
	[dreg:$0x11] =	wrdreg s25  }
0x18: {  	s13 =	sadd.s32 $0x4B0, s12;
	s12 =	sadd.s32 $0x7D0, s12;
	[dreg:$0x12] =	wrdreg s1  }
0x19: {  	s0 =	sadd.s32 s0, s29;
	[dreg:$0x14] =	wrdreg s28;
	s10 =	simm.s32 $0x18CE0  }
0x1a: {  	s25 =	simm.s32 $0x18E70;
	s19 =	simm.s32 $0x5;
	[dreg:$0xd] =	wrdreg s12  }
0x1b: {  	s23 =	simm.s32 $0x3;
	s24 =	simm.s32 $0x6;
	[dreg:$0x13] =	wrdreg s0  }
0x1c: {  	s0 =	sadd.s32 $0x127000, s26;
	s26 =	simm.s32 $0x9;
	[dreg:$0x6] =	wrdreg s13  }
0x1d: {  	v1 =	vimm.f32 $0.0e+00;
	s12 =	simm.s32 $0x1AC20;
	[dreg:$0x15] =	wrdreg s0;
	s0 =	simm.s32 $0x1  }
.LBB2_1:
0x1e: {  	[dreg:$0x17] =	wrdreg s7;
	s2 =	simm.s32 $0x0  }
.LBB2_2:
0x1f: {  	p0 =	sne.s32 s2, $0x3E40  }
.Ltmp0:
0x20: {  	_ = 	snop;
	(pc) =	sbr.rel @p0 .LBB2_2-.Ltmp0, $3  }
0x21: {  	_ =	sdelay $0x1  }
0x22: {  	s7 =	sshra.s32 s2, $0x2  }
0x23: {  	s2 =	sadd.s32 $0x40, s2;
	[tilespmem:s7+$0x1D4C0] =	vst v1  }
0x24: {  	s7 =	rddreg [dreg:$0x13]  }
0x25: {  	[spmem:s7] =	stream.linear.scatter [tilespmem:s9], [sflag:$0x9], $0xFA0, $0x38;
	[tilespmem:$0x1E460] =	vst v63  }
0x26: {  	_ =	swait.ge [sflag:s26], $0xFA0  }
0x27: {  	s2 =	simm.s32 $0xFA;
	[sflag:s26] =	ssyncset.done $0x0  }
.LBB2_4:
0x28: {  	p0 =	sne.s32 s2, $0x1770;
	[sflag:s26] =	ssyncadd.s32 $0xFFFFF060;
	s7 =	sadd.s32 $0xFA0, s7  }
.Ltmp1:
0x29: {  	s2 =	sadd.s32 $0xFA, s2;
	(pc) =	sbr.rel @p0 .LBB2_4-.Ltmp1, $4  }
0x2a: {  	_ = 	snop  }
0x2b: {  	[spmem:s7] =	stream.linear.scatter [tilespmem:s9], [sflag:$0x9], $0xFA0, $0x38;
	[tilespmem:$0x1E460] =	vst v63  }
0x2c: {  	_ =	swait.ge [sflag:s26], $0xFA0  }
0x2d: {  	[sflag:s26] =	ssyncset.done $0x0  }
0x2e: {  	[sflag:s26] =	ssyncadd.s32 $0xFFFFF060  }
0x2f: {  	[bflag:$0x0] =	sbarrier.arrive $0xFFFF  }
0x30: {  	s2 =	simm.s32 $0x0;
	s7 =	rddreg [dreg:$0x8]  }
0x31: {  	[tilespmem:s31], [sflag:$0x1] =	stream.linear.gather [hbm4b:s7+s2], $0x190, $0x38;
	[tilespmem:$0x1E460] =	vst v63  }
0x32: {  	s9 =	rddreg [dreg:$0x9]  }
0x33: {  	[tilespmem:s10], [sflag:$0x1] =	stream.linear.gather [hbm4b:s9+s2], $0x190, $0x38;
	[tilespmem:$0x1E460] =	vst v63  }
0x34: {  	s13 =	rddreg [dreg:$0xa]  }
0x35: {  	[tilespmem:s18], [sflag:$0x2] =	stream.linear.gather [hbm4b:s13+s2], $0x190, $0x38;
	[tilespmem:$0x1E460] =	vst v63  }
0x36: {  	s28 =	rddreg [dreg:$0xb]  }
0x37: {  	[tilespmem:s25], [sflag:$0x2] =	stream.linear.gather [hbm4b:s28+s2], $0x190, $0x38;
	[tilespmem:$0x1E460] =	vst v63  }
0x38: {  	_ =	swait.ge [sflag:s0], $0x190  }
0x39: {  	[sflag:s0] =	ssyncset.done $0x0  }
0x3a: {  	[sflag:s0] =	ssyncadd.s32 $0xFFFFFE70  }
0x3b: {  	_ =	swait.ge [sflag:s0], $0x190  }
0x3c: {  	[sflag:s0] =	ssyncset.done $0x0  }
0x3d: {  	s7 =	simm.s32 $0x40;
	s2 =	simm.s32 $0x0;
	[sflag:s0] =	ssyncadd.s32 $0xFFFFFE70  }
.LBB2_6:
0x3e: {  	p0 =	sne.s32 s7, $0x600;
	v2 =	vld [tilespmem:s2+$0x186A0];
	_ =	sdelay $0x2  }
.Ltmp2:
0x3f: {  	(pc) =	sbr.rel @p0 .LBB2_6-.Ltmp2, $4  }
0x40: {  	_ = 	snop  }
0x41: {  	v2 =	vshll.u32 v2, $0x1  }
0x42: {  	v2 =	vor.u32 v0, v2  }
0x43: {  	[tilespmem:s2+$0x186A0] =	vst v2;
	s2 =	sshra.s32 s7, $0x2;
	s7 =	sadd.s32 $0x40, s7  }
0x44: {  	v2 =	vld [tilespmem:s2+$0x186A0];
	_ =	sdelay $0x4  }
0x45: {  	v2 =	vshll.u32 v2, $0x1  }
0x46: {  	v2 =	vor.u32 v0, v2  }
0x47: {  	s25 =	simm.s32 $0x0;
	s9 =	simm.s32 $0x19190;
	[tilespmem:s2+$0x186A0] =	vst v2  }
0x48: {  	[tilespmem:s21], [sflag:$0x5] =	stream.indirect.gather [hbm4b:s14+s3], $0x10, s31, s3, $0xb8;
	[tilespmem:$0x1E460] =	vst v63  }
.LBB2_8:
0x49: {  	p0 =	seq.s32 s25, $0x0  }
0x4a: {  	s2 =	smul.u32 @!p0 $0x640, s25  }
0x4b: {  	s13 =	simm.s32 @!p0 $0x8  }
0x4c: {  	_ =	swait.ge @!p0 [sflag:s13], $0x1900;
	s7 =	sadd.s32 @!p0 $0x320, s2  }
0x4d: {  	s28 =	rddreg [dreg:$0x5];
	s7 =	simm.s32 @p0 $0x320  }
0x4e: {  	s7 =	sadd.s32 s28, s7  }
0x4f: {  	s6 =	simm.s32 $0x0;
	[sflag:s13] =	ssyncset.done @!p0 $0x0;
	s7 =	sshrl.u32 s7, $0x3  }
0x50: {  	s1 =	simm.s32 $0x19000;
	[sflag:s13] =	ssyncadd.s32 @!p0 $0xFFFFE700;
	s7 =	sadd.s32 s15, s7  }
0x51: {  	[tilespmem:s11], [sflag:$0x3] =	stream.linear.gather [hbm4b:s7+s6], $0x190, $0x38;
	[tilespmem:$0x1E460] =	vst v63  }
0x52: {  	s2 =	simm.s32 @p0 $0x0;
	s28 =	rddreg [dreg:$0x6];
	s7 =	sadd.s32 $0x30D40, s7  }
0x53: {  	[tilespmem:s1], [sflag:$0x3] =	stream.linear.gather [hbm4b:s7+s6], $0x190, $0x38;
	[tilespmem:$0x1E460] =	vst v63  }
0x54: {  	s7 =	sadd.s32 s2, s28  }
0x55: {  	s7 =	sshrl.u32 s7, $0x3  }
0x56: {  	s7 =	sadd.s32 s15, s7  }
0x57: {  	[tilespmem:s4], [sflag:$0x4] =	stream.linear.gather [hbm4b:s7+s6], $0x190, $0x38;
	[tilespmem:$0x1E460] =	vst v63  }
0x58: {  	s7 =	sadd.s32 $0x30D40, s7  }
0x59: {  	[tilespmem:s9], [sflag:$0x4] =	stream.linear.gather [hbm4b:s7+s6], $0x190, $0x38;
	[tilespmem:$0x1E460] =	vst v63  }
0x5a: {  	_ =	swait.ge [sflag:s17], $0x190  }
0x5b: {  	[sflag:s17] =	ssyncset.done $0x0  }
0x5c: {  	[sflag:s17] =	ssyncadd.s32 $0xFFFFFE70  }
0x5d: {  	_ =	swait.ge [sflag:s17], $0x190  }
0x5e: {  	[sflag:s17] =	ssyncset.done $0x0  }
0x5f: {  	s13 =	simm.s32 $0x40;
	s7 =	simm.s32 $0x0;
	[sflag:s17] =	ssyncadd.s32 $0xFFFFFE70  }
.LBB2_9:
0x60: {  	p0 =	sne.s32 s13, $0x600;
	v2 =	vld [tilespmem:s7+$0x18830];
	_ =	sdelay $0x2  }
.Ltmp3:
0x61: {  	(pc) =	sbr.rel @p0 .LBB2_9-.Ltmp3, $4  }
0x62: {  	_ = 	snop  }
0x63: {  	v2 =	vshll.u32 v2, $0x1  }
0x64: {  	v2 =	vor.u32 v0, v2  }
0x65: {  	[tilespmem:s7+$0x18830] =	vst v2;
	s7 =	sshra.s32 s13, $0x2;
	s13 =	sadd.s32 $0x40, s13  }
0x66: {  	v2 =	vld [tilespmem:s7+$0x18830];
	_ =	sdelay $0x4  }
0x67: {  	v2 =	vshll.u32 v2, $0x1  }
0x68: {  	v2 =	vor.u32 v0, v2  }
0x69: {  	[tilespmem:s7+$0x18830] =	vst v2  }
0x6a: {  	[tilespmem:s12], [sflag:$0x6] =	stream.indirect.gather [hbm4b:s14+s3], $0x10, s18, s3, $0xb8;
	[tilespmem:$0x1E460] =	vst v63  }
0x6b: {  	_ =	swait.ge [sflag:s19], $0x1900  }
0x6c: {  	[sflag:s19] =	ssyncset.done $0x0  }
0x6d: {  	[sflag:s19] =	ssyncadd.s32 $0xFFFFE700  }
0x6e: {  	[spmem:s29] =	stream.indirect.scatter.add.f32 [tilespmem:s21], [sflag:$0x7], $0x10, s10, s3, $0xb8;
	[tilespmem:$0x1E460] =	vst v63  }
0x6f: {  	_ =	swait.ge [sflag:s20], $0x1900  }
0x70: {  	[sflag:s20] =	ssyncset.done $0x0  }
0x71: {  	[sflag:s20] =	ssyncadd.s32 $0xFFFFE700  }
0x72: {  	_ =	swait.ge [sflag:s23], $0x190  }
0x73: {  	[sflag:s23] =	ssyncset.done $0x0  }
0x74: {  	[sflag:s23] =	ssyncadd.s32 $0xFFFFFE70  }
0x75: {  	_ =	swait.ge [sflag:s23], $0x190  }
0x76: {  	s28 =	simm.s32 $0x19000;
	[sflag:s23] =	ssyncset.done $0x0  }
0x77: {  	s13 =	simm.s32 $0x40;
	s7 =	simm.s32 $0x0;
	[sflag:s23] =	ssyncadd.s32 $0xFFFFFE70  }
.LBB2_11:
0x78: {  	p0 =	sne.s32 s13, $0x600;
	v2 =	vld [tilespmem:s7+$0x189C0];
	_ =	sdelay $0x2  }
.Ltmp4:
0x79: {  	(pc) =	sbr.rel @p0 .LBB2_11-.Ltmp4, $4  }
0x7a: {  	_ = 	snop  }
0x7b: {  	v2 =	vshll.u32 v2, $0x1  }
0x7c: {  	v2 =	vor.u32 v0, v2  }
0x7d: {  	[tilespmem:s7+$0x189C0] =	vst v2;
	s7 =	sshra.s32 s13, $0x2;
	s13 =	sadd.s32 $0x40, s13  }
0x7e: {  	v2 =	vld [tilespmem:s7+$0x189C0];
	_ =	sdelay $0x4  }
0x7f: {  	v2 =	vshll.u32 v2, $0x1  }
0x80: {  	v2 =	vor.u32 v0, v2  }
0x81: {  	[tilespmem:s7+$0x189C0] =	vst v2  }
0x82: {  	[tilespmem:s21], [sflag:$0x5] =	stream.indirect.gather [hbm4b:s14+s3], $0x10, s11, s3, $0xb8;
	[tilespmem:$0x1E460] =	vst v63  }
0x83: {  	_ =	swait.ge [sflag:s24], $0x1900  }
0x84: {  	[sflag:s24] =	ssyncset.done $0x0  }
0x85: {  	s11 =	simm.s32 $0x18E70;
	[sflag:s24] =	ssyncadd.s32 $0xFFFFE700  }
0x86: {  	[spmem:s29] =	stream.indirect.scatter.add.f32 [tilespmem:s12], [sflag:$0x8], $0x10, s11, s3, $0xb8;
	[tilespmem:$0x1E460] =	vst v63  }
0x87: {  	s1 =	sadd.s32 s2, s30;
	s13 =	simm.s32 $0x0;
	_ =	swait.ge [sflag:s22], $0x1900  }
0x88: {  	s7 =	sshrl.u32 s1, $0x3;
	[sflag:s22] =	ssyncset.done $0x0;
	s6 =	rddreg [dreg:$0xd]  }
0x89: {  	s7 =	sadd.s32 s15, s7;
	[sflag:s22] =	ssyncadd.s32 $0xFFFFE700;
	s9 =	sadd.s32 s2, s6  }
0x8a: {  	[tilespmem:s31], [sflag:$0x1] =	stream.linear.gather [hbm4b:s7+s13], $0x190, $0x38;
	[tilespmem:$0x1E460] =	vst v63  }
0x8b: {  	s7 =	sadd.s32 $0x30D40, s7;
	s2 =	sshrl.u32 s9, $0x3  }
0x8c: {  	[tilespmem:s10], [sflag:$0x1] =	stream.linear.gather [hbm4b:s7+s13], $0x190, $0x38;
	[tilespmem:$0x1E460] =	vst v63  }
0x8d: {  	s2 =	sadd.s32 s15, s2  }
0x8e: {  	[tilespmem:s18], [sflag:$0x2] =	stream.linear.gather [hbm4b:s2+s13], $0x190, $0x38;
	[tilespmem:$0x1E460] =	vst v63  }
0x8f: {  	s2 =	sadd.s32 $0x30D40, s2  }
0x90: {  	[tilespmem:s11], [sflag:$0x2] =	stream.linear.gather [hbm4b:s2+s13], $0x190, $0x38;
	[tilespmem:$0x1E460] =	vst v63  }
0x91: {  	_ =	swait.ge [sflag:s8], $0x190  }
0x92: {  	[sflag:s8] =	ssyncset.done $0x0  }
0x93: {  	[sflag:s8] =	ssyncadd.s32 $0xFFFFFE70  }
0x94: {  	_ =	swait.ge [sflag:s8], $0x190  }
0x95: {  	s1 =	simm.s32 $0x18E70;
	[sflag:s8] =	ssyncset.done $0x0  }
0x96: {  	s7 =	simm.s32 $0x40;
	s2 =	simm.s32 $0x0;
	[sflag:s8] =	ssyncadd.s32 $0xFFFFFE70  }
.LBB2_13:
0x97: {  	p0 =	sne.s32 s7, $0x600;
	v2 =	vld [tilespmem:s2+$0x18B50];
	_ =	sdelay $0x2  }
.Ltmp5:
0x98: {  	(pc) =	sbr.rel @p0 .LBB2_13-.Ltmp5, $4  }
0x99: {  	_ = 	snop  }
0x9a: {  	v2 =	vshll.u32 v2, $0x1  }
0x9b: {  	v2 =	vor.u32 v0, v2  }
0x9c: {  	[tilespmem:s2+$0x18B50] =	vst v2;
	s2 =	sshra.s32 s7, $0x2;
	s7 =	sadd.s32 $0x40, s7  }
0x9d: {  	v2 =	vld [tilespmem:s2+$0x18B50];
	_ =	sdelay $0x4  }
0x9e: {  	v2 =	vshll.u32 v2, $0x1  }
0x9f: {  	v2 =	vor.u32 v0, v2  }
0xa0: {  	[tilespmem:s2+$0x18B50] =	vst v2  }
0xa1: {  	[tilespmem:s12], [sflag:$0x6] =	stream.indirect.gather [hbm4b:s14+s3], $0x10, s4, s3, $0xb8;
	[tilespmem:$0x1E460] =	vst v63  }
0xa2: {  	_ =	swait.ge [sflag:s19], $0x1900  }
0xa3: {  	[sflag:s19] =	ssyncset.done $0x0  }
0xa4: {  	[sflag:s19] =	ssyncadd.s32 $0xFFFFE700  }
0xa5: {  	[spmem:s29] =	stream.indirect.scatter.add.f32 [tilespmem:s21], [sflag:$0x7], $0x10, s28, s3, $0xb8;
	[tilespmem:$0x1E460] =	vst v63  }
0xa6: {  	_ =	swait.ge [sflag:s20], $0x1900  }
0xa7: {  	[sflag:s20] =	ssyncset.done $0x0  }
0xa8: {  	[sflag:s20] =	ssyncadd.s32 $0xFFFFE700  }
0xa9: {  	_ =	swait.ge [sflag:s0], $0x190  }
0xaa: {  	[sflag:s0] =	ssyncset.done $0x0  }
0xab: {  	[sflag:s0] =	ssyncadd.s32 $0xFFFFFE70  }
0xac: {  	_ =	swait.ge [sflag:s0], $0x190  }
0xad: {  	s7 =	simm.s32 $0x40;
	[sflag:s0] =	ssyncset.done $0x0  }
0xae: {  	s11 =	simm.s32 $0x19190;
	s2 =	simm.s32 $0x0;
	[sflag:s0] =	ssyncadd.s32 $0xFFFFFE70  }
.LBB2_15:
0xaf: {  	p0 =	sne.s32 s7, $0x600;
	v2 =	vld [tilespmem:s2+$0x186A0];
	_ =	sdelay $0x2  }
.Ltmp6:
0xb0: {  	(pc) =	sbr.rel @p0 .LBB2_15-.Ltmp6, $4  }
0xb1: {  	_ = 	snop  }
0xb2: {  	v2 =	vshll.u32 v2, $0x1  }
0xb3: {  	v2 =	vor.u32 v0, v2  }
0xb4: {  	[tilespmem:s2+$0x186A0] =	vst v2;
	s2 =	sshra.s32 s7, $0x2;
	s7 =	sadd.s32 $0x40, s7  }
0xb5: {  	v2 =	vld [tilespmem:s2+$0x186A0];
	_ =	sdelay $0x4  }
0xb6: {  	v2 =	vshll.u32 v2, $0x1  }
0xb7: {  	s25 =	sadd.s32 $0x1, s25;
	v2 =	vor.u32 v0, v2  }
0xb8: {  	p0 =	sne.s32 s25, $0x3E;
	[tilespmem:s2+$0x186A0] =	vst v2  }
0xb9: {  	[tilespmem:s21], [sflag:$0x5] =	stream.indirect.gather [hbm4b:s14+s3], $0x10, s31, s3, $0xb8;
	[tilespmem:$0x1E460] =	vst v63  }
.Ltmp7:
0xba: {  	_ =	swait.ge [sflag:s24], $0x1900;
	(pc) =	sbr.rel @p0 .LBB2_8-.Ltmp7, $4  }
0xbb: {  	[sflag:s24] =	ssyncset.done $0x0  }
0xbc: {  	[sflag:s24] =	ssyncadd.s32 $0xFFFFE700  }
0xbd: {  	[spmem:s29] =	stream.indirect.scatter.add.f32 [tilespmem:s12], [sflag:$0x8], $0x10, s11, s3, $0xb8;
	[tilespmem:$0x1E460] =	vst v63  }
0xbe: {  	s9 =	simm.s32 $0x19190;
	s11 =	simm.s32 $0x189C0  }
0xbf: {  	_ =	swait.ge [sflag:s22], $0x1900  }
0xc0: {  	[sflag:s22] =	ssyncset.done $0x0  }
0xc1: {  	[sflag:s22] =	ssyncadd.s32 $0xFFFFE700  }
0xc2: {  	_ =	swait.ge [sflag:s17], $0x190  }
0xc3: {  	[sflag:s17] =	ssyncset.done $0x0  }
0xc4: {  	[sflag:s17] =	ssyncadd.s32 $0xFFFFFE70  }
0xc5: {  	_ =	swait.ge [sflag:s17], $0x190  }
0xc6: {  	[sflag:s17] =	ssyncset.done $0x0  }
0xc7: {  	s2 =	simm.s32 $0x0;
	s7 =	simm.s32 $0x40;
	[sflag:s17] =	ssyncadd.s32 $0xFFFFFE70  }
.LBB2_18:
0xc8: {  	p0 =	sne.s32 s7, $0x600;
	v2 =	vld [tilespmem:s2+$0x18830];
	_ =	sdelay $0x2  }
.Ltmp8:
0xc9: {  	(pc) =	sbr.rel @p0 .LBB2_18-.Ltmp8, $4  }
0xca: {  	_ = 	snop  }
0xcb: {  	v2 =	vshll.u32 v2, $0x1  }
0xcc: {  	v2 =	vor.u32 v0, v2  }
0xcd: {  	[tilespmem:s2+$0x18830] =	vst v2;
	s2 =	sshra.s32 s7, $0x2;
	s7 =	sadd.s32 $0x40, s7  }
0xce: {  	v2 =	vld [tilespmem:s2+$0x18830];
	_ =	sdelay $0x4  }
0xcf: {  	v2 =	vshll.u32 v2, $0x1  }
0xd0: {  	v2 =	vor.u32 v0, v2  }
0xd1: {  	[tilespmem:s2+$0x18830] =	vst v2  }
0xd2: {  	[tilespmem:s12], [sflag:$0x6] =	stream.indirect.gather [hbm4b:s14+s3], $0x10, s18, s3, $0xb8;
	[tilespmem:$0x1E460] =	vst v63  }
0xd3: {  	_ =	swait.ge [sflag:s19], $0x1900  }
0xd4: {  	[sflag:s19] =	ssyncset.done $0x0  }
0xd5: {  	[sflag:s19] =	ssyncadd.s32 $0xFFFFE700  }
0xd6: {  	[spmem:s29] =	stream.indirect.scatter.add.f32 [tilespmem:s21], [sflag:$0x7], $0x10, s10, s3, $0xb8;
	[tilespmem:$0x1E460] =	vst v63  }
0xd7: {  	_ =	swait.ge [sflag:s20], $0x1900  }
0xd8: {  	[sflag:s20] =	ssyncset.done $0x0  }
0xd9: {  	[sflag:s20] =	ssyncadd.s32 $0xFFFFE700  }
0xda: {  	_ =	swait.ge [sflag:s24], $0x1900  }
0xdb: {  	[sflag:s24] =	ssyncset.done $0x0  }
0xdc: {  	[sflag:s24] =	ssyncadd.s32 $0xFFFFE700  }
0xdd: {  	[spmem:s29] =	stream.indirect.scatter.add.f32 [tilespmem:s12], [sflag:$0x8], $0x10, s1, s3, $0xb8;
	[tilespmem:$0x1E460] =	vst v63  }
0xde: {  	_ =	swait.ge [sflag:s22], $0x1900  }
0xdf: {  	[sflag:s22] =	ssyncset.done $0x0  }
0xe0: {  	[sflag:s22] =	ssyncadd.s32 $0xFFFFE700  }
0xe1: {  	[bflag:$0x0] =	sbarrier.arrive $0xFFFF  }
0xe2: {  	s4 =	simm.s32 $0x1C520;
	s2 =	simm.s32 $0x0;
	s1 =	rddreg [dreg:$0x7]  }
.LBB2_20:
0xe3: {  	s7 =	smul.u32 $0xFA, s2;
	_ =	sdelay $0x1  }
0xe4: {  	s13 =	sadd.s32 s1, s7  }
0xe5: {  	s7 =	sshll.u32 s13, $0x4  }
0xe6: {  	s7 =	sand.u32 $0x3FFFFFF0, s7  }
0xe7: {  	s7 =	sadd.s32 s7, s29  }
0xe8: {  	[tilespmem:s4], [sflag:$0x9] =	stream.linear.gather [spmem:s7], $0xFA0, $0x38;
	[tilespmem:$0x1E460] =	vst v63  }
0xe9: {  	_ =	swait.ge [sflag:s26], $0xFA0  }
0xea: {  	[sflag:s26] =	ssyncset.done $0x0  }
0xeb: {  	s25 =	simm.s32 $0x0;
	s14 =	simm.s32 $0x40;
	[sflag:s26] =	ssyncadd.s32 $0xFFFFF060  }
.LBB2_21:
0xec: {  	p0 =	sne.s32 s14, $0x3E40;
	v2 =	vld [tilespmem:s25+$0x1C520];
	_ =	sdelay $0x1  }
.Ltmp9:
0xed: {  	(pc) =	sbr.rel @p0 .LBB2_21-.Ltmp9, $3  }
0xee: {  	_ =	sdelay $0x1  }
0xef: {  	v2 =	vmax.f32 v2, $0.0e+00  }
0xf0: {  	[tilespmem:s25+$0x1C520] =	vst v2;
	s25 =	sshra.s32 s14, $0x2;
	s14 =	sadd.s32 $0x40, s14  }
0xf1: {  	v2 =	vld [tilespmem:s25+$0x1C520];
	_ =	sdelay $0x4  }
0xf2: {  	s13 =	sshll.u32 s13, $0x1;
	v2 =	vmax.f32 v2, $0.0e+00  }
0xf3: {  	s4 =	simm.s32 $0x1C520;
	s13 =	sadd.s32 s13, s16;
	[tilespmem:s25+$0x1C520] =	vst v2  }
0xf4: {  	[hbm4b:s13+s5] =	stream.linear.scatter [tilespmem:s4], [sflag:$0x9], $0xFA0, $0x38;
	[tilespmem:$0x1E460] =	vst v63  }
0xf5: {  	s2 =	sadd.s32 $0x1, s2;
	_ =	swait.ge [sflag:s26], $0xFA0  }
0xf6: {  	p0 =	sne.s32 s2, $0x19;
	[sflag:s26] =	ssyncset.done $0x0  }
.Ltmp10:
0xf7: {  	s9 =	simm.s32 $0x1D4C0;
	[sflag:s26] =	ssyncadd.s32 $0xFFFFF060;
	(pc) =	sbr.rel @p0 .LBB2_20-.Ltmp10, $4  }
0xf8: {  	[spmem:s7] =	stream.linear.scatter [tilespmem:s9], [sflag:$0x9], $0xFA0, $0x38;
	[tilespmem:$0x1E460] =	vst v63  }
0xf9: {  	_ =	swait.ge [sflag:s26], $0xFA0  }
0xfa: {  	[sflag:s26] =	ssyncset.done $0x0  }
0xfb: {  	[sflag:s26] =	ssyncadd.s32 $0xFFFFF060  }
0xfc: {  	[bflag:$0x0] =	sbarrier.arrive $0xFFFF  }
0xfd: {  	s2 =	simm.s32 $0x0;
	s7 =	rddreg [dreg:$0x8]  }
0xfe: {  	[tilespmem:s31], [sflag:$0x1] =	stream.linear.gather [hbm4b:s7+s2], $0x190, $0x38;
	[tilespmem:$0x1E460] =	vst v63  }
0xff: {  	s13 =	rddreg [dreg:$0x9]  }
0x100: {  	[tilespmem:s10], [sflag:$0x1] =	stream.linear.gather [hbm4b:s13+s2], $0x190, $0x38;
	[tilespmem:$0x1E460] =	vst v63  }
0x101: {  	s14 =	rddreg [dreg:$0xa]  }
0x102: {  	[tilespmem:s18], [sflag:$0x2] =	stream.linear.gather [hbm4b:s14+s2], $0x190, $0x38;
	[tilespmem:$0x1E460] =	vst v63  }
0x103: {  	s9 =	simm.s32 $0x18E70;
	s18 =	rddreg [dreg:$0xb]  }
0x104: {  	[tilespmem:s9], [sflag:$0x2] =	stream.linear.gather [hbm4b:s18+s2], $0x190, $0x38;
	[tilespmem:$0x1E460] =	vst v63  }
0x105: {  	_ =	swait.ge [sflag:s0], $0x190  }
0x106: {  	[sflag:s0] =	ssyncset.done $0x0  }
0x107: {  	p0 =	por $0x1, $0x1;
	[sflag:s0] =	ssyncadd.s32 $0xFFFFFE70  }
0x108: {  	s7 =	simm.s32 @!p0 $0x320;
	_ =	swait.ge [sflag:s0], $0x190  }
0x109: {  	s7 =	simm.s32 @p0 $0x320;
	[sflag:s0] =	ssyncset.done $0x0  }
0x10a: {  	s13 =	simm.s32 @!p0 $0x8;
	s1 =	rddreg [dreg:$0x5];
	[sflag:s0] =	ssyncadd.s32 $0xFFFFFE70  }
0x10b: {  	[tilespmem:s21], [sflag:$0x5] =	stream.indirect.gather [hbm4b:s16+s3], $0x10, s31, s3, $0xb8;
	[tilespmem:$0x1E460] =	vst v63  }
0x10c: {  	s7 =	sadd.s32 s1, s7;
	_ =	swait.ge @!p0 [sflag:s13], $0x1900  }
0x10d: {  	s2 =	simm.s32 @p0 $0x0;
	s7 =	sshrl.u32 s7, $0x3;
	[sflag:s13] =	ssyncset.done @!p0 $0x0  }
0x10e: {  	s7 =	sadd.s32 s15, s7;
	s22 =	rddreg [dreg:$0x6];
	[sflag:s13] =	ssyncadd.s32 @!p0 $0xFFFFE700  }
0x10f: {  	[tilespmem:s11], [sflag:$0x3] =	stream.linear.gather [hbm4b:s7+s5], $0x190, $0x38;
	[tilespmem:$0x1E460] =	vst v63  }
0x110: {  	s25 =	sadd.s32 s2, s22;
	s7 =	sadd.s32 $0x30D40, s7  }
0x111: {  	[tilespmem:s28], [sflag:$0x3] =	stream.linear.gather [hbm4b:s7+s5], $0x190, $0x38;
	[tilespmem:$0x1E460] =	vst v63  }
0x112: {  	s28 =	sshrl.u32 s25, $0x3  }
0x113: {  	s4 =	simm.s32 $0x18B50;
	s7 =	sadd.s32 s15, s28  }
0x114: {  	[tilespmem:s4], [sflag:$0x4] =	stream.linear.gather [hbm4b:s7+s5], $0x190, $0x38;
	[tilespmem:$0x1E460] =	vst v63  }
0x115: {  	s30 =	smov.u32 s1;
	s1 =	simm.s32 $0x19190;
	s7 =	sadd.s32 $0x30D40, s7  }
0x116: {  	[tilespmem:s1], [sflag:$0x4] =	stream.linear.gather [hbm4b:s7+s5], $0x190, $0x38;
	[tilespmem:$0x1E460] =	vst v63  }
0x117: {  	_ =	swait.ge [sflag:s17], $0x190  }
0x118: {  	[sflag:s17] =	ssyncset.done $0x0  }
0x119: {  	[sflag:s17] =	ssyncadd.s32 $0xFFFFFE70  }
0x11a: {  	_ =	swait.ge [sflag:s17], $0x190  }
0x11b: {  	[sflag:s17] =	ssyncset.done $0x0  }
0x11c: {  	s6 =	simm.s32 $0x18830;
	[sflag:s17] =	ssyncadd.s32 $0xFFFFFE70  }
0x11d: {  	[tilespmem:s12], [sflag:$0x6] =	stream.indirect.gather [hbm4b:s16+s3], $0x10, s6, s3, $0xb8;
	[tilespmem:$0x1E460] =	vst v63  }
0x11e: {  	_ =	swait.ge [sflag:s19], $0x1900  }
0x11f: {  	[sflag:s19] =	ssyncset.done $0x0  }
0x120: {  	s18 =	simm.s32 $0x19320;
	[sflag:s19] =	ssyncadd.s32 $0xFFFFE700  }
0x121: {  	[spmem:s29] =	stream.indirect.scatter.add.f32 [tilespmem:s18], [sflag:$0x7], $0x10, s10, s3, $0xb8;
	[tilespmem:$0x1E460] =	vst v63  }
0x122: {  	_ =	swait.ge [sflag:s20], $0x1900  }
0x123: {  	[sflag:s20] =	ssyncset.done $0x0  }
0x124: {  	[sflag:s20] =	ssyncadd.s32 $0xFFFFE700  }
0x125: {  	_ =	swait.ge [sflag:s23], $0x190  }
0x126: {  	[sflag:s23] =	ssyncset.done $0x0  }
0x127: {  	[sflag:s23] =	ssyncadd.s32 $0xFFFFFE70  }
0x128: {  	_ =	swait.ge [sflag:s23], $0x190  }
0x129: {  	[sflag:s23] =	ssyncset.done $0x0  }
0x12a: {  	[sflag:s23] =	ssyncadd.s32 $0xFFFFFE70  }
0x12b: {  	[tilespmem:s18], [sflag:$0x5] =	stream.indirect.gather [hbm4b:s16+s3], $0x10, s11, s3, $0xb8;
	[tilespmem:$0x1E460] =	vst v63  }
0x12c: {  	_ =	swait.ge [sflag:s24], $0x1900  }
0x12d: {  	[sflag:s24] =	ssyncset.done $0x0  }
0x12e: {  	s31 =	simm.s32 $0x8;
	s22 =	rddreg [dreg:$0xc];
	[sflag:s24] =	ssyncadd.s32 $0xFFFFE700  }
0x12f: {  	[spmem:s29] =	stream.indirect.scatter.add.f32 [tilespmem:s12], [sflag:$0x8], $0x10, s9, s3, $0xb8;
	[tilespmem:$0x1E460] =	vst v63  }
0x130: {  	s10 =	simm.s32 $0x186A0;
	s7 =	sadd.s32 s2, s22;
	_ =	swait.ge [sflag:s31], $0x1900  }
0x131: {  	s7 =	sshrl.u32 s7, $0x3;
	[sflag:s31] =	ssyncset.done $0x0;
	s28 =	rddreg [dreg:$0xd]  }
0x132: {  	s7 =	sadd.s32 s15, s7;
	s2 =	sadd.s32 s2, s28;
	[sflag:s31] =	ssyncadd.s32 $0xFFFFE700  }
0x133: {  	[tilespmem:s10], [sflag:$0x1] =	stream.linear.gather [hbm4b:s7+s5], $0x190, $0x38;
	[tilespmem:$0x1E460] =	vst v63  }
0x134: {  	s14 =	simm.s32 $0x18CE0;
	s2 =	sshrl.u32 s2, $0x3;
	s7 =	sadd.s32 $0x30D40, s7  }
0x135: {  	[tilespmem:s14], [sflag:$0x1] =	stream.linear.gather [hbm4b:s7+s5], $0x190, $0x38;
	[tilespmem:$0x1E460] =	vst v63  }
0x136: {  	s25 =	simm.s32 $0x18830;
	s2 =	sadd.s32 s15, s2  }
0x137: {  	[tilespmem:s25], [sflag:$0x2] =	stream.linear.gather [hbm4b:s2+s5], $0x190, $0x38;
	[tilespmem:$0x1E460] =	vst v63  }
0x138: {  	s12 =	simm.s32 $0x18E70;
	s2 =	sadd.s32 $0x30D40, s2  }
0x139: {  	[tilespmem:s12], [sflag:$0x2] =	stream.linear.gather [hbm4b:s2+s5], $0x190, $0x38;
	[tilespmem:$0x1E460] =	vst v63  }
0x13a: {  	_ =	swait.ge [sflag:s8], $0x190  }
0x13b: {  	[sflag:s8] =	ssyncset.done $0x0  }
0x13c: {  	[sflag:s8] =	ssyncadd.s32 $0xFFFFFE70  }
0x13d: {  	_ =	swait.ge [sflag:s8], $0x190  }
0x13e: {  	[sflag:s8] =	ssyncset.done $0x0  }
0x13f: {  	s9 =	simm.s32 $0x1AC20;
	[sflag:s8] =	ssyncadd.s32 $0xFFFFFE70  }
0x140: {  	[tilespmem:s9], [sflag:$0x6] =	stream.indirect.gather [hbm4b:s16+s3], $0x10, s4, s3, $0xb8;
	[tilespmem:$0x1E460] =	vst v63  }
0x141: {  	_ =	swait.ge [sflag:s19], $0x1900  }
0x142: {  	[sflag:s19] =	ssyncset.done $0x0  }
0x143: {  	s1 =	simm.s32 $0x19000;
	[sflag:s19] =	ssyncadd.s32 $0xFFFFE700  }
0x144: {  	[spmem:s29] =	stream.indirect.scatter.add.f32 [tilespmem:s18], [sflag:$0x7], $0x10, s1, s3, $0xb8;
	[tilespmem:$0x1E460] =	vst v63  }
0x145: {  	_ =	swait.ge [sflag:s20], $0x1900  }
0x146: {  	[sflag:s20] =	ssyncset.done $0x0  }
0x147: {  	[sflag:s20] =	ssyncadd.s32 $0xFFFFE700  }
0x148: {  	_ =	swait.ge [sflag:s0], $0x190  }
0x149: {  	[sflag:s0] =	ssyncset.done $0x0  }
0x14a: {  	p1 =	por $0x0, $0x0;
	[sflag:s0] =	ssyncadd.s32 $0xFFFFFE70  }
0x14b: {  	s11 =	simm.s32 $0x189C0;
	s21 =	smov.u32 s22;
	_ =	swait.ge [sflag:s0], $0x190  }
0x14c: {  	s22 =	smov.u32 s28;
	s7 =	simm.s32 @!p1 $0x960;
	[sflag:s0] =	ssyncset.done $0x0  }
0x14d: {  	s25 =	simm.s32 $0x640;
	s2 =	simm.s32 $0xC80;
	[sflag:s0] =	ssyncadd.s32 $0xFFFFFE70  }
.LBB2_24:
0x14e: {  	s6 =	simm.s32 $0x186A0  }
0x14f: {  	[tilespmem:s18], [sflag:$0x5] =	stream.indirect.gather [hbm4b:s16+s3], $0x10, s6, s3, $0xb8;
	[tilespmem:$0x1E460] =	vst v63  }
0x150: {  	_ =	swait.ge [sflag:s24], $0x1900  }
0x151: {  	s7 =	simm.s32 @p1 $0x320;
	[sflag:s24] =	ssyncset.done $0x0  }
0x152: {  	s14 =	simm.s32 @!p1 $0x8;
	s12 =	simm.s32 $0x19190;
	[sflag:s24] =	ssyncadd.s32 $0xFFFFE700  }
0x153: {  	[spmem:s29] =	stream.indirect.scatter.add.f32 [tilespmem:s9], [sflag:$0x8], $0x10, s12, s3, $0xb8;
	[tilespmem:$0x1E460] =	vst v63  }
0x154: {  	s13 =	smov.u32 s2;
	s7 =	sadd.s32 s30, s7;
	_ =	swait.ge @!p1 [sflag:s14], $0x1900  }
0x155: {  	s28 =	smov.u32 s15;
	s7 =	sshrl.u32 s7, $0x3;
	[sflag:s14] =	ssyncset.done @!p1 $0x0  }
0x156: {  	s7 =	sadd.s32 s15, s7;
	[sflag:s14] =	ssyncadd.s32 @!p1 $0xFFFFE700;
	s14 =	smov.u32 s25  }
0x157: {  	s10 =	sadd.s32 $0x30D40, s7;
	s1 =	rddreg [dreg:$0x6];
	s14 =	simm.s32 @p1 $0x0  }
0x158: {  	[tilespmem:s11], [sflag:$0x3] =	stream.linear.gather [hbm4b:s7+s5], $0x190, $0x38;
	[tilespmem:$0x1E460] =	vst v63  }
0x159: {  	s25 =	smov.u32 s13;
	s13 =	sadd.s32 s14, s1;
	s1 =	simm.s32 $0x19000  }
0x15a: {  	[tilespmem:s1], [sflag:$0x3] =	stream.linear.gather [hbm4b:s10+s5], $0x190, $0x38;
	[tilespmem:$0x1E460] =	vst v63  }
0x15b: {  	s4 =	sadd.s32 s14, s21;
	s14 =	sadd.s32 s14, s22;
	s10 =	sshrl.u32 s13, $0x3  }
0x15c: {  	s13 =	sshrl.u32 s4, $0x3;
	s4 =	sadd.s32 s28, s10;
	s10 =	simm.s32 $0x18B50  }
0x15d: {  	[tilespmem:s10], [sflag:$0x4] =	stream.linear.gather [hbm4b:s4+s5], $0x190, $0x38;
	[tilespmem:$0x1E460] =	vst v63  }
0x15e: {  	s7 =	sshrl.u32 s14, $0x3;
	s14 =	sadd.s32 $0x30D40, s4  }
0x15f: {  	[tilespmem:s12], [sflag:$0x4] =	stream.linear.gather [hbm4b:s14+s5], $0x190, $0x38;
	[tilespmem:$0x1E460] =	vst v63  }
0x160: {  	_ =	swait.ge [sflag:s17], $0x190  }
0x161: {  	[sflag:s17] =	ssyncset.done $0x0  }
0x162: {  	[sflag:s17] =	ssyncadd.s32 $0xFFFFFE70  }
0x163: {  	_ =	swait.ge [sflag:s17], $0x190  }
0x164: {  	[sflag:s17] =	ssyncset.done $0x0  }
0x165: {  	s4 =	simm.s32 $0x18830;
	[sflag:s17] =	ssyncadd.s32 $0xFFFFFE70  }
0x166: {  	[tilespmem:s9], [sflag:$0x6] =	stream.indirect.gather [hbm4b:s16+s3], $0x10, s4, s3, $0xb8;
	[tilespmem:$0x1E460] =	vst v63  }
0x167: {  	_ =	swait.ge [sflag:s19], $0x1900  }
0x168: {  	[sflag:s19] =	ssyncset.done $0x0  }
0x169: {  	s14 =	simm.s32 $0x18CE0;
	[sflag:s19] =	ssyncadd.s32 $0xFFFFE700  }
0x16a: {  	[spmem:s29] =	stream.indirect.scatter.add.f32 [tilespmem:s18], [sflag:$0x7], $0x10, s14, s3, $0xb8;
	[tilespmem:$0x1E460] =	vst v63  }
0x16b: {  	_ =	swait.ge [sflag:s20], $0x1900  }
0x16c: {  	[sflag:s20] =	ssyncset.done $0x0  }
0x16d: {  	[sflag:s20] =	ssyncadd.s32 $0xFFFFE700  }
0x16e: {  	_ =	swait.ge [sflag:s23], $0x190  }
0x16f: {  	[sflag:s23] =	ssyncset.done $0x0  }
0x170: {  	[sflag:s23] =	ssyncadd.s32 $0xFFFFFE70  }
0x171: {  	_ =	swait.ge [sflag:s23], $0x190  }
0x172: {  	[sflag:s23] =	ssyncset.done $0x0  }
0x173: {  	[sflag:s23] =	ssyncadd.s32 $0xFFFFFE70  }
0x174: {  	[tilespmem:s18], [sflag:$0x5] =	stream.indirect.gather [hbm4b:s16+s3], $0x10, s11, s3, $0xb8;
	[tilespmem:$0x1E460] =	vst v63  }
0x175: {  	_ =	swait.ge [sflag:s24], $0x1900  }
0x176: {  	[sflag:s24] =	ssyncset.done $0x0  }
0x177: {  	s12 =	simm.s32 $0x18E70;
	[sflag:s24] =	ssyncadd.s32 $0xFFFFE700  }
0x178: {  	[spmem:s29] =	stream.indirect.scatter.add.f32 [tilespmem:s9], [sflag:$0x8], $0x10, s12, s3, $0xb8;
	[tilespmem:$0x1E460] =	vst v63  }
0x179: {  	_ =	swait.ge [sflag:s31], $0x1900  }
0x17a: {  	[sflag:s31] =	ssyncset.done $0x0  }
0x17b: {  	s13 =	sadd.s32 s28, s13;
	[sflag:s31] =	ssyncadd.s32 $0xFFFFE700  }
0x17c: {  	[tilespmem:s6], [sflag:$0x1] =	stream.linear.gather [hbm4b:s13+s5], $0x190, $0x38;
	[tilespmem:$0x1E460] =	vst v63  }
0x17d: {  	s13 =	sadd.s32 $0x30D40, s13  }
0x17e: {  	[tilespmem:s14], [sflag:$0x1] =	stream.linear.gather [hbm4b:s13+s5], $0x190, $0x38;
	[tilespmem:$0x1E460] =	vst v63  }
0x17f: {  	s7 =	sadd.s32 s28, s7  }
0x180: {  	[tilespmem:s4], [sflag:$0x2] =	stream.linear.gather [hbm4b:s7+s5], $0x190, $0x38;
	[tilespmem:$0x1E460] =	vst v63  }
0x181: {  	s7 =	sadd.s32 $0x30D40, s7  }
0x182: {  	[tilespmem:s12], [sflag:$0x2] =	stream.linear.gather [hbm4b:s7+s5], $0x190, $0x38;
	[tilespmem:$0x1E460] =	vst v63  }
0x183: {  	_ =	swait.ge [sflag:s8], $0x190  }
0x184: {  	[sflag:s8] =	ssyncset.done $0x0  }
0x185: {  	[sflag:s8] =	ssyncadd.s32 $0xFFFFFE70  }
0x186: {  	_ =	swait.ge [sflag:s8], $0x190  }
0x187: {  	[sflag:s8] =	ssyncset.done $0x0  }
0x188: {  	[sflag:s8] =	ssyncadd.s32 $0xFFFFFE70  }
0x189: {  	[tilespmem:s9], [sflag:$0x6] =	stream.indirect.gather [hbm4b:s16+s3], $0x10, s10, s3, $0xb8;
	[tilespmem:$0x1E460] =	vst v63  }
0x18a: {  	_ =	swait.ge [sflag:s19], $0x1900  }
0x18b: {  	[sflag:s19] =	ssyncset.done $0x0  }
0x18c: {  	[sflag:s19] =	ssyncadd.s32 $0xFFFFE700  }
0x18d: {  	[spmem:s29] =	stream.indirect.scatter.add.f32 [tilespmem:s18], [sflag:$0x7], $0x10, s1, s3, $0xb8;
	[tilespmem:$0x1E460] =	vst v63  }
0x18e: {  	_ =	swait.ge [sflag:s20], $0x1900  }
0x18f: {  	[sflag:s20] =	ssyncset.done $0x0  }
0x190: {  	s2 =	sadd.s32 $0x640, s2;
	[sflag:s20] =	ssyncadd.s32 $0xFFFFE700  }
0x191: {  	p0 =	sne.s32 s2, $0x18380;
	_ =	swait.ge [sflag:s0], $0x190  }
.Ltmp11:
0x192: {  	[sflag:s0] =	ssyncset.done $0x0;
	(pc) =	sbr.rel @p0 .LBB2_24-.Ltmp11, $4  }
0x193: {  	[sflag:s0] =	ssyncadd.s32 $0xFFFFFE70  }
0x194: {  	_ =	swait.ge [sflag:s0], $0x190  }
0x195: {  	p1 =	seq.s32 s25, $0x0;
	[sflag:s0] =	ssyncset.done $0x0  }
0x196: {  	s15 =	smov.u32 s28;
	s7 =	sadd.s32 @!p1 $0x320, s25;
	[sflag:s0] =	ssyncadd.s32 $0xFFFFFE70  }
0x197: {  	s6 =	simm.s32 $0x186A0  }
0x198: {  	[tilespmem:s18], [sflag:$0x5] =	stream.indirect.gather [hbm4b:s16+s3], $0x10, s6, s3, $0xb8;
	[tilespmem:$0x1E460] =	vst v63  }
0x199: {  	_ =	swait.ge [sflag:s24], $0x1900  }
0x19a: {  	s7 =	simm.s32 @p1 $0x320;
	[sflag:s24] =	ssyncset.done $0x0  }
0x19b: {  	s2 =	simm.s32 @!p1 $0x8;
	s13 =	simm.s32 $0x19190;
	[sflag:s24] =	ssyncadd.s32 $0xFFFFE700  }
0x19c: {  	[spmem:s29] =	stream.indirect.scatter.add.f32 [tilespmem:s9], [sflag:$0x8], $0x10, s13, s3, $0xb8;
	[tilespmem:$0x1E460] =	vst v63  }
0x19d: {  	s25 =	simm.s32 @p1 $0x0;
	s7 =	sadd.s32 s30, s7;
	_ =	swait.ge @!p1 [sflag:s2], $0x1900  }
0x19e: {  	s7 =	sshrl.u32 s7, $0x3;
	[sflag:s2] =	ssyncset.done @!p1 $0x0;
	s1 =	rddreg [dreg:$0x6]  }
0x19f: {  	s7 =	sadd.s32 s15, s7;
	[sflag:s2] =	ssyncadd.s32 @!p1 $0xFFFFE700;
	s1 =	sadd.s32 s25, s1  }
0x1a0: {  	[tilespmem:s11], [sflag:$0x3] =	stream.linear.gather [hbm4b:s7+s5], $0x190, $0x38;
	[tilespmem:$0x1E460] =	vst v63  }
0x1a1: {  	s10 =	simm.s32 $0x19000;
	s14 =	sadd.s32 $0x30D40, s7;
	s4 =	sshrl.u32 s1, $0x3  }
0x1a2: {  	[tilespmem:s10], [sflag:$0x3] =	stream.linear.gather [hbm4b:s14+s5], $0x190, $0x38;
	[tilespmem:$0x1E460] =	vst v63  }
0x1a3: {  	s2 =	sadd.s32 s15, s4;
	s4 =	simm.s32 $0x18B50  }
0x1a4: {  	[tilespmem:s4], [sflag:$0x4] =	stream.linear.gather [hbm4b:s2+s5], $0x190, $0x38;
	[tilespmem:$0x1E460] =	vst v63  }
0x1a5: {  	s2 =	sadd.s32 $0x30D40, s2  }
0x1a6: {  	[tilespmem:s13], [sflag:$0x4] =	stream.linear.gather [hbm4b:s2+s5], $0x190, $0x38;
	[tilespmem:$0x1E460] =	vst v63  }
0x1a7: {  	_ =	swait.ge [sflag:s17], $0x190  }
0x1a8: {  	[sflag:s17] =	ssyncset.done $0x0  }
0x1a9: {  	[sflag:s17] =	ssyncadd.s32 $0xFFFFFE70  }
0x1aa: {  	_ =	swait.ge [sflag:s17], $0x190  }
0x1ab: {  	[sflag:s17] =	ssyncset.done $0x0  }
0x1ac: {  	s14 =	simm.s32 $0x18830;
	[sflag:s17] =	ssyncadd.s32 $0xFFFFFE70  }
0x1ad: {  	[tilespmem:s9], [sflag:$0x6] =	stream.indirect.gather [hbm4b:s16+s3], $0x10, s14, s3, $0xb8;
	[tilespmem:$0x1E460] =	vst v63  }
0x1ae: {  	_ =	swait.ge [sflag:s19], $0x1900  }
0x1af: {  	[sflag:s19] =	ssyncset.done $0x0  }
0x1b0: {  	s12 =	simm.s32 $0x18CE0;
	[sflag:s19] =	ssyncadd.s32 $0xFFFFE700  }
0x1b1: {  	[spmem:s29] =	stream.indirect.scatter.add.f32 [tilespmem:s18], [sflag:$0x7], $0x10, s12, s3, $0xb8;
	[tilespmem:$0x1E460] =	vst v63  }
0x1b2: {  	_ =	swait.ge [sflag:s20], $0x1900  }
0x1b3: {  	[sflag:s20] =	ssyncset.done $0x0  }
0x1b4: {  	[sflag:s20] =	ssyncadd.s32 $0xFFFFE700  }
0x1b5: {  	_ =	swait.ge [sflag:s23], $0x190  }
0x1b6: {  	[sflag:s23] =	ssyncset.done $0x0  }
0x1b7: {  	[sflag:s23] =	ssyncadd.s32 $0xFFFFFE70  }
0x1b8: {  	_ =	swait.ge [sflag:s23], $0x190  }
0x1b9: {  	[sflag:s23] =	ssyncset.done $0x0  }
0x1ba: {  	[sflag:s23] =	ssyncadd.s32 $0xFFFFFE70  }
0x1bb: {  	[tilespmem:s18], [sflag:$0x5] =	stream.indirect.gather [hbm4b:s16+s3], $0x10, s11, s3, $0xb8;
	[tilespmem:$0x1E460] =	vst v63  }
0x1bc: {  	_ =	swait.ge [sflag:s24], $0x1900  }
0x1bd: {  	[sflag:s24] =	ssyncset.done $0x0  }
0x1be: {  	s1 =	simm.s32 $0x18E70;
	[sflag:s24] =	ssyncadd.s32 $0xFFFFE700  }
0x1bf: {  	[spmem:s29] =	stream.indirect.scatter.add.f32 [tilespmem:s9], [sflag:$0x8], $0x10, s1, s3, $0xb8;
	[tilespmem:$0x1E460] =	vst v63  }
0x1c0: {  	s7 =	sadd.s32 s25, s21;
	_ =	swait.ge [sflag:s31], $0x1900  }
0x1c1: {  	s2 =	sshrl.u32 s7, $0x3;
	[sflag:s31] =	ssyncset.done $0x0  }
0x1c2: {  	s2 =	sadd.s32 s15, s2;
	s11 =	sadd.s32 s25, s22;
	[sflag:s31] =	ssyncadd.s32 $0xFFFFE700  }
0x1c3: {  	[tilespmem:s6], [sflag:$0x1] =	stream.linear.gather [hbm4b:s2+s5], $0x190, $0x38;
	[tilespmem:$0x1E460] =	vst v63  }
0x1c4: {  	s7 =	sshrl.u32 s11, $0x3;
	s2 =	sadd.s32 $0x30D40, s2  }
0x1c5: {  	[tilespmem:s12], [sflag:$0x1] =	stream.linear.gather [hbm4b:s2+s5], $0x190, $0x38;
	[tilespmem:$0x1E460] =	vst v63  }
0x1c6: {  	s25 =	sadd.s32 s15, s7  }
0x1c7: {  	[tilespmem:s14], [sflag:$0x2] =	stream.linear.gather [hbm4b:s25+s5], $0x190, $0x38;
	[tilespmem:$0x1E460] =	vst v63  }
0x1c8: {  	s2 =	sadd.s32 $0x30D40, s25  }
0x1c9: {  	[tilespmem:s1], [sflag:$0x2] =	stream.linear.gather [hbm4b:s2+s5], $0x190, $0x38;
	[tilespmem:$0x1E460] =	vst v63  }
0x1ca: {  	_ =	swait.ge [sflag:s8], $0x190  }
0x1cb: {  	[sflag:s8] =	ssyncset.done $0x0  }
0x1cc: {  	[sflag:s8] =	ssyncadd.s32 $0xFFFFFE70  }
0x1cd: {  	_ =	swait.ge [sflag:s8], $0x190  }
0x1ce: {  	[sflag:s8] =	ssyncset.done $0x0  }
0x1cf: {  	[sflag:s8] =	ssyncadd.s32 $0xFFFFFE70  }
0x1d0: {  	[tilespmem:s9], [sflag:$0x6] =	stream.indirect.gather [hbm4b:s16+s3], $0x10, s4, s3, $0xb8;
	[tilespmem:$0x1E460] =	vst v63  }
0x1d1: {  	_ =	swait.ge [sflag:s19], $0x1900  }
0x1d2: {  	[sflag:s19] =	ssyncset.done $0x0  }
0x1d3: {  	[sflag:s19] =	ssyncadd.s32 $0xFFFFE700  }
0x1d4: {  	[spmem:s29] =	stream.indirect.scatter.add.f32 [tilespmem:s18], [sflag:$0x7], $0x10, s10, s3, $0xb8;
	[tilespmem:$0x1E460] =	vst v63  }
0x1d5: {  	_ =	swait.ge [sflag:s20], $0x1900  }
0x1d6: {  	[sflag:s20] =	ssyncset.done $0x0  }
0x1d7: {  	[sflag:s20] =	ssyncadd.s32 $0xFFFFE700  }
0x1d8: {  	_ =	swait.ge [sflag:s0], $0x190  }
0x1d9: {  	[sflag:s0] =	ssyncset.done $0x0  }
0x1da: {  	[sflag:s0] =	ssyncadd.s32 $0xFFFFFE70  }
0x1db: {  	_ =	swait.ge [sflag:s0], $0x190  }
0x1dc: {  	[sflag:s0] =	ssyncset.done $0x0  }
0x1dd: {  	[sflag:s0] =	ssyncadd.s32 $0xFFFFFE70  }
0x1de: {  	[tilespmem:s18], [sflag:$0x5] =	stream.indirect.gather [hbm4b:s16+s3], $0x10, s6, s3, $0xb8;
	[tilespmem:$0x1E460] =	vst v63  }
0x1df: {  	_ =	swait.ge [sflag:s24], $0x1900  }
0x1e0: {  	[sflag:s24] =	ssyncset.done $0x0  }
0x1e1: {  	[sflag:s24] =	ssyncadd.s32 $0xFFFFE700  }
0x1e2: {  	[spmem:s29] =	stream.indirect.scatter.add.f32 [tilespmem:s9], [sflag:$0x8], $0x10, s13, s3, $0xb8;
	[tilespmem:$0x1E460] =	vst v63  }
0x1e3: {  	_ =	swait.ge [sflag:s31], $0x1900  }
0x1e4: {  	[sflag:s31] =	ssyncset.done $0x0  }
0x1e5: {  	[sflag:s31] =	ssyncadd.s32 $0xFFFFE700  }
0x1e6: {  	_ =	swait.ge [sflag:s17], $0x190  }
0x1e7: {  	[sflag:s17] =	ssyncset.done $0x0  }
0x1e8: {  	[sflag:s17] =	ssyncadd.s32 $0xFFFFFE70  }
0x1e9: {  	_ =	swait.ge [sflag:s17], $0x190  }
0x1ea: {  	[sflag:s17] =	ssyncset.done $0x0  }
0x1eb: {  	[sflag:s17] =	ssyncadd.s32 $0xFFFFFE70  }
0x1ec: {  	[tilespmem:s9], [sflag:$0x6] =	stream.indirect.gather [hbm4b:s16+s3], $0x10, s14, s3, $0xb8;
	[tilespmem:$0x1E460] =	vst v63  }
0x1ed: {  	_ =	swait.ge [sflag:s19], $0x1900  }
0x1ee: {  	[sflag:s19] =	ssyncset.done $0x0  }
0x1ef: {  	[sflag:s19] =	ssyncadd.s32 $0xFFFFE700  }
0x1f0: {  	[spmem:s29] =	stream.indirect.scatter.add.f32 [tilespmem:s18], [sflag:$0x7], $0x10, s12, s3, $0xb8;
	[tilespmem:$0x1E460] =	vst v63  }
0x1f1: {  	_ =	swait.ge [sflag:s20], $0x1900  }
0x1f2: {  	[sflag:s20] =	ssyncset.done $0x0  }
0x1f3: {  	[sflag:s20] =	ssyncadd.s32 $0xFFFFE700  }
0x1f4: {  	_ =	swait.ge [sflag:s24], $0x1900  }
0x1f5: {  	[sflag:s24] =	ssyncset.done $0x0  }
0x1f6: {  	[sflag:s24] =	ssyncadd.s32 $0xFFFFE700  }
0x1f7: {  	[spmem:s29] =	stream.indirect.scatter.add.f32 [tilespmem:s9], [sflag:$0x8], $0x10, s1, s3, $0xb8;
	[tilespmem:$0x1E460] =	vst v63  }
0x1f8: {  	_ =	swait.ge [sflag:s31], $0x1900  }
0x1f9: {  	[sflag:s31] =	ssyncset.done $0x0  }
0x1fa: {  	[sflag:s31] =	ssyncadd.s32 $0xFFFFE700  }
0x1fb: {  	[bflag:$0x0] =	sbarrier.arrive $0xFFFF  }
0x1fc: {  	s1 =	simm.s32 $0x1C520;
	s13 =	rddreg [dreg:$0x13]  }
0x1fd: {  	[tilespmem:s1], [sflag:$0x9] =	stream.linear.gather [spmem:s13], $0xFA0, $0x38;
	[tilespmem:$0x1E460] =	vst v63  }
0x1fe: {  	_ =	swait.ge [sflag:s26], $0xFA0  }
0x1ff: {  	s30 =	simm.s32 $0x186A0;
	s15 =	simm.s32 $0x20;
	[sflag:s26] =	ssyncset.done $0x0  }
0x200: {  	s6 =	simm.s32 $0x10;
	s7 =	rddreg [dreg:$0x14];
	[sflag:s26] =	ssyncadd.s32 $0xFFFFF060  }
0x201: {  	[hbm4b:s7+s6] =	stream.strided.scatter [tilespmem:s1], [sflag:$0x9], $0xFA0, s15, s6, $0x38;
	[tilespmem:$0x1E460] =	vst v63  }
0x202: {  	s11 =	simm.s32 $0x8;
	s2 =	simm.s32 $0xFA;
	_ =	swait.ge [sflag:s26], $0xFA0  }
0x203: {  	s4 =	simm.s32 $0x18B50;
	s10 =	simm.s32 $0x18CE0;
	[sflag:s26] =	ssyncset.done $0x0  }
0x204: {  	s14 =	simm.s32 $0x1D4C0;
	s18 =	simm.s32 $0x18E70;
	[sflag:s26] =	ssyncadd.s32 $0xFFFFF060  }
0x205: {  	[spmem:s13] =	stream.linear.scatter [tilespmem:s14], [sflag:$0x9], $0xFA0, $0x38;
	[tilespmem:$0x1E460] =	vst v63  }
0x206: {  	s12 =	simm.s32 $0x1AC20;
	s9 =	smov.u32 s22;
	_ =	swait.ge [sflag:s26], $0xFA0  }
0x207: {  	s31 =	smov.u32 s21;
	s21 =	simm.s32 $0x19320;
	[sflag:s26] =	ssyncset.done $0x0  }
.LBB2_26:
0x208: {  	[sflag:s26] =	ssyncadd.s32 $0xFFFFF060;
	s7 =	sadd.s32 $0x3E8, s7;
	s13 =	sadd.s32 $0xFA0, s13  }
0x209: {  	[tilespmem:s1], [sflag:$0x9] =	stream.linear.gather [spmem:s13], $0xFA0, $0x38;
	[tilespmem:$0x1E460] =	vst v63  }
0x20a: {  	p0 =	sne.s32 s2, $0x1770;
	s2 =	sadd.s32 $0xFA, s2;
	_ =	swait.ge [sflag:s26], $0xFA0  }
0x20b: {  	[sflag:s26] =	ssyncset.done $0x0  }
0x20c: {  	[sflag:s26] =	ssyncadd.s32 $0xFFFFF060  }
0x20d: {  	[hbm4b:s7+s6] =	stream.strided.scatter [tilespmem:s1], [sflag:$0x9], $0xFA0, s15, s6, $0x38;
	[tilespmem:$0x1E460] =	vst v63  }
0x20e: {  	_ =	swait.ge [sflag:s26], $0xFA0  }
.Ltmp12:
0x20f: {  	[sflag:s26] =	ssyncset.done $0x0;
	(pc) =	sbr.rel @p0 .LBB2_26-.Ltmp12, $4  }
0x210: {  	[sflag:s26] =	ssyncadd.s32 $0xFFFFF060  }
0x211: {  	[spmem:s13] =	stream.linear.scatter [tilespmem:s14], [sflag:$0x9], $0xFA0, $0x38;
	[tilespmem:$0x1E460] =	vst v63  }
0x212: {  	_ =	swait.ge [sflag:s26], $0xFA0  }
0x213: {  	[sflag:s26] =	ssyncset.done $0x0  }
0x214: {  	[sflag:s26] =	ssyncadd.s32 $0xFFFFF060  }
0x215: {  	[bflag:$0x0] =	sbarrier.arrive $0xFFFF  }
0x216: {  	s2 =	simm.s32 $0x0;
	s7 =	rddreg [dreg:$0xe]  }
0x217: {  	[tilespmem:s30], [sflag:$0x1] =	stream.linear.gather [hbm4b:s7+s2], $0x190, $0x38;
	[tilespmem:$0x1E460] =	vst v63  }
0x218: {  	s15 =	rddreg [dreg:$0xf]  }
0x219: {  	[tilespmem:s10], [sflag:$0x1] =	stream.linear.gather [hbm4b:s15+s2], $0x190, $0x38;
	[tilespmem:$0x1E460] =	vst v63  }
0x21a: {  	s1 =	simm.s32 $0x18830;
	s22 =	rddreg [dreg:$0x10]  }
0x21b: {  	[tilespmem:s1], [sflag:$0x2] =	stream.linear.gather [hbm4b:s22+s2], $0x190, $0x38;
	[tilespmem:$0x1E460] =	vst v63  }
0x21c: {  	s25 =	rddreg [dreg:$0x11]  }
0x21d: {  	[tilespmem:s18], [sflag:$0x2] =	stream.linear.gather [hbm4b:s25+s2], $0x190, $0x38;
	[tilespmem:$0x1E460] =	vst v63  }
0x21e: {  	_ =	swait.ge [sflag:s0], $0x190  }
0x21f: {  	[sflag:s0] =	ssyncset.done $0x0  }
0x220: {  	[sflag:s0] =	ssyncadd.s32 $0xFFFFFE70  }
0x221: {  	_ =	swait.ge [sflag:s0], $0x190  }
0x222: {  	[sflag:s0] =	ssyncset.done $0x0  }
0x223: {  	s6 =	rddreg [dreg:$0x16];
	[sflag:s0] =	ssyncadd.s32 $0xFFFFFE70  }
0x224: {  	s7 =	simm.s32 $0x40;
	s2 =	simm.s32 $0x0;
	s14 =	rddreg [dreg:$0x0]  }
.LBB2_28:
0x225: {  	p0 =	sne.s32 s7, $0x600;
	v2 =	vld [tilespmem:s2+$0x186A0];
	_ =	sdelay $0x2  }
.Ltmp13:
0x226: {  	(pc) =	sbr.rel @p0 .LBB2_28-.Ltmp13, $4  }
0x227: {  	_ = 	snop  }
0x228: {  	v2 =	vshll.u32 v2, $0x1  }
0x229: {  	v2 =	vor.u32 v0, v2  }
0x22a: {  	[tilespmem:s2+$0x186A0] =	vst v2;
	s2 =	sshra.s32 s7, $0x2;
	s7 =	sadd.s32 $0x40, s7  }
0x22b: {  	v2 =	vld [tilespmem:s2+$0x186A0];
	_ =	sdelay $0x4  }
0x22c: {  	v2 =	vshll.u32 v2, $0x1  }
0x22d: {  	s25 =	simm.s32 $0x0;
	s15 =	rddreg [dreg:$0x5];
	v2 =	vor.u32 v0, v2  }
0x22e: {  	s1 =	simm.s32 $0x189C0;
	s18 =	simm.s32 $0x19190;
	s22 =	simm.s32 $0x19000;
	[tilespmem:s2+$0x186A0] =	vst v2  }
0x22f: {  	[tilespmem:s21], [sflag:$0x5] =	stream.indirect.gather [hbm4b:s14+s3], $0x10, s30, s3, $0xb8;
	[tilespmem:$0x1E460] =	vst v63  }
.LBB2_30:
0x230: {  	p0 =	seq.s32 s25, $0x0  }
0x231: {  	s2 =	smul.u32 @!p0 $0x640, s25;
	_ =	sdelay $0x1  }
0x232: {  	s7 =	sadd.s32 @!p0 $0x320, s2  }
0x233: {  	s13 =	simm.s32 @!p0 $0x8;
	s7 =	simm.s32 @p0 $0x320  }
0x234: {  	_ =	swait.ge @!p0 [sflag:s13], $0x1900;
	s7 =	sadd.s32 s15, s7  }
0x235: {  	[sflag:s13] =	ssyncset.done @!p0 $0x0;
	s7 =	sshrl.u32 s7, $0x3  }
0x236: {  	[sflag:s13] =	ssyncadd.s32 @!p0 $0xFFFFE700;
	s13 =	simm.s32 $0x0;
	s7 =	sadd.s32 s6, s7  }
0x237: {  	[tilespmem:s1], [sflag:$0x3] =	stream.linear.gather [hbm4b:s7+s13], $0x190, $0x38;
	[tilespmem:$0x1E460] =	vst v63  }
0x238: {  	s7 =	sadd.s32 $0x30D40, s7  }
0x239: {  	[tilespmem:s22], [sflag:$0x3] =	stream.linear.gather [hbm4b:s7+s13], $0x190, $0x38;
	[tilespmem:$0x1E460] =	vst v63  }
0x23a: {  	s2 =	simm.s32 @p0 $0x0;
	s7 =	rddreg [dreg:$0x6]  }
0x23b: {  	s7 =	sadd.s32 s2, s7  }
0x23c: {  	s7 =	sshrl.u32 s7, $0x3  }
0x23d: {  	s7 =	sadd.s32 s6, s7  }
0x23e: {  	[tilespmem:s4], [sflag:$0x4] =	stream.linear.gather [hbm4b:s7+s13], $0x190, $0x38;
	[tilespmem:$0x1E460] =	vst v63  }
0x23f: {  	s7 =	sadd.s32 $0x30D40, s7  }
0x240: {  	[tilespmem:s18], [sflag:$0x4] =	stream.linear.gather [hbm4b:s7+s13], $0x190, $0x38;
	[tilespmem:$0x1E460] =	vst v63  }
0x241: {  	_ =	swait.ge [sflag:s17], $0x190  }
0x242: {  	[sflag:s17] =	ssyncset.done $0x0  }
0x243: {  	[sflag:s17] =	ssyncadd.s32 $0xFFFFFE70  }
0x244: {  	_ =	swait.ge [sflag:s17], $0x190  }
0x245: {  	[sflag:s17] =	ssyncset.done $0x0  }
0x246: {  	s7 =	simm.s32 $0x0;
	s13 =	simm.s32 $0x40;
	[sflag:s17] =	ssyncadd.s32 $0xFFFFFE70  }
.LBB2_31:
0x247: {  	p0 =	sne.s32 s13, $0x600;
	v2 =	vld [tilespmem:s7+$0x18830];
	_ =	sdelay $0x2  }
.Ltmp14:
0x248: {  	(pc) =	sbr.rel @p0 .LBB2_31-.Ltmp14, $4  }
0x249: {  	_ = 	snop  }
0x24a: {  	v2 =	vshll.u32 v2, $0x1  }
0x24b: {  	v2 =	vor.u32 v0, v2  }
0x24c: {  	[tilespmem:s7+$0x18830] =	vst v2;
	s7 =	sshra.s32 s13, $0x2;
	s13 =	sadd.s32 $0x40, s13  }
0x24d: {  	v2 =	vld [tilespmem:s7+$0x18830];
	_ =	sdelay $0x4  }
0x24e: {  	v2 =	vshll.u32 v2, $0x1  }
0x24f: {  	v2 =	vor.u32 v0, v2  }
0x250: {  	s18 =	simm.s32 $0x18830;
	[tilespmem:s7+$0x18830] =	vst v2  }
0x251: {  	[tilespmem:s12], [sflag:$0x6] =	stream.indirect.gather [hbm4b:s14+s3], $0x10, s18, s3, $0xb8;
	[tilespmem:$0x1E460] =	vst v63  }
0x252: {  	_ =	swait.ge [sflag:s19], $0x1900  }
0x253: {  	[sflag:s19] =	ssyncset.done $0x0  }
0x254: {  	[sflag:s19] =	ssyncadd.s32 $0xFFFFE700  }
0x255: {  	[spmem:s29] =	stream.indirect.scatter.add.f32 [tilespmem:s21], [sflag:$0x7], $0x10, s10, s3, $0xb8;
	[tilespmem:$0x1E460] =	vst v63  }
0x256: {  	_ =	swait.ge [sflag:s20], $0x1900  }
0x257: {  	[sflag:s20] =	ssyncset.done $0x0  }
0x258: {  	[sflag:s20] =	ssyncadd.s32 $0xFFFFE700  }
0x259: {  	_ =	swait.ge [sflag:s23], $0x190  }
0x25a: {  	[sflag:s23] =	ssyncset.done $0x0  }
0x25b: {  	[sflag:s23] =	ssyncadd.s32 $0xFFFFFE70  }
0x25c: {  	_ =	swait.ge [sflag:s23], $0x190  }
0x25d: {  	[sflag:s23] =	ssyncset.done $0x0  }
0x25e: {  	s13 =	simm.s32 $0x40;
	s7 =	simm.s32 $0x0;
	[sflag:s23] =	ssyncadd.s32 $0xFFFFFE70  }
.LBB2_33:
0x25f: {  	p0 =	sne.s32 s13, $0x600;
	v2 =	vld [tilespmem:s7+$0x189C0];
	_ =	sdelay $0x2  }
.Ltmp15:
0x260: {  	(pc) =	sbr.rel @p0 .LBB2_33-.Ltmp15, $4  }
0x261: {  	_ = 	snop  }
0x262: {  	v2 =	vshll.u32 v2, $0x1  }
0x263: {  	v2 =	vor.u32 v0, v2  }
0x264: {  	[tilespmem:s7+$0x189C0] =	vst v2;
	s7 =	sshra.s32 s13, $0x2;
	s13 =	sadd.s32 $0x40, s13  }
0x265: {  	v2 =	vld [tilespmem:s7+$0x189C0];
	_ =	sdelay $0x4  }
0x266: {  	v2 =	vshll.u32 v2, $0x1  }
0x267: {  	v2 =	vor.u32 v0, v2  }
0x268: {  	[tilespmem:s7+$0x189C0] =	vst v2  }
0x269: {  	[tilespmem:s21], [sflag:$0x5] =	stream.indirect.gather [hbm4b:s14+s3], $0x10, s1, s3, $0xb8;
	[tilespmem:$0x1E460] =	vst v63  }
0x26a: {  	_ =	swait.ge [sflag:s24], $0x1900  }
0x26b: {  	[sflag:s24] =	ssyncset.done $0x0  }
0x26c: {  	s18 =	simm.s32 $0x18E70;
	[sflag:s24] =	ssyncadd.s32 $0xFFFFE700  }
0x26d: {  	[spmem:s29] =	stream.indirect.scatter.add.f32 [tilespmem:s12], [sflag:$0x8], $0x10, s18, s3, $0xb8;
	[tilespmem:$0x1E460] =	vst v63  }
0x26e: {  	s13 =	sadd.s32 s2, s31;
	_ =	swait.ge [sflag:s11], $0x1900  }
0x26f: {  	s7 =	sshrl.u32 s13, $0x3;
	[sflag:s11] =	ssyncset.done $0x0  }
0x270: {  	s13 =	simm.s32 $0x0;
	s7 =	sadd.s32 s6, s7;
	[sflag:s11] =	ssyncadd.s32 $0xFFFFE700  }
0x271: {  	[tilespmem:s30], [sflag:$0x1] =	stream.linear.gather [hbm4b:s7+s13], $0x190, $0x38;
	[tilespmem:$0x1E460] =	vst v63  }
0x272: {  	s7 =	sadd.s32 $0x30D40, s7  }
0x273: {  	[tilespmem:s10], [sflag:$0x1] =	stream.linear.gather [hbm4b:s7+s13], $0x190, $0x38;
	[tilespmem:$0x1E460] =	vst v63  }
0x274: {  	s7 =	sadd.s32 s2, s9  }
0x275: {  	s2 =	sshrl.u32 s7, $0x3  }
0x276: {  	s7 =	simm.s32 $0x18830;
	s2 =	sadd.s32 s6, s2  }
0x277: {  	[tilespmem:s7], [sflag:$0x2] =	stream.linear.gather [hbm4b:s2+s13], $0x190, $0x38;
	[tilespmem:$0x1E460] =	vst v63  }
0x278: {  	s2 =	sadd.s32 $0x30D40, s2  }
0x279: {  	[tilespmem:s18], [sflag:$0x2] =	stream.linear.gather [hbm4b:s2+s13], $0x190, $0x38;
	[tilespmem:$0x1E460] =	vst v63  }
0x27a: {  	_ =	swait.ge [sflag:s8], $0x190  }
0x27b: {  	[sflag:s8] =	ssyncset.done $0x0  }
0x27c: {  	[sflag:s8] =	ssyncadd.s32 $0xFFFFFE70  }
0x27d: {  	_ =	swait.ge [sflag:s8], $0x190  }
0x27e: {  	[sflag:s8] =	ssyncset.done $0x0  }
0x27f: {  	s7 =	simm.s32 $0x40;
	s2 =	simm.s32 $0x0;
	[sflag:s8] =	ssyncadd.s32 $0xFFFFFE70  }
.LBB2_35:
0x280: {  	p0 =	sne.s32 s7, $0x600;
	v2 =	vld [tilespmem:s2+$0x18B50];
	_ =	sdelay $0x2  }
.Ltmp16:
0x281: {  	(pc) =	sbr.rel @p0 .LBB2_35-.Ltmp16, $4  }
0x282: {  	_ = 	snop  }
0x283: {  	v2 =	vshll.u32 v2, $0x1  }
0x284: {  	v2 =	vor.u32 v0, v2  }
0x285: {  	[tilespmem:s2+$0x18B50] =	vst v2;
	s2 =	sshra.s32 s7, $0x2;
	s7 =	sadd.s32 $0x40, s7  }
0x286: {  	v2 =	vld [tilespmem:s2+$0x18B50];
	_ =	sdelay $0x4  }
0x287: {  	v2 =	vshll.u32 v2, $0x1  }
0x288: {  	v2 =	vor.u32 v0, v2  }
0x289: {  	[tilespmem:s2+$0x18B50] =	vst v2  }
0x28a: {  	[tilespmem:s12], [sflag:$0x6] =	stream.indirect.gather [hbm4b:s14+s3], $0x10, s4, s3, $0xb8;
	[tilespmem:$0x1E460] =	vst v63  }
0x28b: {  	_ =	swait.ge [sflag:s19], $0x1900  }
0x28c: {  	[sflag:s19] =	ssyncset.done $0x0  }
0x28d: {  	[sflag:s19] =	ssyncadd.s32 $0xFFFFE700  }
0x28e: {  	[spmem:s29] =	stream.indirect.scatter.add.f32 [tilespmem:s21], [sflag:$0x7], $0x10, s22, s3, $0xb8;
	[tilespmem:$0x1E460] =	vst v63  }
0x28f: {  	_ =	swait.ge [sflag:s20], $0x1900  }
0x290: {  	[sflag:s20] =	ssyncset.done $0x0  }
0x291: {  	[sflag:s20] =	ssyncadd.s32 $0xFFFFE700  }
0x292: {  	_ =	swait.ge [sflag:s0], $0x190  }
0x293: {  	[sflag:s0] =	ssyncset.done $0x0  }
0x294: {  	[sflag:s0] =	ssyncadd.s32 $0xFFFFFE70  }
0x295: {  	_ =	swait.ge [sflag:s0], $0x190  }
0x296: {  	[sflag:s0] =	ssyncset.done $0x0  }
0x297: {  	s7 =	simm.s32 $0x40;
	s2 =	simm.s32 $0x0;
	[sflag:s0] =	ssyncadd.s32 $0xFFFFFE70  }
.LBB2_37:
0x298: {  	p0 =	sne.s32 s7, $0x600;
	v2 =	vld [tilespmem:s2+$0x186A0];
	_ =	sdelay $0x2  }
.Ltmp17:
0x299: {  	(pc) =	sbr.rel @p0 .LBB2_37-.Ltmp17, $4  }
0x29a: {  	_ = 	snop  }
0x29b: {  	v2 =	vshll.u32 v2, $0x1  }
0x29c: {  	v2 =	vor.u32 v0, v2  }
0x29d: {  	[tilespmem:s2+$0x186A0] =	vst v2;
	s2 =	sshra.s32 s7, $0x2;
	s7 =	sadd.s32 $0x40, s7  }
0x29e: {  	v2 =	vld [tilespmem:s2+$0x186A0];
	_ =	sdelay $0x4  }
0x29f: {  	v2 =	vshll.u32 v2, $0x1  }
0x2a0: {  	s25 =	sadd.s32 $0x1, s25;
	v2 =	vor.u32 v0, v2  }
0x2a1: {  	p0 =	sne.s32 s25, $0x3E;
	[tilespmem:s2+$0x186A0] =	vst v2  }
0x2a2: {  	[tilespmem:s21], [sflag:$0x5] =	stream.indirect.gather [hbm4b:s14+s3], $0x10, s30, s3, $0xb8;
	[tilespmem:$0x1E460] =	vst v63  }
.Ltmp18:
0x2a3: {  	_ = 	snop;
	(pc) =	sbr.rel @p0 .LBB2_30-.Ltmp18, $4  }
0x2a4: {  	_ =	swait.ge [sflag:s24], $0x1900  }
0x2a5: {  	[sflag:s24] =	ssyncset.done $0x0  }
0x2a6: {  	s18 =	simm.s32 $0x19190;
	[sflag:s24] =	ssyncadd.s32 $0xFFFFE700  }
0x2a7: {  	[spmem:s29] =	stream.indirect.scatter.add.f32 [tilespmem:s12], [sflag:$0x8], $0x10, s18, s3, $0xb8;
	[tilespmem:$0x1E460] =	vst v63  }
0x2a8: {  	_ =	swait.ge [sflag:s11], $0x1900  }
0x2a9: {  	[sflag:s11] =	ssyncset.done $0x0  }
0x2aa: {  	[sflag:s11] =	ssyncadd.s32 $0xFFFFE700  }
0x2ab: {  	_ =	swait.ge [sflag:s17], $0x190  }
0x2ac: {  	[sflag:s17] =	ssyncset.done $0x0  }
0x2ad: {  	[sflag:s17] =	ssyncadd.s32 $0xFFFFFE70  }
0x2ae: {  	_ =	swait.ge [sflag:s17], $0x190  }
0x2af: {  	s2 =	simm.s32 $0x0;
	[sflag:s17] =	ssyncset.done $0x0  }
0x2b0: {  	s7 =	simm.s32 $0x40;
	s4 =	simm.s32 $0x1C520;
	[sflag:s17] =	ssyncadd.s32 $0xFFFFFE70  }
.LBB2_40:
0x2b1: {  	p0 =	sne.s32 s7, $0x600;
	v2 =	vld [tilespmem:s2+$0x18830];
	_ =	sdelay $0x2  }
.Ltmp19:
0x2b2: {  	(pc) =	sbr.rel @p0 .LBB2_40-.Ltmp19, $4  }
0x2b3: {  	_ = 	snop  }
0x2b4: {  	v2 =	vshll.u32 v2, $0x1  }
0x2b5: {  	v2 =	vor.u32 v0, v2  }
0x2b6: {  	[tilespmem:s2+$0x18830] =	vst v2;
	s2 =	sshra.s32 s7, $0x2;
	s7 =	sadd.s32 $0x40, s7  }
0x2b7: {  	v2 =	vld [tilespmem:s2+$0x18830];
	_ =	sdelay $0x4  }
0x2b8: {  	v2 =	vshll.u32 v2, $0x1  }
0x2b9: {  	v2 =	vor.u32 v0, v2  }
0x2ba: {  	s1 =	simm.s32 $0x18830;
	[tilespmem:s2+$0x18830] =	vst v2  }
0x2bb: {  	[tilespmem:s12], [sflag:$0x6] =	stream.indirect.gather [hbm4b:s14+s3], $0x10, s1, s3, $0xb8;
	[tilespmem:$0x1E460] =	vst v63  }
0x2bc: {  	_ =	swait.ge [sflag:s19], $0x1900  }
0x2bd: {  	[sflag:s19] =	ssyncset.done $0x0  }
0x2be: {  	[sflag:s19] =	ssyncadd.s32 $0xFFFFE700  }
0x2bf: {  	[spmem:s29] =	stream.indirect.scatter.add.f32 [tilespmem:s21], [sflag:$0x7], $0x10, s10, s3, $0xb8;
	[tilespmem:$0x1E460] =	vst v63  }
0x2c0: {  	_ =	swait.ge [sflag:s20], $0x1900  }
0x2c1: {  	[sflag:s20] =	ssyncset.done $0x0  }
0x2c2: {  	[sflag:s20] =	ssyncadd.s32 $0xFFFFE700  }
0x2c3: {  	_ =	swait.ge [sflag:s24], $0x1900  }
0x2c4: {  	[sflag:s24] =	ssyncset.done $0x0  }
0x2c5: {  	s31 =	simm.s32 $0x18E70;
	[sflag:s24] =	ssyncadd.s32 $0xFFFFE700  }
0x2c6: {  	[spmem:s29] =	stream.indirect.scatter.add.f32 [tilespmem:s12], [sflag:$0x8], $0x10, s31, s3, $0xb8;
	[tilespmem:$0x1E460] =	vst v63  }
0x2c7: {  	_ =	swait.ge [sflag:s11], $0x1900  }
0x2c8: {  	[sflag:s11] =	ssyncset.done $0x0  }
0x2c9: {  	[sflag:s11] =	ssyncadd.s32 $0xFFFFE700  }
0x2ca: {  	[bflag:$0x0] =	sbarrier.arrive $0xFFFF  }
0x2cb: {  	s9 =	simm.s32 $0x186A0;
	s2 =	simm.s32 $0x0;
	s11 =	rddreg [dreg:$0x7]  }
.LBB2_42:
0x2cc: {  	s7 =	smul.u32 $0xFA, s2;
	_ =	sdelay $0x1  }
0x2cd: {  	s13 =	sadd.s32 s11, s7  }
0x2ce: {  	s7 =	sshll.u32 s13, $0x4  }
0x2cf: {  	s7 =	sand.u32 $0x3FFFFFF0, s7  }
0x2d0: {  	s7 =	sadd.s32 s7, s29  }
0x2d1: {  	[tilespmem:s4], [sflag:$0x9] =	stream.linear.gather [spmem:s7], $0xFA0, $0x38;
	[tilespmem:$0x1E460] =	vst v63  }
0x2d2: {  	_ =	swait.ge [sflag:s26], $0xFA0  }
0x2d3: {  	[sflag:s26] =	ssyncset.done $0x0  }
0x2d4: {  	s25 =	simm.s32 $0x0;
	s14 =	simm.s32 $0x40;
	[sflag:s26] =	ssyncadd.s32 $0xFFFFF060  }
.LBB2_43:
0x2d5: {  	p0 =	sne.s32 s14, $0x3E40;
	v2 =	vld [tilespmem:s25+$0x1C520];
	_ =	sdelay $0x1  }
.Ltmp20:
0x2d6: {  	(pc) =	sbr.rel @p0 .LBB2_43-.Ltmp20, $3  }
0x2d7: {  	_ =	sdelay $0x1  }
0x2d8: {  	v2 =	vmax.f32 v2, $0.0e+00  }
0x2d9: {  	[tilespmem:s25+$0x1C520] =	vst v2;
	s25 =	sshra.s32 s14, $0x2;
	s14 =	sadd.s32 $0x40, s14  }
0x2da: {  	v2 =	vld [tilespmem:s25+$0x1C520];
	_ =	sdelay $0x4  }
0x2db: {  	s13 =	sshll.u32 s13, $0x1;
	v2 =	vmax.f32 v2, $0.0e+00  }
0x2dc: {  	s4 =	simm.s32 $0x1C520;
	s13 =	sadd.s32 s16, s13;
	[tilespmem:s25+$0x1C520] =	vst v2  }
0x2dd: {  	[hbm4b:s13+s5] =	stream.linear.scatter [tilespmem:s4], [sflag:$0x9], $0xFA0, $0x38;
	[tilespmem:$0x1E460] =	vst v63  }
0x2de: {  	s2 =	sadd.s32 $0x1, s2;
	_ =	swait.ge [sflag:s26], $0xFA0  }
0x2df: {  	p0 =	sne.s32 s2, $0x19;
	[sflag:s26] =	ssyncset.done $0x0  }
.Ltmp21:
0x2e0: {  	s10 =	simm.s32 $0x1D4C0;
	[sflag:s26] =	ssyncadd.s32 $0xFFFFF060;
	(pc) =	sbr.rel @p0 .LBB2_42-.Ltmp21, $4  }
0x2e1: {  	[spmem:s7] =	stream.linear.scatter [tilespmem:s10], [sflag:$0x9], $0xFA0, $0x38;
	[tilespmem:$0x1E460] =	vst v63  }
0x2e2: {  	_ =	swait.ge [sflag:s26], $0xFA0  }
0x2e3: {  	[sflag:s26] =	ssyncset.done $0x0  }
0x2e4: {  	[sflag:s26] =	ssyncadd.s32 $0xFFFFF060  }
0x2e5: {  	[bflag:$0x0] =	sbarrier.arrive $0xFFFF  }
0x2e6: {  	s2 =	simm.s32 $0x0;
	s7 =	rddreg [dreg:$0xe]  }
0x2e7: {  	[tilespmem:s9], [sflag:$0x1] =	stream.linear.gather [hbm4b:s7+s2], $0x190, $0x38;
	[tilespmem:$0x1E460] =	vst v63  }
0x2e8: {  	s14 =	simm.s32 $0x18CE0;
	s12 =	rddreg [dreg:$0xf]  }
0x2e9: {  	[tilespmem:s14], [sflag:$0x1] =	stream.linear.gather [hbm4b:s12+s2], $0x190, $0x38;
	[tilespmem:$0x1E460] =	vst v63  }
0x2ea: {  	s1 =	simm.s32 $0x18830;
	s13 =	rddreg [dreg:$0x10]  }
0x2eb: {  	[tilespmem:s1], [sflag:$0x2] =	stream.linear.gather [hbm4b:s13+s2], $0x190, $0x38;
	[tilespmem:$0x1E460] =	vst v63  }
0x2ec: {  	s25 =	simm.s32 $0x18E70;
	s18 =	rddreg [dreg:$0x11]  }
0x2ed: {  	[tilespmem:s25], [sflag:$0x2] =	stream.linear.gather [hbm4b:s18+s2], $0x190, $0x38;
	[tilespmem:$0x1E460] =	vst v63  }
0x2ee: {  	_ =	swait.ge [sflag:s0], $0x190  }
0x2ef: {  	[sflag:s0] =	ssyncset.done $0x0  }
0x2f0: {  	p0 =	por $0x1, $0x1;
	[sflag:s0] =	ssyncadd.s32 $0xFFFFFE70  }
0x2f1: {  	s7 =	simm.s32 @!p0 $0x320;
	_ =	swait.ge [sflag:s0], $0x190  }
0x2f2: {  	s7 =	simm.s32 @p0 $0x320;
	[sflag:s0] =	ssyncset.done $0x0  }
0x2f3: {  	s7 =	sadd.s32 s15, s7;
	s13 =	simm.s32 @!p0 $0x8;
	[sflag:s0] =	ssyncadd.s32 $0xFFFFFE70  }
0x2f4: {  	[tilespmem:s21], [sflag:$0x5] =	stream.indirect.gather [hbm4b:s16+s3], $0x10, s9, s3, $0xb8;
	[tilespmem:$0x1E460] =	vst v63  }
0x2f5: {  	s31 =	simm.s32 $0x189C0;
	s7 =	sshrl.u32 s7, $0x3;
	_ =	swait.ge @!p0 [sflag:s13], $0x1900  }
0x2f6: {  	s2 =	simm.s32 @p0 $0x0;
	[sflag:s13] =	ssyncset.done @!p0 $0x0;
	s12 =	rddreg [dreg:$0x6]  }
0x2f7: {  	s7 =	sadd.s32 s6, s7;
	[sflag:s13] =	ssyncadd.s32 @!p0 $0xFFFFE700;
	s4 =	sadd.s32 s2, s12  }
0x2f8: {  	[tilespmem:s31], [sflag:$0x3] =	stream.linear.gather [hbm4b:s7+s5], $0x190, $0x38;
	[tilespmem:$0x1E460] =	vst v63  }
0x2f9: {  	s7 =	sadd.s32 $0x30D40, s7;
	s9 =	sshrl.u32 s4, $0x3  }
0x2fa: {  	[tilespmem:s22], [sflag:$0x3] =	stream.linear.gather [hbm4b:s7+s5], $0x190, $0x38;
	[tilespmem:$0x1E460] =	vst v63  }
0x2fb: {  	s18 =	simm.s32 $0x18B50;
	s7 =	sadd.s32 s6, s9  }
0x2fc: {  	[tilespmem:s18], [sflag:$0x4] =	stream.linear.gather [hbm4b:s7+s5], $0x190, $0x38;
	[tilespmem:$0x1E460] =	vst v63  }
0x2fd: {  	s4 =	simm.s32 $0x19190;
	s7 =	sadd.s32 $0x30D40, s7  }
0x2fe: {  	[tilespmem:s4], [sflag:$0x4] =	stream.linear.gather [hbm4b:s7+s5], $0x190, $0x38;
	[tilespmem:$0x1E460] =	vst v63  }
0x2ff: {  	_ =	swait.ge [sflag:s17], $0x190  }
0x300: {  	[sflag:s17] =	ssyncset.done $0x0  }
0x301: {  	[sflag:s17] =	ssyncadd.s32 $0xFFFFFE70  }
0x302: {  	_ =	swait.ge [sflag:s17], $0x190  }
0x303: {  	[sflag:s17] =	ssyncset.done $0x0  }
0x304: {  	s25 =	simm.s32 $0x18830;
	s22 =	simm.s32 $0x1AC20;
	[sflag:s17] =	ssyncadd.s32 $0xFFFFFE70  }
0x305: {  	[tilespmem:s22], [sflag:$0x6] =	stream.indirect.gather [hbm4b:s16+s3], $0x10, s25, s3, $0xb8;
	[tilespmem:$0x1E460] =	vst v63  }
0x306: {  	_ =	swait.ge [sflag:s19], $0x1900  }
0x307: {  	[sflag:s19] =	ssyncset.done $0x0  }
0x308: {  	[sflag:s19] =	ssyncadd.s32 $0xFFFFE700  }
0x309: {  	[spmem:s29] =	stream.indirect.scatter.add.f32 [tilespmem:s21], [sflag:$0x7], $0x10, s14, s3, $0xb8;
	[tilespmem:$0x1E460] =	vst v63  }
0x30a: {  	_ =	swait.ge [sflag:s20], $0x1900  }
0x30b: {  	[sflag:s20] =	ssyncset.done $0x0  }
0x30c: {  	[sflag:s20] =	ssyncadd.s32 $0xFFFFE700  }
0x30d: {  	_ =	swait.ge [sflag:s23], $0x190  }
0x30e: {  	[sflag:s23] =	ssyncset.done $0x0  }
0x30f: {  	[sflag:s23] =	ssyncadd.s32 $0xFFFFFE70  }
0x310: {  	_ =	swait.ge [sflag:s23], $0x190  }
0x311: {  	[sflag:s23] =	ssyncset.done $0x0  }
0x312: {  	[sflag:s23] =	ssyncadd.s32 $0xFFFFFE70  }
0x313: {  	[tilespmem:s21], [sflag:$0x5] =	stream.indirect.gather [hbm4b:s16+s3], $0x10, s31, s3, $0xb8;
	[tilespmem:$0x1E460] =	vst v63  }
0x314: {  	_ =	swait.ge [sflag:s24], $0x1900  }
0x315: {  	s11 =	simm.s32 $0x8;
	[sflag:s24] =	ssyncset.done $0x0  }
0x316: {  	s13 =	simm.s32 $0x18E70;
	s31 =	rddreg [dreg:$0xc];
	[sflag:s24] =	ssyncadd.s32 $0xFFFFE700  }
0x317: {  	[spmem:s29] =	stream.indirect.scatter.add.f32 [tilespmem:s22], [sflag:$0x8], $0x10, s13, s3, $0xb8;
	[tilespmem:$0x1E460] =	vst v63  }
0x318: {  	s10 =	simm.s32 $0x186A0;
	s7 =	sadd.s32 s2, s31;
	_ =	swait.ge [sflag:s11], $0x1900  }
0x319: {  	s7 =	sshrl.u32 s7, $0x3;
	[sflag:s11] =	ssyncset.done $0x0;
	s9 =	rddreg [dreg:$0xd]  }
0x31a: {  	s7 =	sadd.s32 s6, s7;
	s2 =	sadd.s32 s2, s9;
	[sflag:s11] =	ssyncadd.s32 $0xFFFFE700  }
0x31b: {  	[tilespmem:s10], [sflag:$0x1] =	stream.linear.gather [hbm4b:s7+s5], $0x190, $0x38;
	[tilespmem:$0x1E460] =	vst v63  }
0x31c: {  	s2 =	sshrl.u32 s2, $0x3;
	s7 =	sadd.s32 $0x30D40, s7  }
0x31d: {  	[tilespmem:s14], [sflag:$0x1] =	stream.linear.gather [hbm4b:s7+s5], $0x190, $0x38;
	[tilespmem:$0x1E460] =	vst v63  }
0x31e: {  	s2 =	sadd.s32 s6, s2  }
0x31f: {  	[tilespmem:s25], [sflag:$0x2] =	stream.linear.gather [hbm4b:s2+s5], $0x190, $0x38;
	[tilespmem:$0x1E460] =	vst v63  }
0x320: {  	s2 =	sadd.s32 $0x30D40, s2  }
0x321: {  	[tilespmem:s13], [sflag:$0x2] =	stream.linear.gather [hbm4b:s2+s5], $0x190, $0x38;
	[tilespmem:$0x1E460] =	vst v63  }
0x322: {  	_ =	swait.ge [sflag:s8], $0x190  }
0x323: {  	[sflag:s8] =	ssyncset.done $0x0  }
0x324: {  	[sflag:s8] =	ssyncadd.s32 $0xFFFFFE70  }
0x325: {  	_ =	swait.ge [sflag:s8], $0x190  }
0x326: {  	[sflag:s8] =	ssyncset.done $0x0  }
0x327: {  	[sflag:s8] =	ssyncadd.s32 $0xFFFFFE70  }
0x328: {  	[tilespmem:s22], [sflag:$0x6] =	stream.indirect.gather [hbm4b:s16+s3], $0x10, s18, s3, $0xb8;
	[tilespmem:$0x1E460] =	vst v63  }
0x329: {  	_ =	swait.ge [sflag:s19], $0x1900  }
0x32a: {  	[sflag:s19] =	ssyncset.done $0x0  }
0x32b: {  	s4 =	simm.s32 $0x19000;
	[sflag:s19] =	ssyncadd.s32 $0xFFFFE700  }
0x32c: {  	[spmem:s29] =	stream.indirect.scatter.add.f32 [tilespmem:s21], [sflag:$0x7], $0x10, s4, s3, $0xb8;
	[tilespmem:$0x1E460] =	vst v63  }
0x32d: {  	_ =	swait.ge [sflag:s20], $0x1900  }
0x32e: {  	[sflag:s20] =	ssyncset.done $0x0  }
0x32f: {  	[sflag:s20] =	ssyncadd.s32 $0xFFFFE700  }
0x330: {  	_ =	swait.ge [sflag:s0], $0x190  }
0x331: {  	[sflag:s0] =	ssyncset.done $0x0  }
0x332: {  	[sflag:s0] =	ssyncadd.s32 $0xFFFFFE70  }
0x333: {  	p1 =	por $0x0, $0x0;
	_ =	swait.ge [sflag:s0], $0x190  }
0x334: {  	s30 =	smov.u32 s31;
	s7 =	simm.s32 @!p1 $0x960;
	[sflag:s0] =	ssyncset.done $0x0  }
0x335: {  	s25 =	simm.s32 $0x640;
	s2 =	simm.s32 $0xC80;
	[sflag:s0] =	ssyncadd.s32 $0xFFFFFE70  }
.LBB2_46:
0x336: {  	s1 =	simm.s32 $0x186A0  }
0x337: {  	[tilespmem:s21], [sflag:$0x5] =	stream.indirect.gather [hbm4b:s16+s3], $0x10, s1, s3, $0xb8;
	[tilespmem:$0x1E460] =	vst v63  }
0x338: {  	_ =	swait.ge [sflag:s24], $0x1900  }
0x339: {  	[sflag:s24] =	ssyncset.done $0x0  }
0x33a: {  	s14 =	simm.s32 @!p1 $0x8;
	s4 =	simm.s32 $0x19190;
	[sflag:s24] =	ssyncadd.s32 $0xFFFFE700  }
0x33b: {  	[spmem:s29] =	stream.indirect.scatter.add.f32 [tilespmem:s22], [sflag:$0x8], $0x10, s4, s3, $0xb8;
	[tilespmem:$0x1E460] =	vst v63  }
0x33c: {  	s13 =	smov.u32 s2;
	s7 =	simm.s32 @p1 $0x320;
	_ =	swait.ge @!p1 [sflag:s14], $0x1900  }
0x33d: {  	s31 =	simm.s32 $0x189C0;
	s7 =	sadd.s32 s15, s7;
	[sflag:s14] =	ssyncset.done @!p1 $0x0  }
0x33e: {  	s7 =	sshrl.u32 s7, $0x3;
	[sflag:s14] =	ssyncadd.s32 @!p1 $0xFFFFE700;
	s14 =	smov.u32 s25  }
0x33f: {  	s10 =	simm.s32 $0x19000;
	s7 =	sadd.s32 s6, s7;
	s14 =	simm.s32 @p1 $0x0  }
0x340: {  	[tilespmem:s31], [sflag:$0x3] =	stream.linear.gather [hbm4b:s7+s5], $0x190, $0x38;
	[tilespmem:$0x1E460] =	vst v63  }
0x341: {  	s15 =	sadd.s32 $0x30D40, s7;
	s25 =	smov.u32 s13;
	s18 =	sadd.s32 s14, s12  }
0x342: {  	[tilespmem:s10], [sflag:$0x3] =	stream.linear.gather [hbm4b:s15+s5], $0x190, $0x38;
	[tilespmem:$0x1E460] =	vst v63  }
0x343: {  	s13 =	sadd.s32 s14, s30;
	s14 =	sadd.s32 s14, s9;
	s18 =	sshrl.u32 s18, $0x3  }
0x344: {  	s7 =	sshrl.u32 s14, $0x3;
	s14 =	sadd.s32 s6, s18;
	s18 =	simm.s32 $0x18B50  }
0x345: {  	[tilespmem:s18], [sflag:$0x4] =	stream.linear.gather [hbm4b:s14+s5], $0x190, $0x38;
	[tilespmem:$0x1E460] =	vst v63  }
0x346: {  	s14 =	sadd.s32 $0x30D40, s14  }
0x347: {  	[tilespmem:s4], [sflag:$0x4] =	stream.linear.gather [hbm4b:s14+s5], $0x190, $0x38;
	[tilespmem:$0x1E460] =	vst v63  }
0x348: {  	s15 =	rddreg [dreg:$0x5];
	_ =	swait.ge [sflag:s17], $0x190  }
0x349: {  	[sflag:s17] =	ssyncset.done $0x0  }
0x34a: {  	[sflag:s17] =	ssyncadd.s32 $0xFFFFFE70  }
0x34b: {  	_ =	swait.ge [sflag:s17], $0x190  }
0x34c: {  	[sflag:s17] =	ssyncset.done $0x0  }
0x34d: {  	s4 =	simm.s32 $0x18830;
	[sflag:s17] =	ssyncadd.s32 $0xFFFFFE70  }
0x34e: {  	[tilespmem:s22], [sflag:$0x6] =	stream.indirect.gather [hbm4b:s16+s3], $0x10, s4, s3, $0xb8;
	[tilespmem:$0x1E460] =	vst v63  }
0x34f: {  	_ =	swait.ge [sflag:s19], $0x1900  }
0x350: {  	[sflag:s19] =	ssyncset.done $0x0  }
0x351: {  	s14 =	simm.s32 $0x18CE0;
	[sflag:s19] =	ssyncadd.s32 $0xFFFFE700  }
0x352: {  	[spmem:s29] =	stream.indirect.scatter.add.f32 [tilespmem:s21], [sflag:$0x7], $0x10, s14, s3, $0xb8;
	[tilespmem:$0x1E460] =	vst v63  }
0x353: {  	_ =	swait.ge [sflag:s20], $0x1900  }
0x354: {  	[sflag:s20] =	ssyncset.done $0x0  }
0x355: {  	[sflag:s20] =	ssyncadd.s32 $0xFFFFE700  }
0x356: {  	_ =	swait.ge [sflag:s23], $0x190  }
0x357: {  	[sflag:s23] =	ssyncset.done $0x0  }
0x358: {  	[sflag:s23] =	ssyncadd.s32 $0xFFFFFE70  }
0x359: {  	_ =	swait.ge [sflag:s23], $0x190  }
0x35a: {  	[sflag:s23] =	ssyncset.done $0x0  }
0x35b: {  	[sflag:s23] =	ssyncadd.s32 $0xFFFFFE70  }
0x35c: {  	[tilespmem:s21], [sflag:$0x5] =	stream.indirect.gather [hbm4b:s16+s3], $0x10, s31, s3, $0xb8;
	[tilespmem:$0x1E460] =	vst v63  }
0x35d: {  	_ =	swait.ge [sflag:s24], $0x1900  }
0x35e: {  	[sflag:s24] =	ssyncset.done $0x0  }
0x35f: {  	s31 =	simm.s32 $0x18E70;
	[sflag:s24] =	ssyncadd.s32 $0xFFFFE700  }
0x360: {  	[spmem:s29] =	stream.indirect.scatter.add.f32 [tilespmem:s22], [sflag:$0x8], $0x10, s31, s3, $0xb8;
	[tilespmem:$0x1E460] =	vst v63  }
0x361: {  	_ =	swait.ge [sflag:s11], $0x1900  }
0x362: {  	s13 =	sshrl.u32 s13, $0x3;
	[sflag:s11] =	ssyncset.done $0x0  }
0x363: {  	s13 =	sadd.s32 s6, s13;
	[sflag:s11] =	ssyncadd.s32 $0xFFFFE700  }
0x364: {  	[tilespmem:s1], [sflag:$0x1] =	stream.linear.gather [hbm4b:s13+s5], $0x190, $0x38;
	[tilespmem:$0x1E460] =	vst v63  }
0x365: {  	s13 =	sadd.s32 $0x30D40, s13  }
0x366: {  	[tilespmem:s14], [sflag:$0x1] =	stream.linear.gather [hbm4b:s13+s5], $0x190, $0x38;
	[tilespmem:$0x1E460] =	vst v63  }
0x367: {  	s7 =	sadd.s32 s6, s7  }
0x368: {  	[tilespmem:s4], [sflag:$0x2] =	stream.linear.gather [hbm4b:s7+s5], $0x190, $0x38;
	[tilespmem:$0x1E460] =	vst v63  }
0x369: {  	s7 =	sadd.s32 $0x30D40, s7  }
0x36a: {  	[tilespmem:s31], [sflag:$0x2] =	stream.linear.gather [hbm4b:s7+s5], $0x190, $0x38;
	[tilespmem:$0x1E460] =	vst v63  }
0x36b: {  	_ =	swait.ge [sflag:s8], $0x190  }
0x36c: {  	[sflag:s8] =	ssyncset.done $0x0  }
0x36d: {  	[sflag:s8] =	ssyncadd.s32 $0xFFFFFE70  }
0x36e: {  	_ =	swait.ge [sflag:s8], $0x190  }
0x36f: {  	[sflag:s8] =	ssyncset.done $0x0  }
0x370: {  	[sflag:s8] =	ssyncadd.s32 $0xFFFFFE70  }
0x371: {  	[tilespmem:s22], [sflag:$0x6] =	stream.indirect.gather [hbm4b:s16+s3], $0x10, s18, s3, $0xb8;
	[tilespmem:$0x1E460] =	vst v63  }
0x372: {  	_ =	swait.ge [sflag:s19], $0x1900  }
0x373: {  	[sflag:s19] =	ssyncset.done $0x0  }
0x374: {  	[sflag:s19] =	ssyncadd.s32 $0xFFFFE700  }
0x375: {  	[spmem:s29] =	stream.indirect.scatter.add.f32 [tilespmem:s21], [sflag:$0x7], $0x10, s10, s3, $0xb8;
	[tilespmem:$0x1E460] =	vst v63  }
0x376: {  	_ =	swait.ge [sflag:s20], $0x1900  }
0x377: {  	[sflag:s20] =	ssyncset.done $0x0  }
0x378: {  	s2 =	sadd.s32 $0x640, s2;
	[sflag:s20] =	ssyncadd.s32 $0xFFFFE700  }
0x379: {  	p0 =	sne.s32 s2, $0x18380;
	_ =	swait.ge [sflag:s0], $0x190  }
.Ltmp22:
0x37a: {  	[sflag:s0] =	ssyncset.done $0x0;
	(pc) =	sbr.rel @p0 .LBB2_46-.Ltmp22, $4  }
0x37b: {  	[sflag:s0] =	ssyncadd.s32 $0xFFFFFE70  }
0x37c: {  	_ =	swait.ge [sflag:s0], $0x190  }
0x37d: {  	p1 =	seq.s32 s25, $0x0;
	[sflag:s0] =	ssyncset.done $0x0  }
0x37e: {  	s7 =	sadd.s32 @!p1 $0x320, s25;
	[sflag:s0] =	ssyncadd.s32 $0xFFFFFE70  }
0x37f: {  	s18 =	simm.s32 $0x186A0  }
0x380: {  	[tilespmem:s21], [sflag:$0x5] =	stream.indirect.gather [hbm4b:s16+s3], $0x10, s18, s3, $0xb8;
	[tilespmem:$0x1E460] =	vst v63  }
0x381: {  	_ =	swait.ge [sflag:s24], $0x1900  }
0x382: {  	s7 =	simm.s32 @p1 $0x320;
	[sflag:s24] =	ssyncset.done $0x0  }
0x383: {  	s2 =	simm.s32 @!p1 $0x8;
	s4 =	simm.s32 $0x19190;
	[sflag:s24] =	ssyncadd.s32 $0xFFFFE700  }
0x384: {  	[spmem:s29] =	stream.indirect.scatter.add.f32 [tilespmem:s22], [sflag:$0x8], $0x10, s4, s3, $0xb8;
	[tilespmem:$0x1E460] =	vst v63  }
0x385: {  	s25 =	simm.s32 @p1 $0x0;
	s7 =	sadd.s32 s15, s7;
	_ =	swait.ge @!p1 [sflag:s2], $0x1900  }
0x386: {  	s1 =	simm.s32 $0x189C0;
	s7 =	sshrl.u32 s7, $0x3;
	[sflag:s2] =	ssyncset.done @!p1 $0x0  }
0x387: {  	s13 =	sadd.s32 s25, s12;
	s7 =	sadd.s32 s6, s7;
	[sflag:s2] =	ssyncadd.s32 @!p1 $0xFFFFE700  }
0x388: {  	[tilespmem:s1], [sflag:$0x3] =	stream.linear.gather [hbm4b:s7+s5], $0x190, $0x38;
	[tilespmem:$0x1E460] =	vst v63  }
0x389: {  	s10 =	simm.s32 $0x19000;
	s14 =	sshrl.u32 s13, $0x3;
	s7 =	sadd.s32 $0x30D40, s7  }
0x38a: {  	[tilespmem:s10], [sflag:$0x3] =	stream.linear.gather [hbm4b:s7+s5], $0x190, $0x38;
	[tilespmem:$0x1E460] =	vst v63  }
0x38b: {  	s2 =	sadd.s32 s6, s14;
	s14 =	simm.s32 $0x18B50  }
0x38c: {  	[tilespmem:s14], [sflag:$0x4] =	stream.linear.gather [hbm4b:s2+s5], $0x190, $0x38;
	[tilespmem:$0x1E460] =	vst v63  }
0x38d: {  	s2 =	sadd.s32 $0x30D40, s2  }
0x38e: {  	[tilespmem:s4], [sflag:$0x4] =	stream.linear.gather [hbm4b:s2+s5], $0x190, $0x38;
	[tilespmem:$0x1E460] =	vst v63  }
0x38f: {  	_ =	swait.ge [sflag:s17], $0x190  }
0x390: {  	[sflag:s17] =	ssyncset.done $0x0  }
0x391: {  	[sflag:s17] =	ssyncadd.s32 $0xFFFFFE70  }
0x392: {  	_ =	swait.ge [sflag:s17], $0x190  }
0x393: {  	[sflag:s17] =	ssyncset.done $0x0  }
0x394: {  	s12 =	simm.s32 $0x18830;
	[sflag:s17] =	ssyncadd.s32 $0xFFFFFE70  }
0x395: {  	[tilespmem:s22], [sflag:$0x6] =	stream.indirect.gather [hbm4b:s16+s3], $0x10, s12, s3, $0xb8;
	[tilespmem:$0x1E460] =	vst v63  }
0x396: {  	_ =	swait.ge [sflag:s19], $0x1900  }
0x397: {  	[sflag:s19] =	ssyncset.done $0x0  }
0x398: {  	s13 =	simm.s32 $0x18CE0;
	[sflag:s19] =	ssyncadd.s32 $0xFFFFE700  }
0x399: {  	[spmem:s29] =	stream.indirect.scatter.add.f32 [tilespmem:s21], [sflag:$0x7], $0x10, s13, s3, $0xb8;
	[tilespmem:$0x1E460] =	vst v63  }
0x39a: {  	_ =	swait.ge [sflag:s20], $0x1900  }
0x39b: {  	[sflag:s20] =	ssyncset.done $0x0  }
0x39c: {  	[sflag:s20] =	ssyncadd.s32 $0xFFFFE700  }
0x39d: {  	_ =	swait.ge [sflag:s23], $0x190  }
0x39e: {  	[sflag:s23] =	ssyncset.done $0x0  }
0x39f: {  	[sflag:s23] =	ssyncadd.s32 $0xFFFFFE70  }
0x3a0: {  	_ =	swait.ge [sflag:s23], $0x190  }
0x3a1: {  	[sflag:s23] =	ssyncset.done $0x0  }
0x3a2: {  	[sflag:s23] =	ssyncadd.s32 $0xFFFFFE70  }
0x3a3: {  	[tilespmem:s21], [sflag:$0x5] =	stream.indirect.gather [hbm4b:s16+s3], $0x10, s1, s3, $0xb8;
	[tilespmem:$0x1E460] =	vst v63  }
0x3a4: {  	_ =	swait.ge [sflag:s24], $0x1900  }
0x3a5: {  	[sflag:s24] =	ssyncset.done $0x0  }
0x3a6: {  	s1 =	simm.s32 $0x18E70;
	[sflag:s24] =	ssyncadd.s32 $0xFFFFE700  }
0x3a7: {  	[spmem:s29] =	stream.indirect.scatter.add.f32 [tilespmem:s22], [sflag:$0x8], $0x10, s1, s3, $0xb8;
	[tilespmem:$0x1E460] =	vst v63  }
0x3a8: {  	s15 =	sadd.s32 s25, s30;
	_ =	swait.ge [sflag:s11], $0x1900  }
0x3a9: {  	s2 =	sshrl.u32 s15, $0x3;
	[sflag:s11] =	ssyncset.done $0x0  }
0x3aa: {  	s25 =	sadd.s32 s25, s9;
	s2 =	sadd.s32 s6, s2;
	[sflag:s11] =	ssyncadd.s32 $0xFFFFE700  }
0x3ab: {  	[tilespmem:s18], [sflag:$0x1] =	stream.linear.gather [hbm4b:s2+s5], $0x190, $0x38;
	[tilespmem:$0x1E460] =	vst v63  }
0x3ac: {  	s7 =	sshrl.u32 s25, $0x3;
	s2 =	sadd.s32 $0x30D40, s2  }
0x3ad: {  	[tilespmem:s13], [sflag:$0x1] =	stream.linear.gather [hbm4b:s2+s5], $0x190, $0x38;
	[tilespmem:$0x1E460] =	vst v63  }
0x3ae: {  	s31 =	sadd.s32 s6, s7  }
0x3af: {  	[tilespmem:s12], [sflag:$0x2] =	stream.linear.gather [hbm4b:s31+s5], $0x190, $0x38;
	[tilespmem:$0x1E460] =	vst v63  }
0x3b0: {  	s2 =	sadd.s32 $0x30D40, s31  }
0x3b1: {  	[tilespmem:s1], [sflag:$0x2] =	stream.linear.gather [hbm4b:s2+s5], $0x190, $0x38;
	[tilespmem:$0x1E460] =	vst v63  }
0x3b2: {  	_ =	swait.ge [sflag:s8], $0x190  }
0x3b3: {  	[sflag:s8] =	ssyncset.done $0x0  }
0x3b4: {  	[sflag:s8] =	ssyncadd.s32 $0xFFFFFE70  }
0x3b5: {  	_ =	swait.ge [sflag:s8], $0x190  }
0x3b6: {  	[sflag:s8] =	ssyncset.done $0x0  }
0x3b7: {  	[sflag:s8] =	ssyncadd.s32 $0xFFFFFE70  }
0x3b8: {  	[tilespmem:s22], [sflag:$0x6] =	stream.indirect.gather [hbm4b:s16+s3], $0x10, s14, s3, $0xb8;
	[tilespmem:$0x1E460] =	vst v63  }
0x3b9: {  	_ =	swait.ge [sflag:s19], $0x1900  }
0x3ba: {  	[sflag:s19] =	ssyncset.done $0x0  }
0x3bb: {  	[sflag:s19] =	ssyncadd.s32 $0xFFFFE700  }
0x3bc: {  	[spmem:s29] =	stream.indirect.scatter.add.f32 [tilespmem:s21], [sflag:$0x7], $0x10, s10, s3, $0xb8;
	[tilespmem:$0x1E460] =	vst v63  }
0x3bd: {  	_ =	swait.ge [sflag:s20], $0x1900  }
0x3be: {  	[sflag:s20] =	ssyncset.done $0x0  }
0x3bf: {  	[sflag:s20] =	ssyncadd.s32 $0xFFFFE700  }
0x3c0: {  	_ =	swait.ge [sflag:s0], $0x190  }
0x3c1: {  	[sflag:s0] =	ssyncset.done $0x0  }
0x3c2: {  	[sflag:s0] =	ssyncadd.s32 $0xFFFFFE70  }
0x3c3: {  	_ =	swait.ge [sflag:s0], $0x190  }
0x3c4: {  	[sflag:s0] =	ssyncset.done $0x0  }
0x3c5: {  	[sflag:s0] =	ssyncadd.s32 $0xFFFFFE70  }
0x3c6: {  	[tilespmem:s21], [sflag:$0x5] =	stream.indirect.gather [hbm4b:s16+s3], $0x10, s18, s3, $0xb8;
	[tilespmem:$0x1E460] =	vst v63  }
0x3c7: {  	_ =	swait.ge [sflag:s24], $0x1900  }
0x3c8: {  	[sflag:s24] =	ssyncset.done $0x0  }
0x3c9: {  	[sflag:s24] =	ssyncadd.s32 $0xFFFFE700  }
0x3ca: {  	[spmem:s29] =	stream.indirect.scatter.add.f32 [tilespmem:s22], [sflag:$0x8], $0x10, s4, s3, $0xb8;
	[tilespmem:$0x1E460] =	vst v63  }
0x3cb: {  	_ =	swait.ge [sflag:s11], $0x1900  }
0x3cc: {  	[sflag:s11] =	ssyncset.done $0x0  }
0x3cd: {  	[sflag:s11] =	ssyncadd.s32 $0xFFFFE700  }
0x3ce: {  	_ =	swait.ge [sflag:s17], $0x190  }
0x3cf: {  	[sflag:s17] =	ssyncset.done $0x0  }
0x3d0: {  	[sflag:s17] =	ssyncadd.s32 $0xFFFFFE70  }
0x3d1: {  	_ =	swait.ge [sflag:s17], $0x190  }
0x3d2: {  	[sflag:s17] =	ssyncset.done $0x0  }
0x3d3: {  	[sflag:s17] =	ssyncadd.s32 $0xFFFFFE70  }
0x3d4: {  	[tilespmem:s22], [sflag:$0x6] =	stream.indirect.gather [hbm4b:s16+s3], $0x10, s12, s3, $0xb8;
	[tilespmem:$0x1E460] =	vst v63  }
0x3d5: {  	_ =	swait.ge [sflag:s19], $0x1900  }
0x3d6: {  	[sflag:s19] =	ssyncset.done $0x0  }
0x3d7: {  	[sflag:s19] =	ssyncadd.s32 $0xFFFFE700  }
0x3d8: {  	[spmem:s29] =	stream.indirect.scatter.add.f32 [tilespmem:s21], [sflag:$0x7], $0x10, s13, s3, $0xb8;
	[tilespmem:$0x1E460] =	vst v63  }
0x3d9: {  	_ =	swait.ge [sflag:s20], $0x1900  }
0x3da: {  	[sflag:s20] =	ssyncset.done $0x0  }
0x3db: {  	[sflag:s20] =	ssyncadd.s32 $0xFFFFE700  }
0x3dc: {  	_ =	swait.ge [sflag:s24], $0x1900  }
0x3dd: {  	[sflag:s24] =	ssyncset.done $0x0  }
0x3de: {  	[sflag:s24] =	ssyncadd.s32 $0xFFFFE700  }
0x3df: {  	[spmem:s29] =	stream.indirect.scatter.add.f32 [tilespmem:s22], [sflag:$0x8], $0x10, s1, s3, $0xb8;
	[tilespmem:$0x1E460] =	vst v63  }
0x3e0: {  	_ =	swait.ge [sflag:s11], $0x1900  }
0x3e1: {  	[sflag:s11] =	ssyncset.done $0x0  }
0x3e2: {  	[sflag:s11] =	ssyncadd.s32 $0xFFFFE700  }
0x3e3: {  	[bflag:$0x0] =	sbarrier.arrive $0xFFFF  }
0x3e4: {  	s4 =	simm.s32 $0x1C520;
	s13 =	rddreg [dreg:$0x13]  }
0x3e5: {  	[tilespmem:s4], [sflag:$0x9] =	stream.linear.gather [spmem:s13], $0xFA0, $0x38;
	[tilespmem:$0x1E460] =	vst v63  }
0x3e6: {  	_ =	swait.ge [sflag:s26], $0xFA0  }
0x3e7: {  	s14 =	simm.s32 $0x20;
	[sflag:s26] =	ssyncset.done $0x0  }
0x3e8: {  	s11 =	simm.s32 $0x10;
	s7 =	rddreg [dreg:$0x15];
	[sflag:s26] =	ssyncadd.s32 $0xFFFFF060  }
0x3e9: {  	[hbm4b:s7+s11] =	stream.strided.scatter [tilespmem:s4], [sflag:$0x9], $0xFA0, s14, s11, $0x38;
	[tilespmem:$0x1E460] =	vst v63  }
0x3ea: {  	_ =	swait.ge [sflag:s26], $0xFA0  }
0x3eb: {  	s9 =	simm.s32 $0x1D4C0;
	[sflag:s26] =	ssyncset.done $0x0  }
0x3ec: {  	s25 =	simm.s32 $0x18E70;
	s2 =	simm.s32 $0xFA;
	[sflag:s26] =	ssyncadd.s32 $0xFFFFF060  }
0x3ed: {  	[spmem:s13] =	stream.linear.scatter [tilespmem:s9], [sflag:$0x9], $0xFA0, $0x38;
	[tilespmem:$0x1E460] =	vst v63  }
0x3ee: {  	s10 =	simm.s32 $0x18CE0;
	s18 =	simm.s32 $0x18830;
	_ =	swait.ge [sflag:s26], $0xFA0  }
0x3ef: {  	s12 =	simm.s32 $0x1AC20;
	s22 =	simm.s32 $0x8;
	[sflag:s26] =	ssyncset.done $0x0  }
.LBB2_48:
0x3f0: {  	[sflag:s26] =	ssyncadd.s32 $0xFFFFF060;
	s7 =	sadd.s32 $0x3E8, s7;
	s13 =	sadd.s32 $0xFA0, s13  }
0x3f1: {  	[tilespmem:s4], [sflag:$0x9] =	stream.linear.gather [spmem:s13], $0xFA0, $0x38;
	[tilespmem:$0x1E460] =	vst v63  }
0x3f2: {  	p0 =	sne.s32 s2, $0x1770;
	s2 =	sadd.s32 $0xFA, s2;
	_ =	swait.ge [sflag:s26], $0xFA0  }
0x3f3: {  	[sflag:s26] =	ssyncset.done $0x0  }
0x3f4: {  	[sflag:s26] =	ssyncadd.s32 $0xFFFFF060  }
0x3f5: {  	[hbm4b:s7+s11] =	stream.strided.scatter [tilespmem:s4], [sflag:$0x9], $0xFA0, s14, s11, $0x38;
	[tilespmem:$0x1E460] =	vst v63  }
0x3f6: {  	_ =	swait.ge [sflag:s26], $0xFA0  }
.Ltmp23:
0x3f7: {  	[sflag:s26] =	ssyncset.done $0x0;
	(pc) =	sbr.rel @p0 .LBB2_48-.Ltmp23, $4  }
0x3f8: {  	[sflag:s26] =	ssyncadd.s32 $0xFFFFF060  }
0x3f9: {  	[spmem:s13] =	stream.linear.scatter [tilespmem:s9], [sflag:$0x9], $0xFA0, $0x38;
	[tilespmem:$0x1E460] =	vst v63  }
0x3fa: {  	_ =	swait.ge [sflag:s26], $0xFA0  }
0x3fb: {  	[sflag:s26] =	ssyncset.done $0x0  }
0x3fc: {  	s7 =	rddreg [dreg:$0x17]  }
0x3fd: {  	s2 =	rddreg [dreg:$0x12];
	s7 =	sadd.s32 $0x1, s7  }
0x3fe: {  	p0 =	sne.s32 s7, s2  }
.Ltmp24:
0x3ff: {  	_ = 	snop;
	(pc) =	sbr.rel @p0 .LBB2_1-.Ltmp24, $4  }
0x400: {  	_ = 	snop  }
0x401: {  	[sflag:s26] =	ssyncadd.s32 $0xFFFFF060  }
0x402: {  	s15 =	smov.u32 s28;
	s31 =	simm.s32 $0x186A0;
	[bflag:$0x0] =	sbarrier.arrive $0xFFFF  }
0x403: {  	s4 =	simm.s32 $0x18B50;
	s11 =	simm.s32 $0x189C0;
	s14 =	rddreg [dreg:$0x0]  }
0x404: {  	_ =	sfence.sel $0x180000  }
0x405: {  	[bflag:$0x0] =	sbarrier.arrive $0xFFFF  }
0x406: {  	_ =	strace $0x90000047  }
0x407: {  	s0 =	stileid.u32;
	[bflag:$0x2] =	sbarrier.arrive $0xFFFF  }
0x408: {  	p0 =	sne.s32 s0, $0x0;
	s0 =	rddreg [dreg:$0x4]  }
0x409: {  	s0 =	sadd.s32 @!p0 $0x100000, s0  }
0x40a: {  	[sflag:s0] =	ssyncadd.tile.s32 @!p0 $0x1;
	_ =	shalt  }
.Lfunc_end2:
_tile_overlayer_lowered:
.L_overlay_start_2:
0x40b: {  	(tag) =	ssettag $0x2  }
0x40c: {  	s0 =	rddreg [dreg:$0x0];
	s2 =	stileid.u32  }
0x40d: {  	s1 =	rddreg [dreg:$0x1];
	p0 =	sne.s32 s2, $0x0  }
0x40e: {  	s3 =	rddreg [dreg:$0x2];
	[bflag:$0x3] =	sbarrier.arrive $0xFFFF;
	s2 =	simm.s32 @!p0 $0x1C09  }
0x40f: {  	[timem:s3], [sflag:s2] =	dma.local @!p0 [hbm:s0], s1  }
0x410: {  	s0 =	simm.s32 @!p0 $0x9  }
0x411: {  	_ =	swait.ge @!p0 [sflag:s0], s1  }
0x412: {  	s1 =	ssub.s32 @!p0 $0x0, s1;
	[sflag:s0] =	ssyncset.done @!p0 $0x0  }
0x413: {  	[sflag:s0] =	ssyncadd.s32 @!p0 s1  }
0x414: {  	[bflag:$0x3] =	sbarrier.arrive $0xFFFF  }
0x415: {  	_ =	shalt  }

</sc_bundles>
